<compile_context>
chip_gen: v7x
topology: tpu7x:2x2x1
jax: 0.10.2.dev20260603
libtpu: 0.0.44.dev20260713+nightly
codegen_flags: <defaults>
</compile_context>

<pallas_src>
import functools

import jax
import jax.numpy as jnp
from jax import lax
from jax.experimental import pallas as pl
from jax.experimental.pallas import tpu as pltpu
from jax.experimental.pallas import tpu_sc as plsc

N = 50000
D_IN = 128
HID = 128
HEADS = 8
D_HEAD = 16
OUT = 64
E = 200000

K = 256
NCH = (E + K - 1) // K
E_PAD = NCH * K
R = 10240
NPASS = 5
NOUT = R * NPASS
CEMIT = 128
RPT = R // 16
DPT = NOUT // 16


def _iota16():
    return lax.broadcasted_iota(jnp.int32, (16,), 0)


def _lrelu_exp(a):
    x = jnp.where(a >= 0.0, a, 0.2 * a)
    return jnp.exp(x)



def _sc_process(xsrc, atab, src_h, dst_h, zacc_h, zden_h,
                acc_o, den_o,
                den_sp, acc_sp, srcv, dstv,
                pend_s, pend_d, pend_v, ov_s, ov_d, ov_v,
                rows, arows, brows, exbuf, dl,
                sem_a, sem_b, sem_c, sid):
    it16 = _iota16()
    nmy = (NCH - sid + 15) // 16

    pltpu.sync_copy(zden_h, den_sp.at[pl.ds(sid * DPT, DPT)])

    r0 = sid * RPT

    def p2_pass(p, carry):
        base = p * R

        pltpu.sync_copy(zacc_h, acc_sp.at[pl.ds(r0, RPT)])
        plsc.subcore_barrier()

        def emit(fill_after):
            dx = pltpu.async_copy(xsrc.at[pend_s], rows, sem_a)
            da = pltpu.async_copy(atab.at[pend_s], arows, sem_b)
            db = pltpu.async_copy(atab.at[pend_d], brows, sem_c)
            da.wait()
            db.wait()

            def exj(j, c2):
                e16 = j * 16 + it16
                v = pend_v[pl.ds(j * 16, 16)]
                for h in range(HEADS):
                    h16 = jnp.full((16,), h, jnp.int32)
                    a = plsc.load_gather(arows, [e16, h16])
                    b = plsc.load_gather(brows, [e16, h16 + 8])
                    ex = _lrelu_exp(a + b) * v
                    plsc.store_scatter(exbuf, [e16, h16], ex)
                    plsc.store_scatter(brows, [e16, h16], ex)
                return c2

            lax.fori_loop(0, CEMIT // 16, exj, 0)
            pltpu.sync_copy(exbuf, den_sp.at[pend_d], add=True)

            for j in range(CEMIT // 16):
                d16 = pend_d[pl.ds(j * 16, 16)]
                dl[pl.ds(j * 16, 16)] = d16 - base

            dx.wait()

            gdn = lax.GatherDimensionNumbers(
                offset_dims=(), collapsed_slice_dims=(0,),
                start_index_map=(0,))

            def scale(e, c2):
                ex16 = brows[e, pl.ds(0, 16)]
                for h in range(HEADS):
                    sv = lax.gather(
                        ex16, jnp.full((16, 1), h, jnp.int32), gdn,
                        slice_sizes=(1,),
                        mode=lax.GatherScatterMode.PROMISE_IN_BOUNDS)
                    rows[e, pl.ds(h * 16, 16)] = (
                        rows[e, pl.ds(h * 16, 16)] * sv)
                return c2

            lax.fori_loop(0, CEMIT, scale, 0)
            pltpu.sync_copy(rows, acc_sp.at[dl], add=True)
            return fill_after

        def p2_chunk(gl, fill):
            g = sid + gl * 16
            base_e = g * K
            pltpu.sync_copy(src_h.at[pl.ds(base_e, K)], srcv)
            pltpu.sync_copy(dst_h.at[pl.ds(base_e, K)], dstv)

            def p2_vec(i, fill):
                e16 = i * 16 + it16
                eid = base_e + e16
                s16 = srcv[pl.ds(i * 16, 16)]
                d16 = dstv[pl.ds(i * 16, 16)]
                m = (d16 >= base) & (d16 < base + R) & (eid < E)
                cnt = jnp.sum(m.astype(jnp.int32))
                pos = fill + plsc.cumsum(m.astype(jnp.int32)) - 1
                m_lo = m & (pos < CEMIT)
                m_hi = m & (pos >= CEMIT)
                one16 = jnp.full((16,), 1.0, jnp.float32)
                plsc.store_scatter(pend_s, [pos], s16, mask=m_lo)
                plsc.store_scatter(pend_d, [pos], d16, mask=m_lo)
                plsc.store_scatter(pend_v, [pos], one16, mask=m_lo)
                plsc.store_scatter(ov_s, [pos - CEMIT], s16, mask=m_hi)
                plsc.store_scatter(ov_d, [pos - CEMIT], d16, mask=m_hi)
                plsc.store_scatter(ov_v, [pos - CEMIT], one16, mask=m_hi)
                fill = fill + cnt

                def do_emit(f):
                    f = emit(f - CEMIT)
                    pend_s[pl.ds(0, 16)] = ov_s[...]
                    pend_d[pl.ds(0, 16)] = ov_d[...]
                    pend_v[pl.ds(0, 16)] = ov_v[...]
                    return f

                return lax.cond(fill >= CEMIT, do_emit, lambda f: f, fill)

            return lax.fori_loop(0, K // 16, p2_vec, fill)

        fill = lax.fori_loop(0, nmy, p2_chunk, jnp.int32(0))

        dummy_s = sid * 16 + it16
        zero16 = jnp.zeros((16,), jnp.float32)
        for jj in range(CEMIT // 16):
            pos = fill + jj * 16 + it16
            mk = pos < CEMIT
            dummy_d = base + sid * CEMIT + jj * 16 + it16
            plsc.store_scatter(pend_s, [pos], dummy_s, mask=mk)
            plsc.store_scatter(pend_d, [pos], dummy_d, mask=mk)
            plsc.store_scatter(pend_v, [pos], zero16, mask=mk)
        emit(0)

        plsc.subcore_barrier()
        pltpu.sync_copy(acc_sp.at[pl.ds(r0, RPT)],
                        acc_o.at[pl.ds(base + r0, RPT)])
        plsc.subcore_barrier()
        return carry

    lax.fori_loop(0, NPASS, p2_pass, 0)
    pltpu.sync_copy(den_sp.at[pl.ds(sid * DPT, DPT)],
                    den_o.at[pl.ds(sid * DPT, DPT)])


def _sc_body(hd, hg, t1, t2, s1, d1, s2, d2, zacc_h, zden_h,
             acc1, den1, acc2, den2,
             den_sp, acc_sp, srcv, dstv,
             pend_s, pend_d, pend_v, ov_s, ov_d, ov_v,
             rows, arows, brows, exbuf, dl,
             sem_a, sem_b, sem_c):
    cid = lax.axis_index("c")
    sid = lax.axis_index("s")

    args = (den_sp, acc_sp, srcv, dstv,
            pend_s, pend_d, pend_v, ov_s, ov_d, ov_v,
            rows, arows, brows, exbuf, dl,
            sem_a, sem_b, sem_c, sid)

    @pl.when(cid == 0)
    def _():
        _sc_process(hd, t1, s1, d1, zacc_h, zden_h, acc1, den1, *args)

    @pl.when(cid == 1)
    def _():
        _sc_process(hg, t2, s2, d2, zacc_h, zden_h, acc2, den2, *args)


def _sc_edge_kernel(hd, hg, t1, t2, s1, d1, s2, d2, zacc_h, zden_h):
    f32 = jnp.float32
    i32 = jnp.int32
    mesh = plsc.VectorSubcoreMesh(core_axis_name="c", subcore_axis_name="s")
    return pl.kernel(
        _sc_body,
        out_type=(
            jax.ShapeDtypeStruct((NOUT, HID), f32),
            jax.ShapeDtypeStruct((NOUT, HEADS), f32),
            jax.ShapeDtypeStruct((NOUT, HID), f32),
            jax.ShapeDtypeStruct((NOUT, HEADS), f32),
        ),
        mesh=mesh,
        compiler_params=pltpu.CompilerParams(use_tc_tiling_on_sc=False,
                                             needs_layout_passes=False),
        scratch_types=[
            pltpu.VMEM_SHARED((NOUT, HEADS), f32),
            pltpu.VMEM_SHARED((R, HID), f32),
            pltpu.VMEM((K,), i32),
            pltpu.VMEM((K,), i32),
            pltpu.VMEM((CEMIT,), i32),
            pltpu.VMEM((CEMIT,), i32),
            pltpu.VMEM((CEMIT,), f32),
            pltpu.VMEM((16,), i32),
            pltpu.VMEM((16,), i32),
            pltpu.VMEM((16,), f32),
            pltpu.VMEM((CEMIT, HID), f32),
            pltpu.VMEM((CEMIT, 2 * HEADS), f32),
            pltpu.VMEM((CEMIT, 2 * HEADS), f32),
            pltpu.VMEM((CEMIT, HEADS), f32),
            pltpu.VMEM((CEMIT,), i32),
            pltpu.SemaphoreType.DMA,
            pltpu.SemaphoreType.DMA,
            pltpu.SemaphoreType.DMA,
        ],
    )(hd, hg, t1, t2, s1, d1, s2, d2, zacc_h, zden_h)



BM = 400
GRID = N // BM


def _head_block_diag(vrow):
    rr = lax.broadcasted_iota(jnp.int32, (HID, HEADS), 0)
    cc = lax.broadcasted_iota(jnp.int32, (HID, HEADS), 1)
    return jnp.where(rr // D_HEAD == cc, vrow[0][:, None], 0.0)


def _proj_body(xg, xd, wg, bg, wd, bd, as1, ad1, as2, ad2,
               hg, hd, t1, t2):
    g = jnp.dot(xg[...], wg[...], preferred_element_type=jnp.float32) + bg[...]
    d = jnp.dot(xd[...], wd[...], preferred_element_type=jnp.float32) + bd[...]
    hg[...] = g
    hd[...] = d
    t1[...] = jnp.concatenate(
        [jnp.dot(d, _head_block_diag(as1), preferred_element_type=jnp.float32),
         jnp.dot(g, _head_block_diag(ad1), preferred_element_type=jnp.float32)],
        axis=1)
    t2[...] = jnp.concatenate(
        [jnp.dot(g, _head_block_diag(as2), preferred_element_type=jnp.float32),
         jnp.dot(g, _head_block_diag(ad2), preferred_element_type=jnp.float32)],
        axis=1)


def _proj(xg, xd, wg, bg, wd, bd, as1, ad1, as2, ad2):
    f32 = jnp.float32
    row = lambda i: (i, 0)
    whole = lambda i: (0, 0)
    return pl.pallas_call(
        _proj_body,
        grid=(GRID,),
        in_specs=[
            pl.BlockSpec((BM, D_IN), row),
            pl.BlockSpec((BM, D_IN), row),
            pl.BlockSpec((D_IN, HID), whole),
            pl.BlockSpec((1, HID), whole),
            pl.BlockSpec((D_IN, HID), whole),
            pl.BlockSpec((1, HID), whole),
            pl.BlockSpec((1, HID), whole),
            pl.BlockSpec((1, HID), whole),
            pl.BlockSpec((1, HID), whole),
            pl.BlockSpec((1, HID), whole),
        ],
        out_specs=[
            pl.BlockSpec((BM, HID), row),
            pl.BlockSpec((BM, HID), row),
            pl.BlockSpec((BM, 2 * HEADS), row),
            pl.BlockSpec((BM, 2 * HEADS), row),
        ],
        out_shape=[
            jax.ShapeDtypeStruct((N, HID), f32),
            jax.ShapeDtypeStruct((N, HID), f32),
            jax.ShapeDtypeStruct((N, 2 * HEADS), f32),
            jax.ShapeDtypeStruct((N, 2 * HEADS), f32),
        ],
    )(xg, xd, wg, bg, wd, bd, as1, ad1, as2, ad2)


def _normalize(acc, den, expand):
    r = 1.0 / (den[...] + 1e-16)
    rx = jnp.dot(r, expand[...], preferred_element_type=jnp.float32)
    return jnp.maximum(acc[...] * rx, 0.0)


def _c1_body(acc1, den1, acc2, den2, kw, kb, expand, ks1, ks2):
    i = pl.program_id(0)

    @pl.when(i == 0)
    def _():
        ks1[...] = jnp.zeros_like(ks1)
        ks2[...] = jnp.zeros_like(ks2)

    o1 = _normalize(acc1, den1, expand)
    o2 = _normalize(acc2, den2, expand)
    k1 = jnp.tanh(jnp.dot(o1, kw[...], preferred_element_type=jnp.float32)
                  + kb[...])
    k2 = jnp.tanh(jnp.dot(o2, kw[...], preferred_element_type=jnp.float32)
                  + kb[...])
    ks1[...] += jnp.sum(k1, axis=0, keepdims=True)
    ks2[...] += jnp.sum(k2, axis=0, keepdims=True)


def _c1(acc1, den1, acc2, den2, kw, kb, expand):
    f32 = jnp.float32
    row = lambda i: (i, 0)
    whole = lambda i: (0, 0)
    return pl.pallas_call(
        _c1_body,
        grid=(GRID,),
        in_specs=[
            pl.BlockSpec((BM, HID), row),
            pl.BlockSpec((BM, HEADS), row),
            pl.BlockSpec((BM, HID), row),
            pl.BlockSpec((BM, HEADS), row),
            pl.BlockSpec((HID, HID), whole),
            pl.BlockSpec((1, HID), whole),
            pl.BlockSpec((HEADS, HID), whole),
        ],
        out_specs=[
            pl.BlockSpec((1, HID), whole),
            pl.BlockSpec((1, HID), whole),
        ],
        out_shape=[
            jax.ShapeDtypeStruct((1, HID), f32),
            jax.ShapeDtypeStruct((1, HID), f32),
        ],
    )(acc1, den1, acc2, den2, kw, kb, expand)


def _c2_body(acc1, den1, acc2, den2, ks1, ks2, qr, lw, lb, expand, out):
    o1 = _normalize(acc1, den1, expand)
    o2 = _normalize(acc2, den2, expand)
    s1 = jnp.sum(ks1[...] * qr[...]) * (1.0 / N)
    s2 = jnp.sum(ks2[...] * qr[...]) * (1.0 / N)
    m = jnp.maximum(s1, s2)
    e1 = jnp.exp(s1 - m)
    e2 = jnp.exp(s2 - m)
    r = 1.0 / (e1 + e2)
    o = (e1 * r) * o1 + (e2 * r) * o2
    out[...] = jnp.dot(o, lw[...], preferred_element_type=jnp.float32) + lb[...]


def _c2(acc1, den1, acc2, den2, ks1, ks2, qr, lw, lb, expand):
    f32 = jnp.float32
    row = lambda i: (i, 0)
    whole = lambda i: (0, 0)
    return pl.pallas_call(
        _c2_body,
        grid=(GRID,),
        in_specs=[
            pl.BlockSpec((BM, HID), row),
            pl.BlockSpec((BM, HEADS), row),
            pl.BlockSpec((BM, HID), row),
            pl.BlockSpec((BM, HEADS), row),
            pl.BlockSpec((1, HID), whole),
            pl.BlockSpec((1, HID), whole),
            pl.BlockSpec((1, HID), whole),
            pl.BlockSpec((HID, OUT), whole),
            pl.BlockSpec((1, OUT), whole),
            pl.BlockSpec((HEADS, HID), whole),
        ],
        out_specs=pl.BlockSpec((BM, OUT), row),
        out_shape=jax.ShapeDtypeStruct((N, OUT), f32),
    )(acc1, den1, acc2, den2, ks1, ks2, qr, lw, lb, expand)



def _pad_edges(e):
    return jnp.pad(e, (0, E_PAD - E))


def kernel(x_gene, x_disease, edge_index_g2d, edge_index_d2g, edge_index_g2g,
           proj_gene_w, proj_gene_b, proj_dis_w, proj_dis_b,
           a_src_g2d, a_dst_g2d, a_src_d2g, a_dst_d2g, a_src_g2g, a_dst_g2g,
           k_w, k_b, q, lin_w, lin_b):
    hg, hd, t1, t2 = _proj(
        x_gene, x_disease, proj_gene_w, proj_gene_b.reshape(1, HID),
        proj_dis_w, proj_dis_b.reshape(1, HID),
        a_src_d2g.reshape(1, HID), a_dst_d2g.reshape(1, HID),
        a_src_g2g.reshape(1, HID), a_dst_g2g.reshape(1, HID))
    expand = (jnp.eye(HEADS, dtype=jnp.float32)[:, :, None]
              * jnp.ones((1, 1, D_HEAD), jnp.float32)).reshape(HEADS, HID)

    s1 = _pad_edges(edge_index_d2g[0])
    d1 = _pad_edges(edge_index_d2g[1])
    s2 = _pad_edges(edge_index_g2g[0])
    d2 = _pad_edges(edge_index_g2g[1])

    zacc_h = jnp.zeros((RPT, HID), jnp.float32)
    zden_h = jnp.zeros((DPT, HEADS), jnp.float32)
    acc1, den1, acc2, den2 = _sc_edge_kernel(
        hd, hg, t1, t2, s1, d1, s2, d2, zacc_h, zden_h)

    ks1, ks2 = _c1(acc1, den1, acc2, den2, k_w, k_b.reshape(1, HID),
                   expand)

    return _c2(acc1, den1, acc2, den2, ks1, ks2, q.reshape(1, HID),
               lin_w, lin_b.reshape(1, OUT), expand)

# --- scband reference (transcript-rebuilt; emitter-appended) ---
"""Pipeline reference for scband-han-62921270886522 (READ-ONLY COPY).

The authoritative reference and input builder live on the scoring server;
editing this copy changes nothing except your own understanding.
"""

import jax, jax.numpy as jnp
import numpy as np

N_GENE = 50000
N_DIS = 50000
D_IN = 128
HID = 128
HEADS = 8
D_HEAD = HID // HEADS
OUT = 64
E = 200000


def setup_inputs(seed: int = 0):
    key = jax.random.key(seed)
    ks = jax.random.split(key, 24)
    s = 0.1
    inp = {}
    inp["x_gene"] = jax.random.normal(ks[0], (N_GENE, D_IN), dtype=jnp.float32)
    inp["x_disease"] = jax.random.normal(ks[1], (N_DIS, D_IN), dtype=jnp.float32)
    inp["edge_index_g2d"] = jax.random.randint(ks[2], (2, E), 0, 50000, dtype=jnp.int32)
    inp["edge_index_d2g"] = jax.random.randint(ks[3], (2, E), 0, 50000, dtype=jnp.int32)
    inp["edge_index_g2g"] = jax.random.randint(ks[4], (2, E), 0, 50000, dtype=jnp.int32)
    inp["proj_gene_w"] = jax.random.normal(ks[5], (D_IN, HID), dtype=jnp.float32) * s
    inp["proj_gene_b"] = jnp.zeros((HID,), dtype=jnp.float32)
    inp["proj_dis_w"] = jax.random.normal(ks[6], (D_IN, HID), dtype=jnp.float32) * s
    inp["proj_dis_b"] = jnp.zeros((HID,), dtype=jnp.float32)
    inp["a_src_g2d"] = jax.random.normal(ks[7], (HEADS, D_HEAD), dtype=jnp.float32) * s
    inp["a_dst_g2d"] = jax.random.normal(ks[8], (HEADS, D_HEAD), dtype=jnp.float32) * s
    inp["a_src_d2g"] = jax.random.normal(ks[9], (HEADS, D_HEAD), dtype=jnp.float32) * s
    inp["a_dst_d2g"] = jax.random.normal(ks[10], (HEADS, D_HEAD), dtype=jnp.float32) * s
    inp["a_src_g2g"] = jax.random.normal(ks[11], (HEADS, D_HEAD), dtype=jnp.float32) * s
    inp["a_dst_g2g"] = jax.random.normal(ks[12], (HEADS, D_HEAD), dtype=jnp.float32) * s
    inp["k_w"] = jax.random.normal(ks[13], (HID, HID), dtype=jnp.float32) * s
    inp["k_b"] = jnp.zeros((HID,), dtype=jnp.float32)
    inp["q"] = jax.random.normal(ks[14], (HID,), dtype=jnp.float32) * s
    inp["lin_w"] = jax.random.normal(ks[15], (HID, OUT), dtype=jnp.float32) * s
    inp["lin_b"] = jnp.zeros((OUT,), dtype=jnp.float32)
    return inp


def _edge_attn(x_src, x_dst, edge_index, a_src, a_dst, n_dst):
    # GAT-style per-edge-type attention of HANConv (dropout off in eval).
    alpha_src = jnp.sum(x_src * a_src[None, :, :], axis=-1)  # [Ns, H]
    alpha_dst = jnp.sum(x_dst * a_dst[None, :, :], axis=-1)  # [Nd, H]
    src = edge_index[0]
    dst = edge_index[1]
    alpha = alpha_src[src] + alpha_dst[dst]                  # [E, H]
    alpha = jax.nn.leaky_relu(alpha, negative_slope=0.2)
    amax = jax.ops.segment_max(alpha, dst, num_segments=n_dst)
    amax = jnp.where(jnp.isfinite(amax), amax, 0.0)
    ex = jnp.exp(alpha - amax[dst])
    denom = jax.ops.segment_sum(ex, dst, num_segments=n_dst)
    w = ex / (denom[dst] + 1e-16)                            # [E, H]
    msg = (x_src[src] * w[:, :, None]).reshape(-1, HID)      # [E, HID]
    out = jax.ops.segment_sum(msg, dst, num_segments=n_dst)  # [Nd, HID]
    return jax.nn.relu(out)


def _group(outs, q, k_w, k_b):
    # semantic attention over metapaths
    out = jnp.stack(outs, axis=0)                 # [T, N, C]
    k = jnp.tanh(out @ k_w + k_b)                 # [T, N, C]
    score = jnp.sum(q * jnp.mean(k, axis=1), axis=-1)  # [T]
    attn = jax.nn.softmax(score, axis=0)
    return jnp.sum(attn[:, None, None] * out, axis=0)


def reference(x_gene, x_disease, edge_index_g2d, edge_index_d2g, edge_index_g2g, proj_gene_w, proj_gene_b, proj_dis_w, proj_dis_b, a_src_g2d, a_dst_g2d, a_src_d2g, a_dst_d2g, a_src_g2g, a_dst_g2g, k_w, k_b, q, lin_w, lin_b):
    hg = (x_gene @ proj_gene_w + proj_gene_b).reshape(-1, HEADS, D_HEAD)
    hd = (x_disease @ proj_dis_w + proj_dis_b).reshape(-1, HEADS, D_HEAD)
    # edge type ('gene','to','disease') only feeds the 'disease' output, which
    # the wrapper discards (it returns lin(out['gene'])); it is dead code.
    out_g_d2g = _edge_attn(hd, hg, edge_index_d2g, a_src_d2g, a_dst_d2g, N_GENE)
    out_g_g2g = _edge_attn(hg, hg, edge_index_g2g, a_src_g2g, a_dst_g2g, N_GENE)
    out_gene = _group([out_g_d2g, out_g_g2g], q, k_w, k_b)
    return out_gene @ lin_w + lin_b

if __name__ == "__main__":
    import jax
    _d = setup_inputs()
    print(jax.jit(kernel)(*tuple(_d.values())))

</pallas_src>

<mosaic_0001>
#map = affine_map<(d0, d1) -> (0, 0)>
#map1 = affine_map<(d0, d1) -> (0)>
module attributes {stable_mosaic.version = 14 : i64} {
  func.func @_sc_body(%arg0: i32, %arg1: i32, %arg2: memref<50000x128xf32, #tpu.memory_space<hbm>>, %arg3: memref<50000x128xf32, #tpu.memory_space<hbm>>, %arg4: memref<50000x16xf32, #tpu.memory_space<hbm>>, %arg5: memref<50000x16xf32, #tpu.memory_space<hbm>>, %arg6: memref<200192xi32, #tpu.memory_space<hbm>>, %arg7: memref<200192xi32, #tpu.memory_space<hbm>>, %arg8: memref<200192xi32, #tpu.memory_space<hbm>>, %arg9: memref<200192xi32, #tpu.memory_space<hbm>>, %arg10: memref<640x128xf32, #tpu.memory_space<hbm>>, %arg11: memref<3200x8xf32, #tpu.memory_space<hbm>>, %arg12: memref<51200x128xf32, #tpu.memory_space<hbm>>, %arg13: memref<51200x8xf32, #tpu.memory_space<hbm>>, %arg14: memref<51200x128xf32, #tpu.memory_space<hbm>>, %arg15: memref<51200x8xf32, #tpu.memory_space<hbm>>, %arg16: memref<51200x8xf32, #tpu.memory_space<vmem_shared>>, %arg17: memref<10240x128xf32, #tpu.memory_space<vmem_shared>>, %arg18: memref<256xi32, #tpu.memory_space<vmem>>, %arg19: memref<256xi32, #tpu.memory_space<vmem>>, %arg20: memref<128xi32, #tpu.memory_space<vmem>>, %arg21: memref<128xi32, #tpu.memory_space<vmem>>, %arg22: memref<128xf32, #tpu.memory_space<vmem>>, %arg23: memref<16xi32, #tpu.memory_space<vmem>>, %arg24: memref<16xi32, #tpu.memory_space<vmem>>, %arg25: memref<16xf32, #tpu.memory_space<vmem>>, %arg26: memref<128x128xf32, #tpu.memory_space<vmem>>, %arg27: memref<128x16xf32, #tpu.memory_space<vmem>>, %arg28: memref<128x16xf32, #tpu.memory_space<vmem>>, %arg29: memref<128x8xf32, #tpu.memory_space<vmem>>, %arg30: memref<128xi32, #tpu.memory_space<vmem>>, %arg31: memref<!tpu.dma_semaphore, #tpu.memory_space<semaphore_mem>>, %arg32: memref<!tpu.dma_semaphore, #tpu.memory_space<semaphore_mem>>, %arg33: memref<!tpu.dma_semaphore, #tpu.memory_space<semaphore_mem>>) attributes {dimension_semantics = [#tpu.dimension_semantics<core_parallel>, #tpu.dimension_semantics<subcore_parallel>], iteration_bounds = array<i64: 2, 16>, scalar_prefetch = 0 : i64, scratch_operands = 18 : i64, tpu.core_type = #tpu.core_type<sc_vector_subcore>, window_params = [{transform_indices = #map}, {transform_indices = #map}, {transform_indices = #map}, {transform_indices = #map}, {transform_indices = #map1}, {transform_indices = #map1}, {transform_indices = #map1}, {transform_indices = #map1}, {transform_indices = #map}, {transform_indices = #map}, {transform_indices = #map}, {transform_indices = #map}, {transform_indices = #map}, {transform_indices = #map}]} {
    %eq3A = arith.constant 0 : i32
    %eq3A_0 = arith.cmpi eq, %arg0, %eq3A : i32
    %convert_element_type3A = arith.extui %eq3A_0 : i1 to i32
    %cond3A = arith.constant 0 : i32
    %cond3A_1 = arith.cmpi ne, %convert_element_type3A, %cond3A : i32
    scf.if %cond3A_1 {
      %iota3A = tpu.iota {dimensions = array<i32: 0>} : vector<16xi32>
      %sub3A = arith.constant 782 : i32
      %sub3A_7 = arith.subi %sub3A, %arg1 : i32
      %add3A = arith.constant 15 : i32
      %add3A_8 = arith.addi %sub3A_7, %add3A : i32
      %jit3A = arith.constant 16 : i32
      %div3A = arith.divsi %add3A_8, %jit3A : i32
      %sign3A = arith.constant 0 : i32
      %sign3A_9 = arith.cmpi sgt, %add3A_8, %sign3A : i32
      %sign3A_10 = arith.extui %sign3A_9 : i1 to i32
      %sign3A_11 = arith.constant 0 : i32
      %sign3A_12 = arith.cmpi slt, %add3A_8, %sign3A_11 : i32
      %sign3A_13 = arith.extui %sign3A_12 : i1 to i32
      %sign3A_14 = arith.subi %sign3A_10, %sign3A_13 : i32
      %sign3A_15 = arith.constant 0 : i32
      %sign3A_16 = arith.cmpi sgt, %jit3A, %sign3A_15 : i32
      %sign3A_17 = arith.extui %sign3A_16 : i1 to i32
      %sign3A_18 = arith.constant 0 : i32
      %sign3A_19 = arith.cmpi slt, %jit3A, %sign3A_18 : i32
      %sign3A_20 = arith.extui %sign3A_19 : i1 to i32
      %sign3A_21 = arith.subi %sign3A_17, %sign3A_20 : i32
      %ne3A = arith.cmpi ne, %sign3A_14, %sign3A_21 : i32
      %rem3A = arith.remsi %add3A_8, %jit3A : i32
      %ne3A_22 = arith.constant 0 : i32
      %ne3A_23 = arith.cmpi ne, %rem3A, %ne3A_22 : i32
      %and3A = arith.andi %ne3A, %ne3A_23 : i1
      %sub3A_24 = arith.constant 1 : i32
      %sub3A_25 = arith.subi %div3A, %sub3A_24 : i32
      %select_n3A = arith.select %and3A, %sub3A_25, %div3A : i32
      %mul3A = arith.constant 3200 : i32
      %mul3A_26 = arith.muli %arg1, %mul3A : i32
      "tpu.region"() ({
        %run_scoped3A = tpu.sem_alloc : memref<!tpu.dma_semaphore, #tpu.memory_space<semaphore_mem>>
        %dma_start3A = arith.constant 0 : i32
        %dma_start3A_38 = tpu.memref_slice %arg16[%mul3A_26, %dma_start3A] : memref<51200x8xf32, #tpu.memory_space<vmem_shared>> -> memref<3200x8xf32, #tpu.memory_space<vmem_shared>>
        tpu.enqueue_dma source(%arg11 : memref<3200x8xf32, #tpu.memory_space<hbm>>) target(%dma_start3A_38 : memref<3200x8xf32, #tpu.memory_space<vmem_shared>>) target_semaphore(%run_scoped3A : memref<!tpu.dma_semaphore, #tpu.memory_space<semaphore_mem>>)
        %dma_wait3A = arith.constant 0 : i32
        %dma_wait3A_39 = tpu.memref_slice %arg16[%mul3A_26, %dma_wait3A] : memref<51200x8xf32, #tpu.memory_space<vmem_shared>> -> memref<3200x8xf32, #tpu.memory_space<vmem_shared>>
        tpu.wait_dma2 semaphore(%run_scoped3A : memref<!tpu.dma_semaphore, #tpu.memory_space<semaphore_mem>>) src(%arg11 : memref<3200x8xf32, #tpu.memory_space<hbm>>) dst(%dma_wait3A_39 : memref<3200x8xf32, #tpu.memory_space<vmem_shared>>)
        tpu.yield
      }) : () -> ()
      %mul3A_27 = arith.constant 640 : i32
      %mul3A_28 = arith.muli %arg1, %mul3A_27 : i32
      %scan3A = arith.constant 0 : i32
      %scan3A_29 = arith.constant 0 : i32
      %scan3A_30 = arith.constant 5 : i32
      %scan3A_31 = arith.addi %scan3A_29, %scan3A_30 : i32
      %scan3A_32 = arith.constant 1 : i32
      scf.for %scan3A_38 = %scan3A_29 to %scan3A_31 step %scan3A_32  : i32 {
        %mul3A_39 = arith.constant 10240 : i32
        %mul3A_40 = arith.muli %scan3A_38, %mul3A_39 : i32
        "tpu.region"() ({
          %run_scoped3A = tpu.sem_alloc : memref<!tpu.dma_semaphore, #tpu.memory_space<semaphore_mem>>
          %dma_start3A_245 = arith.constant 0 : i32
          %dma_start3A_246 = tpu.memref_slice %arg17[%mul3A_28, %dma_start3A_245] : memref<10240x128xf32, #tpu.memory_space<vmem_shared>> -> memref<640x128xf32, #tpu.memory_space<vmem_shared>>
          tpu.enqueue_dma source(%arg10 : memref<640x128xf32, #tpu.memory_space<hbm>>) target(%dma_start3A_246 : memref<640x128xf32, #tpu.memory_space<vmem_shared>>) target_semaphore(%run_scoped3A : memref<!tpu.dma_semaphore, #tpu.memory_space<semaphore_mem>>)
          %dma_wait3A_247 = arith.constant 0 : i32
          %dma_wait3A_248 = tpu.memref_slice %arg17[%mul3A_28, %dma_wait3A_247] : memref<10240x128xf32, #tpu.memory_space<vmem_shared>> -> memref<640x128xf32, #tpu.memory_space<vmem_shared>>
          tpu.wait_dma2 semaphore(%run_scoped3A : memref<!tpu.dma_semaphore, #tpu.memory_space<semaphore_mem>>) src(%arg10 : memref<640x128xf32, #tpu.memory_space<hbm>>) dst(%dma_wait3A_248 : memref<640x128xf32, #tpu.memory_space<vmem_shared>>)
          tpu.yield
        }) : () -> ()
        %barrier3A = arith.constant 0 : index
        tpu.barrier barrier_id(%barrier3A)
        %while3A = arith.constant 0 : i32
        %while3A_41 = arith.constant 0 : i32
        %while3A_42 = arith.subi %select_n3A, %while3A : i32
        %while3A_43 = arith.addi %while3A, %while3A_42 : i32
        %while3A_44 = arith.constant 1 : i32
        %while3A_45 = arith.divsi %while3A_42, %while3A_44 : i32
        %while3A_46 = arith.muli %while3A_45, %while3A_44 : i32
        %while3A_47 = arith.addi %while3A, %while3A_46 : i32
        %while3A_48 = arith.constant 1 : i32
        %while3A_49 = scf.for %while3A_245 = %while3A to %while3A_47 step %while3A_48 iter_args(%while3A_246 = %while3A_41) -> (i32)  : i32 {
          %mul3A_247 = arith.constant 16 : i32
          %mul3A_248 = arith.muli %while3A_245, %mul3A_247 : i32
          %add3A_249 = arith.addi %arg1, %mul3A_248 : i32
          %mul3A_250 = arith.constant 256 : i32
          %mul3A_251 = arith.muli %add3A_249, %mul3A_250 : i32
          "tpu.region"() ({
            %run_scoped3A = tpu.sem_alloc : memref<!tpu.dma_semaphore, #tpu.memory_space<semaphore_mem>>
            %dma_start3A_258 = tpu.memref_slice %arg6[%mul3A_251] : memref<200192xi32, #tpu.memory_space<hbm>> -> memref<256xi32, #tpu.memory_space<hbm>>
            %dma_start3A_259 = tpu.memref_slice %arg6[%mul3A_251] : memref<200192xi32, #tpu.memory_space<hbm>> -> memref<256xi32, #tpu.memory_space<hbm>>
            tpu.enqueue_dma source(%dma_start3A_259 : memref<256xi32, #tpu.memory_space<hbm>>) target(%arg18 : memref<256xi32, #tpu.memory_space<vmem>>) target_semaphore(%run_scoped3A : memref<!tpu.dma_semaphore, #tpu.memory_space<semaphore_mem>>)
            %dma_wait3A_260 = tpu.memref_slice %arg6[%mul3A_251] : memref<200192xi32, #tpu.memory_space<hbm>> -> memref<256xi32, #tpu.memory_space<hbm>>
            %dma_wait3A_261 = tpu.memref_slice %arg6[%mul3A_251] : memref<200192xi32, #tpu.memory_space<hbm>> -> memref<256xi32, #tpu.memory_space<hbm>>
            tpu.wait_dma2 semaphore(%run_scoped3A : memref<!tpu.dma_semaphore, #tpu.memory_space<semaphore_mem>>) src(%dma_wait3A_261 : memref<256xi32, #tpu.memory_space<hbm>>) dst(%arg18 : memref<256xi32, #tpu.memory_space<vmem>>)
            tpu.yield
          }) : () -> ()
          "tpu.region"() ({
            %run_scoped3A = tpu.sem_alloc : memref<!tpu.dma_semaphore, #tpu.memory_space<semaphore_mem>>
            %dma_start3A_258 = tpu.memref_slice %arg7[%mul3A_251] : memref<200192xi32, #tpu.memory_space<hbm>> -> memref<256xi32, #tpu.memory_space<hbm>>
            %dma_start3A_259 = tpu.memref_slice %arg7[%mul3A_251] : memref<200192xi32, #tpu.memory_space<hbm>> -> memref<256xi32, #tpu.memory_space<hbm>>
            tpu.enqueue_dma source(%dma_start3A_259 : memref<256xi32, #tpu.memory_space<hbm>>) target(%arg19 : memref<256xi32, #tpu.memory_space<vmem>>) target_semaphore(%run_scoped3A : memref<!tpu.dma_semaphore, #tpu.memory_space<semaphore_mem>>)
            %dma_wait3A_260 = tpu.memref_slice %arg7[%mul3A_251] : memref<200192xi32, #tpu.memory_space<hbm>> -> memref<256xi32, #tpu.memory_space<hbm>>
            %dma_wait3A_261 = tpu.memref_slice %arg7[%mul3A_251] : memref<200192xi32, #tpu.memory_space<hbm>> -> memref<256xi32, #tpu.memory_space<hbm>>
            tpu.wait_dma2 semaphore(%run_scoped3A : memref<!tpu.dma_semaphore, #tpu.memory_space<semaphore_mem>>) src(%dma_wait3A_261 : memref<256xi32, #tpu.memory_space<hbm>>) dst(%arg19 : memref<256xi32, #tpu.memory_space<vmem>>)
            tpu.yield
          }) : () -> ()
          %scan3A_252 = arith.constant 0 : i32
          %scan3A_253 = arith.constant 16 : i32
          %scan3A_254 = arith.addi %scan3A_252, %scan3A_253 : i32
          %scan3A_255 = arith.constant 1 : i32
          %scan3A_256 = scf.for %scan3A_258 = %scan3A_252 to %scan3A_254 step %scan3A_255 iter_args(%scan3A_259 = %while3A_246) -> (i32)  : i32 {
            %mul3A_260 = arith.constant 16 : i32
            %mul3A_261 = arith.muli %scan3A_258, %mul3A_260 : i32
            %add3A_262 = vector.broadcast %mul3A_261 : i32 to vector<16xi32>
            %add3A_263 = arith.addi %add3A_262, %iota3A : vector<16xi32>
            %add3A_264 = vector.broadcast %mul3A_251 : i32 to vector<16xi32>
            %add3A_265 = arith.addi %add3A_264, %add3A_263 : vector<16xi32>
            %mul3A_266 = arith.constant 16 : i32
            %mul3A_267 = arith.muli %scan3A_258, %mul3A_266 : i32
            %get3A_268 = arith.index_cast %mul3A_267 : i32 to index
            %get3A_269 = tpu.vector_load %arg18[%get3A_268] {strides = array<i32>} : memref<256xi32, #tpu.memory_space<vmem>>, vector<16xi32>,
            %mul3A_270 = arith.constant 16 : i32
            %mul3A_271 = arith.muli %scan3A_258, %mul3A_270 : i32
            %get3A_272 = arith.index_cast %mul3A_271 : i32 to index
            %get3A_273 = tpu.vector_load %arg19[%get3A_272] {strides = array<i32>} : memref<256xi32, #tpu.memory_space<vmem>>, vector<16xi32>,
            %ge3A = vector.broadcast %mul3A_40 : i32 to vector<16xi32>
            %ge3A_274 = arith.cmpi sge, %get3A_273, %ge3A : vector<16xi32>
            %add3A_275 = arith.constant 10240 : i32
            %add3A_276 = arith.addi %mul3A_40, %add3A_275 : i32
            %lt3A_277 = vector.broadcast %add3A_276 : i32 to vector<16xi32>
            %lt3A_278 = arith.cmpi slt, %get3A_273, %lt3A_277 : vector<16xi32>
            %and3A_279 = arith.andi %ge3A_274, %lt3A_278 : vector<16xi1>
            %lt3A_280 = arith.constant 200000 : i32
            %lt3A_281 = vector.broadcast %lt3A_280 : i32 to vector<16xi32>
            %lt3A_282 = arith.cmpi slt, %add3A_265, %lt3A_281 : vector<16xi32>
            %and3A_283 = arith.andi %and3A_279, %lt3A_282 : vector<16xi1>
            %convert_element_type3A_284 = arith.extui %and3A_283 : vector<16xi1> to vector<16xi32>
            %reduce_sum3A = arith.constant true
            %reduce_sum3A_285 = vector.broadcast %reduce_sum3A : i1 to vector<16xi1>
            %reduce_sum3A_286 = tpu.scan <sum>, %convert_element_type3A_284 masked %reduce_sum3A_285 : vector<16xi32>, vector<16xi1> -> vector<16xi32>
            %reduce_sum3A_287 = vector.extract %reduce_sum3A_286[15] : i32 from vector<16xi32>
            %convert_element_type3A_288 = arith.extui %and3A_283 : vector<16xi1> to vector<16xi32>
            %broadcast_in_dim3A_289 = arith.constant true
            %broadcast_in_dim3A_290 = vector.broadcast %broadcast_in_dim3A_289 : i1 to vector<16xi1>
            %masked_cumsum3A = tpu.scan <sum>, %convert_element_type3A_288 masked %broadcast_in_dim3A_290 : vector<16xi32>, vector<16xi1> -> vector<16xi32>
            %add3A_291 = vector.broadcast %scan3A_259 : i32 to vector<16xi32>
            %add3A_292 = arith.addi %add3A_291, %masked_cumsum3A : vector<16xi32>
            %sub3A_293 = arith.constant 1 : i32
            %sub3A_294 = vector.broadcast %sub3A_293 : i32 to vector<16xi32>
            %sub3A_295 = arith.subi %add3A_292, %sub3A_294 : vector<16xi32>
            %lt3A_296 = arith.constant 128 : i32
            %lt3A_297 = vector.broadcast %lt3A_296 : i32 to vector<16xi32>
            %lt3A_298 = arith.cmpi slt, %sub3A_295, %lt3A_297 : vector<16xi32>
            %and3A_299 = arith.andi %and3A_283, %lt3A_298 : vector<16xi1>
            %ge3A_300 = arith.constant 128 : i32
            %ge3A_301 = vector.broadcast %ge3A_300 : i32 to vector<16xi32>
            %ge3A_302 = arith.cmpi sge, %sub3A_295, %ge3A_301 : vector<16xi32>
            %and3A_303 = arith.andi %and3A_283, %ge3A_302 : vector<16xi1>
            %broadcast_in_dim3A_304 = arith.constant 1.000000e+00 : f32
            %broadcast_in_dim3A_305 = vector.broadcast %broadcast_in_dim3A_304 : f32 to vector<16xf32>
            tpu.vector_store_idx %arg20[%sub3A_295], %get3A_269 masked %and3A_299 : memref<128xi32, #tpu.memory_space<vmem>>[vector<16xi32>], vector<16xi32>, vector<16xi1>
            tpu.vector_store_idx %arg21[%sub3A_295], %get3A_273 masked %and3A_299 : memref<128xi32, #tpu.memory_space<vmem>>[vector<16xi32>], vector<16xi32>, vector<16xi1>
            tpu.vector_store_idx %arg22[%sub3A_295], %broadcast_in_dim3A_305 masked %and3A_299 : memref<128xf32, #tpu.memory_space<vmem>>[vector<16xi32>], vector<16xf32>, vector<16xi1>
            %sub3A_306 = arith.constant 128 : i32
            %sub3A_307 = vector.broadcast %sub3A_306 : i32 to vector<16xi32>
            %sub3A_308 = arith.subi %sub3A_295, %sub3A_307 : vector<16xi32>
            tpu.vector_store_idx %arg23[%sub3A_308], %get3A_269 masked %and3A_303 : memref<16xi32, #tpu.memory_space<vmem>>[vector<16xi32>], vector<16xi32>, vector<16xi1>
            %sub3A_309 = arith.constant 128 : i32
            %sub3A_310 = vector.broadcast %sub3A_309 : i32 to vector<16xi32>
            %sub3A_311 = arith.subi %sub3A_295, %sub3A_310 : vector<16xi32>
            tpu.vector_store_idx %arg24[%sub3A_311], %get3A_273 masked %and3A_303 : memref<16xi32, #tpu.memory_space<vmem>>[vector<16xi32>], vector<16xi32>, vector<16xi1>
            %sub3A_312 = arith.constant 128 : i32
            %sub3A_313 = vector.broadcast %sub3A_312 : i32 to vector<16xi32>
            %sub3A_314 = arith.subi %sub3A_295, %sub3A_313 : vector<16xi32>
            tpu.vector_store_idx %arg25[%sub3A_314], %broadcast_in_dim3A_305 masked %and3A_303 : memref<16xf32, #tpu.memory_space<vmem>>[vector<16xi32>], vector<16xf32>, vector<16xi1>
            %add3A_315 = arith.addi %scan3A_259, %reduce_sum3A_287 : i32
            %ge3A_316 = arith.constant 128 : i32
            %ge3A_317 = arith.cmpi sge, %add3A_315, %ge3A_316 : i32
            %convert_element_type3A_318 = arith.extui %ge3A_317 : i1 to i32
            %cond3A_319 = arith.constant 0 : i32
            %cond3A_320 = arith.cmpi ne, %convert_element_type3A_318, %cond3A_319 : i32
            %cond3A_321 = scf.if %cond3A_320 -> (i32) {
              %sub3A_322 = arith.constant 128 : i32
              %sub3A_323 = arith.subi %add3A_315, %sub3A_322 : i32
              %dma_start3A_324 = arith.constant 0 : i32
              %dma_start3A_325 = arith.constant 0 : i32
              %dma_start3A_326 = tpu.memref_slice %arg2[%dma_start3A_324, %dma_start3A_325] : memref<50000x128xf32, #tpu.memory_space<hbm>> -> memref<50000x128xf32, #tpu.memory_space<hbm>>
              tpu.enqueue_indirect_dma source(%dma_start3A_326 : memref<50000x128xf32, #tpu.memory_space<hbm>>) target(%arg26 : memref<128x128xf32, #tpu.memory_space<vmem>>) offsets(%arg20 : memref<128xi32, #tpu.memory_space<vmem>>) semaphore(%arg31 : memref<!tpu.dma_semaphore, #tpu.memory_space<semaphore_mem>>)
              %dma_start3A_327 = arith.constant 0 : i32
              %dma_start3A_328 = arith.constant 0 : i32
              %dma_start3A_329 = tpu.memref_slice %arg4[%dma_start3A_327, %dma_start3A_328] : memref<50000x16xf32, #tpu.memory_space<hbm>> -> memref<50000x16xf32, #tpu.memory_space<hbm>>
              tpu.enqueue_indirect_dma source(%dma_start3A_329 : memref<50000x16xf32, #tpu.memory_space<hbm>>) target(%arg27 : memref<128x16xf32, #tpu.memory_space<vmem>>) offsets(%arg20 : memref<128xi32, #tpu.memory_space<vmem>>) semaphore(%arg32 : memref<!tpu.dma_semaphore, #tpu.memory_space<semaphore_mem>>)
              %dma_start3A_330 = arith.constant 0 : i32
              %dma_start3A_331 = arith.constant 0 : i32
              %dma_start3A_332 = tpu.memref_slice %arg4[%dma_start3A_330, %dma_start3A_331] : memref<50000x16xf32, #tpu.memory_space<hbm>> -> memref<50000x16xf32, #tpu.memory_space<hbm>>
              tpu.enqueue_indirect_dma source(%dma_start3A_332 : memref<50000x16xf32, #tpu.memory_space<hbm>>) target(%arg28 : memref<128x16xf32, #tpu.memory_space<vmem>>) offsets(%arg21 : memref<128xi32, #tpu.memory_space<vmem>>) semaphore(%arg33 : memref<!tpu.dma_semaphore, #tpu.memory_space<semaphore_mem>>)
              %dma_wait3A_333 = arith.constant 0 : i32
              %dma_wait3A_334 = arith.constant 0 : i32
              %dma_wait3A_335 = tpu.memref_slice %arg4[%dma_wait3A_333, %dma_wait3A_334] : memref<50000x16xf32, #tpu.memory_space<hbm>> -> memref<50000x16xf32, #tpu.memory_space<hbm>>
              tpu.wait_indirect_dma semaphore(%arg32 : memref<!tpu.dma_semaphore, #tpu.memory_space<semaphore_mem>>) src(%dma_wait3A_335 : memref<50000x16xf32, #tpu.memory_space<hbm>>) dst(%arg27 : memref<128x16xf32, #tpu.memory_space<vmem>>)
              %dma_wait3A_336 = arith.constant 0 : i32
              %dma_wait3A_337 = arith.constant 0 : i32
              %dma_wait3A_338 = tpu.memref_slice %arg4[%dma_wait3A_336, %dma_wait3A_337] : memref<50000x16xf32, #tpu.memory_space<hbm>> -> memref<50000x16xf32, #tpu.memory_space<hbm>>
              tpu.wait_indirect_dma semaphore(%arg33 : memref<!tpu.dma_semaphore, #tpu.memory_space<semaphore_mem>>) src(%dma_wait3A_338 : memref<50000x16xf32, #tpu.memory_space<hbm>>) dst(%arg28 : memref<128x16xf32, #tpu.memory_space<vmem>>)
              %scan3A_339 = arith.constant 0 : i32
              %scan3A_340 = arith.constant 0 : i32
              %scan3A_341 = arith.constant 8 : i32
              %scan3A_342 = arith.addi %scan3A_340, %scan3A_341 : i32
              %scan3A_343 = arith.constant 1 : i32
              scf.for %scan3A_414 = %scan3A_340 to %scan3A_342 step %scan3A_343  : i32 {
                %mul3A_415 = arith.constant 16 : i32
                %mul3A_416 = arith.muli %scan3A_414, %mul3A_415 : i32
                %add3A_417 = vector.broadcast %mul3A_416 : i32 to vector<16xi32>
                %add3A_418 = arith.addi %add3A_417, %iota3A : vector<16xi32>
                %mul3A_419 = arith.constant 16 : i32
                %mul3A_420 = arith.muli %scan3A_414, %mul3A_419 : i32
                %get3A_421 = arith.index_cast %mul3A_420 : i32 to index
                %get3A_422 = tpu.vector_load %arg22[%get3A_421] {strides = array<i32>} : memref<128xf32, #tpu.memory_space<vmem>>, vector<16xf32>,
                %broadcast_in_dim3A_423 = arith.constant 0 : i32
                %broadcast_in_dim3A_424 = vector.broadcast %broadcast_in_dim3A_423 : i32 to vector<16xi32>
                %gather3A = tpu.vector_load_idx %arg27[%add3A_418, %broadcast_in_dim3A_424] : memref<128x16xf32, #tpu.memory_space<vmem>>[vector<16xi32>, vector<16xi32>], vector<16xf32>,
                %add3A_425 = arith.constant 8 : i32
                %add3A_426 = vector.broadcast %add3A_425 : i32 to vector<16xi32>
                %add3A_427 = arith.addi %broadcast_in_dim3A_424, %add3A_426 : vector<16xi32>
                %gather3A_428 = tpu.vector_load_idx %arg28[%add3A_418, %add3A_427] : memref<128x16xf32, #tpu.memory_space<vmem>>[vector<16xi32>, vector<16xi32>], vector<16xf32>,
                %add3A_429 = arith.addf %gather3A, %gather3A_428 : vector<16xf32>
                %ge3A_430 = arith.constant 0.000000e+00 : f32
                %ge3A_431 = vector.broadcast %ge3A_430 : f32 to vector<16xf32>
                %ge3A_432 = arith.cmpf oge, %add3A_429, %ge3A_431 : vector<16xf32>
                %mul3A_433 = arith.constant 2.000000e-01 : f32
                %mul3A_434 = vector.broadcast %mul3A_433 : f32 to vector<16xf32>
                %mul3A_435 = arith.mulf %mul3A_434, %add3A_429 : vector<16xf32>
                %select_n3A_436 = arith.select %ge3A_432, %add3A_429, %mul3A_435 : vector<16xi1>, vector<16xf32>
                %exp3A = math.exp %select_n3A_436 : vector<16xf32>
                %mul3A_437 = arith.mulf %exp3A, %get3A_422 : vector<16xf32>
                tpu.vector_store_idx %arg29[%add3A_418, %broadcast_in_dim3A_424], %mul3A_437 : memref<128x8xf32, #tpu.memory_space<vmem>>[vector<16xi32>, vector<16xi32>], vector<16xf32>,
                tpu.vector_store_idx %arg28[%add3A_418, %broadcast_in_dim3A_424], %mul3A_437 : memref<128x16xf32, #tpu.memory_space<vmem>>[vector<16xi32>, vector<16xi32>], vector<16xf32>,
                %broadcast_in_dim3A_438 = arith.constant 1 : i32
                %broadcast_in_dim3A_439 = vector.broadcast %broadcast_in_dim3A_438 : i32 to vector<16xi32>
                %gather3A_440 = tpu.vector_load_idx %arg27[%add3A_418, %broadcast_in_dim3A_439] : memref<128x16xf32, #tpu.memory_space<vmem>>[vector<16xi32>, vector<16xi32>], vector<16xf32>,
                %add3A_441 = arith.constant 8 : i32
                %add3A_442 = vector.broadcast %add3A_441 : i32 to vector<16xi32>
                %add3A_443 = arith.addi %broadcast_in_dim3A_439, %add3A_442 : vector<16xi32>
                %gather3A_444 = tpu.vector_load_idx %arg28[%add3A_418, %add3A_443] : memref<128x16xf32, #tpu.memory_space<vmem>>[vector<16xi32>, vector<16xi32>], vector<16xf32>,
                %add3A_445 = arith.addf %gather3A_440, %gather3A_444 : vector<16xf32>
                %ge3A_446 = arith.constant 0.000000e+00 : f32
                %ge3A_447 = vector.broadcast %ge3A_446 : f32 to vector<16xf32>
                %ge3A_448 = arith.cmpf oge, %add3A_445, %ge3A_447 : vector<16xf32>
                %mul3A_449 = arith.constant 2.000000e-01 : f32
                %mul3A_450 = vector.broadcast %mul3A_449 : f32 to vector<16xf32>
                %mul3A_451 = arith.mulf %mul3A_450, %add3A_445 : vector<16xf32>
                %select_n3A_452 = arith.select %ge3A_448, %add3A_445, %mul3A_451 : vector<16xi1>, vector<16xf32>
                %exp3A_453 = math.exp %select_n3A_452 : vector<16xf32>
                %mul3A_454 = arith.mulf %exp3A_453, %get3A_422 : vector<16xf32>
                tpu.vector_store_idx %arg29[%add3A_418, %broadcast_in_dim3A_439], %mul3A_454 : memref<128x8xf32, #tpu.memory_space<vmem>>[vector<16xi32>, vector<16xi32>], vector<16xf32>,
                tpu.vector_store_idx %arg28[%add3A_418, %broadcast_in_dim3A_439], %mul3A_454 : memref<128x16xf32, #tpu.memory_space<vmem>>[vector<16xi32>, vector<16xi32>], vector<16xf32>,
                %broadcast_in_dim3A_455 = arith.constant 2 : i32
                %broadcast_in_dim3A_456 = vector.broadcast %broadcast_in_dim3A_455 : i32 to vector<16xi32>
                %gather3A_457 = tpu.vector_load_idx %arg27[%add3A_418, %broadcast_in_dim3A_456] : memref<128x16xf32, #tpu.memory_space<vmem>>[vector<16xi32>, vector<16xi32>], vector<16xf32>,
                %add3A_458 = arith.constant 8 : i32
                %add3A_459 = vector.broadcast %add3A_458 : i32 to vector<16xi32>
                %add3A_460 = arith.addi %broadcast_in_dim3A_456, %add3A_459 : vector<16xi32>
                %gather3A_461 = tpu.vector_load_idx %arg28[%add3A_418, %add3A_460] : memref<128x16xf32, #tpu.memory_space<vmem>>[vector<16xi32>, vector<16xi32>], vector<16xf32>,
                %add3A_462 = arith.addf %gather3A_457, %gather3A_461 : vector<16xf32>
                %ge3A_463 = arith.constant 0.000000e+00 : f32
                %ge3A_464 = vector.broadcast %ge3A_463 : f32 to vector<16xf32>
                %ge3A_465 = arith.cmpf oge, %add3A_462, %ge3A_464 : vector<16xf32>
                %mul3A_466 = arith.constant 2.000000e-01 : f32
                %mul3A_467 = vector.broadcast %mul3A_466 : f32 to vector<16xf32>
                %mul3A_468 = arith.mulf %mul3A_467, %add3A_462 : vector<16xf32>
                %select_n3A_469 = arith.select %ge3A_465, %add3A_462, %mul3A_468 : vector<16xi1>, vector<16xf32>
                %exp3A_470 = math.exp %select_n3A_469 : vector<16xf32>
                %mul3A_471 = arith.mulf %exp3A_470, %get3A_422 : vector<16xf32>
                tpu.vector_store_idx %arg29[%add3A_418, %broadcast_in_dim3A_456], %mul3A_471 : memref<128x8xf32, #tpu.memory_space<vmem>>[vector<16xi32>, vector<16xi32>], vector<16xf32>,
                tpu.vector_store_idx %arg28[%add3A_418, %broadcast_in_dim3A_456], %mul3A_471 : memref<128x16xf32, #tpu.memory_space<vmem>>[vector<16xi32>, vector<16xi32>], vector<16xf32>,
                %broadcast_in_dim3A_472 = arith.constant 3 : i32
                %broadcast_in_dim3A_473 = vector.broadcast %broadcast_in_dim3A_472 : i32 to vector<16xi32>
                %gather3A_474 = tpu.vector_load_idx %arg27[%add3A_418, %broadcast_in_dim3A_473] : memref<128x16xf32, #tpu.memory_space<vmem>>[vector<16xi32>, vector<16xi32>], vector<16xf32>,
                %add3A_475 = arith.constant 8 : i32
                %add3A_476 = vector.broadcast %add3A_475 : i32 to vector<16xi32>
                %add3A_477 = arith.addi %broadcast_in_dim3A_473, %add3A_476 : vector<16xi32>
                %gather3A_478 = tpu.vector_load_idx %arg28[%add3A_418, %add3A_477] : memref<128x16xf32, #tpu.memory_space<vmem>>[vector<16xi32>, vector<16xi32>], vector<16xf32>,
                %add3A_479 = arith.addf %gather3A_474, %gather3A_478 : vector<16xf32>
                %ge3A_480 = arith.constant 0.000000e+00 : f32
                %ge3A_481 = vector.broadcast %ge3A_480 : f32 to vector<16xf32>
                %ge3A_482 = arith.cmpf oge, %add3A_479, %ge3A_481 : vector<16xf32>
                %mul3A_483 = arith.constant 2.000000e-01 : f32
                %mul3A_484 = vector.broadcast %mul3A_483 : f32 to vector<16xf32>
                %mul3A_485 = arith.mulf %mul3A_484, %add3A_479 : vector<16xf32>
                %select_n3A_486 = arith.select %ge3A_482, %add3A_479, %mul3A_485 : vector<16xi1>, vector<16xf32>
                %exp3A_487 = math.exp %select_n3A_486 : vector<16xf32>
                %mul3A_488 = arith.mulf %exp3A_487, %get3A_422 : vector<16xf32>
                tpu.vector_store_idx %arg29[%add3A_418, %broadcast_in_dim3A_473], %mul3A_488 : memref<128x8xf32, #tpu.memory_space<vmem>>[vector<16xi32>, vector<16xi32>], vector<16xf32>,
                tpu.vector_store_idx %arg28[%add3A_418, %broadcast_in_dim3A_473], %mul3A_488 : memref<128x16xf32, #tpu.memory_space<vmem>>[vector<16xi32>, vector<16xi32>], vector<16xf32>,
                %broadcast_in_dim3A_489 = arith.constant 4 : i32
                %broadcast_in_dim3A_490 = vector.broadcast %broadcast_in_dim3A_489 : i32 to vector<16xi32>
                %gather3A_491 = tpu.vector_load_idx %arg27[%add3A_418, %broadcast_in_dim3A_490] : memref<128x16xf32, #tpu.memory_space<vmem>>[vector<16xi32>, vector<16xi32>], vector<16xf32>,
                %add3A_492 = arith.constant 8 : i32
                %add3A_493 = vector.broadcast %add3A_492 : i32 to vector<16xi32>
                %add3A_494 = arith.addi %broadcast_in_dim3A_490, %add3A_493 : vector<16xi32>
                %gather3A_495 = tpu.vector_load_idx %arg28[%add3A_418, %add3A_494] : memref<128x16xf32, #tpu.memory_space<vmem>>[vector<16xi32>, vector<16xi32>], vector<16xf32>,
                %add3A_496 = arith.addf %gather3A_491, %gather3A_495 : vector<16xf32>
                %ge3A_497 = arith.constant 0.000000e+00 : f32
                %ge3A_498 = vector.broadcast %ge3A_497 : f32 to vector<16xf32>
                %ge3A_499 = arith.cmpf oge, %add3A_496, %ge3A_498 : vector<16xf32>
                %mul3A_500 = arith.constant 2.000000e-01 : f32
                %mul3A_501 = vector.broadcast %mul3A_500 : f32 to vector<16xf32>
                %mul3A_502 = arith.mulf %mul3A_501, %add3A_496 : vector<16xf32>
                %select_n3A_503 = arith.select %ge3A_499, %add3A_496, %mul3A_502 : vector<16xi1>, vector<16xf32>
                %exp3A_504 = math.exp %select_n3A_503 : vector<16xf32>
                %mul3A_505 = arith.mulf %exp3A_504, %get3A_422 : vector<16xf32>
                tpu.vector_store_idx %arg29[%add3A_418, %broadcast_in_dim3A_490], %mul3A_505 : memref<128x8xf32, #tpu.memory_space<vmem>>[vector<16xi32>, vector<16xi32>], vector<16xf32>,
                tpu.vector_store_idx %arg28[%add3A_418, %broadcast_in_dim3A_490], %mul3A_505 : memref<128x16xf32, #tpu.memory_space<vmem>>[vector<16xi32>, vector<16xi32>], vector<16xf32>,
                %broadcast_in_dim3A_506 = arith.constant 5 : i32
                %broadcast_in_dim3A_507 = vector.broadcast %broadcast_in_dim3A_506 : i32 to vector<16xi32>
                %gather3A_508 = tpu.vector_load_idx %arg27[%add3A_418, %broadcast_in_dim3A_507] : memref<128x16xf32, #tpu.memory_space<vmem>>[vector<16xi32>, vector<16xi32>], vector<16xf32>,
                %add3A_509 = arith.constant 8 : i32
                %add3A_510 = vector.broadcast %add3A_509 : i32 to vector<16xi32>
                %add3A_511 = arith.addi %broadcast_in_dim3A_507, %add3A_510 : vector<16xi32>
                %gather3A_512 = tpu.vector_load_idx %arg28[%add3A_418, %add3A_511] : memref<128x16xf32, #tpu.memory_space<vmem>>[vector<16xi32>, vector<16xi32>], vector<16xf32>,
                %add3A_513 = arith.addf %gather3A_508, %gather3A_512 : vector<16xf32>
                %ge3A_514 = arith.constant 0.000000e+00 : f32
                %ge3A_515 = vector.broadcast %ge3A_514 : f32 to vector<16xf32>
                %ge3A_516 = arith.cmpf oge, %add3A_513, %ge3A_515 : vector<16xf32>
                %mul3A_517 = arith.constant 2.000000e-01 : f32
                %mul3A_518 = vector.broadcast %mul3A_517 : f32 to vector<16xf32>
                %mul3A_519 = arith.mulf %mul3A_518, %add3A_513 : vector<16xf32>
                %select_n3A_520 = arith.select %ge3A_516, %add3A_513, %mul3A_519 : vector<16xi1>, vector<16xf32>
                %exp3A_521 = math.exp %select_n3A_520 : vector<16xf32>
                %mul3A_522 = arith.mulf %exp3A_521, %get3A_422 : vector<16xf32>
                tpu.vector_store_idx %arg29[%add3A_418, %broadcast_in_dim3A_507], %mul3A_522 : memref<128x8xf32, #tpu.memory_space<vmem>>[vector<16xi32>, vector<16xi32>], vector<16xf32>,
                tpu.vector_store_idx %arg28[%add3A_418, %broadcast_in_dim3A_507], %mul3A_522 : memref<128x16xf32, #tpu.memory_space<vmem>>[vector<16xi32>, vector<16xi32>], vector<16xf32>,
                %broadcast_in_dim3A_523 = arith.constant 6 : i32
                %broadcast_in_dim3A_524 = vector.broadcast %broadcast_in_dim3A_523 : i32 to vector<16xi32>
                %gather3A_525 = tpu.vector_load_idx %arg27[%add3A_418, %broadcast_in_dim3A_524] : memref<128x16xf32, #tpu.memory_space<vmem>>[vector<16xi32>, vector<16xi32>], vector<16xf32>,
                %add3A_526 = arith.constant 8 : i32
                %add3A_527 = vector.broadcast %add3A_526 : i32 to vector<16xi32>
                %add3A_528 = arith.addi %broadcast_in_dim3A_524, %add3A_527 : vector<16xi32>
                %gather3A_529 = tpu.vector_load_idx %arg28[%add3A_418, %add3A_528] : memref<128x16xf32, #tpu.memory_space<vmem>>[vector<16xi32>, vector<16xi32>], vector<16xf32>,
                %add3A_530 = arith.addf %gather3A_525, %gather3A_529 : vector<16xf32>
                %ge3A_531 = arith.constant 0.000000e+00 : f32
                %ge3A_532 = vector.broadcast %ge3A_531 : f32 to vector<16xf32>
                %ge3A_533 = arith.cmpf oge, %add3A_530, %ge3A_532 : vector<16xf32>
                %mul3A_534 = arith.constant 2.000000e-01 : f32
                %mul3A_535 = vector.broadcast %mul3A_534 : f32 to vector<16xf32>
                %mul3A_536 = arith.mulf %mul3A_535, %add3A_530 : vector<16xf32>
                %select_n3A_537 = arith.select %ge3A_533, %add3A_530, %mul3A_536 : vector<16xi1>, vector<16xf32>
                %exp3A_538 = math.exp %select_n3A_537 : vector<16xf32>
                %mul3A_539 = arith.mulf %exp3A_538, %get3A_422 : vector<16xf32>
                tpu.vector_store_idx %arg29[%add3A_418, %broadcast_in_dim3A_524], %mul3A_539 : memref<128x8xf32, #tpu.memory_space<vmem>>[vector<16xi32>, vector<16xi32>], vector<16xf32>,
                tpu.vector_store_idx %arg28[%add3A_418, %broadcast_in_dim3A_524], %mul3A_539 : memref<128x16xf32, #tpu.memory_space<vmem>>[vector<16xi32>, vector<16xi32>], vector<16xf32>,
                %broadcast_in_dim3A_540 = arith.constant 7 : i32
                %broadcast_in_dim3A_541 = vector.broadcast %broadcast_in_dim3A_540 : i32 to vector<16xi32>
                %gather3A_542 = tpu.vector_load_idx %arg27[%add3A_418, %broadcast_in_dim3A_541] : memref<128x16xf32, #tpu.memory_space<vmem>>[vector<16xi32>, vector<16xi32>], vector<16xf32>,
                %add3A_543 = arith.constant 8 : i32
                %add3A_544 = vector.broadcast %add3A_543 : i32 to vector<16xi32>
                %add3A_545 = arith.addi %broadcast_in_dim3A_541, %add3A_544 : vector<16xi32>
                %gather3A_546 = tpu.vector_load_idx %arg28[%add3A_418, %add3A_545] : memref<128x16xf32, #tpu.memory_space<vmem>>[vector<16xi32>, vector<16xi32>], vector<16xf32>,
                %add3A_547 = arith.addf %gather3A_542, %gather3A_546 : vector<16xf32>
                %ge3A_548 = arith.constant 0.000000e+00 : f32
                %ge3A_549 = vector.broadcast %ge3A_548 : f32 to vector<16xf32>
                %ge3A_550 = arith.cmpf oge, %add3A_547, %ge3A_549 : vector<16xf32>
                %mul3A_551 = arith.constant 2.000000e-01 : f32
                %mul3A_552 = vector.broadcast %mul3A_551 : f32 to vector<16xf32>
                %mul3A_553 = arith.mulf %mul3A_552, %add3A_547 : vector<16xf32>
                %select_n3A_554 = arith.select %ge3A_550, %add3A_547, %mul3A_553 : vector<16xi1>, vector<16xf32>
                %exp3A_555 = math.exp %select_n3A_554 : vector<16xf32>
                %mul3A_556 = arith.mulf %exp3A_555, %get3A_422 : vector<16xf32>
                tpu.vector_store_idx %arg29[%add3A_418, %broadcast_in_dim3A_541], %mul3A_556 : memref<128x8xf32, #tpu.memory_space<vmem>>[vector<16xi32>, vector<16xi32>], vector<16xf32>,
                tpu.vector_store_idx %arg28[%add3A_418, %broadcast_in_dim3A_541], %mul3A_556 : memref<128x16xf32, #tpu.memory_space<vmem>>[vector<16xi32>, vector<16xi32>], vector<16xf32>,
              }
              %scan3A_344 = arith.constant 8 : i32
              "tpu.region"() ({
                %run_scoped3A = tpu.sem_alloc : memref<!tpu.dma_semaphore, #tpu.memory_space<semaphore_mem>>
                %dma_start3A_414 = arith.constant 0 : i32
                %dma_start3A_415 = arith.constant 0 : i32
                %dma_start3A_416 = tpu.memref_slice %arg16[%dma_start3A_414, %dma_start3A_415] : memref<51200x8xf32, #tpu.memory_space<vmem_shared>> -> memref<51200x8xf32, #tpu.memory_space<vmem_shared>>
                tpu.enqueue_indirect_dma source(%arg29 : memref<128x8xf32, #tpu.memory_space<vmem>>) target(%dma_start3A_416 : memref<51200x8xf32, #tpu.memory_space<vmem_shared>>) offsets(%arg21 : memref<128xi32, #tpu.memory_space<vmem>>) semaphore(%run_scoped3A : memref<!tpu.dma_semaphore, #tpu.memory_space<semaphore_mem>>) {add = true}
                %dma_wait3A_417 = arith.constant 0 : i32
                %dma_wait3A_418 = arith.constant 0 : i32
                %dma_wait3A_419 = tpu.memref_slice %arg16[%dma_wait3A_417, %dma_wait3A_418] : memref<51200x8xf32, #tpu.memory_space<vmem_shared>> -> memref<51200x8xf32, #tpu.memory_space<vmem_shared>>
                tpu.wait_indirect_dma semaphore(%run_scoped3A : memref<!tpu.dma_semaphore, #tpu.memory_space<semaphore_mem>>) src(%arg29 : memref<128x8xf32, #tpu.memory_space<vmem>>) dst(%dma_wait3A_419 : memref<51200x8xf32, #tpu.memory_space<vmem_shared>>)
                tpu.yield
              }) : () -> ()
              %get3A_345 = arith.constant 0 : index
              %get3A_346 = tpu.vector_load %arg21[%get3A_345] {strides = array<i32>} : memref<128xi32, #tpu.memory_space<vmem>>, vector<16xi32>,
              %sub3A_347 = vector.broadcast %mul3A_40 : i32 to vector<16xi32>
              %sub3A_348 = arith.subi %get3A_346, %sub3A_347 : vector<16xi32>
              %swap3A_349 = arith.constant 0 : index
              %swap3A_350 = tpu.vector_load %arg30[%swap3A_349] {strides = array<i32>} : memref<128xi32, #tpu.memory_space<vmem>>, vector<16xi32>,
              tpu.vector_store %arg30[%swap3A_349], %sub3A_348 {strides = array<i32>} : memref<128xi32, #tpu.memory_space<vmem>>, vector<16xi32>,
              %get3A_351 = arith.constant 16 : index
              %get3A_352 = tpu.vector_load %arg21[%get3A_351] {strides = array<i32>} : memref<128xi32, #tpu.memory_space<vmem>>, vector<16xi32>,
              %sub3A_353 = vector.broadcast %mul3A_40 : i32 to vector<16xi32>
              %sub3A_354 = arith.subi %get3A_352, %sub3A_353 : vector<16xi32>
              %swap3A_355 = arith.constant 16 : index
              %swap3A_356 = tpu.vector_load %arg30[%swap3A_355] {strides = array<i32>} : memref<128xi32, #tpu.memory_space<vmem>>, vector<16xi32>,
              tpu.vector_store %arg30[%swap3A_355], %sub3A_354 {strides = array<i32>} : memref<128xi32, #tpu.memory_space<vmem>>, vector<16xi32>,
              %get3A_357 = arith.constant 32 : index
              %get3A_358 = tpu.vector_load %arg21[%get3A_357] {strides = array<i32>} : memref<128xi32, #tpu.memory_space<vmem>>, vector<16xi32>,
              %sub3A_359 = vector.broadcast %mul3A_40 : i32 to vector<16xi32>
              %sub3A_360 = arith.subi %get3A_358, %sub3A_359 : vector<16xi32>
              %swap3A_361 = arith.constant 32 : index
              %swap3A_362 = tpu.vector_load %arg30[%swap3A_361] {strides = array<i32>} : memref<128xi32, #tpu.memory_space<vmem>>, vector<16xi32>,
              tpu.vector_store %arg30[%swap3A_361], %sub3A_360 {strides = array<i32>} : memref<128xi32, #tpu.memory_space<vmem>>, vector<16xi32>,
              %get3A_363 = arith.constant 48 : index
              %get3A_364 = tpu.vector_load %arg21[%get3A_363] {strides = array<i32>} : memref<128xi32, #tpu.memory_space<vmem>>, vector<16xi32>,
              %sub3A_365 = vector.broadcast %mul3A_40 : i32 to vector<16xi32>
              %sub3A_366 = arith.subi %get3A_364, %sub3A_365 : vector<16xi32>
              %swap3A_367 = arith.constant 48 : index
              %swap3A_368 = tpu.vector_load %arg30[%swap3A_367] {strides = array<i32>} : memref<128xi32, #tpu.memory_space<vmem>>, vector<16xi32>,
              tpu.vector_store %arg30[%swap3A_367], %sub3A_366 {strides = array<i32>} : memref<128xi32, #tpu.memory_space<vmem>>, vector<16xi32>,
              %get3A_369 = arith.constant 64 : index
              %get3A_370 = tpu.vector_load %arg21[%get3A_369] {strides = array<i32>} : memref<128xi32, #tpu.memory_space<vmem>>, vector<16xi32>,
              %sub3A_371 = vector.broadcast %mul3A_40 : i32 to vector<16xi32>
              %sub3A_372 = arith.subi %get3A_370, %sub3A_371 : vector<16xi32>
              %swap3A_373 = arith.constant 64 : index
              %swap3A_374 = tpu.vector_load %arg30[%swap3A_373] {strides = array<i32>} : memref<128xi32, #tpu.memory_space<vmem>>, vector<16xi32>,
              tpu.vector_store %arg30[%swap3A_373], %sub3A_372 {strides = array<i32>} : memref<128xi32, #tpu.memory_space<vmem>>, vector<16xi32>,
              %get3A_375 = arith.constant 80 : index
              %get3A_376 = tpu.vector_load %arg21[%get3A_375] {strides = array<i32>} : memref<128xi32, #tpu.memory_space<vmem>>, vector<16xi32>,
              %sub3A_377 = vector.broadcast %mul3A_40 : i32 to vector<16xi32>
              %sub3A_378 = arith.subi %get3A_376, %sub3A_377 : vector<16xi32>
              %swap3A_379 = arith.constant 80 : index
              %swap3A_380 = tpu.vector_load %arg30[%swap3A_379] {strides = array<i32>} : memref<128xi32, #tpu.memory_space<vmem>>, vector<16xi32>,
              tpu.vector_store %arg30[%swap3A_379], %sub3A_378 {strides = array<i32>} : memref<128xi32, #tpu.memory_space<vmem>>, vector<16xi32>,
              %get3A_381 = arith.constant 96 : index
              %get3A_382 = tpu.vector_load %arg21[%get3A_381] {strides = array<i32>} : memref<128xi32, #tpu.memory_space<vmem>>, vector<16xi32>,
              %sub3A_383 = vector.broadcast %mul3A_40 : i32 to vector<16xi32>
              %sub3A_384 = arith.subi %get3A_382, %sub3A_383 : vector<16xi32>
              %swap3A_385 = arith.constant 96 : index
              %swap3A_386 = tpu.vector_load %arg30[%swap3A_385] {strides = array<i32>} : memref<128xi32, #tpu.memory_space<vmem>>, vector<16xi32>,
              tpu.vector_store %arg30[%swap3A_385], %sub3A_384 {strides = array<i32>} : memref<128xi32, #tpu.memory_space<vmem>>, vector<16xi32>,
              %get3A_387 = arith.constant 112 : index
              %get3A_388 = tpu.vector_load %arg21[%get3A_387] {strides = array<i32>} : memref<128xi32, #tpu.memory_space<vmem>>, vector<16xi32>,
              %sub3A_389 = vector.broadcast %mul3A_40 : i32 to vector<16xi32>
              %sub3A_390 = arith.subi %get3A_388, %sub3A_389 : vector<16xi32>
              %swap3A_391 = arith.constant 112 : index
              %swap3A_392 = tpu.vector_load %arg30[%swap3A_391] {strides = array<i32>} : memref<128xi32, #tpu.memory_space<vmem>>, vector<16xi32>,
              tpu.vector_store %arg30[%swap3A_391], %sub3A_390 {strides = array<i32>} : memref<128xi32, #tpu.memory_space<vmem>>, vector<16xi32>,
              %dma_wait3A_393 = arith.constant 0 : i32
              %dma_wait3A_394 = arith.constant 0 : i32
              %dma_wait3A_395 = tpu.memref_slice %arg2[%dma_wait3A_393, %dma_wait3A_394] : memref<50000x128xf32, #tpu.memory_space<hbm>> -> memref<50000x128xf32, #tpu.memory_space<hbm>>
              tpu.wait_indirect_dma semaphore(%arg31 : memref<!tpu.dma_semaphore, #tpu.memory_space<semaphore_mem>>) src(%dma_wait3A_395 : memref<50000x128xf32, #tpu.memory_space<hbm>>) dst(%arg26 : memref<128x128xf32, #tpu.memory_space<vmem>>)
              %scan3A_396 = arith.constant 0 : i32
              %scan3A_397 = arith.constant 0 : i32
              %scan3A_398 = arith.constant 128 : i32
              %scan3A_399 = arith.addi %scan3A_397, %scan3A_398 : i32
              %scan3A_400 = arith.constant 1 : i32
              scf.for %scan3A_414 = %scan3A_397 to %scan3A_399 step %scan3A_400  : i32 {
                %get3A_415 = arith.index_cast %scan3A_414 : i32 to index
                %get3A_416 = arith.constant 0 : index
                %get3A_417 = tpu.vector_load %arg28[%get3A_415, %get3A_416] {strides = array<i32>} : memref<128x16xf32, #tpu.memory_space<vmem>>, vector<16xf32>,
                %broadcast_in_dim3A_418 = arith.constant 0 : i32
                %broadcast_in_dim3A_419 = vector.broadcast %broadcast_in_dim3A_418 : i32 to vector<16x1xi32>
                %gather3A = vector.shape_cast %broadcast_in_dim3A_419 : vector<16x1xi32> to vector<16xi32>
                %gather3A_420 = tpu.dynamic_gather %get3A_417[%gather3A] in [0] : vector<16xf32>, vector<16xi32> -> vector<16xf32>
                %get3A_421 = arith.index_cast %scan3A_414 : i32 to index
                %get3A_422 = arith.constant 0 : index
                %get3A_423 = tpu.vector_load %arg26[%get3A_421, %get3A_422] {strides = array<i32>} : memref<128x128xf32, #tpu.memory_space<vmem>>, vector<16xf32>,
                %mul3A_424 = arith.mulf %get3A_423, %gather3A_420 : vector<16xf32>
                %swap3A_425 = arith.index_cast %scan3A_414 : i32 to index
                %swap3A_426 = arith.constant 0 : index
                %swap3A_427 = tpu.vector_load %arg26[%swap3A_425, %swap3A_426] {strides = array<i32>} : memref<128x128xf32, #tpu.memory_space<vmem>>, vector<16xf32>,
                tpu.vector_store %arg26[%swap3A_425, %swap3A_426], %mul3A_424 {strides = array<i32>} : memref<128x128xf32, #tpu.memory_space<vmem>>, vector<16xf32>,
                %broadcast_in_dim3A_428 = arith.constant 1 : i32
                %broadcast_in_dim3A_429 = vector.broadcast %broadcast_in_dim3A_428 : i32 to vector<16x1xi32>
                %gather3A_430 = vector.shape_cast %broadcast_in_dim3A_429 : vector<16x1xi32> to vector<16xi32>
                %gather3A_431 = tpu.dynamic_gather %get3A_417[%gather3A_430] in [0] : vector<16xf32>, vector<16xi32> -> vector<16xf32>
                %get3A_432 = arith.index_cast %scan3A_414 : i32 to index
                %get3A_433 = arith.constant 16 : index
                %get3A_434 = tpu.vector_load %arg26[%get3A_432, %get3A_433] {strides = array<i32>} : memref<128x128xf32, #tpu.memory_space<vmem>>, vector<16xf32>,
                %mul3A_435 = arith.mulf %get3A_434, %gather3A_431 : vector<16xf32>
                %swap3A_436 = arith.index_cast %scan3A_414 : i32 to index
                %swap3A_437 = arith.constant 16 : index
                %swap3A_438 = tpu.vector_load %arg26[%swap3A_436, %swap3A_437] {strides = array<i32>} : memref<128x128xf32, #tpu.memory_space<vmem>>, vector<16xf32>,
                tpu.vector_store %arg26[%swap3A_436, %swap3A_437], %mul3A_435 {strides = array<i32>} : memref<128x128xf32, #tpu.memory_space<vmem>>, vector<16xf32>,
                %broadcast_in_dim3A_439 = arith.constant 2 : i32
                %broadcast_in_dim3A_440 = vector.broadcast %broadcast_in_dim3A_439 : i32 to vector<16x1xi32>
                %gather3A_441 = vector.shape_cast %broadcast_in_dim3A_440 : vector<16x1xi32> to vector<16xi32>
                %gather3A_442 = tpu.dynamic_gather %get3A_417[%gather3A_441] in [0] : vector<16xf32>, vector<16xi32> -> vector<16xf32>
                %get3A_443 = arith.index_cast %scan3A_414 : i32 to index
                %get3A_444 = arith.constant 32 : index
                %get3A_445 = tpu.vector_load %arg26[%get3A_443, %get3A_444] {strides = array<i32>} : memref<128x128xf32, #tpu.memory_space<vmem>>, vector<16xf32>,
                %mul3A_446 = arith.mulf %get3A_445, %gather3A_442 : vector<16xf32>
                %swap3A_447 = arith.index_cast %scan3A_414 : i32 to index
                %swap3A_448 = arith.constant 32 : index
                %swap3A_449 = tpu.vector_load %arg26[%swap3A_447, %swap3A_448] {strides = array<i32>} : memref<128x128xf32, #tpu.memory_space<vmem>>, vector<16xf32>,
                tpu.vector_store %arg26[%swap3A_447, %swap3A_448], %mul3A_446 {strides = array<i32>} : memref<128x128xf32, #tpu.memory_space<vmem>>, vector<16xf32>,
                %broadcast_in_dim3A_450 = arith.constant 3 : i32
                %broadcast_in_dim3A_451 = vector.broadcast %broadcast_in_dim3A_450 : i32 to vector<16x1xi32>
                %gather3A_452 = vector.shape_cast %broadcast_in_dim3A_451 : vector<16x1xi32> to vector<16xi32>
                %gather3A_453 = tpu.dynamic_gather %get3A_417[%gather3A_452] in [0] : vector<16xf32>, vector<16xi32> -> vector<16xf32>
                %get3A_454 = arith.index_cast %scan3A_414 : i32 to index
                %get3A_455 = arith.constant 48 : index
                %get3A_456 = tpu.vector_load %arg26[%get3A_454, %get3A_455] {strides = array<i32>} : memref<128x128xf32, #tpu.memory_space<vmem>>, vector<16xf32>,
                %mul3A_457 = arith.mulf %get3A_456, %gather3A_453 : vector<16xf32>
                %swap3A_458 = arith.index_cast %scan3A_414 : i32 to index
                %swap3A_459 = arith.constant 48 : index
                %swap3A_460 = tpu.vector_load %arg26[%swap3A_458, %swap3A_459] {strides = array<i32>} : memref<128x128xf32, #tpu.memory_space<vmem>>, vector<16xf32>,
                tpu.vector_store %arg26[%swap3A_458, %swap3A_459], %mul3A_457 {strides = array<i32>} : memref<128x128xf32, #tpu.memory_space<vmem>>, vector<16xf32>,
                %broadcast_in_dim3A_461 = arith.constant 4 : i32
                %broadcast_in_dim3A_462 = vector.broadcast %broadcast_in_dim3A_461 : i32 to vector<16x1xi32>
                %gather3A_463 = vector.shape_cast %broadcast_in_dim3A_462 : vector<16x1xi32> to vector<16xi32>
                %gather3A_464 = tpu.dynamic_gather %get3A_417[%gather3A_463] in [0] : vector<16xf32>, vector<16xi32> -> vector<16xf32>
                %get3A_465 = arith.index_cast %scan3A_414 : i32 to index
                %get3A_466 = arith.constant 64 : index
                %get3A_467 = tpu.vector_load %arg26[%get3A_465, %get3A_466] {strides = array<i32>} : memref<128x128xf32, #tpu.memory_space<vmem>>, vector<16xf32>,
                %mul3A_468 = arith.mulf %get3A_467, %gather3A_464 : vector<16xf32>
                %swap3A_469 = arith.index_cast %scan3A_414 : i32 to index
                %swap3A_470 = arith.constant 64 : index
                %swap3A_471 = tpu.vector_load %arg26[%swap3A_469, %swap3A_470] {strides = array<i32>} : memref<128x128xf32, #tpu.memory_space<vmem>>, vector<16xf32>,
                tpu.vector_store %arg26[%swap3A_469, %swap3A_470], %mul3A_468 {strides = array<i32>} : memref<128x128xf32, #tpu.memory_space<vmem>>, vector<16xf32>,
                %broadcast_in_dim3A_472 = arith.constant 5 : i32
                %broadcast_in_dim3A_473 = vector.broadcast %broadcast_in_dim3A_472 : i32 to vector<16x1xi32>
                %gather3A_474 = vector.shape_cast %broadcast_in_dim3A_473 : vector<16x1xi32> to vector<16xi32>
                %gather3A_475 = tpu.dynamic_gather %get3A_417[%gather3A_474] in [0] : vector<16xf32>, vector<16xi32> -> vector<16xf32>
                %get3A_476 = arith.index_cast %scan3A_414 : i32 to index
                %get3A_477 = arith.constant 80 : index
                %get3A_478 = tpu.vector_load %arg26[%get3A_476, %get3A_477] {strides = array<i32>} : memref<128x128xf32, #tpu.memory_space<vmem>>, vector<16xf32>,
                %mul3A_479 = arith.mulf %get3A_478, %gather3A_475 : vector<16xf32>
                %swap3A_480 = arith.index_cast %scan3A_414 : i32 to index
                %swap3A_481 = arith.constant 80 : index
                %swap3A_482 = tpu.vector_load %arg26[%swap3A_480, %swap3A_481] {strides = array<i32>} : memref<128x128xf32, #tpu.memory_space<vmem>>, vector<16xf32>,
                tpu.vector_store %arg26[%swap3A_480, %swap3A_481], %mul3A_479 {strides = array<i32>} : memref<128x128xf32, #tpu.memory_space<vmem>>, vector<16xf32>,
                %broadcast_in_dim3A_483 = arith.constant 6 : i32
                %broadcast_in_dim3A_484 = vector.broadcast %broadcast_in_dim3A_483 : i32 to vector<16x1xi32>
                %gather3A_485 = vector.shape_cast %broadcast_in_dim3A_484 : vector<16x1xi32> to vector<16xi32>
                %gather3A_486 = tpu.dynamic_gather %get3A_417[%gather3A_485] in [0] : vector<16xf32>, vector<16xi32> -> vector<16xf32>
                %get3A_487 = arith.index_cast %scan3A_414 : i32 to index
                %get3A_488 = arith.constant 96 : index
                %get3A_489 = tpu.vector_load %arg26[%get3A_487, %get3A_488] {strides = array<i32>} : memref<128x128xf32, #tpu.memory_space<vmem>>, vector<16xf32>,
                %mul3A_490 = arith.mulf %get3A_489, %gather3A_486 : vector<16xf32>
                %swap3A_491 = arith.index_cast %scan3A_414 : i32 to index
                %swap3A_492 = arith.constant 96 : index
                %swap3A_493 = tpu.vector_load %arg26[%swap3A_491, %swap3A_492] {strides = array<i32>} : memref<128x128xf32, #tpu.memory_space<vmem>>, vector<16xf32>,
                tpu.vector_store %arg26[%swap3A_491, %swap3A_492], %mul3A_490 {strides = array<i32>} : memref<128x128xf32, #tpu.memory_space<vmem>>, vector<16xf32>,
                %broadcast_in_dim3A_494 = arith.constant 7 : i32
                %broadcast_in_dim3A_495 = vector.broadcast %broadcast_in_dim3A_494 : i32 to vector<16x1xi32>
                %gather3A_496 = vector.shape_cast %broadcast_in_dim3A_495 : vector<16x1xi32> to vector<16xi32>
                %gather3A_497 = tpu.dynamic_gather %get3A_417[%gather3A_496] in [0] : vector<16xf32>, vector<16xi32> -> vector<16xf32>
                %get3A_498 = arith.index_cast %scan3A_414 : i32 to index
                %get3A_499 = arith.constant 112 : index
                %get3A_500 = tpu.vector_load %arg26[%get3A_498, %get3A_499] {strides = array<i32>} : memref<128x128xf32, #tpu.memory_space<vmem>>, vector<16xf32>,
                %mul3A_501 = arith.mulf %get3A_500, %gather3A_497 : vector<16xf32>
                %swap3A_502 = arith.index_cast %scan3A_414 : i32 to index
                %swap3A_503 = arith.constant 112 : index
                %swap3A_504 = tpu.vector_load %arg26[%swap3A_502, %swap3A_503] {strides = array<i32>} : memref<128x128xf32, #tpu.memory_space<vmem>>, vector<16xf32>,
                tpu.vector_store %arg26[%swap3A_502, %swap3A_503], %mul3A_501 {strides = array<i32>} : memref<128x128xf32, #tpu.memory_space<vmem>>, vector<16xf32>,
              }
              %scan3A_401 = arith.constant 128 : i32
              "tpu.region"() ({
                %run_scoped3A = tpu.sem_alloc : memref<!tpu.dma_semaphore, #tpu.memory_space<semaphore_mem>>
                %dma_start3A_414 = arith.constant 0 : i32
                %dma_start3A_415 = arith.constant 0 : i32
                %dma_start3A_416 = tpu.memref_slice %arg17[%dma_start3A_414, %dma_start3A_415] : memref<10240x128xf32, #tpu.memory_space<vmem_shared>> -> memref<10240x128xf32, #tpu.memory_space<vmem_shared>>
                tpu.enqueue_indirect_dma source(%arg26 : memref<128x128xf32, #tpu.memory_space<vmem>>) target(%dma_start3A_416 : memref<10240x128xf32, #tpu.memory_space<vmem_shared>>) offsets(%arg30 : memref<128xi32, #tpu.memory_space<vmem>>) semaphore(%run_scoped3A : memref<!tpu.dma_semaphore, #tpu.memory_space<semaphore_mem>>) {add = true}
                %dma_wait3A_417 = arith.constant 0 : i32
                %dma_wait3A_418 = arith.constant 0 : i32
                %dma_wait3A_419 = tpu.memref_slice %arg17[%dma_wait3A_417, %dma_wait3A_418] : memref<10240x128xf32, #tpu.memory_space<vmem_shared>> -> memref<10240x128xf32, #tpu.memory_space<vmem_shared>>
                tpu.wait_indirect_dma semaphore(%run_scoped3A : memref<!tpu.dma_semaphore, #tpu.memory_space<semaphore_mem>>) src(%arg26 : memref<128x128xf32, #tpu.memory_space<vmem>>) dst(%dma_wait3A_419 : memref<10240x128xf32, #tpu.memory_space<vmem_shared>>)
                tpu.yield
              }) : () -> ()
              %get3A_402 = arith.constant 0 : index
              %get3A_403 = tpu.vector_load %arg23[%get3A_402] {strides = array<i32>} : memref<16xi32, #tpu.memory_space<vmem>>, vector<16xi32>,
              %swap3A_404 = arith.constant 0 : index
              %swap3A_405 = tpu.vector_load %arg20[%swap3A_404] {strides = array<i32>} : memref<128xi32, #tpu.memory_space<vmem>>, vector<16xi32>,
              tpu.vector_store %arg20[%swap3A_404], %get3A_403 {strides = array<i32>} : memref<128xi32, #tpu.memory_space<vmem>>, vector<16xi32>,
              %get3A_406 = arith.constant 0 : index
              %get3A_407 = tpu.vector_load %arg24[%get3A_406] {strides = array<i32>} : memref<16xi32, #tpu.memory_space<vmem>>, vector<16xi32>,
              %swap3A_408 = arith.constant 0 : index
              %swap3A_409 = tpu.vector_load %arg21[%swap3A_408] {strides = array<i32>} : memref<128xi32, #tpu.memory_space<vmem>>, vector<16xi32>,
              tpu.vector_store %arg21[%swap3A_408], %get3A_407 {strides = array<i32>} : memref<128xi32, #tpu.memory_space<vmem>>, vector<16xi32>,
              %get3A_410 = arith.constant 0 : index
              %get3A_411 = tpu.vector_load %arg25[%get3A_410] {strides = array<i32>} : memref<16xf32, #tpu.memory_space<vmem>>, vector<16xf32>,
              %swap3A_412 = arith.constant 0 : index
              %swap3A_413 = tpu.vector_load %arg22[%swap3A_412] {strides = array<i32>} : memref<128xf32, #tpu.memory_space<vmem>>, vector<16xf32>,
              tpu.vector_store %arg22[%swap3A_412], %get3A_411 {strides = array<i32>} : memref<128xf32, #tpu.memory_space<vmem>>, vector<16xf32>,
              scf.yield %sub3A_323 : i32
            } else {
              scf.yield %add3A_315 : i32
            }
            scf.yield %cond3A_321 : i32
          }
          %scan3A_257 = arith.constant 16 : i32
          scf.yield %scan3A_256 : i32
        }
        %while3A_50 = arith.constant 1 : i32
        %while3A_51 = scf.for %while3A_245 = %while3A_47 to %while3A_43 step %while3A_50 iter_args(%while3A_246 = %while3A_49) -> (i32)  : i32 {
          %mul3A_247 = arith.constant 16 : i32
          %mul3A_248 = arith.muli %while3A_245, %mul3A_247 : i32
          %add3A_249 = arith.addi %arg1, %mul3A_248 : i32
          %mul3A_250 = arith.constant 256 : i32
          %mul3A_251 = arith.muli %add3A_249, %mul3A_250 : i32
          "tpu.region"() ({
            %run_scoped3A = tpu.sem_alloc : memref<!tpu.dma_semaphore, #tpu.memory_space<semaphore_mem>>
            %dma_start3A_258 = tpu.memref_slice %arg6[%mul3A_251] : memref<200192xi32, #tpu.memory_space<hbm>> -> memref<256xi32, #tpu.memory_space<hbm>>
            %dma_start3A_259 = tpu.memref_slice %arg6[%mul3A_251] : memref<200192xi32, #tpu.memory_space<hbm>> -> memref<256xi32, #tpu.memory_space<hbm>>
            tpu.enqueue_dma source(%dma_start3A_259 : memref<256xi32, #tpu.memory_space<hbm>>) target(%arg18 : memref<256xi32, #tpu.memory_space<vmem>>) target_semaphore(%run_scoped3A : memref<!tpu.dma_semaphore, #tpu.memory_space<semaphore_mem>>)
            %dma_wait3A_260 = tpu.memref_slice %arg6[%mul3A_251] : memref<200192xi32, #tpu.memory_space<hbm>> -> memref<256xi32, #tpu.memory_space<hbm>>
            %dma_wait3A_261 = tpu.memref_slice %arg6[%mul3A_251] : memref<200192xi32, #tpu.memory_space<hbm>> -> memref<256xi32, #tpu.memory_space<hbm>>
            tpu.wait_dma2 semaphore(%run_scoped3A : memref<!tpu.dma_semaphore, #tpu.memory_space<semaphore_mem>>) src(%dma_wait3A_261 : memref<256xi32, #tpu.memory_space<hbm>>) dst(%arg18 : memref<256xi32, #tpu.memory_space<vmem>>)
            tpu.yield
          }) : () -> ()
          "tpu.region"() ({
            %run_scoped3A = tpu.sem_alloc : memref<!tpu.dma_semaphore, #tpu.memory_space<semaphore_mem>>
            %dma_start3A_258 = tpu.memref_slice %arg7[%mul3A_251] : memref<200192xi32, #tpu.memory_space<hbm>> -> memref<256xi32, #tpu.memory_space<hbm>>
            %dma_start3A_259 = tpu.memref_slice %arg7[%mul3A_251] : memref<200192xi32, #tpu.memory_space<hbm>> -> memref<256xi32, #tpu.memory_space<hbm>>
            tpu.enqueue_dma source(%dma_start3A_259 : memref<256xi32, #tpu.memory_space<hbm>>) target(%arg19 : memref<256xi32, #tpu.memory_space<vmem>>) target_semaphore(%run_scoped3A : memref<!tpu.dma_semaphore, #tpu.memory_space<semaphore_mem>>)
            %dma_wait3A_260 = tpu.memref_slice %arg7[%mul3A_251] : memref<200192xi32, #tpu.memory_space<hbm>> -> memref<256xi32, #tpu.memory_space<hbm>>
            %dma_wait3A_261 = tpu.memref_slice %arg7[%mul3A_251] : memref<200192xi32, #tpu.memory_space<hbm>> -> memref<256xi32, #tpu.memory_space<hbm>>
            tpu.wait_dma2 semaphore(%run_scoped3A : memref<!tpu.dma_semaphore, #tpu.memory_space<semaphore_mem>>) src(%dma_wait3A_261 : memref<256xi32, #tpu.memory_space<hbm>>) dst(%arg19 : memref<256xi32, #tpu.memory_space<vmem>>)
            tpu.yield
          }) : () -> ()
          %scan3A_252 = arith.constant 0 : i32
          %scan3A_253 = arith.constant 16 : i32
          %scan3A_254 = arith.addi %scan3A_252, %scan3A_253 : i32
          %scan3A_255 = arith.constant 1 : i32
          %scan3A_256 = scf.for %scan3A_258 = %scan3A_252 to %scan3A_254 step %scan3A_255 iter_args(%scan3A_259 = %while3A_246) -> (i32)  : i32 {
            %mul3A_260 = arith.constant 16 : i32
            %mul3A_261 = arith.muli %scan3A_258, %mul3A_260 : i32
            %add3A_262 = vector.broadcast %mul3A_261 : i32 to vector<16xi32>
            %add3A_263 = arith.addi %add3A_262, %iota3A : vector<16xi32>
            %add3A_264 = vector.broadcast %mul3A_251 : i32 to vector<16xi32>
            %add3A_265 = arith.addi %add3A_264, %add3A_263 : vector<16xi32>
            %mul3A_266 = arith.constant 16 : i32
            %mul3A_267 = arith.muli %scan3A_258, %mul3A_266 : i32
            %get3A_268 = arith.index_cast %mul3A_267 : i32 to index
            %get3A_269 = tpu.vector_load %arg18[%get3A_268] {strides = array<i32>} : memref<256xi32, #tpu.memory_space<vmem>>, vector<16xi32>,
            %mul3A_270 = arith.constant 16 : i32
            %mul3A_271 = arith.muli %scan3A_258, %mul3A_270 : i32
            %get3A_272 = arith.index_cast %mul3A_271 : i32 to index
            %get3A_273 = tpu.vector_load %arg19[%get3A_272] {strides = array<i32>} : memref<256xi32, #tpu.memory_space<vmem>>, vector<16xi32>,
            %ge3A = vector.broadcast %mul3A_40 : i32 to vector<16xi32>
            %ge3A_274 = arith.cmpi sge, %get3A_273, %ge3A : vector<16xi32>
            %add3A_275 = arith.constant 10240 : i32
            %add3A_276 = arith.addi %mul3A_40, %add3A_275 : i32
            %lt3A_277 = vector.broadcast %add3A_276 : i32 to vector<16xi32>
            %lt3A_278 = arith.cmpi slt, %get3A_273, %lt3A_277 : vector<16xi32>
            %and3A_279 = arith.andi %ge3A_274, %lt3A_278 : vector<16xi1>
            %lt3A_280 = arith.constant 200000 : i32
            %lt3A_281 = vector.broadcast %lt3A_280 : i32 to vector<16xi32>
            %lt3A_282 = arith.cmpi slt, %add3A_265, %lt3A_281 : vector<16xi32>
            %and3A_283 = arith.andi %and3A_279, %lt3A_282 : vector<16xi1>
            %convert_element_type3A_284 = arith.extui %and3A_283 : vector<16xi1> to vector<16xi32>
            %reduce_sum3A = arith.constant true
            %reduce_sum3A_285 = vector.broadcast %reduce_sum3A : i1 to vector<16xi1>
            %reduce_sum3A_286 = tpu.scan <sum>, %convert_element_type3A_284 masked %reduce_sum3A_285 : vector<16xi32>, vector<16xi1> -> vector<16xi32>
            %reduce_sum3A_287 = vector.extract %reduce_sum3A_286[15] : i32 from vector<16xi32>
            %convert_element_type3A_288 = arith.extui %and3A_283 : vector<16xi1> to vector<16xi32>
            %broadcast_in_dim3A_289 = arith.constant true
            %broadcast_in_dim3A_290 = vector.broadcast %broadcast_in_dim3A_289 : i1 to vector<16xi1>
            %masked_cumsum3A = tpu.scan <sum>, %convert_element_type3A_288 masked %broadcast_in_dim3A_290 : vector<16xi32>, vector<16xi1> -> vector<16xi32>
            %add3A_291 = vector.broadcast %scan3A_259 : i32 to vector<16xi32>
            %add3A_292 = arith.addi %add3A_291, %masked_cumsum3A : vector<16xi32>
            %sub3A_293 = arith.constant 1 : i32
            %sub3A_294 = vector.broadcast %sub3A_293 : i32 to vector<16xi32>
            %sub3A_295 = arith.subi %add3A_292, %sub3A_294 : vector<16xi32>
            %lt3A_296 = arith.constant 128 : i32
            %lt3A_297 = vector.broadcast %lt3A_296 : i32 to vector<16xi32>
            %lt3A_298 = arith.cmpi slt, %sub3A_295, %lt3A_297 : vector<16xi32>
            %and3A_299 = arith.andi %and3A_283, %lt3A_298 : vector<16xi1>
            %ge3A_300 = arith.constant 128 : i32
            %ge3A_301 = vector.broadcast %ge3A_300 : i32 to vector<16xi32>
            %ge3A_302 = arith.cmpi sge, %sub3A_295, %ge3A_301 : vector<16xi32>
            %and3A_303 = arith.andi %and3A_283, %ge3A_302 : vector<16xi1>
            %broadcast_in_dim3A_304 = arith.constant 1.000000e+00 : f32
            %broadcast_in_dim3A_305 = vector.broadcast %broadcast_in_dim3A_304 : f32 to vector<16xf32>
            tpu.vector_store_idx %arg20[%sub3A_295], %get3A_269 masked %and3A_299 : memref<128xi32, #tpu.memory_space<vmem>>[vector<16xi32>], vector<16xi32>, vector<16xi1>
            tpu.vector_store_idx %arg21[%sub3A_295], %get3A_273 masked %and3A_299 : memref<128xi32, #tpu.memory_space<vmem>>[vector<16xi32>], vector<16xi32>, vector<16xi1>
            tpu.vector_store_idx %arg22[%sub3A_295], %broadcast_in_dim3A_305 masked %and3A_299 : memref<128xf32, #tpu.memory_space<vmem>>[vector<16xi32>], vector<16xf32>, vector<16xi1>
            %sub3A_306 = arith.constant 128 : i32
            %sub3A_307 = vector.broadcast %sub3A_306 : i32 to vector<16xi32>
            %sub3A_308 = arith.subi %sub3A_295, %sub3A_307 : vector<16xi32>
            tpu.vector_store_idx %arg23[%sub3A_308], %get3A_269 masked %and3A_303 : memref<16xi32, #tpu.memory_space<vmem>>[vector<16xi32>], vector<16xi32>, vector<16xi1>
            %sub3A_309 = arith.constant 128 : i32
            %sub3A_310 = vector.broadcast %sub3A_309 : i32 to vector<16xi32>
            %sub3A_311 = arith.subi %sub3A_295, %sub3A_310 : vector<16xi32>
            tpu.vector_store_idx %arg24[%sub3A_311], %get3A_273 masked %and3A_303 : memref<16xi32, #tpu.memory_space<vmem>>[vector<16xi32>], vector<16xi32>, vector<16xi1>
            %sub3A_312 = arith.constant 128 : i32
            %sub3A_313 = vector.broadcast %sub3A_312 : i32 to vector<16xi32>
            %sub3A_314 = arith.subi %sub3A_295, %sub3A_313 : vector<16xi32>
            tpu.vector_store_idx %arg25[%sub3A_314], %broadcast_in_dim3A_305 masked %and3A_303 : memref<16xf32, #tpu.memory_space<vmem>>[vector<16xi32>], vector<16xf32>, vector<16xi1>
            %add3A_315 = arith.addi %scan3A_259, %reduce_sum3A_287 : i32
            %ge3A_316 = arith.constant 128 : i32
            %ge3A_317 = arith.cmpi sge, %add3A_315, %ge3A_316 : i32
            %convert_element_type3A_318 = arith.extui %ge3A_317 : i1 to i32
            %cond3A_319 = arith.constant 0 : i32
            %cond3A_320 = arith.cmpi ne, %convert_element_type3A_318, %cond3A_319 : i32
            %cond3A_321 = scf.if %cond3A_320 -> (i32) {
              %sub3A_322 = arith.constant 128 : i32
              %sub3A_323 = arith.subi %add3A_315, %sub3A_322 : i32
              %dma_start3A_324 = arith.constant 0 : i32
              %dma_start3A_325 = arith.constant 0 : i32
              %dma_start3A_326 = tpu.memref_slice %arg2[%dma_start3A_324, %dma_start3A_325] : memref<50000x128xf32, #tpu.memory_space<hbm>> -> memref<50000x128xf32, #tpu.memory_space<hbm>>
              tpu.enqueue_indirect_dma source(%dma_start3A_326 : memref<50000x128xf32, #tpu.memory_space<hbm>>) target(%arg26 : memref<128x128xf32, #tpu.memory_space<vmem>>) offsets(%arg20 : memref<128xi32, #tpu.memory_space<vmem>>) semaphore(%arg31 : memref<!tpu.dma_semaphore, #tpu.memory_space<semaphore_mem>>)
              %dma_start3A_327 = arith.constant 0 : i32
              %dma_start3A_328 = arith.constant 0 : i32
              %dma_start3A_329 = tpu.memref_slice %arg4[%dma_start3A_327, %dma_start3A_328] : memref<50000x16xf32, #tpu.memory_space<hbm>> -> memref<50000x16xf32, #tpu.memory_space<hbm>>
              tpu.enqueue_indirect_dma source(%dma_start3A_329 : memref<50000x16xf32, #tpu.memory_space<hbm>>) target(%arg27 : memref<128x16xf32, #tpu.memory_space<vmem>>) offsets(%arg20 : memref<128xi32, #tpu.memory_space<vmem>>) semaphore(%arg32 : memref<!tpu.dma_semaphore, #tpu.memory_space<semaphore_mem>>)
              %dma_start3A_330 = arith.constant 0 : i32
              %dma_start3A_331 = arith.constant 0 : i32
              %dma_start3A_332 = tpu.memref_slice %arg4[%dma_start3A_330, %dma_start3A_331] : memref<50000x16xf32, #tpu.memory_space<hbm>> -> memref<50000x16xf32, #tpu.memory_space<hbm>>
              tpu.enqueue_indirect_dma source(%dma_start3A_332 : memref<50000x16xf32, #tpu.memory_space<hbm>>) target(%arg28 : memref<128x16xf32, #tpu.memory_space<vmem>>) offsets(%arg21 : memref<128xi32, #tpu.memory_space<vmem>>) semaphore(%arg33 : memref<!tpu.dma_semaphore, #tpu.memory_space<semaphore_mem>>)
              %dma_wait3A_333 = arith.constant 0 : i32
              %dma_wait3A_334 = arith.constant 0 : i32
              %dma_wait3A_335 = tpu.memref_slice %arg4[%dma_wait3A_333, %dma_wait3A_334] : memref<50000x16xf32, #tpu.memory_space<hbm>> -> memref<50000x16xf32, #tpu.memory_space<hbm>>
              tpu.wait_indirect_dma semaphore(%arg32 : memref<!tpu.dma_semaphore, #tpu.memory_space<semaphore_mem>>) src(%dma_wait3A_335 : memref<50000x16xf32, #tpu.memory_space<hbm>>) dst(%arg27 : memref<128x16xf32, #tpu.memory_space<vmem>>)
              %dma_wait3A_336 = arith.constant 0 : i32
              %dma_wait3A_337 = arith.constant 0 : i32
              %dma_wait3A_338 = tpu.memref_slice %arg4[%dma_wait3A_336, %dma_wait3A_337] : memref<50000x16xf32, #tpu.memory_space<hbm>> -> memref<50000x16xf32, #tpu.memory_space<hbm>>
              tpu.wait_indirect_dma semaphore(%arg33 : memref<!tpu.dma_semaphore, #tpu.memory_space<semaphore_mem>>) src(%dma_wait3A_338 : memref<50000x16xf32, #tpu.memory_space<hbm>>) dst(%arg28 : memref<128x16xf32, #tpu.memory_space<vmem>>)
              %scan3A_339 = arith.constant 0 : i32
              %scan3A_340 = arith.constant 0 : i32
              %scan3A_341 = arith.constant 8 : i32
              %scan3A_342 = arith.addi %scan3A_340, %scan3A_341 : i32
              %scan3A_343 = arith.constant 1 : i32
              scf.for %scan3A_414 = %scan3A_340 to %scan3A_342 step %scan3A_343  : i32 {
                %mul3A_415 = arith.constant 16 : i32
                %mul3A_416 = arith.muli %scan3A_414, %mul3A_415 : i32
                %add3A_417 = vector.broadcast %mul3A_416 : i32 to vector<16xi32>
                %add3A_418 = arith.addi %add3A_417, %iota3A : vector<16xi32>
                %mul3A_419 = arith.constant 16 : i32
                %mul3A_420 = arith.muli %scan3A_414, %mul3A_419 : i32
                %get3A_421 = arith.index_cast %mul3A_420 : i32 to index
                %get3A_422 = tpu.vector_load %arg22[%get3A_421] {strides = array<i32>} : memref<128xf32, #tpu.memory_space<vmem>>, vector<16xf32>,
                %broadcast_in_dim3A_423 = arith.constant 0 : i32
                %broadcast_in_dim3A_424 = vector.broadcast %broadcast_in_dim3A_423 : i32 to vector<16xi32>
                %gather3A = tpu.vector_load_idx %arg27[%add3A_418, %broadcast_in_dim3A_424] : memref<128x16xf32, #tpu.memory_space<vmem>>[vector<16xi32>, vector<16xi32>], vector<16xf32>,
                %add3A_425 = arith.constant 8 : i32
                %add3A_426 = vector.broadcast %add3A_425 : i32 to vector<16xi32>
                %add3A_427 = arith.addi %broadcast_in_dim3A_424, %add3A_426 : vector<16xi32>
                %gather3A_428 = tpu.vector_load_idx %arg28[%add3A_418, %add3A_427] : memref<128x16xf32, #tpu.memory_space<vmem>>[vector<16xi32>, vector<16xi32>], vector<16xf32>,
                %add3A_429 = arith.addf %gather3A, %gather3A_428 : vector<16xf32>
                %ge3A_430 = arith.constant 0.000000e+00 : f32
                %ge3A_431 = vector.broadcast %ge3A_430 : f32 to vector<16xf32>
                %ge3A_432 = arith.cmpf oge, %add3A_429, %ge3A_431 : vector<16xf32>
                %mul3A_433 = arith.constant 2.000000e-01 : f32
                %mul3A_434 = vector.broadcast %mul3A_433 : f32 to vector<16xf32>
                %mul3A_435 = arith.mulf %mul3A_434, %add3A_429 : vector<16xf32>
                %select_n3A_436 = arith.select %ge3A_432, %add3A_429, %mul3A_435 : vector<16xi1>, vector<16xf32>
                %exp3A = math.exp %select_n3A_436 : vector<16xf32>
                %mul3A_437 = arith.mulf %exp3A, %get3A_422 : vector<16xf32>
                tpu.vector_store_idx %arg29[%add3A_418, %broadcast_in_dim3A_424], %mul3A_437 : memref<128x8xf32, #tpu.memory_space<vmem>>[vector<16xi32>, vector<16xi32>], vector<16xf32>,
                tpu.vector_store_idx %arg28[%add3A_418, %broadcast_in_dim3A_424], %mul3A_437 : memref<128x16xf32, #tpu.memory_space<vmem>>[vector<16xi32>, vector<16xi32>], vector<16xf32>,
                %broadcast_in_dim3A_438 = arith.constant 1 : i32
                %broadcast_in_dim3A_439 = vector.broadcast %broadcast_in_dim3A_438 : i32 to vector<16xi32>
                %gather3A_440 = tpu.vector_load_idx %arg27[%add3A_418, %broadcast_in_dim3A_439] : memref<128x16xf32, #tpu.memory_space<vmem>>[vector<16xi32>, vector<16xi32>], vector<16xf32>,
                %add3A_441 = arith.constant 8 : i32
                %add3A_442 = vector.broadcast %add3A_441 : i32 to vector<16xi32>
                %add3A_443 = arith.addi %broadcast_in_dim3A_439, %add3A_442 : vector<16xi32>
                %gather3A_444 = tpu.vector_load_idx %arg28[%add3A_418, %add3A_443] : memref<128x16xf32, #tpu.memory_space<vmem>>[vector<16xi32>, vector<16xi32>], vector<16xf32>,
                %add3A_445 = arith.addf %gather3A_440, %gather3A_444 : vector<16xf32>
                %ge3A_446 = arith.constant 0.000000e+00 : f32
                %ge3A_447 = vector.broadcast %ge3A_446 : f32 to vector<16xf32>
                %ge3A_448 = arith.cmpf oge, %add3A_445, %ge3A_447 : vector<16xf32>
                %mul3A_449 = arith.constant 2.000000e-01 : f32
                %mul3A_450 = vector.broadcast %mul3A_449 : f32 to vector<16xf32>
                %mul3A_451 = arith.mulf %mul3A_450, %add3A_445 : vector<16xf32>
                %select_n3A_452 = arith.select %ge3A_448, %add3A_445, %mul3A_451 : vector<16xi1>, vector<16xf32>
                %exp3A_453 = math.exp %select_n3A_452 : vector<16xf32>
                %mul3A_454 = arith.mulf %exp3A_453, %get3A_422 : vector<16xf32>
                tpu.vector_store_idx %arg29[%add3A_418, %broadcast_in_dim3A_439], %mul3A_454 : memref<128x8xf32, #tpu.memory_space<vmem>>[vector<16xi32>, vector<16xi32>], vector<16xf32>,
                tpu.vector_store_idx %arg28[%add3A_418, %broadcast_in_dim3A_439], %mul3A_454 : memref<128x16xf32, #tpu.memory_space<vmem>>[vector<16xi32>, vector<16xi32>], vector<16xf32>,
                %broadcast_in_dim3A_455 = arith.constant 2 : i32
                %broadcast_in_dim3A_456 = vector.broadcast %broadcast_in_dim3A_455 : i32 to vector<16xi32>
                %gather3A_457 = tpu.vector_load_idx %arg27[%add3A_418, %broadcast_in_dim3A_456] : memref<128x16xf32, #tpu.memory_space<vmem>>[vector<16xi32>, vector<16xi32>], vector<16xf32>,
                %add3A_458 = arith.constant 8 : i32
                %add3A_459 = vector.broadcast %add3A_458 : i32 to vector<16xi32>
                %add3A_460 = arith.addi %broadcast_in_dim3A_456, %add3A_459 : vector<16xi32>
                %gather3A_461 = tpu.vector_load_idx %arg28[%add3A_418, %add3A_460] : memref<128x16xf32, #tpu.memory_space<vmem>>[vector<16xi32>, vector<16xi32>], vector<16xf32>,
                %add3A_462 = arith.addf %gather3A_457, %gather3A_461 : vector<16xf32>
                %ge3A_463 = arith.constant 0.000000e+00 : f32
                %ge3A_464 = vector.broadcast %ge3A_463 : f32 to vector<16xf32>
                %ge3A_465 = arith.cmpf oge, %add3A_462, %ge3A_464 : vector<16xf32>
                %mul3A_466 = arith.constant 2.000000e-01 : f32
                %mul3A_467 = vector.broadcast %mul3A_466 : f32 to vector<16xf32>
                %mul3A_468 = arith.mulf %mul3A_467, %add3A_462 : vector<16xf32>
                %select_n3A_469 = arith.select %ge3A_465, %add3A_462, %mul3A_468 : vector<16xi1>, vector<16xf32>
                %exp3A_470 = math.exp %select_n3A_469 : vector<16xf32>
                %mul3A_471 = arith.mulf %exp3A_470, %get3A_422 : vector<16xf32>
                tpu.vector_store_idx %arg29[%add3A_418, %broadcast_in_dim3A_456], %mul3A_471 : memref<128x8xf32, #tpu.memory_space<vmem>>[vector<16xi32>, vector<16xi32>], vector<16xf32>,
                tpu.vector_store_idx %arg28[%add3A_418, %broadcast_in_dim3A_456], %mul3A_471 : memref<128x16xf32, #tpu.memory_space<vmem>>[vector<16xi32>, vector<16xi32>], vector<16xf32>,
                %broadcast_in_dim3A_472 = arith.constant 3 : i32
                %broadcast_in_dim3A_473 = vector.broadcast %broadcast_in_dim3A_472 : i32 to vector<16xi32>
                %gather3A_474 = tpu.vector_load_idx %arg27[%add3A_418, %broadcast_in_dim3A_473] : memref<128x16xf32, #tpu.memory_space<vmem>>[vector<16xi32>, vector<16xi32>], vector<16xf32>,
                %add3A_475 = arith.constant 8 : i32
                %add3A_476 = vector.broadcast %add3A_475 : i32 to vector<16xi32>
                %add3A_477 = arith.addi %broadcast_in_dim3A_473, %add3A_476 : vector<16xi32>
                %gather3A_478 = tpu.vector_load_idx %arg28[%add3A_418, %add3A_477] : memref<128x16xf32, #tpu.memory_space<vmem>>[vector<16xi32>, vector<16xi32>], vector<16xf32>,
                %add3A_479 = arith.addf %gather3A_474, %gather3A_478 : vector<16xf32>
                %ge3A_480 = arith.constant 0.000000e+00 : f32
                %ge3A_481 = vector.broadcast %ge3A_480 : f32 to vector<16xf32>
                %ge3A_482 = arith.cmpf oge, %add3A_479, %ge3A_481 : vector<16xf32>
                %mul3A_483 = arith.constant 2.000000e-01 : f32
                %mul3A_484 = vector.broadcast %mul3A_483 : f32 to vector<16xf32>
                %mul3A_485 = arith.mulf %mul3A_484, %add3A_479 : vector<16xf32>
                %select_n3A_486 = arith.select %ge3A_482, %add3A_479, %mul3A_485 : vector<16xi1>, vector<16xf32>
                %exp3A_487 = math.exp %select_n3A_486 : vector<16xf32>
                %mul3A_488 = arith.mulf %exp3A_487, %get3A_422 : vector<16xf32>
                tpu.vector_store_idx %arg29[%add3A_418, %broadcast_in_dim3A_473], %mul3A_488 : memref<128x8xf32, #tpu.memory_space<vmem>>[vector<16xi32>, vector<16xi32>], vector<16xf32>,
                tpu.vector_store_idx %arg28[%add3A_418, %broadcast_in_dim3A_473], %mul3A_488 : memref<128x16xf32, #tpu.memory_space<vmem>>[vector<16xi32>, vector<16xi32>], vector<16xf32>,
                %broadcast_in_dim3A_489 = arith.constant 4 : i32
                %broadcast_in_dim3A_490 = vector.broadcast %broadcast_in_dim3A_489 : i32 to vector<16xi32>
                %gather3A_491 = tpu.vector_load_idx %arg27[%add3A_418, %broadcast_in_dim3A_490] : memref<128x16xf32, #tpu.memory_space<vmem>>[vector<16xi32>, vector<16xi32>], vector<16xf32>,
                %add3A_492 = arith.constant 8 : i32
                %add3A_493 = vector.broadcast %add3A_492 : i32 to vector<16xi32>
                %add3A_494 = arith.addi %broadcast_in_dim3A_490, %add3A_493 : vector<16xi32>
                %gather3A_495 = tpu.vector_load_idx %arg28[%add3A_418, %add3A_494] : memref<128x16xf32, #tpu.memory_space<vmem>>[vector<16xi32>, vector<16xi32>], vector<16xf32>,
                %add3A_496 = arith.addf %gather3A_491, %gather3A_495 : vector<16xf32>
                %ge3A_497 = arith.constant 0.000000e+00 : f32
                %ge3A_498 = vector.broadcast %ge3A_497 : f32 to vector<16xf32>
                %ge3A_499 = arith.cmpf oge, %add3A_496, %ge3A_498 : vector<16xf32>
                %mul3A_500 = arith.constant 2.000000e-01 : f32
                %mul3A_501 = vector.broadcast %mul3A_500 : f32 to vector<16xf32>
                %mul3A_502 = arith.mulf %mul3A_501, %add3A_496 : vector<16xf32>
                %select_n3A_503 = arith.select %ge3A_499, %add3A_496, %mul3A_502 : vector<16xi1>, vector<16xf32>
                %exp3A_504 = math.exp %select_n3A_503 : vector<16xf32>
                %mul3A_505 = arith.mulf %exp3A_504, %get3A_422 : vector<16xf32>
                tpu.vector_store_idx %arg29[%add3A_418, %broadcast_in_dim3A_490], %mul3A_505 : memref<128x8xf32, #tpu.memory_space<vmem>>[vector<16xi32>, vector<16xi32>], vector<16xf32>,
                tpu.vector_store_idx %arg28[%add3A_418, %broadcast_in_dim3A_490], %mul3A_505 : memref<128x16xf32, #tpu.memory_space<vmem>>[vector<16xi32>, vector<16xi32>], vector<16xf32>,
                %broadcast_in_dim3A_506 = arith.constant 5 : i32
                %broadcast_in_dim3A_507 = vector.broadcast %broadcast_in_dim3A_506 : i32 to vector<16xi32>
                %gather3A_508 = tpu.vector_load_idx %arg27[%add3A_418, %broadcast_in_dim3A_507] : memref<128x16xf32, #tpu.memory_space<vmem>>[vector<16xi32>, vector<16xi32>], vector<16xf32>,
                %add3A_509 = arith.constant 8 : i32
                %add3A_510 = vector.broadcast %add3A_509 : i32 to vector<16xi32>
                %add3A_511 = arith.addi %broadcast_in_dim3A_507, %add3A_510 : vector<16xi32>
                %gather3A_512 = tpu.vector_load_idx %arg28[%add3A_418, %add3A_511] : memref<128x16xf32, #tpu.memory_space<vmem>>[vector<16xi32>, vector<16xi32>], vector<16xf32>,
                %add3A_513 = arith.addf %gather3A_508, %gather3A_512 : vector<16xf32>
                %ge3A_514 = arith.constant 0.000000e+00 : f32
                %ge3A_515 = vector.broadcast %ge3A_514 : f32 to vector<16xf32>
                %ge3A_516 = arith.cmpf oge, %add3A_513, %ge3A_515 : vector<16xf32>
                %mul3A_517 = arith.constant 2.000000e-01 : f32
                %mul3A_518 = vector.broadcast %mul3A_517 : f32 to vector<16xf32>
                %mul3A_519 = arith.mulf %mul3A_518, %add3A_513 : vector<16xf32>
                %select_n3A_520 = arith.select %ge3A_516, %add3A_513, %mul3A_519 : vector<16xi1>, vector<16xf32>
                %exp3A_521 = math.exp %select_n3A_520 : vector<16xf32>
                %mul3A_522 = arith.mulf %exp3A_521, %get3A_422 : vector<16xf32>
                tpu.vector_store_idx %arg29[%add3A_418, %broadcast_in_dim3A_507], %mul3A_522 : memref<128x8xf32, #tpu.memory_space<vmem>>[vector<16xi32>, vector<16xi32>], vector<16xf32>,
                tpu.vector_store_idx %arg28[%add3A_418, %broadcast_in_dim3A_507], %mul3A_522 : memref<128x16xf32, #tpu.memory_space<vmem>>[vector<16xi32>, vector<16xi32>], vector<16xf32>,
                %broadcast_in_dim3A_523 = arith.constant 6 : i32
                %broadcast_in_dim3A_524 = vector.broadcast %broadcast_in_dim3A_523 : i32 to vector<16xi32>
                %gather3A_525 = tpu.vector_load_idx %arg27[%add3A_418, %broadcast_in_dim3A_524] : memref<128x16xf32, #tpu.memory_space<vmem>>[vector<16xi32>, vector<16xi32>], vector<16xf32>,
                %add3A_526 = arith.constant 8 : i32
                %add3A_527 = vector.broadcast %add3A_526 : i32 to vector<16xi32>
                %add3A_528 = arith.addi %broadcast_in_dim3A_524, %add3A_527 : vector<16xi32>
                %gather3A_529 = tpu.vector_load_idx %arg28[%add3A_418, %add3A_528] : memref<128x16xf32, #tpu.memory_space<vmem>>[vector<16xi32>, vector<16xi32>], vector<16xf32>,
                %add3A_530 = arith.addf %gather3A_525, %gather3A_529 : vector<16xf32>
                %ge3A_531 = arith.constant 0.000000e+00 : f32
                %ge3A_532 = vector.broadcast %ge3A_531 : f32 to vector<16xf32>
                %ge3A_533 = arith.cmpf oge, %add3A_530, %ge3A_532 : vector<16xf32>
                %mul3A_534 = arith.constant 2.000000e-01 : f32
                %mul3A_535 = vector.broadcast %mul3A_534 : f32 to vector<16xf32>
                %mul3A_536 = arith.mulf %mul3A_535, %add3A_530 : vector<16xf32>
                %select_n3A_537 = arith.select %ge3A_533, %add3A_530, %mul3A_536 : vector<16xi1>, vector<16xf32>
                %exp3A_538 = math.exp %select_n3A_537 : vector<16xf32>
                %mul3A_539 = arith.mulf %exp3A_538, %get3A_422 : vector<16xf32>
                tpu.vector_store_idx %arg29[%add3A_418, %broadcast_in_dim3A_524], %mul3A_539 : memref<128x8xf32, #tpu.memory_space<vmem>>[vector<16xi32>, vector<16xi32>], vector<16xf32>,
                tpu.vector_store_idx %arg28[%add3A_418, %broadcast_in_dim3A_524], %mul3A_539 : memref<128x16xf32, #tpu.memory_space<vmem>>[vector<16xi32>, vector<16xi32>], vector<16xf32>,
                %broadcast_in_dim3A_540 = arith.constant 7 : i32
                %broadcast_in_dim3A_541 = vector.broadcast %broadcast_in_dim3A_540 : i32 to vector<16xi32>
                %gather3A_542 = tpu.vector_load_idx %arg27[%add3A_418, %broadcast_in_dim3A_541] : memref<128x16xf32, #tpu.memory_space<vmem>>[vector<16xi32>, vector<16xi32>], vector<16xf32>,
                %add3A_543 = arith.constant 8 : i32
                %add3A_544 = vector.broadcast %add3A_543 : i32 to vector<16xi32>
                %add3A_545 = arith.addi %broadcast_in_dim3A_541, %add3A_544 : vector<16xi32>
                %gather3A_546 = tpu.vector_load_idx %arg28[%add3A_418, %add3A_545] : memref<128x16xf32, #tpu.memory_space<vmem>>[vector<16xi32>, vector<16xi32>], vector<16xf32>,
                %add3A_547 = arith.addf %gather3A_542, %gather3A_546 : vector<16xf32>
                %ge3A_548 = arith.constant 0.000000e+00 : f32
                %ge3A_549 = vector.broadcast %ge3A_548 : f32 to vector<16xf32>
                %ge3A_550 = arith.cmpf oge, %add3A_547, %ge3A_549 : vector<16xf32>
                %mul3A_551 = arith.constant 2.000000e-01 : f32
                %mul3A_552 = vector.broadcast %mul3A_551 : f32 to vector<16xf32>
                %mul3A_553 = arith.mulf %mul3A_552, %add3A_547 : vector<16xf32>
                %select_n3A_554 = arith.select %ge3A_550, %add3A_547, %mul3A_553 : vector<16xi1>, vector<16xf32>
                %exp3A_555 = math.exp %select_n3A_554 : vector<16xf32>
                %mul3A_556 = arith.mulf %exp3A_555, %get3A_422 : vector<16xf32>
                tpu.vector_store_idx %arg29[%add3A_418, %broadcast_in_dim3A_541], %mul3A_556 : memref<128x8xf32, #tpu.memory_space<vmem>>[vector<16xi32>, vector<16xi32>], vector<16xf32>,
                tpu.vector_store_idx %arg28[%add3A_418, %broadcast_in_dim3A_541], %mul3A_556 : memref<128x16xf32, #tpu.memory_space<vmem>>[vector<16xi32>, vector<16xi32>], vector<16xf32>,
              }
              %scan3A_344 = arith.constant 8 : i32
              "tpu.region"() ({
                %run_scoped3A = tpu.sem_alloc : memref<!tpu.dma_semaphore, #tpu.memory_space<semaphore_mem>>
                %dma_start3A_414 = arith.constant 0 : i32
                %dma_start3A_415 = arith.constant 0 : i32
                %dma_start3A_416 = tpu.memref_slice %arg16[%dma_start3A_414, %dma_start3A_415] : memref<51200x8xf32, #tpu.memory_space<vmem_shared>> -> memref<51200x8xf32, #tpu.memory_space<vmem_shared>>
                tpu.enqueue_indirect_dma source(%arg29 : memref<128x8xf32, #tpu.memory_space<vmem>>) target(%dma_start3A_416 : memref<51200x8xf32, #tpu.memory_space<vmem_shared>>) offsets(%arg21 : memref<128xi32, #tpu.memory_space<vmem>>) semaphore(%run_scoped3A : memref<!tpu.dma_semaphore, #tpu.memory_space<semaphore_mem>>) {add = true}
                %dma_wait3A_417 = arith.constant 0 : i32
                %dma_wait3A_418 = arith.constant 0 : i32
                %dma_wait3A_419 = tpu.memref_slice %arg16[%dma_wait3A_417, %dma_wait3A_418] : memref<51200x8xf32, #tpu.memory_space<vmem_shared>> -> memref<51200x8xf32, #tpu.memory_space<vmem_shared>>
                tpu.wait_indirect_dma semaphore(%run_scoped3A : memref<!tpu.dma_semaphore, #tpu.memory_space<semaphore_mem>>) src(%arg29 : memref<128x8xf32, #tpu.memory_space<vmem>>) dst(%dma_wait3A_419 : memref<51200x8xf32, #tpu.memory_space<vmem_shared>>)
                tpu.yield
              }) : () -> ()
              %get3A_345 = arith.constant 0 : index
              %get3A_346 = tpu.vector_load %arg21[%get3A_345] {strides = array<i32>} : memref<128xi32, #tpu.memory_space<vmem>>, vector<16xi32>,
              %sub3A_347 = vector.broadcast %mul3A_40 : i32 to vector<16xi32>
              %sub3A_348 = arith.subi %get3A_346, %sub3A_347 : vector<16xi32>
              %swap3A_349 = arith.constant 0 : index
              %swap3A_350 = tpu.vector_load %arg30[%swap3A_349] {strides = array<i32>} : memref<128xi32, #tpu.memory_space<vmem>>, vector<16xi32>,
              tpu.vector_store %arg30[%swap3A_349], %sub3A_348 {strides = array<i32>} : memref<128xi32, #tpu.memory_space<vmem>>, vector<16xi32>,
              %get3A_351 = arith.constant 16 : index
              %get3A_352 = tpu.vector_load %arg21[%get3A_351] {strides = array<i32>} : memref<128xi32, #tpu.memory_space<vmem>>, vector<16xi32>,
              %sub3A_353 = vector.broadcast %mul3A_40 : i32 to vector<16xi32>
              %sub3A_354 = arith.subi %get3A_352, %sub3A_353 : vector<16xi32>
              %swap3A_355 = arith.constant 16 : index
              %swap3A_356 = tpu.vector_load %arg30[%swap3A_355] {strides = array<i32>} : memref<128xi32, #tpu.memory_space<vmem>>, vector<16xi32>,
              tpu.vector_store %arg30[%swap3A_355], %sub3A_354 {strides = array<i32>} : memref<128xi32, #tpu.memory_space<vmem>>, vector<16xi32>,
              %get3A_357 = arith.constant 32 : index
              %get3A_358 = tpu.vector_load %arg21[%get3A_357] {strides = array<i32>} : memref<128xi32, #tpu.memory_space<vmem>>, vector<16xi32>,
              %sub3A_359 = vector.broadcast %mul3A_40 : i32 to vector<16xi32>
              %sub3A_360 = arith.subi %get3A_358, %sub3A_359 : vector<16xi32>
              %swap3A_361 = arith.constant 32 : index
              %swap3A_362 = tpu.vector_load %arg30[%swap3A_361] {strides = array<i32>} : memref<128xi32, #tpu.memory_space<vmem>>, vector<16xi32>,
              tpu.vector_store %arg30[%swap3A_361], %sub3A_360 {strides = array<i32>} : memref<128xi32, #tpu.memory_space<vmem>>, vector<16xi32>,
              %get3A_363 = arith.constant 48 : index
              %get3A_364 = tpu.vector_load %arg21[%get3A_363] {strides = array<i32>} : memref<128xi32, #tpu.memory_space<vmem>>, vector<16xi32>,
              %sub3A_365 = vector.broadcast %mul3A_40 : i32 to vector<16xi32>
              %sub3A_366 = arith.subi %get3A_364, %sub3A_365 : vector<16xi32>
              %swap3A_367 = arith.constant 48 : index
              %swap3A_368 = tpu.vector_load %arg30[%swap3A_367] {strides = array<i32>} : memref<128xi32, #tpu.memory_space<vmem>>, vector<16xi32>,
              tpu.vector_store %arg30[%swap3A_367], %sub3A_366 {strides = array<i32>} : memref<128xi32, #tpu.memory_space<vmem>>, vector<16xi32>,
              %get3A_369 = arith.constant 64 : index
              %get3A_370 = tpu.vector_load %arg21[%get3A_369] {strides = array<i32>} : memref<128xi32, #tpu.memory_space<vmem>>, vector<16xi32>,
              %sub3A_371 = vector.broadcast %mul3A_40 : i32 to vector<16xi32>
              %sub3A_372 = arith.subi %get3A_370, %sub3A_371 : vector<16xi32>
              %swap3A_373 = arith.constant 64 : index
              %swap3A_374 = tpu.vector_load %arg30[%swap3A_373] {strides = array<i32>} : memref<128xi32, #tpu.memory_space<vmem>>, vector<16xi32>,
              tpu.vector_store %arg30[%swap3A_373], %sub3A_372 {strides = array<i32>} : memref<128xi32, #tpu.memory_space<vmem>>, vector<16xi32>,
              %get3A_375 = arith.constant 80 : index
              %get3A_376 = tpu.vector_load %arg21[%get3A_375] {strides = array<i32>} : memref<128xi32, #tpu.memory_space<vmem>>, vector<16xi32>,
              %sub3A_377 = vector.broadcast %mul3A_40 : i32 to vector<16xi32>
              %sub3A_378 = arith.subi %get3A_376, %sub3A_377 : vector<16xi32>
              %swap3A_379 = arith.constant 80 : index
              %swap3A_380 = tpu.vector_load %arg30[%swap3A_379] {strides = array<i32>} : memref<128xi32, #tpu.memory_space<vmem>>, vector<16xi32>,
              tpu.vector_store %arg30[%swap3A_379], %sub3A_378 {strides = array<i32>} : memref<128xi32, #tpu.memory_space<vmem>>, vector<16xi32>,
              %get3A_381 = arith.constant 96 : index
              %get3A_382 = tpu.vector_load %arg21[%get3A_381] {strides = array<i32>} : memref<128xi32, #tpu.memory_space<vmem>>, vector<16xi32>,
              %sub3A_383 = vector.broadcast %mul3A_40 : i32 to vector<16xi32>
              %sub3A_384 = arith.subi %get3A_382, %sub3A_383 : vector<16xi32>
              %swap3A_385 = arith.constant 96 : index
              %swap3A_386 = tpu.vector_load %arg30[%swap3A_385] {strides = array<i32>} : memref<128xi32, #tpu.memory_space<vmem>>, vector<16xi32>,
              tpu.vector_store %arg30[%swap3A_385], %sub3A_384 {strides = array<i32>} : memref<128xi32, #tpu.memory_space<vmem>>, vector<16xi32>,
              %get3A_387 = arith.constant 112 : index
              %get3A_388 = tpu.vector_load %arg21[%get3A_387] {strides = array<i32>} : memref<128xi32, #tpu.memory_space<vmem>>, vector<16xi32>,
              %sub3A_389 = vector.broadcast %mul3A_40 : i32 to vector<16xi32>
              %sub3A_390 = arith.subi %get3A_388, %sub3A_389 : vector<16xi32>
              %swap3A_391 = arith.constant 112 : index
              %swap3A_392 = tpu.vector_load %arg30[%swap3A_391] {strides = array<i32>} : memref<128xi32, #tpu.memory_space<vmem>>, vector<16xi32>,
              tpu.vector_store %arg30[%swap3A_391], %sub3A_390 {strides = array<i32>} : memref<128xi32, #tpu.memory_space<vmem>>, vector<16xi32>,
              %dma_wait3A_393 = arith.constant 0 : i32
              %dma_wait3A_394 = arith.constant 0 : i32
              %dma_wait3A_395 = tpu.memref_slice %arg2[%dma_wait3A_393, %dma_wait3A_394] : memref<50000x128xf32, #tpu.memory_space<hbm>> -> memref<50000x128xf32, #tpu.memory_space<hbm>>
              tpu.wait_indirect_dma semaphore(%arg31 : memref<!tpu.dma_semaphore, #tpu.memory_space<semaphore_mem>>) src(%dma_wait3A_395 : memref<50000x128xf32, #tpu.memory_space<hbm>>) dst(%arg26 : memref<128x128xf32, #tpu.memory_space<vmem>>)
              %scan3A_396 = arith.constant 0 : i32
              %scan3A_397 = arith.constant 0 : i32
              %scan3A_398 = arith.constant 128 : i32
              %scan3A_399 = arith.addi %scan3A_397, %scan3A_398 : i32
              %scan3A_400 = arith.constant 1 : i32
              scf.for %scan3A_414 = %scan3A_397 to %scan3A_399 step %scan3A_400  : i32 {
                %get3A_415 = arith.index_cast %scan3A_414 : i32 to index
                %get3A_416 = arith.constant 0 : index
                %get3A_417 = tpu.vector_load %arg28[%get3A_415, %get3A_416] {strides = array<i32>} : memref<128x16xf32, #tpu.memory_space<vmem>>, vector<16xf32>,
                %broadcast_in_dim3A_418 = arith.constant 0 : i32
                %broadcast_in_dim3A_419 = vector.broadcast %broadcast_in_dim3A_418 : i32 to vector<16x1xi32>
                %gather3A = vector.shape_cast %broadcast_in_dim3A_419 : vector<16x1xi32> to vector<16xi32>
                %gather3A_420 = tpu.dynamic_gather %get3A_417[%gather3A] in [0] : vector<16xf32>, vector<16xi32> -> vector<16xf32>
                %get3A_421 = arith.index_cast %scan3A_414 : i32 to index
                %get3A_422 = arith.constant 0 : index
                %get3A_423 = tpu.vector_load %arg26[%get3A_421, %get3A_422] {strides = array<i32>} : memref<128x128xf32, #tpu.memory_space<vmem>>, vector<16xf32>,
                %mul3A_424 = arith.mulf %get3A_423, %gather3A_420 : vector<16xf32>
                %swap3A_425 = arith.index_cast %scan3A_414 : i32 to index
                %swap3A_426 = arith.constant 0 : index
                %swap3A_427 = tpu.vector_load %arg26[%swap3A_425, %swap3A_426] {strides = array<i32>} : memref<128x128xf32, #tpu.memory_space<vmem>>, vector<16xf32>,
                tpu.vector_store %arg26[%swap3A_425, %swap3A_426], %mul3A_424 {strides = array<i32>} : memref<128x128xf32, #tpu.memory_space<vmem>>, vector<16xf32>,
                %broadcast_in_dim3A_428 = arith.constant 1 : i32
                %broadcast_in_dim3A_429 = vector.broadcast %broadcast_in_dim3A_428 : i32 to vector<16x1xi32>
                %gather3A_430 = vector.shape_cast %broadcast_in_dim3A_429 : vector<16x1xi32> to vector<16xi32>
                %gather3A_431 = tpu.dynamic_gather %get3A_417[%gather3A_430] in [0] : vector<16xf32>, vector<16xi32> -> vector<16xf32>
                %get3A_432 = arith.index_cast %scan3A_414 : i32 to index
                %get3A_433 = arith.constant 16 : index
                %get3A_434 = tpu.vector_load %arg26[%get3A_432, %get3A_433] {strides = array<i32>} : memref<128x128xf32, #tpu.memory_space<vmem>>, vector<16xf32>,
                %mul3A_435 = arith.mulf %get3A_434, %gather3A_431 : vector<16xf32>
                %swap3A_436 = arith.index_cast %scan3A_414 : i32 to index
                %swap3A_437 = arith.constant 16 : index
                %swap3A_438 = tpu.vector_load %arg26[%swap3A_436, %swap3A_437] {strides = array<i32>} : memref<128x128xf32, #tpu.memory_space<vmem>>, vector<16xf32>,
                tpu.vector_store %arg26[%swap3A_436, %swap3A_437], %mul3A_435 {strides = array<i32>} : memref<128x128xf32, #tpu.memory_space<vmem>>, vector<16xf32>,
                %broadcast_in_dim3A_439 = arith.constant 2 : i32
                %broadcast_in_dim3A_440 = vector.broadcast %broadcast_in_dim3A_439 : i32 to vector<16x1xi32>
                %gather3A_441 = vector.shape_cast %broadcast_in_dim3A_440 : vector<16x1xi32> to vector<16xi32>
                %gather3A_442 = tpu.dynamic_gather %get3A_417[%gather3A_441] in [0] : vector<16xf32>, vector<16xi32> -> vector<16xf32>
                %get3A_443 = arith.index_cast %scan3A_414 : i32 to index
                %get3A_444 = arith.constant 32 : index
                %get3A_445 = tpu.vector_load %arg26[%get3A_443, %get3A_444] {strides = array<i32>} : memref<128x128xf32, #tpu.memory_space<vmem>>, vector<16xf32>,
                %mul3A_446 = arith.mulf %get3A_445, %gather3A_442 : vector<16xf32>
                %swap3A_447 = arith.index_cast %scan3A_414 : i32 to index
                %swap3A_448 = arith.constant 32 : index
                %swap3A_449 = tpu.vector_load %arg26[%swap3A_447, %swap3A_448] {strides = array<i32>} : memref<128x128xf32, #tpu.memory_space<vmem>>, vector<16xf32>,
                tpu.vector_store %arg26[%swap3A_447, %swap3A_448], %mul3A_446 {strides = array<i32>} : memref<128x128xf32, #tpu.memory_space<vmem>>, vector<16xf32>,
                %broadcast_in_dim3A_450 = arith.constant 3 : i32
                %broadcast_in_dim3A_451 = vector.broadcast %broadcast_in_dim3A_450 : i32 to vector<16x1xi32>
                %gather3A_452 = vector.shape_cast %broadcast_in_dim3A_451 : vector<16x1xi32> to vector<16xi32>
                %gather3A_453 = tpu.dynamic_gather %get3A_417[%gather3A_452] in [0] : vector<16xf32>, vector<16xi32> -> vector<16xf32>
                %get3A_454 = arith.index_cast %scan3A_414 : i32 to index
                %get3A_455 = arith.constant 48 : index
                %get3A_456 = tpu.vector_load %arg26[%get3A_454, %get3A_455] {strides = array<i32>} : memref<128x128xf32, #tpu.memory_space<vmem>>, vector<16xf32>,
                %mul3A_457 = arith.mulf %get3A_456, %gather3A_453 : vector<16xf32>
                %swap3A_458 = arith.index_cast %scan3A_414 : i32 to index
                %swap3A_459 = arith.constant 48 : index
                %swap3A_460 = tpu.vector_load %arg26[%swap3A_458, %swap3A_459] {strides = array<i32>} : memref<128x128xf32, #tpu.memory_space<vmem>>, vector<16xf32>,
                tpu.vector_store %arg26[%swap3A_458, %swap3A_459], %mul3A_457 {strides = array<i32>} : memref<128x128xf32, #tpu.memory_space<vmem>>, vector<16xf32>,
                %broadcast_in_dim3A_461 = arith.constant 4 : i32
                %broadcast_in_dim3A_462 = vector.broadcast %broadcast_in_dim3A_461 : i32 to vector<16x1xi32>
                %gather3A_463 = vector.shape_cast %broadcast_in_dim3A_462 : vector<16x1xi32> to vector<16xi32>
                %gather3A_464 = tpu.dynamic_gather %get3A_417[%gather3A_463] in [0] : vector<16xf32>, vector<16xi32> -> vector<16xf32>
                %get3A_465 = arith.index_cast %scan3A_414 : i32 to index
                %get3A_466 = arith.constant 64 : index
                %get3A_467 = tpu.vector_load %arg26[%get3A_465, %get3A_466] {strides = array<i32>} : memref<128x128xf32, #tpu.memory_space<vmem>>, vector<16xf32>,
                %mul3A_468 = arith.mulf %get3A_467, %gather3A_464 : vector<16xf32>
                %swap3A_469 = arith.index_cast %scan3A_414 : i32 to index
                %swap3A_470 = arith.constant 64 : index
                %swap3A_471 = tpu.vector_load %arg26[%swap3A_469, %swap3A_470] {strides = array<i32>} : memref<128x128xf32, #tpu.memory_space<vmem>>, vector<16xf32>,
                tpu.vector_store %arg26[%swap3A_469, %swap3A_470], %mul3A_468 {strides = array<i32>} : memref<128x128xf32, #tpu.memory_space<vmem>>, vector<16xf32>,
                %broadcast_in_dim3A_472 = arith.constant 5 : i32
                %broadcast_in_dim3A_473 = vector.broadcast %broadcast_in_dim3A_472 : i32 to vector<16x1xi32>
                %gather3A_474 = vector.shape_cast %broadcast_in_dim3A_473 : vector<16x1xi32> to vector<16xi32>
                %gather3A_475 = tpu.dynamic_gather %get3A_417[%gather3A_474] in [0] : vector<16xf32>, vector<16xi32> -> vector<16xf32>
                %get3A_476 = arith.index_cast %scan3A_414 : i32 to index
                %get3A_477 = arith.constant 80 : index
                %get3A_478 = tpu.vector_load %arg26[%get3A_476, %get3A_477] {strides = array<i32>} : memref<128x128xf32, #tpu.memory_space<vmem>>, vector<16xf32>,
                %mul3A_479 = arith.mulf %get3A_478, %gather3A_475 : vector<16xf32>
                %swap3A_480 = arith.index_cast %scan3A_414 : i32 to index
                %swap3A_481 = arith.constant 80 : index
                %swap3A_482 = tpu.vector_load %arg26[%swap3A_480, %swap3A_481] {strides = array<i32>} : memref<128x128xf32, #tpu.memory_space<vmem>>, vector<16xf32>,
                tpu.vector_store %arg26[%swap3A_480, %swap3A_481], %mul3A_479 {strides = array<i32>} : memref<128x128xf32, #tpu.memory_space<vmem>>, vector<16xf32>,
                %broadcast_in_dim3A_483 = arith.constant 6 : i32
                %broadcast_in_dim3A_484 = vector.broadcast %broadcast_in_dim3A_483 : i32 to vector<16x1xi32>
                %gather3A_485 = vector.shape_cast %broadcast_in_dim3A_484 : vector<16x1xi32> to vector<16xi32>
                %gather3A_486 = tpu.dynamic_gather %get3A_417[%gather3A_485] in [0] : vector<16xf32>, vector<16xi32> -> vector<16xf32>
                %get3A_487 = arith.index_cast %scan3A_414 : i32 to index
                %get3A_488 = arith.constant 96 : index
                %get3A_489 = tpu.vector_load %arg26[%get3A_487, %get3A_488] {strides = array<i32>} : memref<128x128xf32, #tpu.memory_space<vmem>>, vector<16xf32>,
                %mul3A_490 = arith.mulf %get3A_489, %gather3A_486 : vector<16xf32>
                %swap3A_491 = arith.index_cast %scan3A_414 : i32 to index
                %swap3A_492 = arith.constant 96 : index
                %swap3A_493 = tpu.vector_load %arg26[%swap3A_491, %swap3A_492] {strides = array<i32>} : memref<128x128xf32, #tpu.memory_space<vmem>>, vector<16xf32>,
                tpu.vector_store %arg26[%swap3A_491, %swap3A_492], %mul3A_490 {strides = array<i32>} : memref<128x128xf32, #tpu.memory_space<vmem>>, vector<16xf32>,
                %broadcast_in_dim3A_494 = arith.constant 7 : i32
                %broadcast_in_dim3A_495 = vector.broadcast %broadcast_in_dim3A_494 : i32 to vector<16x1xi32>
                %gather3A_496 = vector.shape_cast %broadcast_in_dim3A_495 : vector<16x1xi32> to vector<16xi32>
                %gather3A_497 = tpu.dynamic_gather %get3A_417[%gather3A_496] in [0] : vector<16xf32>, vector<16xi32> -> vector<16xf32>
                %get3A_498 = arith.index_cast %scan3A_414 : i32 to index
                %get3A_499 = arith.constant 112 : index
                %get3A_500 = tpu.vector_load %arg26[%get3A_498, %get3A_499] {strides = array<i32>} : memref<128x128xf32, #tpu.memory_space<vmem>>, vector<16xf32>,
                %mul3A_501 = arith.mulf %get3A_500, %gather3A_497 : vector<16xf32>
                %swap3A_502 = arith.index_cast %scan3A_414 : i32 to index
                %swap3A_503 = arith.constant 112 : index
                %swap3A_504 = tpu.vector_load %arg26[%swap3A_502, %swap3A_503] {strides = array<i32>} : memref<128x128xf32, #tpu.memory_space<vmem>>, vector<16xf32>,
                tpu.vector_store %arg26[%swap3A_502, %swap3A_503], %mul3A_501 {strides = array<i32>} : memref<128x128xf32, #tpu.memory_space<vmem>>, vector<16xf32>,
              }
              %scan3A_401 = arith.constant 128 : i32
              "tpu.region"() ({
                %run_scoped3A = tpu.sem_alloc : memref<!tpu.dma_semaphore, #tpu.memory_space<semaphore_mem>>
                %dma_start3A_414 = arith.constant 0 : i32
                %dma_start3A_415 = arith.constant 0 : i32
                %dma_start3A_416 = tpu.memref_slice %arg17[%dma_start3A_414, %dma_start3A_415] : memref<10240x128xf32, #tpu.memory_space<vmem_shared>> -> memref<10240x128xf32, #tpu.memory_space<vmem_shared>>
                tpu.enqueue_indirect_dma source(%arg26 : memref<128x128xf32, #tpu.memory_space<vmem>>) target(%dma_start3A_416 : memref<10240x128xf32, #tpu.memory_space<vmem_shared>>) offsets(%arg30 : memref<128xi32, #tpu.memory_space<vmem>>) semaphore(%run_scoped3A : memref<!tpu.dma_semaphore, #tpu.memory_space<semaphore_mem>>) {add = true}
                %dma_wait3A_417 = arith.constant 0 : i32
                %dma_wait3A_418 = arith.constant 0 : i32
                %dma_wait3A_419 = tpu.memref_slice %arg17[%dma_wait3A_417, %dma_wait3A_418] : memref<10240x128xf32, #tpu.memory_space<vmem_shared>> -> memref<10240x128xf32, #tpu.memory_space<vmem_shared>>
                tpu.wait_indirect_dma semaphore(%run_scoped3A : memref<!tpu.dma_semaphore, #tpu.memory_space<semaphore_mem>>) src(%arg26 : memref<128x128xf32, #tpu.memory_space<vmem>>) dst(%dma_wait3A_419 : memref<10240x128xf32, #tpu.memory_space<vmem_shared>>)
                tpu.yield
              }) : () -> ()
              %get3A_402 = arith.constant 0 : index
              %get3A_403 = tpu.vector_load %arg23[%get3A_402] {strides = array<i32>} : memref<16xi32, #tpu.memory_space<vmem>>, vector<16xi32>,
              %swap3A_404 = arith.constant 0 : index
              %swap3A_405 = tpu.vector_load %arg20[%swap3A_404] {strides = array<i32>} : memref<128xi32, #tpu.memory_space<vmem>>, vector<16xi32>,
              tpu.vector_store %arg20[%swap3A_404], %get3A_403 {strides = array<i32>} : memref<128xi32, #tpu.memory_space<vmem>>, vector<16xi32>,
              %get3A_406 = arith.constant 0 : index
              %get3A_407 = tpu.vector_load %arg24[%get3A_406] {strides = array<i32>} : memref<16xi32, #tpu.memory_space<vmem>>, vector<16xi32>,
              %swap3A_408 = arith.constant 0 : index
              %swap3A_409 = tpu.vector_load %arg21[%swap3A_408] {strides = array<i32>} : memref<128xi32, #tpu.memory_space<vmem>>, vector<16xi32>,
              tpu.vector_store %arg21[%swap3A_408], %get3A_407 {strides = array<i32>} : memref<128xi32, #tpu.memory_space<vmem>>, vector<16xi32>,
              %get3A_410 = arith.constant 0 : index
              %get3A_411 = tpu.vector_load %arg25[%get3A_410] {strides = array<i32>} : memref<16xf32, #tpu.memory_space<vmem>>, vector<16xf32>,
              %swap3A_412 = arith.constant 0 : index
              %swap3A_413 = tpu.vector_load %arg22[%swap3A_412] {strides = array<i32>} : memref<128xf32, #tpu.memory_space<vmem>>, vector<16xf32>,
              tpu.vector_store %arg22[%swap3A_412], %get3A_411 {strides = array<i32>} : memref<128xf32, #tpu.memory_space<vmem>>, vector<16xf32>,
              scf.yield %sub3A_323 : i32
            } else {
              scf.yield %add3A_315 : i32
            }
            scf.yield %cond3A_321 : i32
          }
          %scan3A_257 = arith.constant 16 : i32
          scf.yield %scan3A_256 : i32
        }
        %mul3A_52 = arith.constant 16 : i32
        %mul3A_53 = arith.muli %arg1, %mul3A_52 : i32
        %add3A_54 = vector.broadcast %mul3A_53 : i32 to vector<16xi32>
        %add3A_55 = arith.addi %add3A_54, %iota3A : vector<16xi32>
        %broadcast_in_dim3A = arith.constant 0.000000e+00 : f32
        %broadcast_in_dim3A_56 = vector.broadcast %broadcast_in_dim3A : f32 to vector<16xf32>
        %add3A_57 = arith.constant 0 : i32
        %add3A_58 = arith.addi %while3A_51, %add3A_57 : i32
        %add3A_59 = vector.broadcast %add3A_58 : i32 to vector<16xi32>
        %add3A_60 = arith.addi %add3A_59, %iota3A : vector<16xi32>
        %lt3A = arith.constant 128 : i32
        %lt3A_61 = vector.broadcast %lt3A : i32 to vector<16xi32>
        %lt3A_62 = arith.cmpi slt, %add3A_60, %lt3A_61 : vector<16xi32>
        %mul3A_63 = arith.constant 128 : i32
        %mul3A_64 = arith.muli %arg1, %mul3A_63 : i32
        %add3A_65 = arith.addi %mul3A_40, %mul3A_64 : i32
        %add3A_66 = arith.constant 0 : i32
        %add3A_67 = arith.addi %add3A_65, %add3A_66 : i32
        %add3A_68 = vector.broadcast %add3A_67 : i32 to vector<16xi32>
        %add3A_69 = arith.addi %add3A_68, %iota3A : vector<16xi32>
        tpu.vector_store_idx %arg20[%add3A_60], %add3A_55 masked %lt3A_62 : memref<128xi32, #tpu.memory_space<vmem>>[vector<16xi32>], vector<16xi32>, vector<16xi1>
        tpu.vector_store_idx %arg21[%add3A_60], %add3A_69 masked %lt3A_62 : memref<128xi32, #tpu.memory_space<vmem>>[vector<16xi32>], vector<16xi32>, vector<16xi1>
        tpu.vector_store_idx %arg22[%add3A_60], %broadcast_in_dim3A_56 masked %lt3A_62 : memref<128xf32, #tpu.memory_space<vmem>>[vector<16xi32>], vector<16xf32>, vector<16xi1>
        %add3A_70 = arith.constant 16 : i32
        %add3A_71 = arith.addi %while3A_51, %add3A_70 : i32
        %add3A_72 = vector.broadcast %add3A_71 : i32 to vector<16xi32>
        %add3A_73 = arith.addi %add3A_72, %iota3A : vector<16xi32>
        %lt3A_74 = arith.constant 128 : i32
        %lt3A_75 = vector.broadcast %lt3A_74 : i32 to vector<16xi32>
        %lt3A_76 = arith.cmpi slt, %add3A_73, %lt3A_75 : vector<16xi32>
        %mul3A_77 = arith.constant 128 : i32
        %mul3A_78 = arith.muli %arg1, %mul3A_77 : i32
        %add3A_79 = arith.addi %mul3A_40, %mul3A_78 : i32
        %add3A_80 = arith.constant 16 : i32
        %add3A_81 = arith.addi %add3A_79, %add3A_80 : i32
        %add3A_82 = vector.broadcast %add3A_81 : i32 to vector<16xi32>
        %add3A_83 = arith.addi %add3A_82, %iota3A : vector<16xi32>
        tpu.vector_store_idx %arg20[%add3A_73], %add3A_55 masked %lt3A_76 : memref<128xi32, #tpu.memory_space<vmem>>[vector<16xi32>], vector<16xi32>, vector<16xi1>
        tpu.vector_store_idx %arg21[%add3A_73], %add3A_83 masked %lt3A_76 : memref<128xi32, #tpu.memory_space<vmem>>[vector<16xi32>], vector<16xi32>, vector<16xi1>
        tpu.vector_store_idx %arg22[%add3A_73], %broadcast_in_dim3A_56 masked %lt3A_76 : memref<128xf32, #tpu.memory_space<vmem>>[vector<16xi32>], vector<16xf32>, vector<16xi1>
        %add3A_84 = arith.constant 32 : i32
        %add3A_85 = arith.addi %while3A_51, %add3A_84 : i32
        %add3A_86 = vector.broadcast %add3A_85 : i32 to vector<16xi32>
        %add3A_87 = arith.addi %add3A_86, %iota3A : vector<16xi32>
        %lt3A_88 = arith.constant 128 : i32
        %lt3A_89 = vector.broadcast %lt3A_88 : i32 to vector<16xi32>
        %lt3A_90 = arith.cmpi slt, %add3A_87, %lt3A_89 : vector<16xi32>
        %mul3A_91 = arith.constant 128 : i32
        %mul3A_92 = arith.muli %arg1, %mul3A_91 : i32
        %add3A_93 = arith.addi %mul3A_40, %mul3A_92 : i32
        %add3A_94 = arith.constant 32 : i32
        %add3A_95 = arith.addi %add3A_93, %add3A_94 : i32
        %add3A_96 = vector.broadcast %add3A_95 : i32 to vector<16xi32>
        %add3A_97 = arith.addi %add3A_96, %iota3A : vector<16xi32>
        tpu.vector_store_idx %arg20[%add3A_87], %add3A_55 masked %lt3A_90 : memref<128xi32, #tpu.memory_space<vmem>>[vector<16xi32>], vector<16xi32>, vector<16xi1>
        tpu.vector_store_idx %arg21[%add3A_87], %add3A_97 masked %lt3A_90 : memref<128xi32, #tpu.memory_space<vmem>>[vector<16xi32>], vector<16xi32>, vector<16xi1>
        tpu.vector_store_idx %arg22[%add3A_87], %broadcast_in_dim3A_56 masked %lt3A_90 : memref<128xf32, #tpu.memory_space<vmem>>[vector<16xi32>], vector<16xf32>, vector<16xi1>
        %add3A_98 = arith.constant 48 : i32
        %add3A_99 = arith.addi %while3A_51, %add3A_98 : i32
        %add3A_100 = vector.broadcast %add3A_99 : i32 to vector<16xi32>
        %add3A_101 = arith.addi %add3A_100, %iota3A : vector<16xi32>
        %lt3A_102 = arith.constant 128 : i32
        %lt3A_103 = vector.broadcast %lt3A_102 : i32 to vector<16xi32>
        %lt3A_104 = arith.cmpi slt, %add3A_101, %lt3A_103 : vector<16xi32>
        %mul3A_105 = arith.constant 128 : i32
        %mul3A_106 = arith.muli %arg1, %mul3A_105 : i32
        %add3A_107 = arith.addi %mul3A_40, %mul3A_106 : i32
        %add3A_108 = arith.constant 48 : i32
        %add3A_109 = arith.addi %add3A_107, %add3A_108 : i32
        %add3A_110 = vector.broadcast %add3A_109 : i32 to vector<16xi32>
        %add3A_111 = arith.addi %add3A_110, %iota3A : vector<16xi32>
        tpu.vector_store_idx %arg20[%add3A_101], %add3A_55 masked %lt3A_104 : memref<128xi32, #tpu.memory_space<vmem>>[vector<16xi32>], vector<16xi32>, vector<16xi1>
        tpu.vector_store_idx %arg21[%add3A_101], %add3A_111 masked %lt3A_104 : memref<128xi32, #tpu.memory_space<vmem>>[vector<16xi32>], vector<16xi32>, vector<16xi1>
        tpu.vector_store_idx %arg22[%add3A_101], %broadcast_in_dim3A_56 masked %lt3A_104 : memref<128xf32, #tpu.memory_space<vmem>>[vector<16xi32>], vector<16xf32>, vector<16xi1>
        %add3A_112 = arith.constant 64 : i32
        %add3A_113 = arith.addi %while3A_51, %add3A_112 : i32
        %add3A_114 = vector.broadcast %add3A_113 : i32 to vector<16xi32>
        %add3A_115 = arith.addi %add3A_114, %iota3A : vector<16xi32>
        %lt3A_116 = arith.constant 128 : i32
        %lt3A_117 = vector.broadcast %lt3A_116 : i32 to vector<16xi32>
        %lt3A_118 = arith.cmpi slt, %add3A_115, %lt3A_117 : vector<16xi32>
        %mul3A_119 = arith.constant 128 : i32
        %mul3A_120 = arith.muli %arg1, %mul3A_119 : i32
        %add3A_121 = arith.addi %mul3A_40, %mul3A_120 : i32
        %add3A_122 = arith.constant 64 : i32
        %add3A_123 = arith.addi %add3A_121, %add3A_122 : i32
        %add3A_124 = vector.broadcast %add3A_123 : i32 to vector<16xi32>
        %add3A_125 = arith.addi %add3A_124, %iota3A : vector<16xi32>
        tpu.vector_store_idx %arg20[%add3A_115], %add3A_55 masked %lt3A_118 : memref<128xi32, #tpu.memory_space<vmem>>[vector<16xi32>], vector<16xi32>, vector<16xi1>
        tpu.vector_store_idx %arg21[%add3A_115], %add3A_125 masked %lt3A_118 : memref<128xi32, #tpu.memory_space<vmem>>[vector<16xi32>], vector<16xi32>, vector<16xi1>
        tpu.vector_store_idx %arg22[%add3A_115], %broadcast_in_dim3A_56 masked %lt3A_118 : memref<128xf32, #tpu.memory_space<vmem>>[vector<16xi32>], vector<16xf32>, vector<16xi1>
        %add3A_126 = arith.constant 80 : i32
        %add3A_127 = arith.addi %while3A_51, %add3A_126 : i32
        %add3A_128 = vector.broadcast %add3A_127 : i32 to vector<16xi32>
        %add3A_129 = arith.addi %add3A_128, %iota3A : vector<16xi32>
        %lt3A_130 = arith.constant 128 : i32
        %lt3A_131 = vector.broadcast %lt3A_130 : i32 to vector<16xi32>
        %lt3A_132 = arith.cmpi slt, %add3A_129, %lt3A_131 : vector<16xi32>
        %mul3A_133 = arith.constant 128 : i32
        %mul3A_134 = arith.muli %arg1, %mul3A_133 : i32
        %add3A_135 = arith.addi %mul3A_40, %mul3A_134 : i32
        %add3A_136 = arith.constant 80 : i32
        %add3A_137 = arith.addi %add3A_135, %add3A_136 : i32
        %add3A_138 = vector.broadcast %add3A_137 : i32 to vector<16xi32>
        %add3A_139 = arith.addi %add3A_138, %iota3A : vector<16xi32>
        tpu.vector_store_idx %arg20[%add3A_129], %add3A_55 masked %lt3A_132 : memref<128xi32, #tpu.memory_space<vmem>>[vector<16xi32>], vector<16xi32>, vector<16xi1>
        tpu.vector_store_idx %arg21[%add3A_129], %add3A_139 masked %lt3A_132 : memref<128xi32, #tpu.memory_space<vmem>>[vector<16xi32>], vector<16xi32>, vector<16xi1>
        tpu.vector_store_idx %arg22[%add3A_129], %broadcast_in_dim3A_56 masked %lt3A_132 : memref<128xf32, #tpu.memory_space<vmem>>[vector<16xi32>], vector<16xf32>, vector<16xi1>
        %add3A_140 = arith.constant 96 : i32
        %add3A_141 = arith.addi %while3A_51, %add3A_140 : i32
        %add3A_142 = vector.broadcast %add3A_141 : i32 to vector<16xi32>
        %add3A_143 = arith.addi %add3A_142, %iota3A : vector<16xi32>
        %lt3A_144 = arith.constant 128 : i32
        %lt3A_145 = vector.broadcast %lt3A_144 : i32 to vector<16xi32>
        %lt3A_146 = arith.cmpi slt, %add3A_143, %lt3A_145 : vector<16xi32>
        %mul3A_147 = arith.constant 128 : i32
        %mul3A_148 = arith.muli %arg1, %mul3A_147 : i32
        %add3A_149 = arith.addi %mul3A_40, %mul3A_148 : i32
        %add3A_150 = arith.constant 96 : i32
        %add3A_151 = arith.addi %add3A_149, %add3A_150 : i32
        %add3A_152 = vector.broadcast %add3A_151 : i32 to vector<16xi32>
        %add3A_153 = arith.addi %add3A_152, %iota3A : vector<16xi32>
        tpu.vector_store_idx %arg20[%add3A_143], %add3A_55 masked %lt3A_146 : memref<128xi32, #tpu.memory_space<vmem>>[vector<16xi32>], vector<16xi32>, vector<16xi1>
        tpu.vector_store_idx %arg21[%add3A_143], %add3A_153 masked %lt3A_146 : memref<128xi32, #tpu.memory_space<vmem>>[vector<16xi32>], vector<16xi32>, vector<16xi1>
        tpu.vector_store_idx %arg22[%add3A_143], %broadcast_in_dim3A_56 masked %lt3A_146 : memref<128xf32, #tpu.memory_space<vmem>>[vector<16xi32>], vector<16xf32>, vector<16xi1>
        %add3A_154 = arith.constant 112 : i32
        %add3A_155 = arith.addi %while3A_51, %add3A_154 : i32
        %add3A_156 = vector.broadcast %add3A_155 : i32 to vector<16xi32>
        %add3A_157 = arith.addi %add3A_156, %iota3A : vector<16xi32>
        %lt3A_158 = arith.constant 128 : i32
        %lt3A_159 = vector.broadcast %lt3A_158 : i32 to vector<16xi32>
        %lt3A_160 = arith.cmpi slt, %add3A_157, %lt3A_159 : vector<16xi32>
        %mul3A_161 = arith.constant 128 : i32
        %mul3A_162 = arith.muli %arg1, %mul3A_161 : i32
        %add3A_163 = arith.addi %mul3A_40, %mul3A_162 : i32
        %add3A_164 = arith.constant 112 : i32
        %add3A_165 = arith.addi %add3A_163, %add3A_164 : i32
        %add3A_166 = vector.broadcast %add3A_165 : i32 to vector<16xi32>
        %add3A_167 = arith.addi %add3A_166, %iota3A : vector<16xi32>
        tpu.vector_store_idx %arg20[%add3A_157], %add3A_55 masked %lt3A_160 : memref<128xi32, #tpu.memory_space<vmem>>[vector<16xi32>], vector<16xi32>, vector<16xi1>
        tpu.vector_store_idx %arg21[%add3A_157], %add3A_167 masked %lt3A_160 : memref<128xi32, #tpu.memory_space<vmem>>[vector<16xi32>], vector<16xi32>, vector<16xi1>
        tpu.vector_store_idx %arg22[%add3A_157], %broadcast_in_dim3A_56 masked %lt3A_160 : memref<128xf32, #tpu.memory_space<vmem>>[vector<16xi32>], vector<16xf32>, vector<16xi1>
        %dma_start3A = arith.constant 0 : i32
        %dma_start3A_168 = arith.constant 0 : i32
        %dma_start3A_169 = tpu.memref_slice %arg2[%dma_start3A, %dma_start3A_168] : memref<50000x128xf32, #tpu.memory_space<hbm>> -> memref<50000x128xf32, #tpu.memory_space<hbm>>
        tpu.enqueue_indirect_dma source(%dma_start3A_169 : memref<50000x128xf32, #tpu.memory_space<hbm>>) target(%arg26 : memref<128x128xf32, #tpu.memory_space<vmem>>) offsets(%arg20 : memref<128xi32, #tpu.memory_space<vmem>>) semaphore(%arg31 : memref<!tpu.dma_semaphore, #tpu.memory_space<semaphore_mem>>)
        %dma_start3A_170 = arith.constant 0 : i32
        %dma_start3A_171 = arith.constant 0 : i32
        %dma_start3A_172 = tpu.memref_slice %arg4[%dma_start3A_170, %dma_start3A_171] : memref<50000x16xf32, #tpu.memory_space<hbm>> -> memref<50000x16xf32, #tpu.memory_space<hbm>>
        tpu.enqueue_indirect_dma source(%dma_start3A_172 : memref<50000x16xf32, #tpu.memory_space<hbm>>) target(%arg27 : memref<128x16xf32, #tpu.memory_space<vmem>>) offsets(%arg20 : memref<128xi32, #tpu.memory_space<vmem>>) semaphore(%arg32 : memref<!tpu.dma_semaphore, #tpu.memory_space<semaphore_mem>>)
        %dma_start3A_173 = arith.constant 0 : i32
        %dma_start3A_174 = arith.constant 0 : i32
        %dma_start3A_175 = tpu.memref_slice %arg4[%dma_start3A_173, %dma_start3A_174] : memref<50000x16xf32, #tpu.memory_space<hbm>> -> memref<50000x16xf32, #tpu.memory_space<hbm>>
        tpu.enqueue_indirect_dma source(%dma_start3A_175 : memref<50000x16xf32, #tpu.memory_space<hbm>>) target(%arg28 : memref<128x16xf32, #tpu.memory_space<vmem>>) offsets(%arg21 : memref<128xi32, #tpu.memory_space<vmem>>) semaphore(%arg33 : memref<!tpu.dma_semaphore, #tpu.memory_space<semaphore_mem>>)
        %dma_wait3A = arith.constant 0 : i32
        %dma_wait3A_176 = arith.constant 0 : i32
        %dma_wait3A_177 = tpu.memref_slice %arg4[%dma_wait3A, %dma_wait3A_176] : memref<50000x16xf32, #tpu.memory_space<hbm>> -> memref<50000x16xf32, #tpu.memory_space<hbm>>
        tpu.wait_indirect_dma semaphore(%arg32 : memref<!tpu.dma_semaphore, #tpu.memory_space<semaphore_mem>>) src(%dma_wait3A_177 : memref<50000x16xf32, #tpu.memory_space<hbm>>) dst(%arg27 : memref<128x16xf32, #tpu.memory_space<vmem>>)
        %dma_wait3A_178 = arith.constant 0 : i32
        %dma_wait3A_179 = arith.constant 0 : i32
        %dma_wait3A_180 = tpu.memref_slice %arg4[%dma_wait3A_178, %dma_wait3A_179] : memref<50000x16xf32, #tpu.memory_space<hbm>> -> memref<50000x16xf32, #tpu.memory_space<hbm>>
        tpu.wait_indirect_dma semaphore(%arg33 : memref<!tpu.dma_semaphore, #tpu.memory_space<semaphore_mem>>) src(%dma_wait3A_180 : memref<50000x16xf32, #tpu.memory_space<hbm>>) dst(%arg28 : memref<128x16xf32, #tpu.memory_space<vmem>>)
        %scan3A_181 = arith.constant 0 : i32
        %scan3A_182 = arith.constant 0 : i32
        %scan3A_183 = arith.constant 8 : i32
        %scan3A_184 = arith.addi %scan3A_182, %scan3A_183 : i32
        %scan3A_185 = arith.constant 1 : i32
        scf.for %scan3A_245 = %scan3A_182 to %scan3A_184 step %scan3A_185  : i32 {
          %mul3A_246 = arith.constant 16 : i32
          %mul3A_247 = arith.muli %scan3A_245, %mul3A_246 : i32
          %add3A_248 = vector.broadcast %mul3A_247 : i32 to vector<16xi32>
          %add3A_249 = arith.addi %add3A_248, %iota3A : vector<16xi32>
          %mul3A_250 = arith.constant 16 : i32
          %mul3A_251 = arith.muli %scan3A_245, %mul3A_250 : i32
          %get3A_252 = arith.index_cast %mul3A_251 : i32 to index
          %get3A_253 = tpu.vector_load %arg22[%get3A_252] {strides = array<i32>} : memref<128xf32, #tpu.memory_space<vmem>>, vector<16xf32>,
          %broadcast_in_dim3A_254 = arith.constant 0 : i32
          %broadcast_in_dim3A_255 = vector.broadcast %broadcast_in_dim3A_254 : i32 to vector<16xi32>
          %gather3A = tpu.vector_load_idx %arg27[%add3A_249, %broadcast_in_dim3A_255] : memref<128x16xf32, #tpu.memory_space<vmem>>[vector<16xi32>, vector<16xi32>], vector<16xf32>,
          %add3A_256 = arith.constant 8 : i32
          %add3A_257 = vector.broadcast %add3A_256 : i32 to vector<16xi32>
          %add3A_258 = arith.addi %broadcast_in_dim3A_255, %add3A_257 : vector<16xi32>
          %gather3A_259 = tpu.vector_load_idx %arg28[%add3A_249, %add3A_258] : memref<128x16xf32, #tpu.memory_space<vmem>>[vector<16xi32>, vector<16xi32>], vector<16xf32>,
          %add3A_260 = arith.addf %gather3A, %gather3A_259 : vector<16xf32>
          %ge3A = arith.constant 0.000000e+00 : f32
          %ge3A_261 = vector.broadcast %ge3A : f32 to vector<16xf32>
          %ge3A_262 = arith.cmpf oge, %add3A_260, %ge3A_261 : vector<16xf32>
          %mul3A_263 = arith.constant 2.000000e-01 : f32
          %mul3A_264 = vector.broadcast %mul3A_263 : f32 to vector<16xf32>
          %mul3A_265 = arith.mulf %mul3A_264, %add3A_260 : vector<16xf32>
          %select_n3A_266 = arith.select %ge3A_262, %add3A_260, %mul3A_265 : vector<16xi1>, vector<16xf32>
          %exp3A = math.exp %select_n3A_266 : vector<16xf32>
          %mul3A_267 = arith.mulf %exp3A, %get3A_253 : vector<16xf32>
          tpu.vector_store_idx %arg29[%add3A_249, %broadcast_in_dim3A_255], %mul3A_267 : memref<128x8xf32, #tpu.memory_space<vmem>>[vector<16xi32>, vector<16xi32>], vector<16xf32>,
          tpu.vector_store_idx %arg28[%add3A_249, %broadcast_in_dim3A_255], %mul3A_267 : memref<128x16xf32, #tpu.memory_space<vmem>>[vector<16xi32>, vector<16xi32>], vector<16xf32>,
          %broadcast_in_dim3A_268 = arith.constant 1 : i32
          %broadcast_in_dim3A_269 = vector.broadcast %broadcast_in_dim3A_268 : i32 to vector<16xi32>
          %gather3A_270 = tpu.vector_load_idx %arg27[%add3A_249, %broadcast_in_dim3A_269] : memref<128x16xf32, #tpu.memory_space<vmem>>[vector<16xi32>, vector<16xi32>], vector<16xf32>,
          %add3A_271 = arith.constant 8 : i32
          %add3A_272 = vector.broadcast %add3A_271 : i32 to vector<16xi32>
          %add3A_273 = arith.addi %broadcast_in_dim3A_269, %add3A_272 : vector<16xi32>
          %gather3A_274 = tpu.vector_load_idx %arg28[%add3A_249, %add3A_273] : memref<128x16xf32, #tpu.memory_space<vmem>>[vector<16xi32>, vector<16xi32>], vector<16xf32>,
          %add3A_275 = arith.addf %gather3A_270, %gather3A_274 : vector<16xf32>
          %ge3A_276 = arith.constant 0.000000e+00 : f32
          %ge3A_277 = vector.broadcast %ge3A_276 : f32 to vector<16xf32>
          %ge3A_278 = arith.cmpf oge, %add3A_275, %ge3A_277 : vector<16xf32>
          %mul3A_279 = arith.constant 2.000000e-01 : f32
          %mul3A_280 = vector.broadcast %mul3A_279 : f32 to vector<16xf32>
          %mul3A_281 = arith.mulf %mul3A_280, %add3A_275 : vector<16xf32>
          %select_n3A_282 = arith.select %ge3A_278, %add3A_275, %mul3A_281 : vector<16xi1>, vector<16xf32>
          %exp3A_283 = math.exp %select_n3A_282 : vector<16xf32>
          %mul3A_284 = arith.mulf %exp3A_283, %get3A_253 : vector<16xf32>
          tpu.vector_store_idx %arg29[%add3A_249, %broadcast_in_dim3A_269], %mul3A_284 : memref<128x8xf32, #tpu.memory_space<vmem>>[vector<16xi32>, vector<16xi32>], vector<16xf32>,
          tpu.vector_store_idx %arg28[%add3A_249, %broadcast_in_dim3A_269], %mul3A_284 : memref<128x16xf32, #tpu.memory_space<vmem>>[vector<16xi32>, vector<16xi32>], vector<16xf32>,
          %broadcast_in_dim3A_285 = arith.constant 2 : i32
          %broadcast_in_dim3A_286 = vector.broadcast %broadcast_in_dim3A_285 : i32 to vector<16xi32>
          %gather3A_287 = tpu.vector_load_idx %arg27[%add3A_249, %broadcast_in_dim3A_286] : memref<128x16xf32, #tpu.memory_space<vmem>>[vector<16xi32>, vector<16xi32>], vector<16xf32>,
          %add3A_288 = arith.constant 8 : i32
          %add3A_289 = vector.broadcast %add3A_288 : i32 to vector<16xi32>
          %add3A_290 = arith.addi %broadcast_in_dim3A_286, %add3A_289 : vector<16xi32>
          %gather3A_291 = tpu.vector_load_idx %arg28[%add3A_249, %add3A_290] : memref<128x16xf32, #tpu.memory_space<vmem>>[vector<16xi32>, vector<16xi32>], vector<16xf32>,
          %add3A_292 = arith.addf %gather3A_287, %gather3A_291 : vector<16xf32>
          %ge3A_293 = arith.constant 0.000000e+00 : f32
          %ge3A_294 = vector.broadcast %ge3A_293 : f32 to vector<16xf32>
          %ge3A_295 = arith.cmpf oge, %add3A_292, %ge3A_294 : vector<16xf32>
          %mul3A_296 = arith.constant 2.000000e-01 : f32
          %mul3A_297 = vector.broadcast %mul3A_296 : f32 to vector<16xf32>
          %mul3A_298 = arith.mulf %mul3A_297, %add3A_292 : vector<16xf32>
          %select_n3A_299 = arith.select %ge3A_295, %add3A_292, %mul3A_298 : vector<16xi1>, vector<16xf32>
          %exp3A_300 = math.exp %select_n3A_299 : vector<16xf32>
          %mul3A_301 = arith.mulf %exp3A_300, %get3A_253 : vector<16xf32>
          tpu.vector_store_idx %arg29[%add3A_249, %broadcast_in_dim3A_286], %mul3A_301 : memref<128x8xf32, #tpu.memory_space<vmem>>[vector<16xi32>, vector<16xi32>], vector<16xf32>,
          tpu.vector_store_idx %arg28[%add3A_249, %broadcast_in_dim3A_286], %mul3A_301 : memref<128x16xf32, #tpu.memory_space<vmem>>[vector<16xi32>, vector<16xi32>], vector<16xf32>,
          %broadcast_in_dim3A_302 = arith.constant 3 : i32
          %broadcast_in_dim3A_303 = vector.broadcast %broadcast_in_dim3A_302 : i32 to vector<16xi32>
          %gather3A_304 = tpu.vector_load_idx %arg27[%add3A_249, %broadcast_in_dim3A_303] : memref<128x16xf32, #tpu.memory_space<vmem>>[vector<16xi32>, vector<16xi32>], vector<16xf32>,
          %add3A_305 = arith.constant 8 : i32
          %add3A_306 = vector.broadcast %add3A_305 : i32 to vector<16xi32>
          %add3A_307 = arith.addi %broadcast_in_dim3A_303, %add3A_306 : vector<16xi32>
          %gather3A_308 = tpu.vector_load_idx %arg28[%add3A_249, %add3A_307] : memref<128x16xf32, #tpu.memory_space<vmem>>[vector<16xi32>, vector<16xi32>], vector<16xf32>,
          %add3A_309 = arith.addf %gather3A_304, %gather3A_308 : vector<16xf32>
          %ge3A_310 = arith.constant 0.000000e+00 : f32
          %ge3A_311 = vector.broadcast %ge3A_310 : f32 to vector<16xf32>
          %ge3A_312 = arith.cmpf oge, %add3A_309, %ge3A_311 : vector<16xf32>
          %mul3A_313 = arith.constant 2.000000e-01 : f32
          %mul3A_314 = vector.broadcast %mul3A_313 : f32 to vector<16xf32>
          %mul3A_315 = arith.mulf %mul3A_314, %add3A_309 : vector<16xf32>
          %select_n3A_316 = arith.select %ge3A_312, %add3A_309, %mul3A_315 : vector<16xi1>, vector<16xf32>
          %exp3A_317 = math.exp %select_n3A_316 : vector<16xf32>
          %mul3A_318 = arith.mulf %exp3A_317, %get3A_253 : vector<16xf32>
          tpu.vector_store_idx %arg29[%add3A_249, %broadcast_in_dim3A_303], %mul3A_318 : memref<128x8xf32, #tpu.memory_space<vmem>>[vector<16xi32>, vector<16xi32>], vector<16xf32>,
          tpu.vector_store_idx %arg28[%add3A_249, %broadcast_in_dim3A_303], %mul3A_318 : memref<128x16xf32, #tpu.memory_space<vmem>>[vector<16xi32>, vector<16xi32>], vector<16xf32>,
          %broadcast_in_dim3A_319 = arith.constant 4 : i32
          %broadcast_in_dim3A_320 = vector.broadcast %broadcast_in_dim3A_319 : i32 to vector<16xi32>
          %gather3A_321 = tpu.vector_load_idx %arg27[%add3A_249, %broadcast_in_dim3A_320] : memref<128x16xf32, #tpu.memory_space<vmem>>[vector<16xi32>, vector<16xi32>], vector<16xf32>,
          %add3A_322 = arith.constant 8 : i32
          %add3A_323 = vector.broadcast %add3A_322 : i32 to vector<16xi32>
          %add3A_324 = arith.addi %broadcast_in_dim3A_320, %add3A_323 : vector<16xi32>
          %gather3A_325 = tpu.vector_load_idx %arg28[%add3A_249, %add3A_324] : memref<128x16xf32, #tpu.memory_space<vmem>>[vector<16xi32>, vector<16xi32>], vector<16xf32>,
          %add3A_326 = arith.addf %gather3A_321, %gather3A_325 : vector<16xf32>
          %ge3A_327 = arith.constant 0.000000e+00 : f32
          %ge3A_328 = vector.broadcast %ge3A_327 : f32 to vector<16xf32>
          %ge3A_329 = arith.cmpf oge, %add3A_326, %ge3A_328 : vector<16xf32>
          %mul3A_330 = arith.constant 2.000000e-01 : f32
          %mul3A_331 = vector.broadcast %mul3A_330 : f32 to vector<16xf32>
          %mul3A_332 = arith.mulf %mul3A_331, %add3A_326 : vector<16xf32>
          %select_n3A_333 = arith.select %ge3A_329, %add3A_326, %mul3A_332 : vector<16xi1>, vector<16xf32>
          %exp3A_334 = math.exp %select_n3A_333 : vector<16xf32>
          %mul3A_335 = arith.mulf %exp3A_334, %get3A_253 : vector<16xf32>
          tpu.vector_store_idx %arg29[%add3A_249, %broadcast_in_dim3A_320], %mul3A_335 : memref<128x8xf32, #tpu.memory_space<vmem>>[vector<16xi32>, vector<16xi32>], vector<16xf32>,
          tpu.vector_store_idx %arg28[%add3A_249, %broadcast_in_dim3A_320], %mul3A_335 : memref<128x16xf32, #tpu.memory_space<vmem>>[vector<16xi32>, vector<16xi32>], vector<16xf32>,
          %broadcast_in_dim3A_336 = arith.constant 5 : i32
          %broadcast_in_dim3A_337 = vector.broadcast %broadcast_in_dim3A_336 : i32 to vector<16xi32>
          %gather3A_338 = tpu.vector_load_idx %arg27[%add3A_249, %broadcast_in_dim3A_337] : memref<128x16xf32, #tpu.memory_space<vmem>>[vector<16xi32>, vector<16xi32>], vector<16xf32>,
          %add3A_339 = arith.constant 8 : i32
          %add3A_340 = vector.broadcast %add3A_339 : i32 to vector<16xi32>
          %add3A_341 = arith.addi %broadcast_in_dim3A_337, %add3A_340 : vector<16xi32>
          %gather3A_342 = tpu.vector_load_idx %arg28[%add3A_249, %add3A_341] : memref<128x16xf32, #tpu.memory_space<vmem>>[vector<16xi32>, vector<16xi32>], vector<16xf32>,
          %add3A_343 = arith.addf %gather3A_338, %gather3A_342 : vector<16xf32>
          %ge3A_344 = arith.constant 0.000000e+00 : f32
          %ge3A_345 = vector.broadcast %ge3A_344 : f32 to vector<16xf32>
          %ge3A_346 = arith.cmpf oge, %add3A_343, %ge3A_345 : vector<16xf32>
          %mul3A_347 = arith.constant 2.000000e-01 : f32
          %mul3A_348 = vector.broadcast %mul3A_347 : f32 to vector<16xf32>
          %mul3A_349 = arith.mulf %mul3A_348, %add3A_343 : vector<16xf32>
          %select_n3A_350 = arith.select %ge3A_346, %add3A_343, %mul3A_349 : vector<16xi1>, vector<16xf32>
          %exp3A_351 = math.exp %select_n3A_350 : vector<16xf32>
          %mul3A_352 = arith.mulf %exp3A_351, %get3A_253 : vector<16xf32>
          tpu.vector_store_idx %arg29[%add3A_249, %broadcast_in_dim3A_337], %mul3A_352 : memref<128x8xf32, #tpu.memory_space<vmem>>[vector<16xi32>, vector<16xi32>], vector<16xf32>,
          tpu.vector_store_idx %arg28[%add3A_249, %broadcast_in_dim3A_337], %mul3A_352 : memref<128x16xf32, #tpu.memory_space<vmem>>[vector<16xi32>, vector<16xi32>], vector<16xf32>,
          %broadcast_in_dim3A_353 = arith.constant 6 : i32
          %broadcast_in_dim3A_354 = vector.broadcast %broadcast_in_dim3A_353 : i32 to vector<16xi32>
          %gather3A_355 = tpu.vector_load_idx %arg27[%add3A_249, %broadcast_in_dim3A_354] : memref<128x16xf32, #tpu.memory_space<vmem>>[vector<16xi32>, vector<16xi32>], vector<16xf32>,
          %add3A_356 = arith.constant 8 : i32
          %add3A_357 = vector.broadcast %add3A_356 : i32 to vector<16xi32>
          %add3A_358 = arith.addi %broadcast_in_dim3A_354, %add3A_357 : vector<16xi32>
          %gather3A_359 = tpu.vector_load_idx %arg28[%add3A_249, %add3A_358] : memref<128x16xf32, #tpu.memory_space<vmem>>[vector<16xi32>, vector<16xi32>], vector<16xf32>,
          %add3A_360 = arith.addf %gather3A_355, %gather3A_359 : vector<16xf32>
          %ge3A_361 = arith.constant 0.000000e+00 : f32
          %ge3A_362 = vector.broadcast %ge3A_361 : f32 to vector<16xf32>
          %ge3A_363 = arith.cmpf oge, %add3A_360, %ge3A_362 : vector<16xf32>
          %mul3A_364 = arith.constant 2.000000e-01 : f32
          %mul3A_365 = vector.broadcast %mul3A_364 : f32 to vector<16xf32>
          %mul3A_366 = arith.mulf %mul3A_365, %add3A_360 : vector<16xf32>
          %select_n3A_367 = arith.select %ge3A_363, %add3A_360, %mul3A_366 : vector<16xi1>, vector<16xf32>
          %exp3A_368 = math.exp %select_n3A_367 : vector<16xf32>
          %mul3A_369 = arith.mulf %exp3A_368, %get3A_253 : vector<16xf32>
          tpu.vector_store_idx %arg29[%add3A_249, %broadcast_in_dim3A_354], %mul3A_369 : memref<128x8xf32, #tpu.memory_space<vmem>>[vector<16xi32>, vector<16xi32>], vector<16xf32>,
          tpu.vector_store_idx %arg28[%add3A_249, %broadcast_in_dim3A_354], %mul3A_369 : memref<128x16xf32, #tpu.memory_space<vmem>>[vector<16xi32>, vector<16xi32>], vector<16xf32>,
          %broadcast_in_dim3A_370 = arith.constant 7 : i32
          %broadcast_in_dim3A_371 = vector.broadcast %broadcast_in_dim3A_370 : i32 to vector<16xi32>
          %gather3A_372 = tpu.vector_load_idx %arg27[%add3A_249, %broadcast_in_dim3A_371] : memref<128x16xf32, #tpu.memory_space<vmem>>[vector<16xi32>, vector<16xi32>], vector<16xf32>,
          %add3A_373 = arith.constant 8 : i32
          %add3A_374 = vector.broadcast %add3A_373 : i32 to vector<16xi32>
          %add3A_375 = arith.addi %broadcast_in_dim3A_371, %add3A_374 : vector<16xi32>
          %gather3A_376 = tpu.vector_load_idx %arg28[%add3A_249, %add3A_375] : memref<128x16xf32, #tpu.memory_space<vmem>>[vector<16xi32>, vector<16xi32>], vector<16xf32>,
          %add3A_377 = arith.addf %gather3A_372, %gather3A_376 : vector<16xf32>
          %ge3A_378 = arith.constant 0.000000e+00 : f32
          %ge3A_379 = vector.broadcast %ge3A_378 : f32 to vector<16xf32>
          %ge3A_380 = arith.cmpf oge, %add3A_377, %ge3A_379 : vector<16xf32>
          %mul3A_381 = arith.constant 2.000000e-01 : f32
          %mul3A_382 = vector.broadcast %mul3A_381 : f32 to vector<16xf32>
          %mul3A_383 = arith.mulf %mul3A_382, %add3A_377 : vector<16xf32>
          %select_n3A_384 = arith.select %ge3A_380, %add3A_377, %mul3A_383 : vector<16xi1>, vector<16xf32>
          %exp3A_385 = math.exp %select_n3A_384 : vector<16xf32>
          %mul3A_386 = arith.mulf %exp3A_385, %get3A_253 : vector<16xf32>
          tpu.vector_store_idx %arg29[%add3A_249, %broadcast_in_dim3A_371], %mul3A_386 : memref<128x8xf32, #tpu.memory_space<vmem>>[vector<16xi32>, vector<16xi32>], vector<16xf32>,
          tpu.vector_store_idx %arg28[%add3A_249, %broadcast_in_dim3A_371], %mul3A_386 : memref<128x16xf32, #tpu.memory_space<vmem>>[vector<16xi32>, vector<16xi32>], vector<16xf32>,
        }
        %scan3A_186 = arith.constant 8 : i32
        "tpu.region"() ({
          %run_scoped3A = tpu.sem_alloc : memref<!tpu.dma_semaphore, #tpu.memory_space<semaphore_mem>>
          %dma_start3A_245 = arith.constant 0 : i32
          %dma_start3A_246 = arith.constant 0 : i32
          %dma_start3A_247 = tpu.memref_slice %arg16[%dma_start3A_245, %dma_start3A_246] : memref<51200x8xf32, #tpu.memory_space<vmem_shared>> -> memref<51200x8xf32, #tpu.memory_space<vmem_shared>>
          tpu.enqueue_indirect_dma source(%arg29 : memref<128x8xf32, #tpu.memory_space<vmem>>) target(%dma_start3A_247 : memref<51200x8xf32, #tpu.memory_space<vmem_shared>>) offsets(%arg21 : memref<128xi32, #tpu.memory_space<vmem>>) semaphore(%run_scoped3A : memref<!tpu.dma_semaphore, #tpu.memory_space<semaphore_mem>>) {add = true}
          %dma_wait3A_248 = arith.constant 0 : i32
          %dma_wait3A_249 = arith.constant 0 : i32
          %dma_wait3A_250 = tpu.memref_slice %arg16[%dma_wait3A_248, %dma_wait3A_249] : memref<51200x8xf32, #tpu.memory_space<vmem_shared>> -> memref<51200x8xf32, #tpu.memory_space<vmem_shared>>
          tpu.wait_indirect_dma semaphore(%run_scoped3A : memref<!tpu.dma_semaphore, #tpu.memory_space<semaphore_mem>>) src(%arg29 : memref<128x8xf32, #tpu.memory_space<vmem>>) dst(%dma_wait3A_250 : memref<51200x8xf32, #tpu.memory_space<vmem_shared>>)
          tpu.yield
        }) : () -> ()
        %get3A = arith.constant 0 : index
        %get3A_187 = tpu.vector_load %arg21[%get3A] {strides = array<i32>} : memref<128xi32, #tpu.memory_space<vmem>>, vector<16xi32>,
        %sub3A_188 = vector.broadcast %mul3A_40 : i32 to vector<16xi32>
        %sub3A_189 = arith.subi %get3A_187, %sub3A_188 : vector<16xi32>
        %swap3A = arith.constant 0 : index
        %swap3A_190 = tpu.vector_load %arg30[%swap3A] {strides = array<i32>} : memref<128xi32, #tpu.memory_space<vmem>>, vector<16xi32>,
        tpu.vector_store %arg30[%swap3A], %sub3A_189 {strides = array<i32>} : memref<128xi32, #tpu.memory_space<vmem>>, vector<16xi32>,
        %get3A_191 = arith.constant 16 : index
        %get3A_192 = tpu.vector_load %arg21[%get3A_191] {strides = array<i32>} : memref<128xi32, #tpu.memory_space<vmem>>, vector<16xi32>,
        %sub3A_193 = vector.broadcast %mul3A_40 : i32 to vector<16xi32>
        %sub3A_194 = arith.subi %get3A_192, %sub3A_193 : vector<16xi32>
        %swap3A_195 = arith.constant 16 : index
        %swap3A_196 = tpu.vector_load %arg30[%swap3A_195] {strides = array<i32>} : memref<128xi32, #tpu.memory_space<vmem>>, vector<16xi32>,
        tpu.vector_store %arg30[%swap3A_195], %sub3A_194 {strides = array<i32>} : memref<128xi32, #tpu.memory_space<vmem>>, vector<16xi32>,
        %get3A_197 = arith.constant 32 : index
        %get3A_198 = tpu.vector_load %arg21[%get3A_197] {strides = array<i32>} : memref<128xi32, #tpu.memory_space<vmem>>, vector<16xi32>,
        %sub3A_199 = vector.broadcast %mul3A_40 : i32 to vector<16xi32>
        %sub3A_200 = arith.subi %get3A_198, %sub3A_199 : vector<16xi32>
        %swap3A_201 = arith.constant 32 : index
        %swap3A_202 = tpu.vector_load %arg30[%swap3A_201] {strides = array<i32>} : memref<128xi32, #tpu.memory_space<vmem>>, vector<16xi32>,
        tpu.vector_store %arg30[%swap3A_201], %sub3A_200 {strides = array<i32>} : memref<128xi32, #tpu.memory_space<vmem>>, vector<16xi32>,
        %get3A_203 = arith.constant 48 : index
        %get3A_204 = tpu.vector_load %arg21[%get3A_203] {strides = array<i32>} : memref<128xi32, #tpu.memory_space<vmem>>, vector<16xi32>,
        %sub3A_205 = vector.broadcast %mul3A_40 : i32 to vector<16xi32>
        %sub3A_206 = arith.subi %get3A_204, %sub3A_205 : vector<16xi32>
        %swap3A_207 = arith.constant 48 : index
        %swap3A_208 = tpu.vector_load %arg30[%swap3A_207] {strides = array<i32>} : memref<128xi32, #tpu.memory_space<vmem>>, vector<16xi32>,
        tpu.vector_store %arg30[%swap3A_207], %sub3A_206 {strides = array<i32>} : memref<128xi32, #tpu.memory_space<vmem>>, vector<16xi32>,
        %get3A_209 = arith.constant 64 : index
        %get3A_210 = tpu.vector_load %arg21[%get3A_209] {strides = array<i32>} : memref<128xi32, #tpu.memory_space<vmem>>, vector<16xi32>,
        %sub3A_211 = vector.broadcast %mul3A_40 : i32 to vector<16xi32>
        %sub3A_212 = arith.subi %get3A_210, %sub3A_211 : vector<16xi32>
        %swap3A_213 = arith.constant 64 : index
        %swap3A_214 = tpu.vector_load %arg30[%swap3A_213] {strides = array<i32>} : memref<128xi32, #tpu.memory_space<vmem>>, vector<16xi32>,
        tpu.vector_store %arg30[%swap3A_213], %sub3A_212 {strides = array<i32>} : memref<128xi32, #tpu.memory_space<vmem>>, vector<16xi32>,
        %get3A_215 = arith.constant 80 : index
        %get3A_216 = tpu.vector_load %arg21[%get3A_215] {strides = array<i32>} : memref<128xi32, #tpu.memory_space<vmem>>, vector<16xi32>,
        %sub3A_217 = vector.broadcast %mul3A_40 : i32 to vector<16xi32>
        %sub3A_218 = arith.subi %get3A_216, %sub3A_217 : vector<16xi32>
        %swap3A_219 = arith.constant 80 : index
        %swap3A_220 = tpu.vector_load %arg30[%swap3A_219] {strides = array<i32>} : memref<128xi32, #tpu.memory_space<vmem>>, vector<16xi32>,
        tpu.vector_store %arg30[%swap3A_219], %sub3A_218 {strides = array<i32>} : memref<128xi32, #tpu.memory_space<vmem>>, vector<16xi32>,
        %get3A_221 = arith.constant 96 : index
        %get3A_222 = tpu.vector_load %arg21[%get3A_221] {strides = array<i32>} : memref<128xi32, #tpu.memory_space<vmem>>, vector<16xi32>,
        %sub3A_223 = vector.broadcast %mul3A_40 : i32 to vector<16xi32>
        %sub3A_224 = arith.subi %get3A_222, %sub3A_223 : vector<16xi32>
        %swap3A_225 = arith.constant 96 : index
        %swap3A_226 = tpu.vector_load %arg30[%swap3A_225] {strides = array<i32>} : memref<128xi32, #tpu.memory_space<vmem>>, vector<16xi32>,
        tpu.vector_store %arg30[%swap3A_225], %sub3A_224 {strides = array<i32>} : memref<128xi32, #tpu.memory_space<vmem>>, vector<16xi32>,
        %get3A_227 = arith.constant 112 : index
        %get3A_228 = tpu.vector_load %arg21[%get3A_227] {strides = array<i32>} : memref<128xi32, #tpu.memory_space<vmem>>, vector<16xi32>,
        %sub3A_229 = vector.broadcast %mul3A_40 : i32 to vector<16xi32>
        %sub3A_230 = arith.subi %get3A_228, %sub3A_229 : vector<16xi32>
        %swap3A_231 = arith.constant 112 : index
        %swap3A_232 = tpu.vector_load %arg30[%swap3A_231] {strides = array<i32>} : memref<128xi32, #tpu.memory_space<vmem>>, vector<16xi32>,
        tpu.vector_store %arg30[%swap3A_231], %sub3A_230 {strides = array<i32>} : memref<128xi32, #tpu.memory_space<vmem>>, vector<16xi32>,
        %dma_wait3A_233 = arith.constant 0 : i32
        %dma_wait3A_234 = arith.constant 0 : i32
        %dma_wait3A_235 = tpu.memref_slice %arg2[%dma_wait3A_233, %dma_wait3A_234] : memref<50000x128xf32, #tpu.memory_space<hbm>> -> memref<50000x128xf32, #tpu.memory_space<hbm>>
        tpu.wait_indirect_dma semaphore(%arg31 : memref<!tpu.dma_semaphore, #tpu.memory_space<semaphore_mem>>) src(%dma_wait3A_235 : memref<50000x128xf32, #tpu.memory_space<hbm>>) dst(%arg26 : memref<128x128xf32, #tpu.memory_space<vmem>>)
        %scan3A_236 = arith.constant 0 : i32
        %scan3A_237 = arith.constant 0 : i32
        %scan3A_238 = arith.constant 128 : i32
        %scan3A_239 = arith.addi %scan3A_237, %scan3A_238 : i32
        %scan3A_240 = arith.constant 1 : i32
        scf.for %scan3A_245 = %scan3A_237 to %scan3A_239 step %scan3A_240  : i32 {
          %get3A_246 = arith.index_cast %scan3A_245 : i32 to index
          %get3A_247 = arith.constant 0 : index
          %get3A_248 = tpu.vector_load %arg28[%get3A_246, %get3A_247] {strides = array<i32>} : memref<128x16xf32, #tpu.memory_space<vmem>>, vector<16xf32>,
          %broadcast_in_dim3A_249 = arith.constant 0 : i32
          %broadcast_in_dim3A_250 = vector.broadcast %broadcast_in_dim3A_249 : i32 to vector<16x1xi32>
          %gather3A = vector.shape_cast %broadcast_in_dim3A_250 : vector<16x1xi32> to vector<16xi32>
          %gather3A_251 = tpu.dynamic_gather %get3A_248[%gather3A] in [0] : vector<16xf32>, vector<16xi32> -> vector<16xf32>
          %get3A_252 = arith.index_cast %scan3A_245 : i32 to index
          %get3A_253 = arith.constant 0 : index
          %get3A_254 = tpu.vector_load %arg26[%get3A_252, %get3A_253] {strides = array<i32>} : memref<128x128xf32, #tpu.memory_space<vmem>>, vector<16xf32>,
          %mul3A_255 = arith.mulf %get3A_254, %gather3A_251 : vector<16xf32>
          %swap3A_256 = arith.index_cast %scan3A_245 : i32 to index
          %swap3A_257 = arith.constant 0 : index
          %swap3A_258 = tpu.vector_load %arg26[%swap3A_256, %swap3A_257] {strides = array<i32>} : memref<128x128xf32, #tpu.memory_space<vmem>>, vector<16xf32>,
          tpu.vector_store %arg26[%swap3A_256, %swap3A_257], %mul3A_255 {strides = array<i32>} : memref<128x128xf32, #tpu.memory_space<vmem>>, vector<16xf32>,
          %broadcast_in_dim3A_259 = arith.constant 1 : i32
          %broadcast_in_dim3A_260 = vector.broadcast %broadcast_in_dim3A_259 : i32 to vector<16x1xi32>
          %gather3A_261 = vector.shape_cast %broadcast_in_dim3A_260 : vector<16x1xi32> to vector<16xi32>
          %gather3A_262 = tpu.dynamic_gather %get3A_248[%gather3A_261] in [0] : vector<16xf32>, vector<16xi32> -> vector<16xf32>
          %get3A_263 = arith.index_cast %scan3A_245 : i32 to index
          %get3A_264 = arith.constant 16 : index
          %get3A_265 = tpu.vector_load %arg26[%get3A_263, %get3A_264] {strides = array<i32>} : memref<128x128xf32, #tpu.memory_space<vmem>>, vector<16xf32>,
          %mul3A_266 = arith.mulf %get3A_265, %gather3A_262 : vector<16xf32>
          %swap3A_267 = arith.index_cast %scan3A_245 : i32 to index
          %swap3A_268 = arith.constant 16 : index
          %swap3A_269 = tpu.vector_load %arg26[%swap3A_267, %swap3A_268] {strides = array<i32>} : memref<128x128xf32, #tpu.memory_space<vmem>>, vector<16xf32>,
          tpu.vector_store %arg26[%swap3A_267, %swap3A_268], %mul3A_266 {strides = array<i32>} : memref<128x128xf32, #tpu.memory_space<vmem>>, vector<16xf32>,
          %broadcast_in_dim3A_270 = arith.constant 2 : i32
          %broadcast_in_dim3A_271 = vector.broadcast %broadcast_in_dim3A_270 : i32 to vector<16x1xi32>
          %gather3A_272 = vector.shape_cast %broadcast_in_dim3A_271 : vector<16x1xi32> to vector<16xi32>
          %gather3A_273 = tpu.dynamic_gather %get3A_248[%gather3A_272] in [0] : vector<16xf32>, vector<16xi32> -> vector<16xf32>
          %get3A_274 = arith.index_cast %scan3A_245 : i32 to index
          %get3A_275 = arith.constant 32 : index
          %get3A_276 = tpu.vector_load %arg26[%get3A_274, %get3A_275] {strides = array<i32>} : memref<128x128xf32, #tpu.memory_space<vmem>>, vector<16xf32>,
          %mul3A_277 = arith.mulf %get3A_276, %gather3A_273 : vector<16xf32>
          %swap3A_278 = arith.index_cast %scan3A_245 : i32 to index
          %swap3A_279 = arith.constant 32 : index
          %swap3A_280 = tpu.vector_load %arg26[%swap3A_278, %swap3A_279] {strides = array<i32>} : memref<128x128xf32, #tpu.memory_space<vmem>>, vector<16xf32>,
          tpu.vector_store %arg26[%swap3A_278, %swap3A_279], %mul3A_277 {strides = array<i32>} : memref<128x128xf32, #tpu.memory_space<vmem>>, vector<16xf32>,
          %broadcast_in_dim3A_281 = arith.constant 3 : i32
          %broadcast_in_dim3A_282 = vector.broadcast %broadcast_in_dim3A_281 : i32 to vector<16x1xi32>
          %gather3A_283 = vector.shape_cast %broadcast_in_dim3A_282 : vector<16x1xi32> to vector<16xi32>
          %gather3A_284 = tpu.dynamic_gather %get3A_248[%gather3A_283] in [0] : vector<16xf32>, vector<16xi32> -> vector<16xf32>
          %get3A_285 = arith.index_cast %scan3A_245 : i32 to index
          %get3A_286 = arith.constant 48 : index
          %get3A_287 = tpu.vector_load %arg26[%get3A_285, %get3A_286] {strides = array<i32>} : memref<128x128xf32, #tpu.memory_space<vmem>>, vector<16xf32>,
          %mul3A_288 = arith.mulf %get3A_287, %gather3A_284 : vector<16xf32>
          %swap3A_289 = arith.index_cast %scan3A_245 : i32 to index
          %swap3A_290 = arith.constant 48 : index
          %swap3A_291 = tpu.vector_load %arg26[%swap3A_289, %swap3A_290] {strides = array<i32>} : memref<128x128xf32, #tpu.memory_space<vmem>>, vector<16xf32>,
          tpu.vector_store %arg26[%swap3A_289, %swap3A_290], %mul3A_288 {strides = array<i32>} : memref<128x128xf32, #tpu.memory_space<vmem>>, vector<16xf32>,
          %broadcast_in_dim3A_292 = arith.constant 4 : i32
          %broadcast_in_dim3A_293 = vector.broadcast %broadcast_in_dim3A_292 : i32 to vector<16x1xi32>
          %gather3A_294 = vector.shape_cast %broadcast_in_dim3A_293 : vector<16x1xi32> to vector<16xi32>
          %gather3A_295 = tpu.dynamic_gather %get3A_248[%gather3A_294] in [0] : vector<16xf32>, vector<16xi32> -> vector<16xf32>
          %get3A_296 = arith.index_cast %scan3A_245 : i32 to index
          %get3A_297 = arith.constant 64 : index
          %get3A_298 = tpu.vector_load %arg26[%get3A_296, %get3A_297] {strides = array<i32>} : memref<128x128xf32, #tpu.memory_space<vmem>>, vector<16xf32>,
          %mul3A_299 = arith.mulf %get3A_298, %gather3A_295 : vector<16xf32>
          %swap3A_300 = arith.index_cast %scan3A_245 : i32 to index
          %swap3A_301 = arith.constant 64 : index
          %swap3A_302 = tpu.vector_load %arg26[%swap3A_300, %swap3A_301] {strides = array<i32>} : memref<128x128xf32, #tpu.memory_space<vmem>>, vector<16xf32>,
          tpu.vector_store %arg26[%swap3A_300, %swap3A_301], %mul3A_299 {strides = array<i32>} : memref<128x128xf32, #tpu.memory_space<vmem>>, vector<16xf32>,
          %broadcast_in_dim3A_303 = arith.constant 5 : i32
          %broadcast_in_dim3A_304 = vector.broadcast %broadcast_in_dim3A_303 : i32 to vector<16x1xi32>
          %gather3A_305 = vector.shape_cast %broadcast_in_dim3A_304 : vector<16x1xi32> to vector<16xi32>
          %gather3A_306 = tpu.dynamic_gather %get3A_248[%gather3A_305] in [0] : vector<16xf32>, vector<16xi32> -> vector<16xf32>
          %get3A_307 = arith.index_cast %scan3A_245 : i32 to index
          %get3A_308 = arith.constant 80 : index
          %get3A_309 = tpu.vector_load %arg26[%get3A_307, %get3A_308] {strides = array<i32>} : memref<128x128xf32, #tpu.memory_space<vmem>>, vector<16xf32>,
          %mul3A_310 = arith.mulf %get3A_309, %gather3A_306 : vector<16xf32>
          %swap3A_311 = arith.index_cast %scan3A_245 : i32 to index
          %swap3A_312 = arith.constant 80 : index
          %swap3A_313 = tpu.vector_load %arg26[%swap3A_311, %swap3A_312] {strides = array<i32>} : memref<128x128xf32, #tpu.memory_space<vmem>>, vector<16xf32>,
          tpu.vector_store %arg26[%swap3A_311, %swap3A_312], %mul3A_310 {strides = array<i32>} : memref<128x128xf32, #tpu.memory_space<vmem>>, vector<16xf32>,
          %broadcast_in_dim3A_314 = arith.constant 6 : i32
          %broadcast_in_dim3A_315 = vector.broadcast %broadcast_in_dim3A_314 : i32 to vector<16x1xi32>
          %gather3A_316 = vector.shape_cast %broadcast_in_dim3A_315 : vector<16x1xi32> to vector<16xi32>
          %gather3A_317 = tpu.dynamic_gather %get3A_248[%gather3A_316] in [0] : vector<16xf32>, vector<16xi32> -> vector<16xf32>
          %get3A_318 = arith.index_cast %scan3A_245 : i32 to index
          %get3A_319 = arith.constant 96 : index
          %get3A_320 = tpu.vector_load %arg26[%get3A_318, %get3A_319] {strides = array<i32>} : memref<128x128xf32, #tpu.memory_space<vmem>>, vector<16xf32>,
          %mul3A_321 = arith.mulf %get3A_320, %gather3A_317 : vector<16xf32>
          %swap3A_322 = arith.index_cast %scan3A_245 : i32 to index
          %swap3A_323 = arith.constant 96 : index
          %swap3A_324 = tpu.vector_load %arg26[%swap3A_322, %swap3A_323] {strides = array<i32>} : memref<128x128xf32, #tpu.memory_space<vmem>>, vector<16xf32>,
          tpu.vector_store %arg26[%swap3A_322, %swap3A_323], %mul3A_321 {strides = array<i32>} : memref<128x128xf32, #tpu.memory_space<vmem>>, vector<16xf32>,
          %broadcast_in_dim3A_325 = arith.constant 7 : i32
          %broadcast_in_dim3A_326 = vector.broadcast %broadcast_in_dim3A_325 : i32 to vector<16x1xi32>
          %gather3A_327 = vector.shape_cast %broadcast_in_dim3A_326 : vector<16x1xi32> to vector<16xi32>
          %gather3A_328 = tpu.dynamic_gather %get3A_248[%gather3A_327] in [0] : vector<16xf32>, vector<16xi32> -> vector<16xf32>
          %get3A_329 = arith.index_cast %scan3A_245 : i32 to index
          %get3A_330 = arith.constant 112 : index
          %get3A_331 = tpu.vector_load %arg26[%get3A_329, %get3A_330] {strides = array<i32>} : memref<128x128xf32, #tpu.memory_space<vmem>>, vector<16xf32>,
          %mul3A_332 = arith.mulf %get3A_331, %gather3A_328 : vector<16xf32>
          %swap3A_333 = arith.index_cast %scan3A_245 : i32 to index
          %swap3A_334 = arith.constant 112 : index
          %swap3A_335 = tpu.vector_load %arg26[%swap3A_333, %swap3A_334] {strides = array<i32>} : memref<128x128xf32, #tpu.memory_space<vmem>>, vector<16xf32>,
          tpu.vector_store %arg26[%swap3A_333, %swap3A_334], %mul3A_332 {strides = array<i32>} : memref<128x128xf32, #tpu.memory_space<vmem>>, vector<16xf32>,
        }
        %scan3A_241 = arith.constant 128 : i32
        "tpu.region"() ({
          %run_scoped3A = tpu.sem_alloc : memref<!tpu.dma_semaphore, #tpu.memory_space<semaphore_mem>>
          %dma_start3A_245 = arith.constant 0 : i32
          %dma_start3A_246 = arith.constant 0 : i32
          %dma_start3A_247 = tpu.memref_slice %arg17[%dma_start3A_245, %dma_start3A_246] : memref<10240x128xf32, #tpu.memory_space<vmem_shared>> -> memref<10240x128xf32, #tpu.memory_space<vmem_shared>>
          tpu.enqueue_indirect_dma source(%arg26 : memref<128x128xf32, #tpu.memory_space<vmem>>) target(%dma_start3A_247 : memref<10240x128xf32, #tpu.memory_space<vmem_shared>>) offsets(%arg30 : memref<128xi32, #tpu.memory_space<vmem>>) semaphore(%run_scoped3A : memref<!tpu.dma_semaphore, #tpu.memory_space<semaphore_mem>>) {add = true}
          %dma_wait3A_248 = arith.constant 0 : i32
          %dma_wait3A_249 = arith.constant 0 : i32
          %dma_wait3A_250 = tpu.memref_slice %arg17[%dma_wait3A_248, %dma_wait3A_249] : memref<10240x128xf32, #tpu.memory_space<vmem_shared>> -> memref<10240x128xf32, #tpu.memory_space<vmem_shared>>
          tpu.wait_indirect_dma semaphore(%run_scoped3A : memref<!tpu.dma_semaphore, #tpu.memory_space<semaphore_mem>>) src(%arg26 : memref<128x128xf32, #tpu.memory_space<vmem>>) dst(%dma_wait3A_250 : memref<10240x128xf32, #tpu.memory_space<vmem_shared>>)
          tpu.yield
        }) : () -> ()
        %barrier3A_242 = arith.constant 0 : index
        tpu.barrier barrier_id(%barrier3A_242)
        %add3A_243 = arith.addi %mul3A_40, %mul3A_28 : i32
        "tpu.region"() ({
          %run_scoped3A = tpu.sem_alloc : memref<!tpu.dma_semaphore, #tpu.memory_space<semaphore_mem>>
          %dma_start3A_245 = arith.constant 0 : i32
          %dma_start3A_246 = tpu.memref_slice %arg12[%add3A_243, %dma_start3A_245] : memref<51200x128xf32, #tpu.memory_space<hbm>> -> memref<640x128xf32, #tpu.memory_space<hbm>>
          %dma_start3A_247 = arith.constant 0 : i32
          %dma_start3A_248 = tpu.memref_slice %arg17[%mul3A_28, %dma_start3A_247] : memref<10240x128xf32, #tpu.memory_space<vmem_shared>> -> memref<640x128xf32, #tpu.memory_space<vmem_shared>>
          tpu.enqueue_dma source(%dma_start3A_248 : memref<640x128xf32, #tpu.memory_space<vmem_shared>>) target(%dma_start3A_246 : memref<640x128xf32, #tpu.memory_space<hbm>>) target_semaphore(%run_scoped3A : memref<!tpu.dma_semaphore, #tpu.memory_space<semaphore_mem>>)
          %dma_wait3A_249 = arith.constant 0 : i32
          %dma_wait3A_250 = tpu.memref_slice %arg12[%add3A_243, %dma_wait3A_249] : memref<51200x128xf32, #tpu.memory_space<hbm>> -> memref<640x128xf32, #tpu.memory_space<hbm>>
          %dma_wait3A_251 = arith.constant 0 : i32
          %dma_wait3A_252 = tpu.memref_slice %arg17[%mul3A_28, %dma_wait3A_251] : memref<10240x128xf32, #tpu.memory_space<vmem_shared>> -> memref<640x128xf32, #tpu.memory_space<vmem_shared>>
          tpu.wait_dma2 semaphore(%run_scoped3A : memref<!tpu.dma_semaphore, #tpu.memory_space<semaphore_mem>>) src(%dma_wait3A_252 : memref<640x128xf32, #tpu.memory_space<vmem_shared>>) dst(%dma_wait3A_250 : memref<640x128xf32, #tpu.memory_space<hbm>>)
          tpu.yield
        }) : () -> ()
        %barrier3A_244 = arith.constant 0 : index
        tpu.barrier barrier_id(%barrier3A_244)
      }
      %scan3A_33 = arith.constant 5 : i32
      %mul3A_34 = arith.constant 3200 : i32
      %mul3A_35 = arith.muli %arg1, %mul3A_34 : i32
      %mul3A_36 = arith.constant 3200 : i32
      %mul3A_37 = arith.muli %arg1, %mul3A_36 : i32
      "tpu.region"() ({
        %run_scoped3A = tpu.sem_alloc : memref<!tpu.dma_semaphore, #tpu.memory_space<semaphore_mem>>
        %dma_start3A = arith.constant 0 : i32
        %dma_start3A_38 = tpu.memref_slice %arg13[%mul3A_37, %dma_start3A] : memref<51200x8xf32, #tpu.memory_space<hbm>> -> memref<3200x8xf32, #tpu.memory_space<hbm>>
        %dma_start3A_39 = arith.constant 0 : i32
        %dma_start3A_40 = tpu.memref_slice %arg16[%mul3A_35, %dma_start3A_39] : memref<51200x8xf32, #tpu.memory_space<vmem_shared>> -> memref<3200x8xf32, #tpu.memory_space<vmem_shared>>
        tpu.enqueue_dma source(%dma_start3A_40 : memref<3200x8xf32, #tpu.memory_space<vmem_shared>>) target(%dma_start3A_38 : memref<3200x8xf32, #tpu.memory_space<hbm>>) target_semaphore(%run_scoped3A : memref<!tpu.dma_semaphore, #tpu.memory_space<semaphore_mem>>)
        %dma_wait3A = arith.constant 0 : i32
        %dma_wait3A_41 = tpu.memref_slice %arg13[%mul3A_37, %dma_wait3A] : memref<51200x8xf32, #tpu.memory_space<hbm>> -> memref<3200x8xf32, #tpu.memory_space<hbm>>
        %dma_wait3A_42 = arith.constant 0 : i32
        %dma_wait3A_43 = tpu.memref_slice %arg16[%mul3A_35, %dma_wait3A_42] : memref<51200x8xf32, #tpu.memory_space<vmem_shared>> -> memref<3200x8xf32, #tpu.memory_space<vmem_shared>>
        tpu.wait_dma2 semaphore(%run_scoped3A : memref<!tpu.dma_semaphore, #tpu.memory_space<semaphore_mem>>) src(%dma_wait3A_43 : memref<3200x8xf32, #tpu.memory_space<vmem_shared>>) dst(%dma_wait3A_41 : memref<3200x8xf32, #tpu.memory_space<hbm>>)
        tpu.yield
      }) : () -> ()
    } else {
    }
    %eq3A_2 = arith.constant 1 : i32
    %eq3A_3 = arith.cmpi eq, %arg0, %eq3A_2 : i32
    %convert_element_type3A_4 = arith.extui %eq3A_3 : i1 to i32
    %cond3A_5 = arith.constant 0 : i32
    %cond3A_6 = arith.cmpi ne, %convert_element_type3A_4, %cond3A_5 : i32
    scf.if %cond3A_6 {
      %iota3A = tpu.iota {dimensions = array<i32: 0>} : vector<16xi32>
      %sub3A = arith.constant 782 : i32
      %sub3A_7 = arith.subi %sub3A, %arg1 : i32
      %add3A = arith.constant 15 : i32
      %add3A_8 = arith.addi %sub3A_7, %add3A : i32
      %jit3A = arith.constant 16 : i32
      %div3A = arith.divsi %add3A_8, %jit3A : i32
      %sign3A = arith.constant 0 : i32
      %sign3A_9 = arith.cmpi sgt, %add3A_8, %sign3A : i32
      %sign3A_10 = arith.extui %sign3A_9 : i1 to i32
      %sign3A_11 = arith.constant 0 : i32
      %sign3A_12 = arith.cmpi slt, %add3A_8, %sign3A_11 : i32
      %sign3A_13 = arith.extui %sign3A_12 : i1 to i32
      %sign3A_14 = arith.subi %sign3A_10, %sign3A_13 : i32
      %sign3A_15 = arith.constant 0 : i32
      %sign3A_16 = arith.cmpi sgt, %jit3A, %sign3A_15 : i32
      %sign3A_17 = arith.extui %sign3A_16 : i1 to i32
      %sign3A_18 = arith.constant 0 : i32
      %sign3A_19 = arith.cmpi slt, %jit3A, %sign3A_18 : i32
      %sign3A_20 = arith.extui %sign3A_19 : i1 to i32
      %sign3A_21 = arith.subi %sign3A_17, %sign3A_20 : i32
      %ne3A = arith.cmpi ne, %sign3A_14, %sign3A_21 : i32
      %rem3A = arith.remsi %add3A_8, %jit3A : i32
      %ne3A_22 = arith.constant 0 : i32
      %ne3A_23 = arith.cmpi ne, %rem3A, %ne3A_22 : i32
      %and3A = arith.andi %ne3A, %ne3A_23 : i1
      %sub3A_24 = arith.constant 1 : i32
      %sub3A_25 = arith.subi %div3A, %sub3A_24 : i32
      %select_n3A = arith.select %and3A, %sub3A_25, %div3A : i32
      %mul3A = arith.constant 3200 : i32
      %mul3A_26 = arith.muli %arg1, %mul3A : i32
      "tpu.region"() ({
        %run_scoped3A = tpu.sem_alloc : memref<!tpu.dma_semaphore, #tpu.memory_space<semaphore_mem>>
        %dma_start3A = arith.constant 0 : i32
        %dma_start3A_38 = tpu.memref_slice %arg16[%mul3A_26, %dma_start3A] : memref<51200x8xf32, #tpu.memory_space<vmem_shared>> -> memref<3200x8xf32, #tpu.memory_space<vmem_shared>>
        tpu.enqueue_dma source(%arg11 : memref<3200x8xf32, #tpu.memory_space<hbm>>) target(%dma_start3A_38 : memref<3200x8xf32, #tpu.memory_space<vmem_shared>>) target_semaphore(%run_scoped3A : memref<!tpu.dma_semaphore, #tpu.memory_space<semaphore_mem>>)
        %dma_wait3A = arith.constant 0 : i32
        %dma_wait3A_39 = tpu.memref_slice %arg16[%mul3A_26, %dma_wait3A] : memref<51200x8xf32, #tpu.memory_space<vmem_shared>> -> memref<3200x8xf32, #tpu.memory_space<vmem_shared>>
        tpu.wait_dma2 semaphore(%run_scoped3A : memref<!tpu.dma_semaphore, #tpu.memory_space<semaphore_mem>>) src(%arg11 : memref<3200x8xf32, #tpu.memory_space<hbm>>) dst(%dma_wait3A_39 : memref<3200x8xf32, #tpu.memory_space<vmem_shared>>)
        tpu.yield
      }) : () -> ()
      %mul3A_27 = arith.constant 640 : i32
      %mul3A_28 = arith.muli %arg1, %mul3A_27 : i32
      %scan3A = arith.constant 0 : i32
      %scan3A_29 = arith.constant 0 : i32
      %scan3A_30 = arith.constant 5 : i32
      %scan3A_31 = arith.addi %scan3A_29, %scan3A_30 : i32
      %scan3A_32 = arith.constant 1 : i32
      scf.for %scan3A_38 = %scan3A_29 to %scan3A_31 step %scan3A_32  : i32 {
        %mul3A_39 = arith.constant 10240 : i32
        %mul3A_40 = arith.muli %scan3A_38, %mul3A_39 : i32
        "tpu.region"() ({
          %run_scoped3A = tpu.sem_alloc : memref<!tpu.dma_semaphore, #tpu.memory_space<semaphore_mem>>
          %dma_start3A_245 = arith.constant 0 : i32
          %dma_start3A_246 = tpu.memref_slice %arg17[%mul3A_28, %dma_start3A_245] : memref<10240x128xf32, #tpu.memory_space<vmem_shared>> -> memref<640x128xf32, #tpu.memory_space<vmem_shared>>
          tpu.enqueue_dma source(%arg10 : memref<640x128xf32, #tpu.memory_space<hbm>>) target(%dma_start3A_246 : memref<640x128xf32, #tpu.memory_space<vmem_shared>>) target_semaphore(%run_scoped3A : memref<!tpu.dma_semaphore, #tpu.memory_space<semaphore_mem>>)
          %dma_wait3A_247 = arith.constant 0 : i32
          %dma_wait3A_248 = tpu.memref_slice %arg17[%mul3A_28, %dma_wait3A_247] : memref<10240x128xf32, #tpu.memory_space<vmem_shared>> -> memref<640x128xf32, #tpu.memory_space<vmem_shared>>
          tpu.wait_dma2 semaphore(%run_scoped3A : memref<!tpu.dma_semaphore, #tpu.memory_space<semaphore_mem>>) src(%arg10 : memref<640x128xf32, #tpu.memory_space<hbm>>) dst(%dma_wait3A_248 : memref<640x128xf32, #tpu.memory_space<vmem_shared>>)
          tpu.yield
        }) : () -> ()
        %barrier3A = arith.constant 0 : index
        tpu.barrier barrier_id(%barrier3A)
        %while3A = arith.constant 0 : i32
        %while3A_41 = arith.constant 0 : i32
        %while3A_42 = arith.subi %select_n3A, %while3A : i32
        %while3A_43 = arith.addi %while3A, %while3A_42 : i32
        %while3A_44 = arith.constant 1 : i32
        %while3A_45 = arith.divsi %while3A_42, %while3A_44 : i32
        %while3A_46 = arith.muli %while3A_45, %while3A_44 : i32
        %while3A_47 = arith.addi %while3A, %while3A_46 : i32
        %while3A_48 = arith.constant 1 : i32
        %while3A_49 = scf.for %while3A_245 = %while3A to %while3A_47 step %while3A_48 iter_args(%while3A_246 = %while3A_41) -> (i32)  : i32 {
          %mul3A_247 = arith.constant 16 : i32
          %mul3A_248 = arith.muli %while3A_245, %mul3A_247 : i32
          %add3A_249 = arith.addi %arg1, %mul3A_248 : i32
          %mul3A_250 = arith.constant 256 : i32
          %mul3A_251 = arith.muli %add3A_249, %mul3A_250 : i32
          "tpu.region"() ({
            %run_scoped3A = tpu.sem_alloc : memref<!tpu.dma_semaphore, #tpu.memory_space<semaphore_mem>>
            %dma_start3A_258 = tpu.memref_slice %arg8[%mul3A_251] : memref<200192xi32, #tpu.memory_space<hbm>> -> memref<256xi32, #tpu.memory_space<hbm>>
            %dma_start3A_259 = tpu.memref_slice %arg8[%mul3A_251] : memref<200192xi32, #tpu.memory_space<hbm>> -> memref<256xi32, #tpu.memory_space<hbm>>
            tpu.enqueue_dma source(%dma_start3A_259 : memref<256xi32, #tpu.memory_space<hbm>>) target(%arg18 : memref<256xi32, #tpu.memory_space<vmem>>) target_semaphore(%run_scoped3A : memref<!tpu.dma_semaphore, #tpu.memory_space<semaphore_mem>>)
            %dma_wait3A_260 = tpu.memref_slice %arg8[%mul3A_251] : memref<200192xi32, #tpu.memory_space<hbm>> -> memref<256xi32, #tpu.memory_space<hbm>>
            %dma_wait3A_261 = tpu.memref_slice %arg8[%mul3A_251] : memref<200192xi32, #tpu.memory_space<hbm>> -> memref<256xi32, #tpu.memory_space<hbm>>
            tpu.wait_dma2 semaphore(%run_scoped3A : memref<!tpu.dma_semaphore, #tpu.memory_space<semaphore_mem>>) src(%dma_wait3A_261 : memref<256xi32, #tpu.memory_space<hbm>>) dst(%arg18 : memref<256xi32, #tpu.memory_space<vmem>>)
            tpu.yield
          }) : () -> ()
          "tpu.region"() ({
            %run_scoped3A = tpu.sem_alloc : memref<!tpu.dma_semaphore, #tpu.memory_space<semaphore_mem>>
            %dma_start3A_258 = tpu.memref_slice %arg9[%mul3A_251] : memref<200192xi32, #tpu.memory_space<hbm>> -> memref<256xi32, #tpu.memory_space<hbm>>
            %dma_start3A_259 = tpu.memref_slice %arg9[%mul3A_251] : memref<200192xi32, #tpu.memory_space<hbm>> -> memref<256xi32, #tpu.memory_space<hbm>>
            tpu.enqueue_dma source(%dma_start3A_259 : memref<256xi32, #tpu.memory_space<hbm>>) target(%arg19 : memref<256xi32, #tpu.memory_space<vmem>>) target_semaphore(%run_scoped3A : memref<!tpu.dma_semaphore, #tpu.memory_space<semaphore_mem>>)
            %dma_wait3A_260 = tpu.memref_slice %arg9[%mul3A_251] : memref<200192xi32, #tpu.memory_space<hbm>> -> memref<256xi32, #tpu.memory_space<hbm>>
            %dma_wait3A_261 = tpu.memref_slice %arg9[%mul3A_251] : memref<200192xi32, #tpu.memory_space<hbm>> -> memref<256xi32, #tpu.memory_space<hbm>>
            tpu.wait_dma2 semaphore(%run_scoped3A : memref<!tpu.dma_semaphore, #tpu.memory_space<semaphore_mem>>) src(%dma_wait3A_261 : memref<256xi32, #tpu.memory_space<hbm>>) dst(%arg19 : memref<256xi32, #tpu.memory_space<vmem>>)
            tpu.yield
          }) : () -> ()
          %scan3A_252 = arith.constant 0 : i32
          %scan3A_253 = arith.constant 16 : i32
          %scan3A_254 = arith.addi %scan3A_252, %scan3A_253 : i32
          %scan3A_255 = arith.constant 1 : i32
          %scan3A_256 = scf.for %scan3A_258 = %scan3A_252 to %scan3A_254 step %scan3A_255 iter_args(%scan3A_259 = %while3A_246) -> (i32)  : i32 {
            %mul3A_260 = arith.constant 16 : i32
            %mul3A_261 = arith.muli %scan3A_258, %mul3A_260 : i32
            %add3A_262 = vector.broadcast %mul3A_261 : i32 to vector<16xi32>
            %add3A_263 = arith.addi %add3A_262, %iota3A : vector<16xi32>
            %add3A_264 = vector.broadcast %mul3A_251 : i32 to vector<16xi32>
            %add3A_265 = arith.addi %add3A_264, %add3A_263 : vector<16xi32>
            %mul3A_266 = arith.constant 16 : i32
            %mul3A_267 = arith.muli %scan3A_258, %mul3A_266 : i32
            %get3A_268 = arith.index_cast %mul3A_267 : i32 to index
            %get3A_269 = tpu.vector_load %arg18[%get3A_268] {strides = array<i32>} : memref<256xi32, #tpu.memory_space<vmem>>, vector<16xi32>,
            %mul3A_270 = arith.constant 16 : i32
            %mul3A_271 = arith.muli %scan3A_258, %mul3A_270 : i32
            %get3A_272 = arith.index_cast %mul3A_271 : i32 to index
            %get3A_273 = tpu.vector_load %arg19[%get3A_272] {strides = array<i32>} : memref<256xi32, #tpu.memory_space<vmem>>, vector<16xi32>,
            %ge3A = vector.broadcast %mul3A_40 : i32 to vector<16xi32>
            %ge3A_274 = arith.cmpi sge, %get3A_273, %ge3A : vector<16xi32>
            %add3A_275 = arith.constant 10240 : i32
            %add3A_276 = arith.addi %mul3A_40, %add3A_275 : i32
            %lt3A_277 = vector.broadcast %add3A_276 : i32 to vector<16xi32>
            %lt3A_278 = arith.cmpi slt, %get3A_273, %lt3A_277 : vector<16xi32>
            %and3A_279 = arith.andi %ge3A_274, %lt3A_278 : vector<16xi1>
            %lt3A_280 = arith.constant 200000 : i32
            %lt3A_281 = vector.broadcast %lt3A_280 : i32 to vector<16xi32>
            %lt3A_282 = arith.cmpi slt, %add3A_265, %lt3A_281 : vector<16xi32>
            %and3A_283 = arith.andi %and3A_279, %lt3A_282 : vector<16xi1>
            %convert_element_type3A_284 = arith.extui %and3A_283 : vector<16xi1> to vector<16xi32>
            %reduce_sum3A = arith.constant true
            %reduce_sum3A_285 = vector.broadcast %reduce_sum3A : i1 to vector<16xi1>
            %reduce_sum3A_286 = tpu.scan <sum>, %convert_element_type3A_284 masked %reduce_sum3A_285 : vector<16xi32>, vector<16xi1> -> vector<16xi32>
            %reduce_sum3A_287 = vector.extract %reduce_sum3A_286[15] : i32 from vector<16xi32>
            %convert_element_type3A_288 = arith.extui %and3A_283 : vector<16xi1> to vector<16xi32>
            %broadcast_in_dim3A_289 = arith.constant true
            %broadcast_in_dim3A_290 = vector.broadcast %broadcast_in_dim3A_289 : i1 to vector<16xi1>
            %masked_cumsum3A = tpu.scan <sum>, %convert_element_type3A_288 masked %broadcast_in_dim3A_290 : vector<16xi32>, vector<16xi1> -> vector<16xi32>
            %add3A_291 = vector.broadcast %scan3A_259 : i32 to vector<16xi32>
            %add3A_292 = arith.addi %add3A_291, %masked_cumsum3A : vector<16xi32>
            %sub3A_293 = arith.constant 1 : i32
            %sub3A_294 = vector.broadcast %sub3A_293 : i32 to vector<16xi32>
            %sub3A_295 = arith.subi %add3A_292, %sub3A_294 : vector<16xi32>
            %lt3A_296 = arith.constant 128 : i32
            %lt3A_297 = vector.broadcast %lt3A_296 : i32 to vector<16xi32>
            %lt3A_298 = arith.cmpi slt, %sub3A_295, %lt3A_297 : vector<16xi32>
            %and3A_299 = arith.andi %and3A_283, %lt3A_298 : vector<16xi1>
            %ge3A_300 = arith.constant 128 : i32
            %ge3A_301 = vector.broadcast %ge3A_300 : i32 to vector<16xi32>
            %ge3A_302 = arith.cmpi sge, %sub3A_295, %ge3A_301 : vector<16xi32>
            %and3A_303 = arith.andi %and3A_283, %ge3A_302 : vector<16xi1>
            %broadcast_in_dim3A_304 = arith.constant 1.000000e+00 : f32
            %broadcast_in_dim3A_305 = vector.broadcast %broadcast_in_dim3A_304 : f32 to vector<16xf32>
            tpu.vector_store_idx %arg20[%sub3A_295], %get3A_269 masked %and3A_299 : memref<128xi32, #tpu.memory_space<vmem>>[vector<16xi32>], vector<16xi32>, vector<16xi1>
            tpu.vector_store_idx %arg21[%sub3A_295], %get3A_273 masked %and3A_299 : memref<128xi32, #tpu.memory_space<vmem>>[vector<16xi32>], vector<16xi32>, vector<16xi1>
            tpu.vector_store_idx %arg22[%sub3A_295], %broadcast_in_dim3A_305 masked %and3A_299 : memref<128xf32, #tpu.memory_space<vmem>>[vector<16xi32>], vector<16xf32>, vector<16xi1>
            %sub3A_306 = arith.constant 128 : i32
            %sub3A_307 = vector.broadcast %sub3A_306 : i32 to vector<16xi32>
            %sub3A_308 = arith.subi %sub3A_295, %sub3A_307 : vector<16xi32>
            tpu.vector_store_idx %arg23[%sub3A_308], %get3A_269 masked %and3A_303 : memref<16xi32, #tpu.memory_space<vmem>>[vector<16xi32>], vector<16xi32>, vector<16xi1>
            %sub3A_309 = arith.constant 128 : i32
            %sub3A_310 = vector.broadcast %sub3A_309 : i32 to vector<16xi32>
            %sub3A_311 = arith.subi %sub3A_295, %sub3A_310 : vector<16xi32>
            tpu.vector_store_idx %arg24[%sub3A_311], %get3A_273 masked %and3A_303 : memref<16xi32, #tpu.memory_space<vmem>>[vector<16xi32>], vector<16xi32>, vector<16xi1>
            %sub3A_312 = arith.constant 128 : i32
            %sub3A_313 = vector.broadcast %sub3A_312 : i32 to vector<16xi32>
            %sub3A_314 = arith.subi %sub3A_295, %sub3A_313 : vector<16xi32>
            tpu.vector_store_idx %arg25[%sub3A_314], %broadcast_in_dim3A_305 masked %and3A_303 : memref<16xf32, #tpu.memory_space<vmem>>[vector<16xi32>], vector<16xf32>, vector<16xi1>
            %add3A_315 = arith.addi %scan3A_259, %reduce_sum3A_287 : i32
            %ge3A_316 = arith.constant 128 : i32
            %ge3A_317 = arith.cmpi sge, %add3A_315, %ge3A_316 : i32
            %convert_element_type3A_318 = arith.extui %ge3A_317 : i1 to i32
            %cond3A_319 = arith.constant 0 : i32
            %cond3A_320 = arith.cmpi ne, %convert_element_type3A_318, %cond3A_319 : i32
            %cond3A_321 = scf.if %cond3A_320 -> (i32) {
              %sub3A_322 = arith.constant 128 : i32
              %sub3A_323 = arith.subi %add3A_315, %sub3A_322 : i32
              %dma_start3A_324 = arith.constant 0 : i32
              %dma_start3A_325 = arith.constant 0 : i32
              %dma_start3A_326 = tpu.memref_slice %arg3[%dma_start3A_324, %dma_start3A_325] : memref<50000x128xf32, #tpu.memory_space<hbm>> -> memref<50000x128xf32, #tpu.memory_space<hbm>>
              tpu.enqueue_indirect_dma source(%dma_start3A_326 : memref<50000x128xf32, #tpu.memory_space<hbm>>) target(%arg26 : memref<128x128xf32, #tpu.memory_space<vmem>>) offsets(%arg20 : memref<128xi32, #tpu.memory_space<vmem>>) semaphore(%arg31 : memref<!tpu.dma_semaphore, #tpu.memory_space<semaphore_mem>>)
              %dma_start3A_327 = arith.constant 0 : i32
              %dma_start3A_328 = arith.constant 0 : i32
              %dma_start3A_329 = tpu.memref_slice %arg5[%dma_start3A_327, %dma_start3A_328] : memref<50000x16xf32, #tpu.memory_space<hbm>> -> memref<50000x16xf32, #tpu.memory_space<hbm>>
              tpu.enqueue_indirect_dma source(%dma_start3A_329 : memref<50000x16xf32, #tpu.memory_space<hbm>>) target(%arg27 : memref<128x16xf32, #tpu.memory_space<vmem>>) offsets(%arg20 : memref<128xi32, #tpu.memory_space<vmem>>) semaphore(%arg32 : memref<!tpu.dma_semaphore, #tpu.memory_space<semaphore_mem>>)
              %dma_start3A_330 = arith.constant 0 : i32
              %dma_start3A_331 = arith.constant 0 : i32
              %dma_start3A_332 = tpu.memref_slice %arg5[%dma_start3A_330, %dma_start3A_331] : memref<50000x16xf32, #tpu.memory_space<hbm>> -> memref<50000x16xf32, #tpu.memory_space<hbm>>
              tpu.enqueue_indirect_dma source(%dma_start3A_332 : memref<50000x16xf32, #tpu.memory_space<hbm>>) target(%arg28 : memref<128x16xf32, #tpu.memory_space<vmem>>) offsets(%arg21 : memref<128xi32, #tpu.memory_space<vmem>>) semaphore(%arg33 : memref<!tpu.dma_semaphore, #tpu.memory_space<semaphore_mem>>)
              %dma_wait3A_333 = arith.constant 0 : i32
              %dma_wait3A_334 = arith.constant 0 : i32
              %dma_wait3A_335 = tpu.memref_slice %arg5[%dma_wait3A_333, %dma_wait3A_334] : memref<50000x16xf32, #tpu.memory_space<hbm>> -> memref<50000x16xf32, #tpu.memory_space<hbm>>
              tpu.wait_indirect_dma semaphore(%arg32 : memref<!tpu.dma_semaphore, #tpu.memory_space<semaphore_mem>>) src(%dma_wait3A_335 : memref<50000x16xf32, #tpu.memory_space<hbm>>) dst(%arg27 : memref<128x16xf32, #tpu.memory_space<vmem>>)
              %dma_wait3A_336 = arith.constant 0 : i32
              %dma_wait3A_337 = arith.constant 0 : i32
              %dma_wait3A_338 = tpu.memref_slice %arg5[%dma_wait3A_336, %dma_wait3A_337] : memref<50000x16xf32, #tpu.memory_space<hbm>> -> memref<50000x16xf32, #tpu.memory_space<hbm>>
              tpu.wait_indirect_dma semaphore(%arg33 : memref<!tpu.dma_semaphore, #tpu.memory_space<semaphore_mem>>) src(%dma_wait3A_338 : memref<50000x16xf32, #tpu.memory_space<hbm>>) dst(%arg28 : memref<128x16xf32, #tpu.memory_space<vmem>>)
              %scan3A_339 = arith.constant 0 : i32
              %scan3A_340 = arith.constant 0 : i32
              %scan3A_341 = arith.constant 8 : i32
              %scan3A_342 = arith.addi %scan3A_340, %scan3A_341 : i32
              %scan3A_343 = arith.constant 1 : i32
              scf.for %scan3A_414 = %scan3A_340 to %scan3A_342 step %scan3A_343  : i32 {
                %mul3A_415 = arith.constant 16 : i32
                %mul3A_416 = arith.muli %scan3A_414, %mul3A_415 : i32
                %add3A_417 = vector.broadcast %mul3A_416 : i32 to vector<16xi32>
                %add3A_418 = arith.addi %add3A_417, %iota3A : vector<16xi32>
                %mul3A_419 = arith.constant 16 : i32
                %mul3A_420 = arith.muli %scan3A_414, %mul3A_419 : i32
                %get3A_421 = arith.index_cast %mul3A_420 : i32 to index
                %get3A_422 = tpu.vector_load %arg22[%get3A_421] {strides = array<i32>} : memref<128xf32, #tpu.memory_space<vmem>>, vector<16xf32>,
                %broadcast_in_dim3A_423 = arith.constant 0 : i32
                %broadcast_in_dim3A_424 = vector.broadcast %broadcast_in_dim3A_423 : i32 to vector<16xi32>
                %gather3A = tpu.vector_load_idx %arg27[%add3A_418, %broadcast_in_dim3A_424] : memref<128x16xf32, #tpu.memory_space<vmem>>[vector<16xi32>, vector<16xi32>], vector<16xf32>,
                %add3A_425 = arith.constant 8 : i32
                %add3A_426 = vector.broadcast %add3A_425 : i32 to vector<16xi32>
                %add3A_427 = arith.addi %broadcast_in_dim3A_424, %add3A_426 : vector<16xi32>
                %gather3A_428 = tpu.vector_load_idx %arg28[%add3A_418, %add3A_427] : memref<128x16xf32, #tpu.memory_space<vmem>>[vector<16xi32>, vector<16xi32>], vector<16xf32>,
                %add3A_429 = arith.addf %gather3A, %gather3A_428 : vector<16xf32>
                %ge3A_430 = arith.constant 0.000000e+00 : f32
                %ge3A_431 = vector.broadcast %ge3A_430 : f32 to vector<16xf32>
                %ge3A_432 = arith.cmpf oge, %add3A_429, %ge3A_431 : vector<16xf32>
                %mul3A_433 = arith.constant 2.000000e-01 : f32
                %mul3A_434 = vector.broadcast %mul3A_433 : f32 to vector<16xf32>
                %mul3A_435 = arith.mulf %mul3A_434, %add3A_429 : vector<16xf32>
                %select_n3A_436 = arith.select %ge3A_432, %add3A_429, %mul3A_435 : vector<16xi1>, vector<16xf32>
                %exp3A = math.exp %select_n3A_436 : vector<16xf32>
                %mul3A_437 = arith.mulf %exp3A, %get3A_422 : vector<16xf32>
                tpu.vector_store_idx %arg29[%add3A_418, %broadcast_in_dim3A_424], %mul3A_437 : memref<128x8xf32, #tpu.memory_space<vmem>>[vector<16xi32>, vector<16xi32>], vector<16xf32>,
                tpu.vector_store_idx %arg28[%add3A_418, %broadcast_in_dim3A_424], %mul3A_437 : memref<128x16xf32, #tpu.memory_space<vmem>>[vector<16xi32>, vector<16xi32>], vector<16xf32>,
                %broadcast_in_dim3A_438 = arith.constant 1 : i32
                %broadcast_in_dim3A_439 = vector.broadcast %broadcast_in_dim3A_438 : i32 to vector<16xi32>
                %gather3A_440 = tpu.vector_load_idx %arg27[%add3A_418, %broadcast_in_dim3A_439] : memref<128x16xf32, #tpu.memory_space<vmem>>[vector<16xi32>, vector<16xi32>], vector<16xf32>,
                %add3A_441 = arith.constant 8 : i32
                %add3A_442 = vector.broadcast %add3A_441 : i32 to vector<16xi32>
                %add3A_443 = arith.addi %broadcast_in_dim3A_439, %add3A_442 : vector<16xi32>
                %gather3A_444 = tpu.vector_load_idx %arg28[%add3A_418, %add3A_443] : memref<128x16xf32, #tpu.memory_space<vmem>>[vector<16xi32>, vector<16xi32>], vector<16xf32>,
                %add3A_445 = arith.addf %gather3A_440, %gather3A_444 : vector<16xf32>
                %ge3A_446 = arith.constant 0.000000e+00 : f32
                %ge3A_447 = vector.broadcast %ge3A_446 : f32 to vector<16xf32>
                %ge3A_448 = arith.cmpf oge, %add3A_445, %ge3A_447 : vector<16xf32>
                %mul3A_449 = arith.constant 2.000000e-01 : f32
                %mul3A_450 = vector.broadcast %mul3A_449 : f32 to vector<16xf32>
                %mul3A_451 = arith.mulf %mul3A_450, %add3A_445 : vector<16xf32>
                %select_n3A_452 = arith.select %ge3A_448, %add3A_445, %mul3A_451 : vector<16xi1>, vector<16xf32>
                %exp3A_453 = math.exp %select_n3A_452 : vector<16xf32>
                %mul3A_454 = arith.mulf %exp3A_453, %get3A_422 : vector<16xf32>
                tpu.vector_store_idx %arg29[%add3A_418, %broadcast_in_dim3A_439], %mul3A_454 : memref<128x8xf32, #tpu.memory_space<vmem>>[vector<16xi32>, vector<16xi32>], vector<16xf32>,
                tpu.vector_store_idx %arg28[%add3A_418, %broadcast_in_dim3A_439], %mul3A_454 : memref<128x16xf32, #tpu.memory_space<vmem>>[vector<16xi32>, vector<16xi32>], vector<16xf32>,
                %broadcast_in_dim3A_455 = arith.constant 2 : i32
                %broadcast_in_dim3A_456 = vector.broadcast %broadcast_in_dim3A_455 : i32 to vector<16xi32>
                %gather3A_457 = tpu.vector_load_idx %arg27[%add3A_418, %broadcast_in_dim3A_456] : memref<128x16xf32, #tpu.memory_space<vmem>>[vector<16xi32>, vector<16xi32>], vector<16xf32>,
                %add3A_458 = arith.constant 8 : i32
                %add3A_459 = vector.broadcast %add3A_458 : i32 to vector<16xi32>
                %add3A_460 = arith.addi %broadcast_in_dim3A_456, %add3A_459 : vector<16xi32>
                %gather3A_461 = tpu.vector_load_idx %arg28[%add3A_418, %add3A_460] : memref<128x16xf32, #tpu.memory_space<vmem>>[vector<16xi32>, vector<16xi32>], vector<16xf32>,
                %add3A_462 = arith.addf %gather3A_457, %gather3A_461 : vector<16xf32>
                %ge3A_463 = arith.constant 0.000000e+00 : f32
                %ge3A_464 = vector.broadcast %ge3A_463 : f32 to vector<16xf32>
                %ge3A_465 = arith.cmpf oge, %add3A_462, %ge3A_464 : vector<16xf32>
                %mul3A_466 = arith.constant 2.000000e-01 : f32
                %mul3A_467 = vector.broadcast %mul3A_466 : f32 to vector<16xf32>
                %mul3A_468 = arith.mulf %mul3A_467, %add3A_462 : vector<16xf32>
                %select_n3A_469 = arith.select %ge3A_465, %add3A_462, %mul3A_468 : vector<16xi1>, vector<16xf32>
                %exp3A_470 = math.exp %select_n3A_469 : vector<16xf32>
                %mul3A_471 = arith.mulf %exp3A_470, %get3A_422 : vector<16xf32>
                tpu.vector_store_idx %arg29[%add3A_418, %broadcast_in_dim3A_456], %mul3A_471 : memref<128x8xf32, #tpu.memory_space<vmem>>[vector<16xi32>, vector<16xi32>], vector<16xf32>,
                tpu.vector_store_idx %arg28[%add3A_418, %broadcast_in_dim3A_456], %mul3A_471 : memref<128x16xf32, #tpu.memory_space<vmem>>[vector<16xi32>, vector<16xi32>], vector<16xf32>,
                %broadcast_in_dim3A_472 = arith.constant 3 : i32
                %broadcast_in_dim3A_473 = vector.broadcast %broadcast_in_dim3A_472 : i32 to vector<16xi32>
                %gather3A_474 = tpu.vector_load_idx %arg27[%add3A_418, %broadcast_in_dim3A_473] : memref<128x16xf32, #tpu.memory_space<vmem>>[vector<16xi32>, vector<16xi32>], vector<16xf32>,
                %add3A_475 = arith.constant 8 : i32
                %add3A_476 = vector.broadcast %add3A_475 : i32 to vector<16xi32>
                %add3A_477 = arith.addi %broadcast_in_dim3A_473, %add3A_476 : vector<16xi32>
                %gather3A_478 = tpu.vector_load_idx %arg28[%add3A_418, %add3A_477] : memref<128x16xf32, #tpu.memory_space<vmem>>[vector<16xi32>, vector<16xi32>], vector<16xf32>,
                %add3A_479 = arith.addf %gather3A_474, %gather3A_478 : vector<16xf32>
                %ge3A_480 = arith.constant 0.000000e+00 : f32
                %ge3A_481 = vector.broadcast %ge3A_480 : f32 to vector<16xf32>
                %ge3A_482 = arith.cmpf oge, %add3A_479, %ge3A_481 : vector<16xf32>
                %mul3A_483 = arith.constant 2.000000e-01 : f32
                %mul3A_484 = vector.broadcast %mul3A_483 : f32 to vector<16xf32>
                %mul3A_485 = arith.mulf %mul3A_484, %add3A_479 : vector<16xf32>
                %select_n3A_486 = arith.select %ge3A_482, %add3A_479, %mul3A_485 : vector<16xi1>, vector<16xf32>
                %exp3A_487 = math.exp %select_n3A_486 : vector<16xf32>
                %mul3A_488 = arith.mulf %exp3A_487, %get3A_422 : vector<16xf32>
                tpu.vector_store_idx %arg29[%add3A_418, %broadcast_in_dim3A_473], %mul3A_488 : memref<128x8xf32, #tpu.memory_space<vmem>>[vector<16xi32>, vector<16xi32>], vector<16xf32>,
                tpu.vector_store_idx %arg28[%add3A_418, %broadcast_in_dim3A_473], %mul3A_488 : memref<128x16xf32, #tpu.memory_space<vmem>>[vector<16xi32>, vector<16xi32>], vector<16xf32>,
                %broadcast_in_dim3A_489 = arith.constant 4 : i32
                %broadcast_in_dim3A_490 = vector.broadcast %broadcast_in_dim3A_489 : i32 to vector<16xi32>
                %gather3A_491 = tpu.vector_load_idx %arg27[%add3A_418, %broadcast_in_dim3A_490] : memref<128x16xf32, #tpu.memory_space<vmem>>[vector<16xi32>, vector<16xi32>], vector<16xf32>,
                %add3A_492 = arith.constant 8 : i32
                %add3A_493 = vector.broadcast %add3A_492 : i32 to vector<16xi32>
                %add3A_494 = arith.addi %broadcast_in_dim3A_490, %add3A_493 : vector<16xi32>
                %gather3A_495 = tpu.vector_load_idx %arg28[%add3A_418, %add3A_494] : memref<128x16xf32, #tpu.memory_space<vmem>>[vector<16xi32>, vector<16xi32>], vector<16xf32>,
                %add3A_496 = arith.addf %gather3A_491, %gather3A_495 : vector<16xf32>
                %ge3A_497 = arith.constant 0.000000e+00 : f32
                %ge3A_498 = vector.broadcast %ge3A_497 : f32 to vector<16xf32>
                %ge3A_499 = arith.cmpf oge, %add3A_496, %ge3A_498 : vector<16xf32>
                %mul3A_500 = arith.constant 2.000000e-01 : f32
                %mul3A_501 = vector.broadcast %mul3A_500 : f32 to vector<16xf32>
                %mul3A_502 = arith.mulf %mul3A_501, %add3A_496 : vector<16xf32>
                %select_n3A_503 = arith.select %ge3A_499, %add3A_496, %mul3A_502 : vector<16xi1>, vector<16xf32>
                %exp3A_504 = math.exp %select_n3A_503 : vector<16xf32>
                %mul3A_505 = arith.mulf %exp3A_504, %get3A_422 : vector<16xf32>
                tpu.vector_store_idx %arg29[%add3A_418, %broadcast_in_dim3A_490], %mul3A_505 : memref<128x8xf32, #tpu.memory_space<vmem>>[vector<16xi32>, vector<16xi32>], vector<16xf32>,
                tpu.vector_store_idx %arg28[%add3A_418, %broadcast_in_dim3A_490], %mul3A_505 : memref<128x16xf32, #tpu.memory_space<vmem>>[vector<16xi32>, vector<16xi32>], vector<16xf32>,
                %broadcast_in_dim3A_506 = arith.constant 5 : i32
                %broadcast_in_dim3A_507 = vector.broadcast %broadcast_in_dim3A_506 : i32 to vector<16xi32>
                %gather3A_508 = tpu.vector_load_idx %arg27[%add3A_418, %broadcast_in_dim3A_507] : memref<128x16xf32, #tpu.memory_space<vmem>>[vector<16xi32>, vector<16xi32>], vector<16xf32>,
                %add3A_509 = arith.constant 8 : i32
                %add3A_510 = vector.broadcast %add3A_509 : i32 to vector<16xi32>
                %add3A_511 = arith.addi %broadcast_in_dim3A_507, %add3A_510 : vector<16xi32>
                %gather3A_512 = tpu.vector_load_idx %arg28[%add3A_418, %add3A_511] : memref<128x16xf32, #tpu.memory_space<vmem>>[vector<16xi32>, vector<16xi32>], vector<16xf32>,
                %add3A_513 = arith.addf %gather3A_508, %gather3A_512 : vector<16xf32>
                %ge3A_514 = arith.constant 0.000000e+00 : f32
                %ge3A_515 = vector.broadcast %ge3A_514 : f32 to vector<16xf32>
                %ge3A_516 = arith.cmpf oge, %add3A_513, %ge3A_515 : vector<16xf32>
                %mul3A_517 = arith.constant 2.000000e-01 : f32
                %mul3A_518 = vector.broadcast %mul3A_517 : f32 to vector<16xf32>
                %mul3A_519 = arith.mulf %mul3A_518, %add3A_513 : vector<16xf32>
                %select_n3A_520 = arith.select %ge3A_516, %add3A_513, %mul3A_519 : vector<16xi1>, vector<16xf32>
                %exp3A_521 = math.exp %select_n3A_520 : vector<16xf32>
                %mul3A_522 = arith.mulf %exp3A_521, %get3A_422 : vector<16xf32>
                tpu.vector_store_idx %arg29[%add3A_418, %broadcast_in_dim3A_507], %mul3A_522 : memref<128x8xf32, #tpu.memory_space<vmem>>[vector<16xi32>, vector<16xi32>], vector<16xf32>,
                tpu.vector_store_idx %arg28[%add3A_418, %broadcast_in_dim3A_507], %mul3A_522 : memref<128x16xf32, #tpu.memory_space<vmem>>[vector<16xi32>, vector<16xi32>], vector<16xf32>,
                %broadcast_in_dim3A_523 = arith.constant 6 : i32
                %broadcast_in_dim3A_524 = vector.broadcast %broadcast_in_dim3A_523 : i32 to vector<16xi32>
                %gather3A_525 = tpu.vector_load_idx %arg27[%add3A_418, %broadcast_in_dim3A_524] : memref<128x16xf32, #tpu.memory_space<vmem>>[vector<16xi32>, vector<16xi32>], vector<16xf32>,
                %add3A_526 = arith.constant 8 : i32
                %add3A_527 = vector.broadcast %add3A_526 : i32 to vector<16xi32>
                %add3A_528 = arith.addi %broadcast_in_dim3A_524, %add3A_527 : vector<16xi32>
                %gather3A_529 = tpu.vector_load_idx %arg28[%add3A_418, %add3A_528] : memref<128x16xf32, #tpu.memory_space<vmem>>[vector<16xi32>, vector<16xi32>], vector<16xf32>,
                %add3A_530 = arith.addf %gather3A_525, %gather3A_529 : vector<16xf32>
                %ge3A_531 = arith.constant 0.000000e+00 : f32
                %ge3A_532 = vector.broadcast %ge3A_531 : f32 to vector<16xf32>
                %ge3A_533 = arith.cmpf oge, %add3A_530, %ge3A_532 : vector<16xf32>
                %mul3A_534 = arith.constant 2.000000e-01 : f32
                %mul3A_535 = vector.broadcast %mul3A_534 : f32 to vector<16xf32>
                %mul3A_536 = arith.mulf %mul3A_535, %add3A_530 : vector<16xf32>
                %select_n3A_537 = arith.select %ge3A_533, %add3A_530, %mul3A_536 : vector<16xi1>, vector<16xf32>
                %exp3A_538 = math.exp %select_n3A_537 : vector<16xf32>
                %mul3A_539 = arith.mulf %exp3A_538, %get3A_422 : vector<16xf32>
                tpu.vector_store_idx %arg29[%add3A_418, %broadcast_in_dim3A_524], %mul3A_539 : memref<128x8xf32, #tpu.memory_space<vmem>>[vector<16xi32>, vector<16xi32>], vector<16xf32>,
                tpu.vector_store_idx %arg28[%add3A_418, %broadcast_in_dim3A_524], %mul3A_539 : memref<128x16xf32, #tpu.memory_space<vmem>>[vector<16xi32>, vector<16xi32>], vector<16xf32>,
                %broadcast_in_dim3A_540 = arith.constant 7 : i32
                %broadcast_in_dim3A_541 = vector.broadcast %broadcast_in_dim3A_540 : i32 to vector<16xi32>
                %gather3A_542 = tpu.vector_load_idx %arg27[%add3A_418, %broadcast_in_dim3A_541] : memref<128x16xf32, #tpu.memory_space<vmem>>[vector<16xi32>, vector<16xi32>], vector<16xf32>,
                %add3A_543 = arith.constant 8 : i32
                %add3A_544 = vector.broadcast %add3A_543 : i32 to vector<16xi32>
                %add3A_545 = arith.addi %broadcast_in_dim3A_541, %add3A_544 : vector<16xi32>
                %gather3A_546 = tpu.vector_load_idx %arg28[%add3A_418, %add3A_545] : memref<128x16xf32, #tpu.memory_space<vmem>>[vector<16xi32>, vector<16xi32>], vector<16xf32>,
                %add3A_547 = arith.addf %gather3A_542, %gather3A_546 : vector<16xf32>
                %ge3A_548 = arith.constant 0.000000e+00 : f32
                %ge3A_549 = vector.broadcast %ge3A_548 : f32 to vector<16xf32>
                %ge3A_550 = arith.cmpf oge, %add3A_547, %ge3A_549 : vector<16xf32>
                %mul3A_551 = arith.constant 2.000000e-01 : f32
                %mul3A_552 = vector.broadcast %mul3A_551 : f32 to vector<16xf32>
                %mul3A_553 = arith.mulf %mul3A_552, %add3A_547 : vector<16xf32>
                %select_n3A_554 = arith.select %ge3A_550, %add3A_547, %mul3A_553 : vector<16xi1>, vector<16xf32>
                %exp3A_555 = math.exp %select_n3A_554 : vector<16xf32>
                %mul3A_556 = arith.mulf %exp3A_555, %get3A_422 : vector<16xf32>
                tpu.vector_store_idx %arg29[%add3A_418, %broadcast_in_dim3A_541], %mul3A_556 : memref<128x8xf32, #tpu.memory_space<vmem>>[vector<16xi32>, vector<16xi32>], vector<16xf32>,
                tpu.vector_store_idx %arg28[%add3A_418, %broadcast_in_dim3A_541], %mul3A_556 : memref<128x16xf32, #tpu.memory_space<vmem>>[vector<16xi32>, vector<16xi32>], vector<16xf32>,
              }
              %scan3A_344 = arith.constant 8 : i32
              "tpu.region"() ({
                %run_scoped3A = tpu.sem_alloc : memref<!tpu.dma_semaphore, #tpu.memory_space<semaphore_mem>>
                %dma_start3A_414 = arith.constant 0 : i32
                %dma_start3A_415 = arith.constant 0 : i32
                %dma_start3A_416 = tpu.memref_slice %arg16[%dma_start3A_414, %dma_start3A_415] : memref<51200x8xf32, #tpu.memory_space<vmem_shared>> -> memref<51200x8xf32, #tpu.memory_space<vmem_shared>>
                tpu.enqueue_indirect_dma source(%arg29 : memref<128x8xf32, #tpu.memory_space<vmem>>) target(%dma_start3A_416 : memref<51200x8xf32, #tpu.memory_space<vmem_shared>>) offsets(%arg21 : memref<128xi32, #tpu.memory_space<vmem>>) semaphore(%run_scoped3A : memref<!tpu.dma_semaphore, #tpu.memory_space<semaphore_mem>>) {add = true}
                %dma_wait3A_417 = arith.constant 0 : i32
                %dma_wait3A_418 = arith.constant 0 : i32
                %dma_wait3A_419 = tpu.memref_slice %arg16[%dma_wait3A_417, %dma_wait3A_418] : memref<51200x8xf32, #tpu.memory_space<vmem_shared>> -> memref<51200x8xf32, #tpu.memory_space<vmem_shared>>
                tpu.wait_indirect_dma semaphore(%run_scoped3A : memref<!tpu.dma_semaphore, #tpu.memory_space<semaphore_mem>>) src(%arg29 : memref<128x8xf32, #tpu.memory_space<vmem>>) dst(%dma_wait3A_419 : memref<51200x8xf32, #tpu.memory_space<vmem_shared>>)
                tpu.yield
              }) : () -> ()
              %get3A_345 = arith.constant 0 : index
              %get3A_346 = tpu.vector_load %arg21[%get3A_345] {strides = array<i32>} : memref<128xi32, #tpu.memory_space<vmem>>, vector<16xi32>,
              %sub3A_347 = vector.broadcast %mul3A_40 : i32 to vector<16xi32>
              %sub3A_348 = arith.subi %get3A_346, %sub3A_347 : vector<16xi32>
              %swap3A_349 = arith.constant 0 : index
              %swap3A_350 = tpu.vector_load %arg30[%swap3A_349] {strides = array<i32>} : memref<128xi32, #tpu.memory_space<vmem>>, vector<16xi32>,
              tpu.vector_store %arg30[%swap3A_349], %sub3A_348 {strides = array<i32>} : memref<128xi32, #tpu.memory_space<vmem>>, vector<16xi32>,
              %get3A_351 = arith.constant 16 : index
              %get3A_352 = tpu.vector_load %arg21[%get3A_351] {strides = array<i32>} : memref<128xi32, #tpu.memory_space<vmem>>, vector<16xi32>,
              %sub3A_353 = vector.broadcast %mul3A_40 : i32 to vector<16xi32>
              %sub3A_354 = arith.subi %get3A_352, %sub3A_353 : vector<16xi32>
              %swap3A_355 = arith.constant 16 : index
              %swap3A_356 = tpu.vector_load %arg30[%swap3A_355] {strides = array<i32>} : memref<128xi32, #tpu.memory_space<vmem>>, vector<16xi32>,
              tpu.vector_store %arg30[%swap3A_355], %sub3A_354 {strides = array<i32>} : memref<128xi32, #tpu.memory_space<vmem>>, vector<16xi32>,
              %get3A_357 = arith.constant 32 : index
              %get3A_358 = tpu.vector_load %arg21[%get3A_357] {strides = array<i32>} : memref<128xi32, #tpu.memory_space<vmem>>, vector<16xi32>,
              %sub3A_359 = vector.broadcast %mul3A_40 : i32 to vector<16xi32>
              %sub3A_360 = arith.subi %get3A_358, %sub3A_359 : vector<16xi32>
              %swap3A_361 = arith.constant 32 : index
              %swap3A_362 = tpu.vector_load %arg30[%swap3A_361] {strides = array<i32>} : memref<128xi32, #tpu.memory_space<vmem>>, vector<16xi32>,
              tpu.vector_store %arg30[%swap3A_361], %sub3A_360 {strides = array<i32>} : memref<128xi32, #tpu.memory_space<vmem>>, vector<16xi32>,
              %get3A_363 = arith.constant 48 : index
              %get3A_364 = tpu.vector_load %arg21[%get3A_363] {strides = array<i32>} : memref<128xi32, #tpu.memory_space<vmem>>, vector<16xi32>,
              %sub3A_365 = vector.broadcast %mul3A_40 : i32 to vector<16xi32>
              %sub3A_366 = arith.subi %get3A_364, %sub3A_365 : vector<16xi32>
              %swap3A_367 = arith.constant 48 : index
              %swap3A_368 = tpu.vector_load %arg30[%swap3A_367] {strides = array<i32>} : memref<128xi32, #tpu.memory_space<vmem>>, vector<16xi32>,
              tpu.vector_store %arg30[%swap3A_367], %sub3A_366 {strides = array<i32>} : memref<128xi32, #tpu.memory_space<vmem>>, vector<16xi32>,
              %get3A_369 = arith.constant 64 : index
              %get3A_370 = tpu.vector_load %arg21[%get3A_369] {strides = array<i32>} : memref<128xi32, #tpu.memory_space<vmem>>, vector<16xi32>,
              %sub3A_371 = vector.broadcast %mul3A_40 : i32 to vector<16xi32>
              %sub3A_372 = arith.subi %get3A_370, %sub3A_371 : vector<16xi32>
              %swap3A_373 = arith.constant 64 : index
              %swap3A_374 = tpu.vector_load %arg30[%swap3A_373] {strides = array<i32>} : memref<128xi32, #tpu.memory_space<vmem>>, vector<16xi32>,
              tpu.vector_store %arg30[%swap3A_373], %sub3A_372 {strides = array<i32>} : memref<128xi32, #tpu.memory_space<vmem>>, vector<16xi32>,
              %get3A_375 = arith.constant 80 : index
              %get3A_376 = tpu.vector_load %arg21[%get3A_375] {strides = array<i32>} : memref<128xi32, #tpu.memory_space<vmem>>, vector<16xi32>,
              %sub3A_377 = vector.broadcast %mul3A_40 : i32 to vector<16xi32>
              %sub3A_378 = arith.subi %get3A_376, %sub3A_377 : vector<16xi32>
              %swap3A_379 = arith.constant 80 : index
              %swap3A_380 = tpu.vector_load %arg30[%swap3A_379] {strides = array<i32>} : memref<128xi32, #tpu.memory_space<vmem>>, vector<16xi32>,
              tpu.vector_store %arg30[%swap3A_379], %sub3A_378 {strides = array<i32>} : memref<128xi32, #tpu.memory_space<vmem>>, vector<16xi32>,
              %get3A_381 = arith.constant 96 : index
              %get3A_382 = tpu.vector_load %arg21[%get3A_381] {strides = array<i32>} : memref<128xi32, #tpu.memory_space<vmem>>, vector<16xi32>,
              %sub3A_383 = vector.broadcast %mul3A_40 : i32 to vector<16xi32>
              %sub3A_384 = arith.subi %get3A_382, %sub3A_383 : vector<16xi32>
              %swap3A_385 = arith.constant 96 : index
              %swap3A_386 = tpu.vector_load %arg30[%swap3A_385] {strides = array<i32>} : memref<128xi32, #tpu.memory_space<vmem>>, vector<16xi32>,
              tpu.vector_store %arg30[%swap3A_385], %sub3A_384 {strides = array<i32>} : memref<128xi32, #tpu.memory_space<vmem>>, vector<16xi32>,
              %get3A_387 = arith.constant 112 : index
              %get3A_388 = tpu.vector_load %arg21[%get3A_387] {strides = array<i32>} : memref<128xi32, #tpu.memory_space<vmem>>, vector<16xi32>,
              %sub3A_389 = vector.broadcast %mul3A_40 : i32 to vector<16xi32>
              %sub3A_390 = arith.subi %get3A_388, %sub3A_389 : vector<16xi32>
              %swap3A_391 = arith.constant 112 : index
              %swap3A_392 = tpu.vector_load %arg30[%swap3A_391] {strides = array<i32>} : memref<128xi32, #tpu.memory_space<vmem>>, vector<16xi32>,
              tpu.vector_store %arg30[%swap3A_391], %sub3A_390 {strides = array<i32>} : memref<128xi32, #tpu.memory_space<vmem>>, vector<16xi32>,
              %dma_wait3A_393 = arith.constant 0 : i32
              %dma_wait3A_394 = arith.constant 0 : i32
              %dma_wait3A_395 = tpu.memref_slice %arg3[%dma_wait3A_393, %dma_wait3A_394] : memref<50000x128xf32, #tpu.memory_space<hbm>> -> memref<50000x128xf32, #tpu.memory_space<hbm>>
              tpu.wait_indirect_dma semaphore(%arg31 : memref<!tpu.dma_semaphore, #tpu.memory_space<semaphore_mem>>) src(%dma_wait3A_395 : memref<50000x128xf32, #tpu.memory_space<hbm>>) dst(%arg26 : memref<128x128xf32, #tpu.memory_space<vmem>>)
              %scan3A_396 = arith.constant 0 : i32
              %scan3A_397 = arith.constant 0 : i32
              %scan3A_398 = arith.constant 128 : i32
              %scan3A_399 = arith.addi %scan3A_397, %scan3A_398 : i32
              %scan3A_400 = arith.constant 1 : i32
              scf.for %scan3A_414 = %scan3A_397 to %scan3A_399 step %scan3A_400  : i32 {
                %get3A_415 = arith.index_cast %scan3A_414 : i32 to index
                %get3A_416 = arith.constant 0 : index
                %get3A_417 = tpu.vector_load %arg28[%get3A_415, %get3A_416] {strides = array<i32>} : memref<128x16xf32, #tpu.memory_space<vmem>>, vector<16xf32>,
                %broadcast_in_dim3A_418 = arith.constant 0 : i32
                %broadcast_in_dim3A_419 = vector.broadcast %broadcast_in_dim3A_418 : i32 to vector<16x1xi32>
                %gather3A = vector.shape_cast %broadcast_in_dim3A_419 : vector<16x1xi32> to vector<16xi32>
                %gather3A_420 = tpu.dynamic_gather %get3A_417[%gather3A] in [0] : vector<16xf32>, vector<16xi32> -> vector<16xf32>
                %get3A_421 = arith.index_cast %scan3A_414 : i32 to index
                %get3A_422 = arith.constant 0 : index
                %get3A_423 = tpu.vector_load %arg26[%get3A_421, %get3A_422] {strides = array<i32>} : memref<128x128xf32, #tpu.memory_space<vmem>>, vector<16xf32>,
                %mul3A_424 = arith.mulf %get3A_423, %gather3A_420 : vector<16xf32>
                %swap3A_425 = arith.index_cast %scan3A_414 : i32 to index
                %swap3A_426 = arith.constant 0 : index
                %swap3A_427 = tpu.vector_load %arg26[%swap3A_425, %swap3A_426] {strides = array<i32>} : memref<128x128xf32, #tpu.memory_space<vmem>>, vector<16xf32>,
                tpu.vector_store %arg26[%swap3A_425, %swap3A_426], %mul3A_424 {strides = array<i32>} : memref<128x128xf32, #tpu.memory_space<vmem>>, vector<16xf32>,
                %broadcast_in_dim3A_428 = arith.constant 1 : i32
                %broadcast_in_dim3A_429 = vector.broadcast %broadcast_in_dim3A_428 : i32 to vector<16x1xi32>
                %gather3A_430 = vector.shape_cast %broadcast_in_dim3A_429 : vector<16x1xi32> to vector<16xi32>
                %gather3A_431 = tpu.dynamic_gather %get3A_417[%gather3A_430] in [0] : vector<16xf32>, vector<16xi32> -> vector<16xf32>
                %get3A_432 = arith.index_cast %scan3A_414 : i32 to index
                %get3A_433 = arith.constant 16 : index
                %get3A_434 = tpu.vector_load %arg26[%get3A_432, %get3A_433] {strides = array<i32>} : memref<128x128xf32, #tpu.memory_space<vmem>>, vector<16xf32>,
                %mul3A_435 = arith.mulf %get3A_434, %gather3A_431 : vector<16xf32>
                %swap3A_436 = arith.index_cast %scan3A_414 : i32 to index
                %swap3A_437 = arith.constant 16 : index
                %swap3A_438 = tpu.vector_load %arg26[%swap3A_436, %swap3A_437] {strides = array<i32>} : memref<128x128xf32, #tpu.memory_space<vmem>>, vector<16xf32>,
                tpu.vector_store %arg26[%swap3A_436, %swap3A_437], %mul3A_435 {strides = array<i32>} : memref<128x128xf32, #tpu.memory_space<vmem>>, vector<16xf32>,
                %broadcast_in_dim3A_439 = arith.constant 2 : i32
                %broadcast_in_dim3A_440 = vector.broadcast %broadcast_in_dim3A_439 : i32 to vector<16x1xi32>
                %gather3A_441 = vector.shape_cast %broadcast_in_dim3A_440 : vector<16x1xi32> to vector<16xi32>
                %gather3A_442 = tpu.dynamic_gather %get3A_417[%gather3A_441] in [0] : vector<16xf32>, vector<16xi32> -> vector<16xf32>
                %get3A_443 = arith.index_cast %scan3A_414 : i32 to index
                %get3A_444 = arith.constant 32 : index
                %get3A_445 = tpu.vector_load %arg26[%get3A_443, %get3A_444] {strides = array<i32>} : memref<128x128xf32, #tpu.memory_space<vmem>>, vector<16xf32>,
                %mul3A_446 = arith.mulf %get3A_445, %gather3A_442 : vector<16xf32>
                %swap3A_447 = arith.index_cast %scan3A_414 : i32 to index
                %swap3A_448 = arith.constant 32 : index
                %swap3A_449 = tpu.vector_load %arg26[%swap3A_447, %swap3A_448] {strides = array<i32>} : memref<128x128xf32, #tpu.memory_space<vmem>>, vector<16xf32>,
                tpu.vector_store %arg26[%swap3A_447, %swap3A_448], %mul3A_446 {strides = array<i32>} : memref<128x128xf32, #tpu.memory_space<vmem>>, vector<16xf32>,
                %broadcast_in_dim3A_450 = arith.constant 3 : i32
                %broadcast_in_dim3A_451 = vector.broadcast %broadcast_in_dim3A_450 : i32 to vector<16x1xi32>
                %gather3A_452 = vector.shape_cast %broadcast_in_dim3A_451 : vector<16x1xi32> to vector<16xi32>
                %gather3A_453 = tpu.dynamic_gather %get3A_417[%gather3A_452] in [0] : vector<16xf32>, vector<16xi32> -> vector<16xf32>
                %get3A_454 = arith.index_cast %scan3A_414 : i32 to index
                %get3A_455 = arith.constant 48 : index
                %get3A_456 = tpu.vector_load %arg26[%get3A_454, %get3A_455] {strides = array<i32>} : memref<128x128xf32, #tpu.memory_space<vmem>>, vector<16xf32>,
                %mul3A_457 = arith.mulf %get3A_456, %gather3A_453 : vector<16xf32>
                %swap3A_458 = arith.index_cast %scan3A_414 : i32 to index
                %swap3A_459 = arith.constant 48 : index
                %swap3A_460 = tpu.vector_load %arg26[%swap3A_458, %swap3A_459] {strides = array<i32>} : memref<128x128xf32, #tpu.memory_space<vmem>>, vector<16xf32>,
                tpu.vector_store %arg26[%swap3A_458, %swap3A_459], %mul3A_457 {strides = array<i32>} : memref<128x128xf32, #tpu.memory_space<vmem>>, vector<16xf32>,
                %broadcast_in_dim3A_461 = arith.constant 4 : i32
                %broadcast_in_dim3A_462 = vector.broadcast %broadcast_in_dim3A_461 : i32 to vector<16x1xi32>
                %gather3A_463 = vector.shape_cast %broadcast_in_dim3A_462 : vector<16x1xi32> to vector<16xi32>
                %gather3A_464 = tpu.dynamic_gather %get3A_417[%gather3A_463] in [0] : vector<16xf32>, vector<16xi32> -> vector<16xf32>
                %get3A_465 = arith.index_cast %scan3A_414 : i32 to index
                %get3A_466 = arith.constant 64 : index
                %get3A_467 = tpu.vector_load %arg26[%get3A_465, %get3A_466] {strides = array<i32>} : memref<128x128xf32, #tpu.memory_space<vmem>>, vector<16xf32>,
                %mul3A_468 = arith.mulf %get3A_467, %gather3A_464 : vector<16xf32>
                %swap3A_469 = arith.index_cast %scan3A_414 : i32 to index
                %swap3A_470 = arith.constant 64 : index
                %swap3A_471 = tpu.vector_load %arg26[%swap3A_469, %swap3A_470] {strides = array<i32>} : memref<128x128xf32, #tpu.memory_space<vmem>>, vector<16xf32>,
                tpu.vector_store %arg26[%swap3A_469, %swap3A_470], %mul3A_468 {strides = array<i32>} : memref<128x128xf32, #tpu.memory_space<vmem>>, vector<16xf32>,
                %broadcast_in_dim3A_472 = arith.constant 5 : i32
                %broadcast_in_dim3A_473 = vector.broadcast %broadcast_in_dim3A_472 : i32 to vector<16x1xi32>
                %gather3A_474 = vector.shape_cast %broadcast_in_dim3A_473 : vector<16x1xi32> to vector<16xi32>
                %gather3A_475 = tpu.dynamic_gather %get3A_417[%gather3A_474] in [0] : vector<16xf32>, vector<16xi32> -> vector<16xf32>
                %get3A_476 = arith.index_cast %scan3A_414 : i32 to index
                %get3A_477 = arith.constant 80 : index
                %get3A_478 = tpu.vector_load %arg26[%get3A_476, %get3A_477] {strides = array<i32>} : memref<128x128xf32, #tpu.memory_space<vmem>>, vector<16xf32>,
                %mul3A_479 = arith.mulf %get3A_478, %gather3A_475 : vector<16xf32>
                %swap3A_480 = arith.index_cast %scan3A_414 : i32 to index
                %swap3A_481 = arith.constant 80 : index
                %swap3A_482 = tpu.vector_load %arg26[%swap3A_480, %swap3A_481] {strides = array<i32>} : memref<128x128xf32, #tpu.memory_space<vmem>>, vector<16xf32>,
                tpu.vector_store %arg26[%swap3A_480, %swap3A_481], %mul3A_479 {strides = array<i32>} : memref<128x128xf32, #tpu.memory_space<vmem>>, vector<16xf32>,
                %broadcast_in_dim3A_483 = arith.constant 6 : i32
                %broadcast_in_dim3A_484 = vector.broadcast %broadcast_in_dim3A_483 : i32 to vector<16x1xi32>
                %gather3A_485 = vector.shape_cast %broadcast_in_dim3A_484 : vector<16x1xi32> to vector<16xi32>
                %gather3A_486 = tpu.dynamic_gather %get3A_417[%gather3A_485] in [0] : vector<16xf32>, vector<16xi32> -> vector<16xf32>
                %get3A_487 = arith.index_cast %scan3A_414 : i32 to index
                %get3A_488 = arith.constant 96 : index
                %get3A_489 = tpu.vector_load %arg26[%get3A_487, %get3A_488] {strides = array<i32>} : memref<128x128xf32, #tpu.memory_space<vmem>>, vector<16xf32>,
                %mul3A_490 = arith.mulf %get3A_489, %gather3A_486 : vector<16xf32>
                %swap3A_491 = arith.index_cast %scan3A_414 : i32 to index
                %swap3A_492 = arith.constant 96 : index
                %swap3A_493 = tpu.vector_load %arg26[%swap3A_491, %swap3A_492] {strides = array<i32>} : memref<128x128xf32, #tpu.memory_space<vmem>>, vector<16xf32>,
                tpu.vector_store %arg26[%swap3A_491, %swap3A_492], %mul3A_490 {strides = array<i32>} : memref<128x128xf32, #tpu.memory_space<vmem>>, vector<16xf32>,
                %broadcast_in_dim3A_494 = arith.constant 7 : i32
                %broadcast_in_dim3A_495 = vector.broadcast %broadcast_in_dim3A_494 : i32 to vector<16x1xi32>
                %gather3A_496 = vector.shape_cast %broadcast_in_dim3A_495 : vector<16x1xi32> to vector<16xi32>
                %gather3A_497 = tpu.dynamic_gather %get3A_417[%gather3A_496] in [0] : vector<16xf32>, vector<16xi32> -> vector<16xf32>
                %get3A_498 = arith.index_cast %scan3A_414 : i32 to index
                %get3A_499 = arith.constant 112 : index
                %get3A_500 = tpu.vector_load %arg26[%get3A_498, %get3A_499] {strides = array<i32>} : memref<128x128xf32, #tpu.memory_space<vmem>>, vector<16xf32>,
                %mul3A_501 = arith.mulf %get3A_500, %gather3A_497 : vector<16xf32>
                %swap3A_502 = arith.index_cast %scan3A_414 : i32 to index
                %swap3A_503 = arith.constant 112 : index
                %swap3A_504 = tpu.vector_load %arg26[%swap3A_502, %swap3A_503] {strides = array<i32>} : memref<128x128xf32, #tpu.memory_space<vmem>>, vector<16xf32>,
                tpu.vector_store %arg26[%swap3A_502, %swap3A_503], %mul3A_501 {strides = array<i32>} : memref<128x128xf32, #tpu.memory_space<vmem>>, vector<16xf32>,
              }
              %scan3A_401 = arith.constant 128 : i32
              "tpu.region"() ({
                %run_scoped3A = tpu.sem_alloc : memref<!tpu.dma_semaphore, #tpu.memory_space<semaphore_mem>>
                %dma_start3A_414 = arith.constant 0 : i32
                %dma_start3A_415 = arith.constant 0 : i32
                %dma_start3A_416 = tpu.memref_slice %arg17[%dma_start3A_414, %dma_start3A_415] : memref<10240x128xf32, #tpu.memory_space<vmem_shared>> -> memref<10240x128xf32, #tpu.memory_space<vmem_shared>>
                tpu.enqueue_indirect_dma source(%arg26 : memref<128x128xf32, #tpu.memory_space<vmem>>) target(%dma_start3A_416 : memref<10240x128xf32, #tpu.memory_space<vmem_shared>>) offsets(%arg30 : memref<128xi32, #tpu.memory_space<vmem>>) semaphore(%run_scoped3A : memref<!tpu.dma_semaphore, #tpu.memory_space<semaphore_mem>>) {add = true}
                %dma_wait3A_417 = arith.constant 0 : i32
                %dma_wait3A_418 = arith.constant 0 : i32
                %dma_wait3A_419 = tpu.memref_slice %arg17[%dma_wait3A_417, %dma_wait3A_418] : memref<10240x128xf32, #tpu.memory_space<vmem_shared>> -> memref<10240x128xf32, #tpu.memory_space<vmem_shared>>
                tpu.wait_indirect_dma semaphore(%run_scoped3A : memref<!tpu.dma_semaphore, #tpu.memory_space<semaphore_mem>>) src(%arg26 : memref<128x128xf32, #tpu.memory_space<vmem>>) dst(%dma_wait3A_419 : memref<10240x128xf32, #tpu.memory_space<vmem_shared>>)
                tpu.yield
              }) : () -> ()
              %get3A_402 = arith.constant 0 : index
              %get3A_403 = tpu.vector_load %arg23[%get3A_402] {strides = array<i32>} : memref<16xi32, #tpu.memory_space<vmem>>, vector<16xi32>,
              %swap3A_404 = arith.constant 0 : index
              %swap3A_405 = tpu.vector_load %arg20[%swap3A_404] {strides = array<i32>} : memref<128xi32, #tpu.memory_space<vmem>>, vector<16xi32>,
              tpu.vector_store %arg20[%swap3A_404], %get3A_403 {strides = array<i32>} : memref<128xi32, #tpu.memory_space<vmem>>, vector<16xi32>,
              %get3A_406 = arith.constant 0 : index
              %get3A_407 = tpu.vector_load %arg24[%get3A_406] {strides = array<i32>} : memref<16xi32, #tpu.memory_space<vmem>>, vector<16xi32>,
              %swap3A_408 = arith.constant 0 : index
              %swap3A_409 = tpu.vector_load %arg21[%swap3A_408] {strides = array<i32>} : memref<128xi32, #tpu.memory_space<vmem>>, vector<16xi32>,
              tpu.vector_store %arg21[%swap3A_408], %get3A_407 {strides = array<i32>} : memref<128xi32, #tpu.memory_space<vmem>>, vector<16xi32>,
              %get3A_410 = arith.constant 0 : index
              %get3A_411 = tpu.vector_load %arg25[%get3A_410] {strides = array<i32>} : memref<16xf32, #tpu.memory_space<vmem>>, vector<16xf32>,
              %swap3A_412 = arith.constant 0 : index
              %swap3A_413 = tpu.vector_load %arg22[%swap3A_412] {strides = array<i32>} : memref<128xf32, #tpu.memory_space<vmem>>, vector<16xf32>,
              tpu.vector_store %arg22[%swap3A_412], %get3A_411 {strides = array<i32>} : memref<128xf32, #tpu.memory_space<vmem>>, vector<16xf32>,
              scf.yield %sub3A_323 : i32
            } else {
              scf.yield %add3A_315 : i32
            }
            scf.yield %cond3A_321 : i32
          }
          %scan3A_257 = arith.constant 16 : i32
          scf.yield %scan3A_256 : i32
        }
        %while3A_50 = arith.constant 1 : i32
        %while3A_51 = scf.for %while3A_245 = %while3A_47 to %while3A_43 step %while3A_50 iter_args(%while3A_246 = %while3A_49) -> (i32)  : i32 {
          %mul3A_247 = arith.constant 16 : i32
          %mul3A_248 = arith.muli %while3A_245, %mul3A_247 : i32
          %add3A_249 = arith.addi %arg1, %mul3A_248 : i32
          %mul3A_250 = arith.constant 256 : i32
          %mul3A_251 = arith.muli %add3A_249, %mul3A_250 : i32
          "tpu.region"() ({
            %run_scoped3A = tpu.sem_alloc : memref<!tpu.dma_semaphore, #tpu.memory_space<semaphore_mem>>
            %dma_start3A_258 = tpu.memref_slice %arg8[%mul3A_251] : memref<200192xi32, #tpu.memory_space<hbm>> -> memref<256xi32, #tpu.memory_space<hbm>>
            %dma_start3A_259 = tpu.memref_slice %arg8[%mul3A_251] : memref<200192xi32, #tpu.memory_space<hbm>> -> memref<256xi32, #tpu.memory_space<hbm>>
            tpu.enqueue_dma source(%dma_start3A_259 : memref<256xi32, #tpu.memory_space<hbm>>) target(%arg18 : memref<256xi32, #tpu.memory_space<vmem>>) target_semaphore(%run_scoped3A : memref<!tpu.dma_semaphore, #tpu.memory_space<semaphore_mem>>)
            %dma_wait3A_260 = tpu.memref_slice %arg8[%mul3A_251] : memref<200192xi32, #tpu.memory_space<hbm>> -> memref<256xi32, #tpu.memory_space<hbm>>
            %dma_wait3A_261 = tpu.memref_slice %arg8[%mul3A_251] : memref<200192xi32, #tpu.memory_space<hbm>> -> memref<256xi32, #tpu.memory_space<hbm>>
            tpu.wait_dma2 semaphore(%run_scoped3A : memref<!tpu.dma_semaphore, #tpu.memory_space<semaphore_mem>>) src(%dma_wait3A_261 : memref<256xi32, #tpu.memory_space<hbm>>) dst(%arg18 : memref<256xi32, #tpu.memory_space<vmem>>)
            tpu.yield
          }) : () -> ()
          "tpu.region"() ({
            %run_scoped3A = tpu.sem_alloc : memref<!tpu.dma_semaphore, #tpu.memory_space<semaphore_mem>>
            %dma_start3A_258 = tpu.memref_slice %arg9[%mul3A_251] : memref<200192xi32, #tpu.memory_space<hbm>> -> memref<256xi32, #tpu.memory_space<hbm>>
            %dma_start3A_259 = tpu.memref_slice %arg9[%mul3A_251] : memref<200192xi32, #tpu.memory_space<hbm>> -> memref<256xi32, #tpu.memory_space<hbm>>
            tpu.enqueue_dma source(%dma_start3A_259 : memref<256xi32, #tpu.memory_space<hbm>>) target(%arg19 : memref<256xi32, #tpu.memory_space<vmem>>) target_semaphore(%run_scoped3A : memref<!tpu.dma_semaphore, #tpu.memory_space<semaphore_mem>>)
            %dma_wait3A_260 = tpu.memref_slice %arg9[%mul3A_251] : memref<200192xi32, #tpu.memory_space<hbm>> -> memref<256xi32, #tpu.memory_space<hbm>>
            %dma_wait3A_261 = tpu.memref_slice %arg9[%mul3A_251] : memref<200192xi32, #tpu.memory_space<hbm>> -> memref<256xi32, #tpu.memory_space<hbm>>
            tpu.wait_dma2 semaphore(%run_scoped3A : memref<!tpu.dma_semaphore, #tpu.memory_space<semaphore_mem>>) src(%dma_wait3A_261 : memref<256xi32, #tpu.memory_space<hbm>>) dst(%arg19 : memref<256xi32, #tpu.memory_space<vmem>>)
            tpu.yield
          }) : () -> ()
          %scan3A_252 = arith.constant 0 : i32
          %scan3A_253 = arith.constant 16 : i32
          %scan3A_254 = arith.addi %scan3A_252, %scan3A_253 : i32
          %scan3A_255 = arith.constant 1 : i32
          %scan3A_256 = scf.for %scan3A_258 = %scan3A_252 to %scan3A_254 step %scan3A_255 iter_args(%scan3A_259 = %while3A_246) -> (i32)  : i32 {
            %mul3A_260 = arith.constant 16 : i32
            %mul3A_261 = arith.muli %scan3A_258, %mul3A_260 : i32
            %add3A_262 = vector.broadcast %mul3A_261 : i32 to vector<16xi32>
            %add3A_263 = arith.addi %add3A_262, %iota3A : vector<16xi32>
            %add3A_264 = vector.broadcast %mul3A_251 : i32 to vector<16xi32>
            %add3A_265 = arith.addi %add3A_264, %add3A_263 : vector<16xi32>
            %mul3A_266 = arith.constant 16 : i32
            %mul3A_267 = arith.muli %scan3A_258, %mul3A_266 : i32
            %get3A_268 = arith.index_cast %mul3A_267 : i32 to index
            %get3A_269 = tpu.vector_load %arg18[%get3A_268] {strides = array<i32>} : memref<256xi32, #tpu.memory_space<vmem>>, vector<16xi32>,
            %mul3A_270 = arith.constant 16 : i32
            %mul3A_271 = arith.muli %scan3A_258, %mul3A_270 : i32
            %get3A_272 = arith.index_cast %mul3A_271 : i32 to index
            %get3A_273 = tpu.vector_load %arg19[%get3A_272] {strides = array<i32>} : memref<256xi32, #tpu.memory_space<vmem>>, vector<16xi32>,
            %ge3A = vector.broadcast %mul3A_40 : i32 to vector<16xi32>
            %ge3A_274 = arith.cmpi sge, %get3A_273, %ge3A : vector<16xi32>
            %add3A_275 = arith.constant 10240 : i32
            %add3A_276 = arith.addi %mul3A_40, %add3A_275 : i32
            %lt3A_277 = vector.broadcast %add3A_276 : i32 to vector<16xi32>
            %lt3A_278 = arith.cmpi slt, %get3A_273, %lt3A_277 : vector<16xi32>
            %and3A_279 = arith.andi %ge3A_274, %lt3A_278 : vector<16xi1>
            %lt3A_280 = arith.constant 200000 : i32
            %lt3A_281 = vector.broadcast %lt3A_280 : i32 to vector<16xi32>
            %lt3A_282 = arith.cmpi slt, %add3A_265, %lt3A_281 : vector<16xi32>
            %and3A_283 = arith.andi %and3A_279, %lt3A_282 : vector<16xi1>
            %convert_element_type3A_284 = arith.extui %and3A_283 : vector<16xi1> to vector<16xi32>
            %reduce_sum3A = arith.constant true
            %reduce_sum3A_285 = vector.broadcast %reduce_sum3A : i1 to vector<16xi1>
            %reduce_sum3A_286 = tpu.scan <sum>, %convert_element_type3A_284 masked %reduce_sum3A_285 : vector<16xi32>, vector<16xi1> -> vector<16xi32>
            %reduce_sum3A_287 = vector.extract %reduce_sum3A_286[15] : i32 from vector<16xi32>
            %convert_element_type3A_288 = arith.extui %and3A_283 : vector<16xi1> to vector<16xi32>
            %broadcast_in_dim3A_289 = arith.constant true
            %broadcast_in_dim3A_290 = vector.broadcast %broadcast_in_dim3A_289 : i1 to vector<16xi1>
            %masked_cumsum3A = tpu.scan <sum>, %convert_element_type3A_288 masked %broadcast_in_dim3A_290 : vector<16xi32>, vector<16xi1> -> vector<16xi32>
            %add3A_291 = vector.broadcast %scan3A_259 : i32 to vector<16xi32>
            %add3A_292 = arith.addi %add3A_291, %masked_cumsum3A : vector<16xi32>
            %sub3A_293 = arith.constant 1 : i32
            %sub3A_294 = vector.broadcast %sub3A_293 : i32 to vector<16xi32>
            %sub3A_295 = arith.subi %add3A_292, %sub3A_294 : vector<16xi32>
            %lt3A_296 = arith.constant 128 : i32
            %lt3A_297 = vector.broadcast %lt3A_296 : i32 to vector<16xi32>
            %lt3A_298 = arith.cmpi slt, %sub3A_295, %lt3A_297 : vector<16xi32>
            %and3A_299 = arith.andi %and3A_283, %lt3A_298 : vector<16xi1>
            %ge3A_300 = arith.constant 128 : i32
            %ge3A_301 = vector.broadcast %ge3A_300 : i32 to vector<16xi32>
            %ge3A_302 = arith.cmpi sge, %sub3A_295, %ge3A_301 : vector<16xi32>
            %and3A_303 = arith.andi %and3A_283, %ge3A_302 : vector<16xi1>
            %broadcast_in_dim3A_304 = arith.constant 1.000000e+00 : f32
            %broadcast_in_dim3A_305 = vector.broadcast %broadcast_in_dim3A_304 : f32 to vector<16xf32>
            tpu.vector_store_idx %arg20[%sub3A_295], %get3A_269 masked %and3A_299 : memref<128xi32, #tpu.memory_space<vmem>>[vector<16xi32>], vector<16xi32>, vector<16xi1>
            tpu.vector_store_idx %arg21[%sub3A_295], %get3A_273 masked %and3A_299 : memref<128xi32, #tpu.memory_space<vmem>>[vector<16xi32>], vector<16xi32>, vector<16xi1>
            tpu.vector_store_idx %arg22[%sub3A_295], %broadcast_in_dim3A_305 masked %and3A_299 : memref<128xf32, #tpu.memory_space<vmem>>[vector<16xi32>], vector<16xf32>, vector<16xi1>
            %sub3A_306 = arith.constant 128 : i32
            %sub3A_307 = vector.broadcast %sub3A_306 : i32 to vector<16xi32>
            %sub3A_308 = arith.subi %sub3A_295, %sub3A_307 : vector<16xi32>
            tpu.vector_store_idx %arg23[%sub3A_308], %get3A_269 masked %and3A_303 : memref<16xi32, #tpu.memory_space<vmem>>[vector<16xi32>], vector<16xi32>, vector<16xi1>
            %sub3A_309 = arith.constant 128 : i32
            %sub3A_310 = vector.broadcast %sub3A_309 : i32 to vector<16xi32>
            %sub3A_311 = arith.subi %sub3A_295, %sub3A_310 : vector<16xi32>
            tpu.vector_store_idx %arg24[%sub3A_311], %get3A_273 masked %and3A_303 : memref<16xi32, #tpu.memory_space<vmem>>[vector<16xi32>], vector<16xi32>, vector<16xi1>
            %sub3A_312 = arith.constant 128 : i32
            %sub3A_313 = vector.broadcast %sub3A_312 : i32 to vector<16xi32>
            %sub3A_314 = arith.subi %sub3A_295, %sub3A_313 : vector<16xi32>
            tpu.vector_store_idx %arg25[%sub3A_314], %broadcast_in_dim3A_305 masked %and3A_303 : memref<16xf32, #tpu.memory_space<vmem>>[vector<16xi32>], vector<16xf32>, vector<16xi1>
            %add3A_315 = arith.addi %scan3A_259, %reduce_sum3A_287 : i32
            %ge3A_316 = arith.constant 128 : i32
            %ge3A_317 = arith.cmpi sge, %add3A_315, %ge3A_316 : i32
            %convert_element_type3A_318 = arith.extui %ge3A_317 : i1 to i32
            %cond3A_319 = arith.constant 0 : i32
            %cond3A_320 = arith.cmpi ne, %convert_element_type3A_318, %cond3A_319 : i32
            %cond3A_321 = scf.if %cond3A_320 -> (i32) {
              %sub3A_322 = arith.constant 128 : i32
              %sub3A_323 = arith.subi %add3A_315, %sub3A_322 : i32
              %dma_start3A_324 = arith.constant 0 : i32
              %dma_start3A_325 = arith.constant 0 : i32
              %dma_start3A_326 = tpu.memref_slice %arg3[%dma_start3A_324, %dma_start3A_325] : memref<50000x128xf32, #tpu.memory_space<hbm>> -> memref<50000x128xf32, #tpu.memory_space<hbm>>
              tpu.enqueue_indirect_dma source(%dma_start3A_326 : memref<50000x128xf32, #tpu.memory_space<hbm>>) target(%arg26 : memref<128x128xf32, #tpu.memory_space<vmem>>) offsets(%arg20 : memref<128xi32, #tpu.memory_space<vmem>>) semaphore(%arg31 : memref<!tpu.dma_semaphore, #tpu.memory_space<semaphore_mem>>)
              %dma_start3A_327 = arith.constant 0 : i32
              %dma_start3A_328 = arith.constant 0 : i32
              %dma_start3A_329 = tpu.memref_slice %arg5[%dma_start3A_327, %dma_start3A_328] : memref<50000x16xf32, #tpu.memory_space<hbm>> -> memref<50000x16xf32, #tpu.memory_space<hbm>>
              tpu.enqueue_indirect_dma source(%dma_start3A_329 : memref<50000x16xf32, #tpu.memory_space<hbm>>) target(%arg27 : memref<128x16xf32, #tpu.memory_space<vmem>>) offsets(%arg20 : memref<128xi32, #tpu.memory_space<vmem>>) semaphore(%arg32 : memref<!tpu.dma_semaphore, #tpu.memory_space<semaphore_mem>>)
              %dma_start3A_330 = arith.constant 0 : i32
              %dma_start3A_331 = arith.constant 0 : i32
              %dma_start3A_332 = tpu.memref_slice %arg5[%dma_start3A_330, %dma_start3A_331] : memref<50000x16xf32, #tpu.memory_space<hbm>> -> memref<50000x16xf32, #tpu.memory_space<hbm>>
              tpu.enqueue_indirect_dma source(%dma_start3A_332 : memref<50000x16xf32, #tpu.memory_space<hbm>>) target(%arg28 : memref<128x16xf32, #tpu.memory_space<vmem>>) offsets(%arg21 : memref<128xi32, #tpu.memory_space<vmem>>) semaphore(%arg33 : memref<!tpu.dma_semaphore, #tpu.memory_space<semaphore_mem>>)
              %dma_wait3A_333 = arith.constant 0 : i32
              %dma_wait3A_334 = arith.constant 0 : i32
              %dma_wait3A_335 = tpu.memref_slice %arg5[%dma_wait3A_333, %dma_wait3A_334] : memref<50000x16xf32, #tpu.memory_space<hbm>> -> memref<50000x16xf32, #tpu.memory_space<hbm>>
              tpu.wait_indirect_dma semaphore(%arg32 : memref<!tpu.dma_semaphore, #tpu.memory_space<semaphore_mem>>) src(%dma_wait3A_335 : memref<50000x16xf32, #tpu.memory_space<hbm>>) dst(%arg27 : memref<128x16xf32, #tpu.memory_space<vmem>>)
              %dma_wait3A_336 = arith.constant 0 : i32
              %dma_wait3A_337 = arith.constant 0 : i32
              %dma_wait3A_338 = tpu.memref_slice %arg5[%dma_wait3A_336, %dma_wait3A_337] : memref<50000x16xf32, #tpu.memory_space<hbm>> -> memref<50000x16xf32, #tpu.memory_space<hbm>>
              tpu.wait_indirect_dma semaphore(%arg33 : memref<!tpu.dma_semaphore, #tpu.memory_space<semaphore_mem>>) src(%dma_wait3A_338 : memref<50000x16xf32, #tpu.memory_space<hbm>>) dst(%arg28 : memref<128x16xf32, #tpu.memory_space<vmem>>)
              %scan3A_339 = arith.constant 0 : i32
              %scan3A_340 = arith.constant 0 : i32
              %scan3A_341 = arith.constant 8 : i32
              %scan3A_342 = arith.addi %scan3A_340, %scan3A_341 : i32
              %scan3A_343 = arith.constant 1 : i32
              scf.for %scan3A_414 = %scan3A_340 to %scan3A_342 step %scan3A_343  : i32 {
                %mul3A_415 = arith.constant 16 : i32
                %mul3A_416 = arith.muli %scan3A_414, %mul3A_415 : i32
                %add3A_417 = vector.broadcast %mul3A_416 : i32 to vector<16xi32>
                %add3A_418 = arith.addi %add3A_417, %iota3A : vector<16xi32>
                %mul3A_419 = arith.constant 16 : i32
                %mul3A_420 = arith.muli %scan3A_414, %mul3A_419 : i32
                %get3A_421 = arith.index_cast %mul3A_420 : i32 to index
                %get3A_422 = tpu.vector_load %arg22[%get3A_421] {strides = array<i32>} : memref<128xf32, #tpu.memory_space<vmem>>, vector<16xf32>,
                %broadcast_in_dim3A_423 = arith.constant 0 : i32
                %broadcast_in_dim3A_424 = vector.broadcast %broadcast_in_dim3A_423 : i32 to vector<16xi32>
                %gather3A = tpu.vector_load_idx %arg27[%add3A_418, %broadcast_in_dim3A_424] : memref<128x16xf32, #tpu.memory_space<vmem>>[vector<16xi32>, vector<16xi32>], vector<16xf32>,
                %add3A_425 = arith.constant 8 : i32
                %add3A_426 = vector.broadcast %add3A_425 : i32 to vector<16xi32>
                %add3A_427 = arith.addi %broadcast_in_dim3A_424, %add3A_426 : vector<16xi32>
                %gather3A_428 = tpu.vector_load_idx %arg28[%add3A_418, %add3A_427] : memref<128x16xf32, #tpu.memory_space<vmem>>[vector<16xi32>, vector<16xi32>], vector<16xf32>,
                %add3A_429 = arith.addf %gather3A, %gather3A_428 : vector<16xf32>
                %ge3A_430 = arith.constant 0.000000e+00 : f32
                %ge3A_431 = vector.broadcast %ge3A_430 : f32 to vector<16xf32>
                %ge3A_432 = arith.cmpf oge, %add3A_429, %ge3A_431 : vector<16xf32>
                %mul3A_433 = arith.constant 2.000000e-01 : f32
                %mul3A_434 = vector.broadcast %mul3A_433 : f32 to vector<16xf32>
                %mul3A_435 = arith.mulf %mul3A_434, %add3A_429 : vector<16xf32>
                %select_n3A_436 = arith.select %ge3A_432, %add3A_429, %mul3A_435 : vector<16xi1>, vector<16xf32>
                %exp3A = math.exp %select_n3A_436 : vector<16xf32>
                %mul3A_437 = arith.mulf %exp3A, %get3A_422 : vector<16xf32>
                tpu.vector_store_idx %arg29[%add3A_418, %broadcast_in_dim3A_424], %mul3A_437 : memref<128x8xf32, #tpu.memory_space<vmem>>[vector<16xi32>, vector<16xi32>], vector<16xf32>,
                tpu.vector_store_idx %arg28[%add3A_418, %broadcast_in_dim3A_424], %mul3A_437 : memref<128x16xf32, #tpu.memory_space<vmem>>[vector<16xi32>, vector<16xi32>], vector<16xf32>,
                %broadcast_in_dim3A_438 = arith.constant 1 : i32
                %broadcast_in_dim3A_439 = vector.broadcast %broadcast_in_dim3A_438 : i32 to vector<16xi32>
                %gather3A_440 = tpu.vector_load_idx %arg27[%add3A_418, %broadcast_in_dim3A_439] : memref<128x16xf32, #tpu.memory_space<vmem>>[vector<16xi32>, vector<16xi32>], vector<16xf32>,
                %add3A_441 = arith.constant 8 : i32
                %add3A_442 = vector.broadcast %add3A_441 : i32 to vector<16xi32>
                %add3A_443 = arith.addi %broadcast_in_dim3A_439, %add3A_442 : vector<16xi32>
                %gather3A_444 = tpu.vector_load_idx %arg28[%add3A_418, %add3A_443] : memref<128x16xf32, #tpu.memory_space<vmem>>[vector<16xi32>, vector<16xi32>], vector<16xf32>,
                %add3A_445 = arith.addf %gather3A_440, %gather3A_444 : vector<16xf32>
                %ge3A_446 = arith.constant 0.000000e+00 : f32
                %ge3A_447 = vector.broadcast %ge3A_446 : f32 to vector<16xf32>
                %ge3A_448 = arith.cmpf oge, %add3A_445, %ge3A_447 : vector<16xf32>
                %mul3A_449 = arith.constant 2.000000e-01 : f32
                %mul3A_450 = vector.broadcast %mul3A_449 : f32 to vector<16xf32>
                %mul3A_451 = arith.mulf %mul3A_450, %add3A_445 : vector<16xf32>
                %select_n3A_452 = arith.select %ge3A_448, %add3A_445, %mul3A_451 : vector<16xi1>, vector<16xf32>
                %exp3A_453 = math.exp %select_n3A_452 : vector<16xf32>
                %mul3A_454 = arith.mulf %exp3A_453, %get3A_422 : vector<16xf32>
                tpu.vector_store_idx %arg29[%add3A_418, %broadcast_in_dim3A_439], %mul3A_454 : memref<128x8xf32, #tpu.memory_space<vmem>>[vector<16xi32>, vector<16xi32>], vector<16xf32>,
                tpu.vector_store_idx %arg28[%add3A_418, %broadcast_in_dim3A_439], %mul3A_454 : memref<128x16xf32, #tpu.memory_space<vmem>>[vector<16xi32>, vector<16xi32>], vector<16xf32>,
                %broadcast_in_dim3A_455 = arith.constant 2 : i32
                %broadcast_in_dim3A_456 = vector.broadcast %broadcast_in_dim3A_455 : i32 to vector<16xi32>
                %gather3A_457 = tpu.vector_load_idx %arg27[%add3A_418, %broadcast_in_dim3A_456] : memref<128x16xf32, #tpu.memory_space<vmem>>[vector<16xi32>, vector<16xi32>], vector<16xf32>,
                %add3A_458 = arith.constant 8 : i32
                %add3A_459 = vector.broadcast %add3A_458 : i32 to vector<16xi32>
                %add3A_460 = arith.addi %broadcast_in_dim3A_456, %add3A_459 : vector<16xi32>
                %gather3A_461 = tpu.vector_load_idx %arg28[%add3A_418, %add3A_460] : memref<128x16xf32, #tpu.memory_space<vmem>>[vector<16xi32>, vector<16xi32>], vector<16xf32>,
                %add3A_462 = arith.addf %gather3A_457, %gather3A_461 : vector<16xf32>
                %ge3A_463 = arith.constant 0.000000e+00 : f32
                %ge3A_464 = vector.broadcast %ge3A_463 : f32 to vector<16xf32>
                %ge3A_465 = arith.cmpf oge, %add3A_462, %ge3A_464 : vector<16xf32>
                %mul3A_466 = arith.constant 2.000000e-01 : f32
                %mul3A_467 = vector.broadcast %mul3A_466 : f32 to vector<16xf32>
                %mul3A_468 = arith.mulf %mul3A_467, %add3A_462 : vector<16xf32>
                %select_n3A_469 = arith.select %ge3A_465, %add3A_462, %mul3A_468 : vector<16xi1>, vector<16xf32>
                %exp3A_470 = math.exp %select_n3A_469 : vector<16xf32>
                %mul3A_471 = arith.mulf %exp3A_470, %get3A_422 : vector<16xf32>
                tpu.vector_store_idx %arg29[%add3A_418, %broadcast_in_dim3A_456], %mul3A_471 : memref<128x8xf32, #tpu.memory_space<vmem>>[vector<16xi32>, vector<16xi32>], vector<16xf32>,
                tpu.vector_store_idx %arg28[%add3A_418, %broadcast_in_dim3A_456], %mul3A_471 : memref<128x16xf32, #tpu.memory_space<vmem>>[vector<16xi32>, vector<16xi32>], vector<16xf32>,
                %broadcast_in_dim3A_472 = arith.constant 3 : i32
                %broadcast_in_dim3A_473 = vector.broadcast %broadcast_in_dim3A_472 : i32 to vector<16xi32>
                %gather3A_474 = tpu.vector_load_idx %arg27[%add3A_418, %broadcast_in_dim3A_473] : memref<128x16xf32, #tpu.memory_space<vmem>>[vector<16xi32>, vector<16xi32>], vector<16xf32>,
                %add3A_475 = arith.constant 8 : i32
                %add3A_476 = vector.broadcast %add3A_475 : i32 to vector<16xi32>
                %add3A_477 = arith.addi %broadcast_in_dim3A_473, %add3A_476 : vector<16xi32>
                %gather3A_478 = tpu.vector_load_idx %arg28[%add3A_418, %add3A_477] : memref<128x16xf32, #tpu.memory_space<vmem>>[vector<16xi32>, vector<16xi32>], vector<16xf32>,
                %add3A_479 = arith.addf %gather3A_474, %gather3A_478 : vector<16xf32>
                %ge3A_480 = arith.constant 0.000000e+00 : f32
                %ge3A_481 = vector.broadcast %ge3A_480 : f32 to vector<16xf32>
                %ge3A_482 = arith.cmpf oge, %add3A_479, %ge3A_481 : vector<16xf32>
                %mul3A_483 = arith.constant 2.000000e-01 : f32
                %mul3A_484 = vector.broadcast %mul3A_483 : f32 to vector<16xf32>
                %mul3A_485 = arith.mulf %mul3A_484, %add3A_479 : vector<16xf32>
                %select_n3A_486 = arith.select %ge3A_482, %add3A_479, %mul3A_485 : vector<16xi1>, vector<16xf32>
                %exp3A_487 = math.exp %select_n3A_486 : vector<16xf32>
                %mul3A_488 = arith.mulf %exp3A_487, %get3A_422 : vector<16xf32>
                tpu.vector_store_idx %arg29[%add3A_418, %broadcast_in_dim3A_473], %mul3A_488 : memref<128x8xf32, #tpu.memory_space<vmem>>[vector<16xi32>, vector<16xi32>], vector<16xf32>,
                tpu.vector_store_idx %arg28[%add3A_418, %broadcast_in_dim3A_473], %mul3A_488 : memref<128x16xf32, #tpu.memory_space<vmem>>[vector<16xi32>, vector<16xi32>], vector<16xf32>,
                %broadcast_in_dim3A_489 = arith.constant 4 : i32
                %broadcast_in_dim3A_490 = vector.broadcast %broadcast_in_dim3A_489 : i32 to vector<16xi32>
                %gather3A_491 = tpu.vector_load_idx %arg27[%add3A_418, %broadcast_in_dim3A_490] : memref<128x16xf32, #tpu.memory_space<vmem>>[vector<16xi32>, vector<16xi32>], vector<16xf32>,
                %add3A_492 = arith.constant 8 : i32
                %add3A_493 = vector.broadcast %add3A_492 : i32 to vector<16xi32>
                %add3A_494 = arith.addi %broadcast_in_dim3A_490, %add3A_493 : vector<16xi32>
                %gather3A_495 = tpu.vector_load_idx %arg28[%add3A_418, %add3A_494] : memref<128x16xf32, #tpu.memory_space<vmem>>[vector<16xi32>, vector<16xi32>], vector<16xf32>,
                %add3A_496 = arith.addf %gather3A_491, %gather3A_495 : vector<16xf32>
                %ge3A_497 = arith.constant 0.000000e+00 : f32
                %ge3A_498 = vector.broadcast %ge3A_497 : f32 to vector<16xf32>
                %ge3A_499 = arith.cmpf oge, %add3A_496, %ge3A_498 : vector<16xf32>
                %mul3A_500 = arith.constant 2.000000e-01 : f32
                %mul3A_501 = vector.broadcast %mul3A_500 : f32 to vector<16xf32>
                %mul3A_502 = arith.mulf %mul3A_501, %add3A_496 : vector<16xf32>
                %select_n3A_503 = arith.select %ge3A_499, %add3A_496, %mul3A_502 : vector<16xi1>, vector<16xf32>
                %exp3A_504 = math.exp %select_n3A_503 : vector<16xf32>
                %mul3A_505 = arith.mulf %exp3A_504, %get3A_422 : vector<16xf32>
                tpu.vector_store_idx %arg29[%add3A_418, %broadcast_in_dim3A_490], %mul3A_505 : memref<128x8xf32, #tpu.memory_space<vmem>>[vector<16xi32>, vector<16xi32>], vector<16xf32>,
                tpu.vector_store_idx %arg28[%add3A_418, %broadcast_in_dim3A_490], %mul3A_505 : memref<128x16xf32, #tpu.memory_space<vmem>>[vector<16xi32>, vector<16xi32>], vector<16xf32>,
                %broadcast_in_dim3A_506 = arith.constant 5 : i32
                %broadcast_in_dim3A_507 = vector.broadcast %broadcast_in_dim3A_506 : i32 to vector<16xi32>
                %gather3A_508 = tpu.vector_load_idx %arg27[%add3A_418, %broadcast_in_dim3A_507] : memref<128x16xf32, #tpu.memory_space<vmem>>[vector<16xi32>, vector<16xi32>], vector<16xf32>,
                %add3A_509 = arith.constant 8 : i32
                %add3A_510 = vector.broadcast %add3A_509 : i32 to vector<16xi32>
                %add3A_511 = arith.addi %broadcast_in_dim3A_507, %add3A_510 : vector<16xi32>
                %gather3A_512 = tpu.vector_load_idx %arg28[%add3A_418, %add3A_511] : memref<128x16xf32, #tpu.memory_space<vmem>>[vector<16xi32>, vector<16xi32>], vector<16xf32>,
                %add3A_513 = arith.addf %gather3A_508, %gather3A_512 : vector<16xf32>
                %ge3A_514 = arith.constant 0.000000e+00 : f32
                %ge3A_515 = vector.broadcast %ge3A_514 : f32 to vector<16xf32>
                %ge3A_516 = arith.cmpf oge, %add3A_513, %ge3A_515 : vector<16xf32>
                %mul3A_517 = arith.constant 2.000000e-01 : f32
                %mul3A_518 = vector.broadcast %mul3A_517 : f32 to vector<16xf32>
                %mul3A_519 = arith.mulf %mul3A_518, %add3A_513 : vector<16xf32>
                %select_n3A_520 = arith.select %ge3A_516, %add3A_513, %mul3A_519 : vector<16xi1>, vector<16xf32>
                %exp3A_521 = math.exp %select_n3A_520 : vector<16xf32>
                %mul3A_522 = arith.mulf %exp3A_521, %get3A_422 : vector<16xf32>
                tpu.vector_store_idx %arg29[%add3A_418, %broadcast_in_dim3A_507], %mul3A_522 : memref<128x8xf32, #tpu.memory_space<vmem>>[vector<16xi32>, vector<16xi32>], vector<16xf32>,
                tpu.vector_store_idx %arg28[%add3A_418, %broadcast_in_dim3A_507], %mul3A_522 : memref<128x16xf32, #tpu.memory_space<vmem>>[vector<16xi32>, vector<16xi32>], vector<16xf32>,
                %broadcast_in_dim3A_523 = arith.constant 6 : i32
                %broadcast_in_dim3A_524 = vector.broadcast %broadcast_in_dim3A_523 : i32 to vector<16xi32>
                %gather3A_525 = tpu.vector_load_idx %arg27[%add3A_418, %broadcast_in_dim3A_524] : memref<128x16xf32, #tpu.memory_space<vmem>>[vector<16xi32>, vector<16xi32>], vector<16xf32>,
                %add3A_526 = arith.constant 8 : i32
                %add3A_527 = vector.broadcast %add3A_526 : i32 to vector<16xi32>
                %add3A_528 = arith.addi %broadcast_in_dim3A_524, %add3A_527 : vector<16xi32>
                %gather3A_529 = tpu.vector_load_idx %arg28[%add3A_418, %add3A_528] : memref<128x16xf32, #tpu.memory_space<vmem>>[vector<16xi32>, vector<16xi32>], vector<16xf32>,
                %add3A_530 = arith.addf %gather3A_525, %gather3A_529 : vector<16xf32>
                %ge3A_531 = arith.constant 0.000000e+00 : f32
                %ge3A_532 = vector.broadcast %ge3A_531 : f32 to vector<16xf32>
                %ge3A_533 = arith.cmpf oge, %add3A_530, %ge3A_532 : vector<16xf32>
                %mul3A_534 = arith.constant 2.000000e-01 : f32
                %mul3A_535 = vector.broadcast %mul3A_534 : f32 to vector<16xf32>
                %mul3A_536 = arith.mulf %mul3A_535, %add3A_530 : vector<16xf32>
                %select_n3A_537 = arith.select %ge3A_533, %add3A_530, %mul3A_536 : vector<16xi1>, vector<16xf32>
                %exp3A_538 = math.exp %select_n3A_537 : vector<16xf32>
                %mul3A_539 = arith.mulf %exp3A_538, %get3A_422 : vector<16xf32>
                tpu.vector_store_idx %arg29[%add3A_418, %broadcast_in_dim3A_524], %mul3A_539 : memref<128x8xf32, #tpu.memory_space<vmem>>[vector<16xi32>, vector<16xi32>], vector<16xf32>,
                tpu.vector_store_idx %arg28[%add3A_418, %broadcast_in_dim3A_524], %mul3A_539 : memref<128x16xf32, #tpu.memory_space<vmem>>[vector<16xi32>, vector<16xi32>], vector<16xf32>,
                %broadcast_in_dim3A_540 = arith.constant 7 : i32
                %broadcast_in_dim3A_541 = vector.broadcast %broadcast_in_dim3A_540 : i32 to vector<16xi32>
                %gather3A_542 = tpu.vector_load_idx %arg27[%add3A_418, %broadcast_in_dim3A_541] : memref<128x16xf32, #tpu.memory_space<vmem>>[vector<16xi32>, vector<16xi32>], vector<16xf32>,
                %add3A_543 = arith.constant 8 : i32
                %add3A_544 = vector.broadcast %add3A_543 : i32 to vector<16xi32>
                %add3A_545 = arith.addi %broadcast_in_dim3A_541, %add3A_544 : vector<16xi32>
                %gather3A_546 = tpu.vector_load_idx %arg28[%add3A_418, %add3A_545] : memref<128x16xf32, #tpu.memory_space<vmem>>[vector<16xi32>, vector<16xi32>], vector<16xf32>,
                %add3A_547 = arith.addf %gather3A_542, %gather3A_546 : vector<16xf32>
                %ge3A_548 = arith.constant 0.000000e+00 : f32
                %ge3A_549 = vector.broadcast %ge3A_548 : f32 to vector<16xf32>
                %ge3A_550 = arith.cmpf oge, %add3A_547, %ge3A_549 : vector<16xf32>
                %mul3A_551 = arith.constant 2.000000e-01 : f32
                %mul3A_552 = vector.broadcast %mul3A_551 : f32 to vector<16xf32>
                %mul3A_553 = arith.mulf %mul3A_552, %add3A_547 : vector<16xf32>
                %select_n3A_554 = arith.select %ge3A_550, %add3A_547, %mul3A_553 : vector<16xi1>, vector<16xf32>
                %exp3A_555 = math.exp %select_n3A_554 : vector<16xf32>
                %mul3A_556 = arith.mulf %exp3A_555, %get3A_422 : vector<16xf32>
                tpu.vector_store_idx %arg29[%add3A_418, %broadcast_in_dim3A_541], %mul3A_556 : memref<128x8xf32, #tpu.memory_space<vmem>>[vector<16xi32>, vector<16xi32>], vector<16xf32>,
                tpu.vector_store_idx %arg28[%add3A_418, %broadcast_in_dim3A_541], %mul3A_556 : memref<128x16xf32, #tpu.memory_space<vmem>>[vector<16xi32>, vector<16xi32>], vector<16xf32>,
              }
              %scan3A_344 = arith.constant 8 : i32
              "tpu.region"() ({
                %run_scoped3A = tpu.sem_alloc : memref<!tpu.dma_semaphore, #tpu.memory_space<semaphore_mem>>
                %dma_start3A_414 = arith.constant 0 : i32
                %dma_start3A_415 = arith.constant 0 : i32
                %dma_start3A_416 = tpu.memref_slice %arg16[%dma_start3A_414, %dma_start3A_415] : memref<51200x8xf32, #tpu.memory_space<vmem_shared>> -> memref<51200x8xf32, #tpu.memory_space<vmem_shared>>
                tpu.enqueue_indirect_dma source(%arg29 : memref<128x8xf32, #tpu.memory_space<vmem>>) target(%dma_start3A_416 : memref<51200x8xf32, #tpu.memory_space<vmem_shared>>) offsets(%arg21 : memref<128xi32, #tpu.memory_space<vmem>>) semaphore(%run_scoped3A : memref<!tpu.dma_semaphore, #tpu.memory_space<semaphore_mem>>) {add = true}
                %dma_wait3A_417 = arith.constant 0 : i32
                %dma_wait3A_418 = arith.constant 0 : i32
                %dma_wait3A_419 = tpu.memref_slice %arg16[%dma_wait3A_417, %dma_wait3A_418] : memref<51200x8xf32, #tpu.memory_space<vmem_shared>> -> memref<51200x8xf32, #tpu.memory_space<vmem_shared>>
                tpu.wait_indirect_dma semaphore(%run_scoped3A : memref<!tpu.dma_semaphore, #tpu.memory_space<semaphore_mem>>) src(%arg29 : memref<128x8xf32, #tpu.memory_space<vmem>>) dst(%dma_wait3A_419 : memref<51200x8xf32, #tpu.memory_space<vmem_shared>>)
                tpu.yield
              }) : () -> ()
              %get3A_345 = arith.constant 0 : index
              %get3A_346 = tpu.vector_load %arg21[%get3A_345] {strides = array<i32>} : memref<128xi32, #tpu.memory_space<vmem>>, vector<16xi32>,
              %sub3A_347 = vector.broadcast %mul3A_40 : i32 to vector<16xi32>
              %sub3A_348 = arith.subi %get3A_346, %sub3A_347 : vector<16xi32>
              %swap3A_349 = arith.constant 0 : index
              %swap3A_350 = tpu.vector_load %arg30[%swap3A_349] {strides = array<i32>} : memref<128xi32, #tpu.memory_space<vmem>>, vector<16xi32>,
              tpu.vector_store %arg30[%swap3A_349], %sub3A_348 {strides = array<i32>} : memref<128xi32, #tpu.memory_space<vmem>>, vector<16xi32>,
              %get3A_351 = arith.constant 16 : index
              %get3A_352 = tpu.vector_load %arg21[%get3A_351] {strides = array<i32>} : memref<128xi32, #tpu.memory_space<vmem>>, vector<16xi32>,
              %sub3A_353 = vector.broadcast %mul3A_40 : i32 to vector<16xi32>
              %sub3A_354 = arith.subi %get3A_352, %sub3A_353 : vector<16xi32>
              %swap3A_355 = arith.constant 16 : index
              %swap3A_356 = tpu.vector_load %arg30[%swap3A_355] {strides = array<i32>} : memref<128xi32, #tpu.memory_space<vmem>>, vector<16xi32>,
              tpu.vector_store %arg30[%swap3A_355], %sub3A_354 {strides = array<i32>} : memref<128xi32, #tpu.memory_space<vmem>>, vector<16xi32>,
              %get3A_357 = arith.constant 32 : index
              %get3A_358 = tpu.vector_load %arg21[%get3A_357] {strides = array<i32>} : memref<128xi32, #tpu.memory_space<vmem>>, vector<16xi32>,
              %sub3A_359 = vector.broadcast %mul3A_40 : i32 to vector<16xi32>
              %sub3A_360 = arith.subi %get3A_358, %sub3A_359 : vector<16xi32>
              %swap3A_361 = arith.constant 32 : index
              %swap3A_362 = tpu.vector_load %arg30[%swap3A_361] {strides = array<i32>} : memref<128xi32, #tpu.memory_space<vmem>>, vector<16xi32>,
              tpu.vector_store %arg30[%swap3A_361], %sub3A_360 {strides = array<i32>} : memref<128xi32, #tpu.memory_space<vmem>>, vector<16xi32>,
              %get3A_363 = arith.constant 48 : index
              %get3A_364 = tpu.vector_load %arg21[%get3A_363] {strides = array<i32>} : memref<128xi32, #tpu.memory_space<vmem>>, vector<16xi32>,
              %sub3A_365 = vector.broadcast %mul3A_40 : i32 to vector<16xi32>
              %sub3A_366 = arith.subi %get3A_364, %sub3A_365 : vector<16xi32>
              %swap3A_367 = arith.constant 48 : index
              %swap3A_368 = tpu.vector_load %arg30[%swap3A_367] {strides = array<i32>} : memref<128xi32, #tpu.memory_space<vmem>>, vector<16xi32>,
              tpu.vector_store %arg30[%swap3A_367], %sub3A_366 {strides = array<i32>} : memref<128xi32, #tpu.memory_space<vmem>>, vector<16xi32>,
              %get3A_369 = arith.constant 64 : index
              %get3A_370 = tpu.vector_load %arg21[%get3A_369] {strides = array<i32>} : memref<128xi32, #tpu.memory_space<vmem>>, vector<16xi32>,
              %sub3A_371 = vector.broadcast %mul3A_40 : i32 to vector<16xi32>
              %sub3A_372 = arith.subi %get3A_370, %sub3A_371 : vector<16xi32>
              %swap3A_373 = arith.constant 64 : index
              %swap3A_374 = tpu.vector_load %arg30[%swap3A_373] {strides = array<i32>} : memref<128xi32, #tpu.memory_space<vmem>>, vector<16xi32>,
              tpu.vector_store %arg30[%swap3A_373], %sub3A_372 {strides = array<i32>} : memref<128xi32, #tpu.memory_space<vmem>>, vector<16xi32>,
              %get3A_375 = arith.constant 80 : index
              %get3A_376 = tpu.vector_load %arg21[%get3A_375] {strides = array<i32>} : memref<128xi32, #tpu.memory_space<vmem>>, vector<16xi32>,
              %sub3A_377 = vector.broadcast %mul3A_40 : i32 to vector<16xi32>
              %sub3A_378 = arith.subi %get3A_376, %sub3A_377 : vector<16xi32>
              %swap3A_379 = arith.constant 80 : index
              %swap3A_380 = tpu.vector_load %arg30[%swap3A_379] {strides = array<i32>} : memref<128xi32, #tpu.memory_space<vmem>>, vector<16xi32>,
              tpu.vector_store %arg30[%swap3A_379], %sub3A_378 {strides = array<i32>} : memref<128xi32, #tpu.memory_space<vmem>>, vector<16xi32>,
              %get3A_381 = arith.constant 96 : index
              %get3A_382 = tpu.vector_load %arg21[%get3A_381] {strides = array<i32>} : memref<128xi32, #tpu.memory_space<vmem>>, vector<16xi32>,
              %sub3A_383 = vector.broadcast %mul3A_40 : i32 to vector<16xi32>
              %sub3A_384 = arith.subi %get3A_382, %sub3A_383 : vector<16xi32>
              %swap3A_385 = arith.constant 96 : index
              %swap3A_386 = tpu.vector_load %arg30[%swap3A_385] {strides = array<i32>} : memref<128xi32, #tpu.memory_space<vmem>>, vector<16xi32>,
              tpu.vector_store %arg30[%swap3A_385], %sub3A_384 {strides = array<i32>} : memref<128xi32, #tpu.memory_space<vmem>>, vector<16xi32>,
              %get3A_387 = arith.constant 112 : index
              %get3A_388 = tpu.vector_load %arg21[%get3A_387] {strides = array<i32>} : memref<128xi32, #tpu.memory_space<vmem>>, vector<16xi32>,
              %sub3A_389 = vector.broadcast %mul3A_40 : i32 to vector<16xi32>
              %sub3A_390 = arith.subi %get3A_388, %sub3A_389 : vector<16xi32>
              %swap3A_391 = arith.constant 112 : index
              %swap3A_392 = tpu.vector_load %arg30[%swap3A_391] {strides = array<i32>} : memref<128xi32, #tpu.memory_space<vmem>>, vector<16xi32>,
              tpu.vector_store %arg30[%swap3A_391], %sub3A_390 {strides = array<i32>} : memref<128xi32, #tpu.memory_space<vmem>>, vector<16xi32>,
              %dma_wait3A_393 = arith.constant 0 : i32
              %dma_wait3A_394 = arith.constant 0 : i32
              %dma_wait3A_395 = tpu.memref_slice %arg3[%dma_wait3A_393, %dma_wait3A_394] : memref<50000x128xf32, #tpu.memory_space<hbm>> -> memref<50000x128xf32, #tpu.memory_space<hbm>>
              tpu.wait_indirect_dma semaphore(%arg31 : memref<!tpu.dma_semaphore, #tpu.memory_space<semaphore_mem>>) src(%dma_wait3A_395 : memref<50000x128xf32, #tpu.memory_space<hbm>>) dst(%arg26 : memref<128x128xf32, #tpu.memory_space<vmem>>)
              %scan3A_396 = arith.constant 0 : i32
              %scan3A_397 = arith.constant 0 : i32
              %scan3A_398 = arith.constant 128 : i32
              %scan3A_399 = arith.addi %scan3A_397, %scan3A_398 : i32
              %scan3A_400 = arith.constant 1 : i32
              scf.for %scan3A_414 = %scan3A_397 to %scan3A_399 step %scan3A_400  : i32 {
                %get3A_415 = arith.index_cast %scan3A_414 : i32 to index
                %get3A_416 = arith.constant 0 : index
                %get3A_417 = tpu.vector_load %arg28[%get3A_415, %get3A_416] {strides = array<i32>} : memref<128x16xf32, #tpu.memory_space<vmem>>, vector<16xf32>,
                %broadcast_in_dim3A_418 = arith.constant 0 : i32
                %broadcast_in_dim3A_419 = vector.broadcast %broadcast_in_dim3A_418 : i32 to vector<16x1xi32>
                %gather3A = vector.shape_cast %broadcast_in_dim3A_419 : vector<16x1xi32> to vector<16xi32>
                %gather3A_420 = tpu.dynamic_gather %get3A_417[%gather3A] in [0] : vector<16xf32>, vector<16xi32> -> vector<16xf32>
                %get3A_421 = arith.index_cast %scan3A_414 : i32 to index
                %get3A_422 = arith.constant 0 : index
                %get3A_423 = tpu.vector_load %arg26[%get3A_421, %get3A_422] {strides = array<i32>} : memref<128x128xf32, #tpu.memory_space<vmem>>, vector<16xf32>,
                %mul3A_424 = arith.mulf %get3A_423, %gather3A_420 : vector<16xf32>
                %swap3A_425 = arith.index_cast %scan3A_414 : i32 to index
                %swap3A_426 = arith.constant 0 : index
                %swap3A_427 = tpu.vector_load %arg26[%swap3A_425, %swap3A_426] {strides = array<i32>} : memref<128x128xf32, #tpu.memory_space<vmem>>, vector<16xf32>,
                tpu.vector_store %arg26[%swap3A_425, %swap3A_426], %mul3A_424 {strides = array<i32>} : memref<128x128xf32, #tpu.memory_space<vmem>>, vector<16xf32>,
                %broadcast_in_dim3A_428 = arith.constant 1 : i32
                %broadcast_in_dim3A_429 = vector.broadcast %broadcast_in_dim3A_428 : i32 to vector<16x1xi32>
                %gather3A_430 = vector.shape_cast %broadcast_in_dim3A_429 : vector<16x1xi32> to vector<16xi32>
                %gather3A_431 = tpu.dynamic_gather %get3A_417[%gather3A_430] in [0] : vector<16xf32>, vector<16xi32> -> vector<16xf32>
                %get3A_432 = arith.index_cast %scan3A_414 : i32 to index
                %get3A_433 = arith.constant 16 : index
                %get3A_434 = tpu.vector_load %arg26[%get3A_432, %get3A_433] {strides = array<i32>} : memref<128x128xf32, #tpu.memory_space<vmem>>, vector<16xf32>,
                %mul3A_435 = arith.mulf %get3A_434, %gather3A_431 : vector<16xf32>
                %swap3A_436 = arith.index_cast %scan3A_414 : i32 to index
                %swap3A_437 = arith.constant 16 : index
                %swap3A_438 = tpu.vector_load %arg26[%swap3A_436, %swap3A_437] {strides = array<i32>} : memref<128x128xf32, #tpu.memory_space<vmem>>, vector<16xf32>,
                tpu.vector_store %arg26[%swap3A_436, %swap3A_437], %mul3A_435 {strides = array<i32>} : memref<128x128xf32, #tpu.memory_space<vmem>>, vector<16xf32>,
                %broadcast_in_dim3A_439 = arith.constant 2 : i32
                %broadcast_in_dim3A_440 = vector.broadcast %broadcast_in_dim3A_439 : i32 to vector<16x1xi32>
                %gather3A_441 = vector.shape_cast %broadcast_in_dim3A_440 : vector<16x1xi32> to vector<16xi32>
                %gather3A_442 = tpu.dynamic_gather %get3A_417[%gather3A_441] in [0] : vector<16xf32>, vector<16xi32> -> vector<16xf32>
                %get3A_443 = arith.index_cast %scan3A_414 : i32 to index
                %get3A_444 = arith.constant 32 : index
                %get3A_445 = tpu.vector_load %arg26[%get3A_443, %get3A_444] {strides = array<i32>} : memref<128x128xf32, #tpu.memory_space<vmem>>, vector<16xf32>,
                %mul3A_446 = arith.mulf %get3A_445, %gather3A_442 : vector<16xf32>
                %swap3A_447 = arith.index_cast %scan3A_414 : i32 to index
                %swap3A_448 = arith.constant 32 : index
                %swap3A_449 = tpu.vector_load %arg26[%swap3A_447, %swap3A_448] {strides = array<i32>} : memref<128x128xf32, #tpu.memory_space<vmem>>, vector<16xf32>,
                tpu.vector_store %arg26[%swap3A_447, %swap3A_448], %mul3A_446 {strides = array<i32>} : memref<128x128xf32, #tpu.memory_space<vmem>>, vector<16xf32>,
                %broadcast_in_dim3A_450 = arith.constant 3 : i32
                %broadcast_in_dim3A_451 = vector.broadcast %broadcast_in_dim3A_450 : i32 to vector<16x1xi32>
                %gather3A_452 = vector.shape_cast %broadcast_in_dim3A_451 : vector<16x1xi32> to vector<16xi32>
                %gather3A_453 = tpu.dynamic_gather %get3A_417[%gather3A_452] in [0] : vector<16xf32>, vector<16xi32> -> vector<16xf32>
                %get3A_454 = arith.index_cast %scan3A_414 : i32 to index
                %get3A_455 = arith.constant 48 : index
                %get3A_456 = tpu.vector_load %arg26[%get3A_454, %get3A_455] {strides = array<i32>} : memref<128x128xf32, #tpu.memory_space<vmem>>, vector<16xf32>,
                %mul3A_457 = arith.mulf %get3A_456, %gather3A_453 : vector<16xf32>
                %swap3A_458 = arith.index_cast %scan3A_414 : i32 to index
                %swap3A_459 = arith.constant 48 : index
                %swap3A_460 = tpu.vector_load %arg26[%swap3A_458, %swap3A_459] {strides = array<i32>} : memref<128x128xf32, #tpu.memory_space<vmem>>, vector<16xf32>,
                tpu.vector_store %arg26[%swap3A_458, %swap3A_459], %mul3A_457 {strides = array<i32>} : memref<128x128xf32, #tpu.memory_space<vmem>>, vector<16xf32>,
                %broadcast_in_dim3A_461 = arith.constant 4 : i32
                %broadcast_in_dim3A_462 = vector.broadcast %broadcast_in_dim3A_461 : i32 to vector<16x1xi32>
                %gather3A_463 = vector.shape_cast %broadcast_in_dim3A_462 : vector<16x1xi32> to vector<16xi32>
                %gather3A_464 = tpu.dynamic_gather %get3A_417[%gather3A_463] in [0] : vector<16xf32>, vector<16xi32> -> vector<16xf32>
                %get3A_465 = arith.index_cast %scan3A_414 : i32 to index
                %get3A_466 = arith.constant 64 : index
                %get3A_467 = tpu.vector_load %arg26[%get3A_465, %get3A_466] {strides = array<i32>} : memref<128x128xf32, #tpu.memory_space<vmem>>, vector<16xf32>,
                %mul3A_468 = arith.mulf %get3A_467, %gather3A_464 : vector<16xf32>
                %swap3A_469 = arith.index_cast %scan3A_414 : i32 to index
                %swap3A_470 = arith.constant 64 : index
                %swap3A_471 = tpu.vector_load %arg26[%swap3A_469, %swap3A_470] {strides = array<i32>} : memref<128x128xf32, #tpu.memory_space<vmem>>, vector<16xf32>,
                tpu.vector_store %arg26[%swap3A_469, %swap3A_470], %mul3A_468 {strides = array<i32>} : memref<128x128xf32, #tpu.memory_space<vmem>>, vector<16xf32>,
                %broadcast_in_dim3A_472 = arith.constant 5 : i32
                %broadcast_in_dim3A_473 = vector.broadcast %broadcast_in_dim3A_472 : i32 to vector<16x1xi32>
                %gather3A_474 = vector.shape_cast %broadcast_in_dim3A_473 : vector<16x1xi32> to vector<16xi32>
                %gather3A_475 = tpu.dynamic_gather %get3A_417[%gather3A_474] in [0] : vector<16xf32>, vector<16xi32> -> vector<16xf32>
                %get3A_476 = arith.index_cast %scan3A_414 : i32 to index
                %get3A_477 = arith.constant 80 : index
                %get3A_478 = tpu.vector_load %arg26[%get3A_476, %get3A_477] {strides = array<i32>} : memref<128x128xf32, #tpu.memory_space<vmem>>, vector<16xf32>,
                %mul3A_479 = arith.mulf %get3A_478, %gather3A_475 : vector<16xf32>
                %swap3A_480 = arith.index_cast %scan3A_414 : i32 to index
                %swap3A_481 = arith.constant 80 : index
                %swap3A_482 = tpu.vector_load %arg26[%swap3A_480, %swap3A_481] {strides = array<i32>} : memref<128x128xf32, #tpu.memory_space<vmem>>, vector<16xf32>,
                tpu.vector_store %arg26[%swap3A_480, %swap3A_481], %mul3A_479 {strides = array<i32>} : memref<128x128xf32, #tpu.memory_space<vmem>>, vector<16xf32>,
                %broadcast_in_dim3A_483 = arith.constant 6 : i32
                %broadcast_in_dim3A_484 = vector.broadcast %broadcast_in_dim3A_483 : i32 to vector<16x1xi32>
                %gather3A_485 = vector.shape_cast %broadcast_in_dim3A_484 : vector<16x1xi32> to vector<16xi32>
                %gather3A_486 = tpu.dynamic_gather %get3A_417[%gather3A_485] in [0] : vector<16xf32>, vector<16xi32> -> vector<16xf32>
                %get3A_487 = arith.index_cast %scan3A_414 : i32 to index
                %get3A_488 = arith.constant 96 : index
                %get3A_489 = tpu.vector_load %arg26[%get3A_487, %get3A_488] {strides = array<i32>} : memref<128x128xf32, #tpu.memory_space<vmem>>, vector<16xf32>,
                %mul3A_490 = arith.mulf %get3A_489, %gather3A_486 : vector<16xf32>
                %swap3A_491 = arith.index_cast %scan3A_414 : i32 to index
                %swap3A_492 = arith.constant 96 : index
                %swap3A_493 = tpu.vector_load %arg26[%swap3A_491, %swap3A_492] {strides = array<i32>} : memref<128x128xf32, #tpu.memory_space<vmem>>, vector<16xf32>,
                tpu.vector_store %arg26[%swap3A_491, %swap3A_492], %mul3A_490 {strides = array<i32>} : memref<128x128xf32, #tpu.memory_space<vmem>>, vector<16xf32>,
                %broadcast_in_dim3A_494 = arith.constant 7 : i32
                %broadcast_in_dim3A_495 = vector.broadcast %broadcast_in_dim3A_494 : i32 to vector<16x1xi32>
                %gather3A_496 = vector.shape_cast %broadcast_in_dim3A_495 : vector<16x1xi32> to vector<16xi32>
                %gather3A_497 = tpu.dynamic_gather %get3A_417[%gather3A_496] in [0] : vector<16xf32>, vector<16xi32> -> vector<16xf32>
                %get3A_498 = arith.index_cast %scan3A_414 : i32 to index
                %get3A_499 = arith.constant 112 : index
                %get3A_500 = tpu.vector_load %arg26[%get3A_498, %get3A_499] {strides = array<i32>} : memref<128x128xf32, #tpu.memory_space<vmem>>, vector<16xf32>,
                %mul3A_501 = arith.mulf %get3A_500, %gather3A_497 : vector<16xf32>
                %swap3A_502 = arith.index_cast %scan3A_414 : i32 to index
                %swap3A_503 = arith.constant 112 : index
                %swap3A_504 = tpu.vector_load %arg26[%swap3A_502, %swap3A_503] {strides = array<i32>} : memref<128x128xf32, #tpu.memory_space<vmem>>, vector<16xf32>,
                tpu.vector_store %arg26[%swap3A_502, %swap3A_503], %mul3A_501 {strides = array<i32>} : memref<128x128xf32, #tpu.memory_space<vmem>>, vector<16xf32>,
              }
              %scan3A_401 = arith.constant 128 : i32
              "tpu.region"() ({
                %run_scoped3A = tpu.sem_alloc : memref<!tpu.dma_semaphore, #tpu.memory_space<semaphore_mem>>
                %dma_start3A_414 = arith.constant 0 : i32
                %dma_start3A_415 = arith.constant 0 : i32
                %dma_start3A_416 = tpu.memref_slice %arg17[%dma_start3A_414, %dma_start3A_415] : memref<10240x128xf32, #tpu.memory_space<vmem_shared>> -> memref<10240x128xf32, #tpu.memory_space<vmem_shared>>
                tpu.enqueue_indirect_dma source(%arg26 : memref<128x128xf32, #tpu.memory_space<vmem>>) target(%dma_start3A_416 : memref<10240x128xf32, #tpu.memory_space<vmem_shared>>) offsets(%arg30 : memref<128xi32, #tpu.memory_space<vmem>>) semaphore(%run_scoped3A : memref<!tpu.dma_semaphore, #tpu.memory_space<semaphore_mem>>) {add = true}
                %dma_wait3A_417 = arith.constant 0 : i32
                %dma_wait3A_418 = arith.constant 0 : i32
                %dma_wait3A_419 = tpu.memref_slice %arg17[%dma_wait3A_417, %dma_wait3A_418] : memref<10240x128xf32, #tpu.memory_space<vmem_shared>> -> memref<10240x128xf32, #tpu.memory_space<vmem_shared>>
                tpu.wait_indirect_dma semaphore(%run_scoped3A : memref<!tpu.dma_semaphore, #tpu.memory_space<semaphore_mem>>) src(%arg26 : memref<128x128xf32, #tpu.memory_space<vmem>>) dst(%dma_wait3A_419 : memref<10240x128xf32, #tpu.memory_space<vmem_shared>>)
                tpu.yield
              }) : () -> ()
              %get3A_402 = arith.constant 0 : index
              %get3A_403 = tpu.vector_load %arg23[%get3A_402] {strides = array<i32>} : memref<16xi32, #tpu.memory_space<vmem>>, vector<16xi32>,
              %swap3A_404 = arith.constant 0 : index
              %swap3A_405 = tpu.vector_load %arg20[%swap3A_404] {strides = array<i32>} : memref<128xi32, #tpu.memory_space<vmem>>, vector<16xi32>,
              tpu.vector_store %arg20[%swap3A_404], %get3A_403 {strides = array<i32>} : memref<128xi32, #tpu.memory_space<vmem>>, vector<16xi32>,
              %get3A_406 = arith.constant 0 : index
              %get3A_407 = tpu.vector_load %arg24[%get3A_406] {strides = array<i32>} : memref<16xi32, #tpu.memory_space<vmem>>, vector<16xi32>,
              %swap3A_408 = arith.constant 0 : index
              %swap3A_409 = tpu.vector_load %arg21[%swap3A_408] {strides = array<i32>} : memref<128xi32, #tpu.memory_space<vmem>>, vector<16xi32>,
              tpu.vector_store %arg21[%swap3A_408], %get3A_407 {strides = array<i32>} : memref<128xi32, #tpu.memory_space<vmem>>, vector<16xi32>,
              %get3A_410 = arith.constant 0 : index
              %get3A_411 = tpu.vector_load %arg25[%get3A_410] {strides = array<i32>} : memref<16xf32, #tpu.memory_space<vmem>>, vector<16xf32>,
              %swap3A_412 = arith.constant 0 : index
              %swap3A_413 = tpu.vector_load %arg22[%swap3A_412] {strides = array<i32>} : memref<128xf32, #tpu.memory_space<vmem>>, vector<16xf32>,
              tpu.vector_store %arg22[%swap3A_412], %get3A_411 {strides = array<i32>} : memref<128xf32, #tpu.memory_space<vmem>>, vector<16xf32>,
              scf.yield %sub3A_323 : i32
            } else {
              scf.yield %add3A_315 : i32
            }
            scf.yield %cond3A_321 : i32
          }
          %scan3A_257 = arith.constant 16 : i32
          scf.yield %scan3A_256 : i32
        }
        %mul3A_52 = arith.constant 16 : i32
        %mul3A_53 = arith.muli %arg1, %mul3A_52 : i32
        %add3A_54 = vector.broadcast %mul3A_53 : i32 to vector<16xi32>
        %add3A_55 = arith.addi %add3A_54, %iota3A : vector<16xi32>
        %broadcast_in_dim3A = arith.constant 0.000000e+00 : f32
        %broadcast_in_dim3A_56 = vector.broadcast %broadcast_in_dim3A : f32 to vector<16xf32>
        %add3A_57 = arith.constant 0 : i32
        %add3A_58 = arith.addi %while3A_51, %add3A_57 : i32
        %add3A_59 = vector.broadcast %add3A_58 : i32 to vector<16xi32>
        %add3A_60 = arith.addi %add3A_59, %iota3A : vector<16xi32>
        %lt3A = arith.constant 128 : i32
        %lt3A_61 = vector.broadcast %lt3A : i32 to vector<16xi32>
        %lt3A_62 = arith.cmpi slt, %add3A_60, %lt3A_61 : vector<16xi32>
        %mul3A_63 = arith.constant 128 : i32
        %mul3A_64 = arith.muli %arg1, %mul3A_63 : i32
        %add3A_65 = arith.addi %mul3A_40, %mul3A_64 : i32
        %add3A_66 = arith.constant 0 : i32
        %add3A_67 = arith.addi %add3A_65, %add3A_66 : i32
        %add3A_68 = vector.broadcast %add3A_67 : i32 to vector<16xi32>
        %add3A_69 = arith.addi %add3A_68, %iota3A : vector<16xi32>
        tpu.vector_store_idx %arg20[%add3A_60], %add3A_55 masked %lt3A_62 : memref<128xi32, #tpu.memory_space<vmem>>[vector<16xi32>], vector<16xi32>, vector<16xi1>
        tpu.vector_store_idx %arg21[%add3A_60], %add3A_69 masked %lt3A_62 : memref<128xi32, #tpu.memory_space<vmem>>[vector<16xi32>], vector<16xi32>, vector<16xi1>
        tpu.vector_store_idx %arg22[%add3A_60], %broadcast_in_dim3A_56 masked %lt3A_62 : memref<128xf32, #tpu.memory_space<vmem>>[vector<16xi32>], vector<16xf32>, vector<16xi1>
        %add3A_70 = arith.constant 16 : i32
        %add3A_71 = arith.addi %while3A_51, %add3A_70 : i32
        %add3A_72 = vector.broadcast %add3A_71 : i32 to vector<16xi32>
        %add3A_73 = arith.addi %add3A_72, %iota3A : vector<16xi32>
        %lt3A_74 = arith.constant 128 : i32
        %lt3A_75 = vector.broadcast %lt3A_74 : i32 to vector<16xi32>
        %lt3A_76 = arith.cmpi slt, %add3A_73, %lt3A_75 : vector<16xi32>
        %mul3A_77 = arith.constant 128 : i32
        %mul3A_78 = arith.muli %arg1, %mul3A_77 : i32
        %add3A_79 = arith.addi %mul3A_40, %mul3A_78 : i32
        %add3A_80 = arith.constant 16 : i32
        %add3A_81 = arith.addi %add3A_79, %add3A_80 : i32
        %add3A_82 = vector.broadcast %add3A_81 : i32 to vector<16xi32>
        %add3A_83 = arith.addi %add3A_82, %iota3A : vector<16xi32>
        tpu.vector_store_idx %arg20[%add3A_73], %add3A_55 masked %lt3A_76 : memref<128xi32, #tpu.memory_space<vmem>>[vector<16xi32>], vector<16xi32>, vector<16xi1>
        tpu.vector_store_idx %arg21[%add3A_73], %add3A_83 masked %lt3A_76 : memref<128xi32, #tpu.memory_space<vmem>>[vector<16xi32>], vector<16xi32>, vector<16xi1>
        tpu.vector_store_idx %arg22[%add3A_73], %broadcast_in_dim3A_56 masked %lt3A_76 : memref<128xf32, #tpu.memory_space<vmem>>[vector<16xi32>], vector<16xf32>, vector<16xi1>
        %add3A_84 = arith.constant 32 : i32
        %add3A_85 = arith.addi %while3A_51, %add3A_84 : i32
        %add3A_86 = vector.broadcast %add3A_85 : i32 to vector<16xi32>
        %add3A_87 = arith.addi %add3A_86, %iota3A : vector<16xi32>
        %lt3A_88 = arith.constant 128 : i32
        %lt3A_89 = vector.broadcast %lt3A_88 : i32 to vector<16xi32>
        %lt3A_90 = arith.cmpi slt, %add3A_87, %lt3A_89 : vector<16xi32>
        %mul3A_91 = arith.constant 128 : i32
        %mul3A_92 = arith.muli %arg1, %mul3A_91 : i32
        %add3A_93 = arith.addi %mul3A_40, %mul3A_92 : i32
        %add3A_94 = arith.constant 32 : i32
        %add3A_95 = arith.addi %add3A_93, %add3A_94 : i32
        %add3A_96 = vector.broadcast %add3A_95 : i32 to vector<16xi32>
        %add3A_97 = arith.addi %add3A_96, %iota3A : vector<16xi32>
        tpu.vector_store_idx %arg20[%add3A_87], %add3A_55 masked %lt3A_90 : memref<128xi32, #tpu.memory_space<vmem>>[vector<16xi32>], vector<16xi32>, vector<16xi1>
        tpu.vector_store_idx %arg21[%add3A_87], %add3A_97 masked %lt3A_90 : memref<128xi32, #tpu.memory_space<vmem>>[vector<16xi32>], vector<16xi32>, vector<16xi1>
        tpu.vector_store_idx %arg22[%add3A_87], %broadcast_in_dim3A_56 masked %lt3A_90 : memref<128xf32, #tpu.memory_space<vmem>>[vector<16xi32>], vector<16xf32>, vector<16xi1>
        %add3A_98 = arith.constant 48 : i32
        %add3A_99 = arith.addi %while3A_51, %add3A_98 : i32
        %add3A_100 = vector.broadcast %add3A_99 : i32 to vector<16xi32>
        %add3A_101 = arith.addi %add3A_100, %iota3A : vector<16xi32>
        %lt3A_102 = arith.constant 128 : i32
        %lt3A_103 = vector.broadcast %lt3A_102 : i32 to vector<16xi32>
        %lt3A_104 = arith.cmpi slt, %add3A_101, %lt3A_103 : vector<16xi32>
        %mul3A_105 = arith.constant 128 : i32
        %mul3A_106 = arith.muli %arg1, %mul3A_105 : i32
        %add3A_107 = arith.addi %mul3A_40, %mul3A_106 : i32
        %add3A_108 = arith.constant 48 : i32
        %add3A_109 = arith.addi %add3A_107, %add3A_108 : i32
        %add3A_110 = vector.broadcast %add3A_109 : i32 to vector<16xi32>
        %add3A_111 = arith.addi %add3A_110, %iota3A : vector<16xi32>
        tpu.vector_store_idx %arg20[%add3A_101], %add3A_55 masked %lt3A_104 : memref<128xi32, #tpu.memory_space<vmem>>[vector<16xi32>], vector<16xi32>, vector<16xi1>
        tpu.vector_store_idx %arg21[%add3A_101], %add3A_111 masked %lt3A_104 : memref<128xi32, #tpu.memory_space<vmem>>[vector<16xi32>], vector<16xi32>, vector<16xi1>
        tpu.vector_store_idx %arg22[%add3A_101], %broadcast_in_dim3A_56 masked %lt3A_104 : memref<128xf32, #tpu.memory_space<vmem>>[vector<16xi32>], vector<16xf32>, vector<16xi1>
        %add3A_112 = arith.constant 64 : i32
        %add3A_113 = arith.addi %while3A_51, %add3A_112 : i32
        %add3A_114 = vector.broadcast %add3A_113 : i32 to vector<16xi32>
        %add3A_115 = arith.addi %add3A_114, %iota3A : vector<16xi32>
        %lt3A_116 = arith.constant 128 : i32
        %lt3A_117 = vector.broadcast %lt3A_116 : i32 to vector<16xi32>
        %lt3A_118 = arith.cmpi slt, %add3A_115, %lt3A_117 : vector<16xi32>
        %mul3A_119 = arith.constant 128 : i32
        %mul3A_120 = arith.muli %arg1, %mul3A_119 : i32
        %add3A_121 = arith.addi %mul3A_40, %mul3A_120 : i32
        %add3A_122 = arith.constant 64 : i32
        %add3A_123 = arith.addi %add3A_121, %add3A_122 : i32
        %add3A_124 = vector.broadcast %add3A_123 : i32 to vector<16xi32>
        %add3A_125 = arith.addi %add3A_124, %iota3A : vector<16xi32>
        tpu.vector_store_idx %arg20[%add3A_115], %add3A_55 masked %lt3A_118 : memref<128xi32, #tpu.memory_space<vmem>>[vector<16xi32>], vector<16xi32>, vector<16xi1>
        tpu.vector_store_idx %arg21[%add3A_115], %add3A_125 masked %lt3A_118 : memref<128xi32, #tpu.memory_space<vmem>>[vector<16xi32>], vector<16xi32>, vector<16xi1>
        tpu.vector_store_idx %arg22[%add3A_115], %broadcast_in_dim3A_56 masked %lt3A_118 : memref<128xf32, #tpu.memory_space<vmem>>[vector<16xi32>], vector<16xf32>, vector<16xi1>
        %add3A_126 = arith.constant 80 : i32
        %add3A_127 = arith.addi %while3A_51, %add3A_126 : i32
        %add3A_128 = vector.broadcast %add3A_127 : i32 to vector<16xi32>
        %add3A_129 = arith.addi %add3A_128, %iota3A : vector<16xi32>
        %lt3A_130 = arith.constant 128 : i32
        %lt3A_131 = vector.broadcast %lt3A_130 : i32 to vector<16xi32>
        %lt3A_132 = arith.cmpi slt, %add3A_129, %lt3A_131 : vector<16xi32>
        %mul3A_133 = arith.constant 128 : i32
        %mul3A_134 = arith.muli %arg1, %mul3A_133 : i32
        %add3A_135 = arith.addi %mul3A_40, %mul3A_134 : i32
        %add3A_136 = arith.constant 80 : i32
        %add3A_137 = arith.addi %add3A_135, %add3A_136 : i32
        %add3A_138 = vector.broadcast %add3A_137 : i32 to vector<16xi32>
        %add3A_139 = arith.addi %add3A_138, %iota3A : vector<16xi32>
        tpu.vector_store_idx %arg20[%add3A_129], %add3A_55 masked %lt3A_132 : memref<128xi32, #tpu.memory_space<vmem>>[vector<16xi32>], vector<16xi32>, vector<16xi1>
        tpu.vector_store_idx %arg21[%add3A_129], %add3A_139 masked %lt3A_132 : memref<128xi32, #tpu.memory_space<vmem>>[vector<16xi32>], vector<16xi32>, vector<16xi1>
        tpu.vector_store_idx %arg22[%add3A_129], %broadcast_in_dim3A_56 masked %lt3A_132 : memref<128xf32, #tpu.memory_space<vmem>>[vector<16xi32>], vector<16xf32>, vector<16xi1>
        %add3A_140 = arith.constant 96 : i32
        %add3A_141 = arith.addi %while3A_51, %add3A_140 : i32
        %add3A_142 = vector.broadcast %add3A_141 : i32 to vector<16xi32>
        %add3A_143 = arith.addi %add3A_142, %iota3A : vector<16xi32>
        %lt3A_144 = arith.constant 128 : i32
        %lt3A_145 = vector.broadcast %lt3A_144 : i32 to vector<16xi32>
        %lt3A_146 = arith.cmpi slt, %add3A_143, %lt3A_145 : vector<16xi32>
        %mul3A_147 = arith.constant 128 : i32
        %mul3A_148 = arith.muli %arg1, %mul3A_147 : i32
        %add3A_149 = arith.addi %mul3A_40, %mul3A_148 : i32
        %add3A_150 = arith.constant 96 : i32
        %add3A_151 = arith.addi %add3A_149, %add3A_150 : i32
        %add3A_152 = vector.broadcast %add3A_151 : i32 to vector<16xi32>
        %add3A_153 = arith.addi %add3A_152, %iota3A : vector<16xi32>
        tpu.vector_store_idx %arg20[%add3A_143], %add3A_55 masked %lt3A_146 : memref<128xi32, #tpu.memory_space<vmem>>[vector<16xi32>], vector<16xi32>, vector<16xi1>
        tpu.vector_store_idx %arg21[%add3A_143], %add3A_153 masked %lt3A_146 : memref<128xi32, #tpu.memory_space<vmem>>[vector<16xi32>], vector<16xi32>, vector<16xi1>
        tpu.vector_store_idx %arg22[%add3A_143], %broadcast_in_dim3A_56 masked %lt3A_146 : memref<128xf32, #tpu.memory_space<vmem>>[vector<16xi32>], vector<16xf32>, vector<16xi1>
        %add3A_154 = arith.constant 112 : i32
        %add3A_155 = arith.addi %while3A_51, %add3A_154 : i32
        %add3A_156 = vector.broadcast %add3A_155 : i32 to vector<16xi32>
        %add3A_157 = arith.addi %add3A_156, %iota3A : vector<16xi32>
        %lt3A_158 = arith.constant 128 : i32
        %lt3A_159 = vector.broadcast %lt3A_158 : i32 to vector<16xi32>
        %lt3A_160 = arith.cmpi slt, %add3A_157, %lt3A_159 : vector<16xi32>
        %mul3A_161 = arith.constant 128 : i32
        %mul3A_162 = arith.muli %arg1, %mul3A_161 : i32
        %add3A_163 = arith.addi %mul3A_40, %mul3A_162 : i32
        %add3A_164 = arith.constant 112 : i32
        %add3A_165 = arith.addi %add3A_163, %add3A_164 : i32
        %add3A_166 = vector.broadcast %add3A_165 : i32 to vector<16xi32>
        %add3A_167 = arith.addi %add3A_166, %iota3A : vector<16xi32>
        tpu.vector_store_idx %arg20[%add3A_157], %add3A_55 masked %lt3A_160 : memref<128xi32, #tpu.memory_space<vmem>>[vector<16xi32>], vector<16xi32>, vector<16xi1>
        tpu.vector_store_idx %arg21[%add3A_157], %add3A_167 masked %lt3A_160 : memref<128xi32, #tpu.memory_space<vmem>>[vector<16xi32>], vector<16xi32>, vector<16xi1>
        tpu.vector_store_idx %arg22[%add3A_157], %broadcast_in_dim3A_56 masked %lt3A_160 : memref<128xf32, #tpu.memory_space<vmem>>[vector<16xi32>], vector<16xf32>, vector<16xi1>
        %dma_start3A = arith.constant 0 : i32
        %dma_start3A_168 = arith.constant 0 : i32
        %dma_start3A_169 = tpu.memref_slice %arg3[%dma_start3A, %dma_start3A_168] : memref<50000x128xf32, #tpu.memory_space<hbm>> -> memref<50000x128xf32, #tpu.memory_space<hbm>>
        tpu.enqueue_indirect_dma source(%dma_start3A_169 : memref<50000x128xf32, #tpu.memory_space<hbm>>) target(%arg26 : memref<128x128xf32, #tpu.memory_space<vmem>>) offsets(%arg20 : memref<128xi32, #tpu.memory_space<vmem>>) semaphore(%arg31 : memref<!tpu.dma_semaphore, #tpu.memory_space<semaphore_mem>>)
        %dma_start3A_170 = arith.constant 0 : i32
        %dma_start3A_171 = arith.constant 0 : i32
        %dma_start3A_172 = tpu.memref_slice %arg5[%dma_start3A_170, %dma_start3A_171] : memref<50000x16xf32, #tpu.memory_space<hbm>> -> memref<50000x16xf32, #tpu.memory_space<hbm>>
        tpu.enqueue_indirect_dma source(%dma_start3A_172 : memref<50000x16xf32, #tpu.memory_space<hbm>>) target(%arg27 : memref<128x16xf32, #tpu.memory_space<vmem>>) offsets(%arg20 : memref<128xi32, #tpu.memory_space<vmem>>) semaphore(%arg32 : memref<!tpu.dma_semaphore, #tpu.memory_space<semaphore_mem>>)
        %dma_start3A_173 = arith.constant 0 : i32
        %dma_start3A_174 = arith.constant 0 : i32
        %dma_start3A_175 = tpu.memref_slice %arg5[%dma_start3A_173, %dma_start3A_174] : memref<50000x16xf32, #tpu.memory_space<hbm>> -> memref<50000x16xf32, #tpu.memory_space<hbm>>
        tpu.enqueue_indirect_dma source(%dma_start3A_175 : memref<50000x16xf32, #tpu.memory_space<hbm>>) target(%arg28 : memref<128x16xf32, #tpu.memory_space<vmem>>) offsets(%arg21 : memref<128xi32, #tpu.memory_space<vmem>>) semaphore(%arg33 : memref<!tpu.dma_semaphore, #tpu.memory_space<semaphore_mem>>)
        %dma_wait3A = arith.constant 0 : i32
        %dma_wait3A_176 = arith.constant 0 : i32
        %dma_wait3A_177 = tpu.memref_slice %arg5[%dma_wait3A, %dma_wait3A_176] : memref<50000x16xf32, #tpu.memory_space<hbm>> -> memref<50000x16xf32, #tpu.memory_space<hbm>>
        tpu.wait_indirect_dma semaphore(%arg32 : memref<!tpu.dma_semaphore, #tpu.memory_space<semaphore_mem>>) src(%dma_wait3A_177 : memref<50000x16xf32, #tpu.memory_space<hbm>>) dst(%arg27 : memref<128x16xf32, #tpu.memory_space<vmem>>)
        %dma_wait3A_178 = arith.constant 0 : i32
        %dma_wait3A_179 = arith.constant 0 : i32
        %dma_wait3A_180 = tpu.memref_slice %arg5[%dma_wait3A_178, %dma_wait3A_179] : memref<50000x16xf32, #tpu.memory_space<hbm>> -> memref<50000x16xf32, #tpu.memory_space<hbm>>
        tpu.wait_indirect_dma semaphore(%arg33 : memref<!tpu.dma_semaphore, #tpu.memory_space<semaphore_mem>>) src(%dma_wait3A_180 : memref<50000x16xf32, #tpu.memory_space<hbm>>) dst(%arg28 : memref<128x16xf32, #tpu.memory_space<vmem>>)
        %scan3A_181 = arith.constant 0 : i32
        %scan3A_182 = arith.constant 0 : i32
        %scan3A_183 = arith.constant 8 : i32
        %scan3A_184 = arith.addi %scan3A_182, %scan3A_183 : i32
        %scan3A_185 = arith.constant 1 : i32
        scf.for %scan3A_245 = %scan3A_182 to %scan3A_184 step %scan3A_185  : i32 {
          %mul3A_246 = arith.constant 16 : i32
          %mul3A_247 = arith.muli %scan3A_245, %mul3A_246 : i32
          %add3A_248 = vector.broadcast %mul3A_247 : i32 to vector<16xi32>
          %add3A_249 = arith.addi %add3A_248, %iota3A : vector<16xi32>
          %mul3A_250 = arith.constant 16 : i32
          %mul3A_251 = arith.muli %scan3A_245, %mul3A_250 : i32
          %get3A_252 = arith.index_cast %mul3A_251 : i32 to index
          %get3A_253 = tpu.vector_load %arg22[%get3A_252] {strides = array<i32>} : memref<128xf32, #tpu.memory_space<vmem>>, vector<16xf32>,
          %broadcast_in_dim3A_254 = arith.constant 0 : i32
          %broadcast_in_dim3A_255 = vector.broadcast %broadcast_in_dim3A_254 : i32 to vector<16xi32>
          %gather3A = tpu.vector_load_idx %arg27[%add3A_249, %broadcast_in_dim3A_255] : memref<128x16xf32, #tpu.memory_space<vmem>>[vector<16xi32>, vector<16xi32>], vector<16xf32>,
          %add3A_256 = arith.constant 8 : i32
          %add3A_257 = vector.broadcast %add3A_256 : i32 to vector<16xi32>
          %add3A_258 = arith.addi %broadcast_in_dim3A_255, %add3A_257 : vector<16xi32>
          %gather3A_259 = tpu.vector_load_idx %arg28[%add3A_249, %add3A_258] : memref<128x16xf32, #tpu.memory_space<vmem>>[vector<16xi32>, vector<16xi32>], vector<16xf32>,
          %add3A_260 = arith.addf %gather3A, %gather3A_259 : vector<16xf32>
          %ge3A = arith.constant 0.000000e+00 : f32
          %ge3A_261 = vector.broadcast %ge3A : f32 to vector<16xf32>
          %ge3A_262 = arith.cmpf oge, %add3A_260, %ge3A_261 : vector<16xf32>
          %mul3A_263 = arith.constant 2.000000e-01 : f32
          %mul3A_264 = vector.broadcast %mul3A_263 : f32 to vector<16xf32>
          %mul3A_265 = arith.mulf %mul3A_264, %add3A_260 : vector<16xf32>
          %select_n3A_266 = arith.select %ge3A_262, %add3A_260, %mul3A_265 : vector<16xi1>, vector<16xf32>
          %exp3A = math.exp %select_n3A_266 : vector<16xf32>
          %mul3A_267 = arith.mulf %exp3A, %get3A_253 : vector<16xf32>
          tpu.vector_store_idx %arg29[%add3A_249, %broadcast_in_dim3A_255], %mul3A_267 : memref<128x8xf32, #tpu.memory_space<vmem>>[vector<16xi32>, vector<16xi32>], vector<16xf32>,
          tpu.vector_store_idx %arg28[%add3A_249, %broadcast_in_dim3A_255], %mul3A_267 : memref<128x16xf32, #tpu.memory_space<vmem>>[vector<16xi32>, vector<16xi32>], vector<16xf32>,
          %broadcast_in_dim3A_268 = arith.constant 1 : i32
          %broadcast_in_dim3A_269 = vector.broadcast %broadcast_in_dim3A_268 : i32 to vector<16xi32>
          %gather3A_270 = tpu.vector_load_idx %arg27[%add3A_249, %broadcast_in_dim3A_269] : memref<128x16xf32, #tpu.memory_space<vmem>>[vector<16xi32>, vector<16xi32>], vector<16xf32>,
          %add3A_271 = arith.constant 8 : i32
          %add3A_272 = vector.broadcast %add3A_271 : i32 to vector<16xi32>
          %add3A_273 = arith.addi %broadcast_in_dim3A_269, %add3A_272 : vector<16xi32>
          %gather3A_274 = tpu.vector_load_idx %arg28[%add3A_249, %add3A_273] : memref<128x16xf32, #tpu.memory_space<vmem>>[vector<16xi32>, vector<16xi32>], vector<16xf32>,
          %add3A_275 = arith.addf %gather3A_270, %gather3A_274 : vector<16xf32>
          %ge3A_276 = arith.constant 0.000000e+00 : f32
          %ge3A_277 = vector.broadcast %ge3A_276 : f32 to vector<16xf32>
          %ge3A_278 = arith.cmpf oge, %add3A_275, %ge3A_277 : vector<16xf32>
          %mul3A_279 = arith.constant 2.000000e-01 : f32
          %mul3A_280 = vector.broadcast %mul3A_279 : f32 to vector<16xf32>
          %mul3A_281 = arith.mulf %mul3A_280, %add3A_275 : vector<16xf32>
          %select_n3A_282 = arith.select %ge3A_278, %add3A_275, %mul3A_281 : vector<16xi1>, vector<16xf32>
          %exp3A_283 = math.exp %select_n3A_282 : vector<16xf32>
          %mul3A_284 = arith.mulf %exp3A_283, %get3A_253 : vector<16xf32>
          tpu.vector_store_idx %arg29[%add3A_249, %broadcast_in_dim3A_269], %mul3A_284 : memref<128x8xf32, #tpu.memory_space<vmem>>[vector<16xi32>, vector<16xi32>], vector<16xf32>,
          tpu.vector_store_idx %arg28[%add3A_249, %broadcast_in_dim3A_269], %mul3A_284 : memref<128x16xf32, #tpu.memory_space<vmem>>[vector<16xi32>, vector<16xi32>], vector<16xf32>,
          %broadcast_in_dim3A_285 = arith.constant 2 : i32
          %broadcast_in_dim3A_286 = vector.broadcast %broadcast_in_dim3A_285 : i32 to vector<16xi32>
          %gather3A_287 = tpu.vector_load_idx %arg27[%add3A_249, %broadcast_in_dim3A_286] : memref<128x16xf32, #tpu.memory_space<vmem>>[vector<16xi32>, vector<16xi32>], vector<16xf32>,
          %add3A_288 = arith.constant 8 : i32
          %add3A_289 = vector.broadcast %add3A_288 : i32 to vector<16xi32>
          %add3A_290 = arith.addi %broadcast_in_dim3A_286, %add3A_289 : vector<16xi32>
          %gather3A_291 = tpu.vector_load_idx %arg28[%add3A_249, %add3A_290] : memref<128x16xf32, #tpu.memory_space<vmem>>[vector<16xi32>, vector<16xi32>], vector<16xf32>,
          %add3A_292 = arith.addf %gather3A_287, %gather3A_291 : vector<16xf32>
          %ge3A_293 = arith.constant 0.000000e+00 : f32
          %ge3A_294 = vector.broadcast %ge3A_293 : f32 to vector<16xf32>
          %ge3A_295 = arith.cmpf oge, %add3A_292, %ge3A_294 : vector<16xf32>
          %mul3A_296 = arith.constant 2.000000e-01 : f32
          %mul3A_297 = vector.broadcast %mul3A_296 : f32 to vector<16xf32>
          %mul3A_298 = arith.mulf %mul3A_297, %add3A_292 : vector<16xf32>
          %select_n3A_299 = arith.select %ge3A_295, %add3A_292, %mul3A_298 : vector<16xi1>, vector<16xf32>
          %exp3A_300 = math.exp %select_n3A_299 : vector<16xf32>
          %mul3A_301 = arith.mulf %exp3A_300, %get3A_253 : vector<16xf32>
          tpu.vector_store_idx %arg29[%add3A_249, %broadcast_in_dim3A_286], %mul3A_301 : memref<128x8xf32, #tpu.memory_space<vmem>>[vector<16xi32>, vector<16xi32>], vector<16xf32>,
          tpu.vector_store_idx %arg28[%add3A_249, %broadcast_in_dim3A_286], %mul3A_301 : memref<128x16xf32, #tpu.memory_space<vmem>>[vector<16xi32>, vector<16xi32>], vector<16xf32>,
          %broadcast_in_dim3A_302 = arith.constant 3 : i32
          %broadcast_in_dim3A_303 = vector.broadcast %broadcast_in_dim3A_302 : i32 to vector<16xi32>
          %gather3A_304 = tpu.vector_load_idx %arg27[%add3A_249, %broadcast_in_dim3A_303] : memref<128x16xf32, #tpu.memory_space<vmem>>[vector<16xi32>, vector<16xi32>], vector<16xf32>,
          %add3A_305 = arith.constant 8 : i32
          %add3A_306 = vector.broadcast %add3A_305 : i32 to vector<16xi32>
          %add3A_307 = arith.addi %broadcast_in_dim3A_303, %add3A_306 : vector<16xi32>
          %gather3A_308 = tpu.vector_load_idx %arg28[%add3A_249, %add3A_307] : memref<128x16xf32, #tpu.memory_space<vmem>>[vector<16xi32>, vector<16xi32>], vector<16xf32>,
          %add3A_309 = arith.addf %gather3A_304, %gather3A_308 : vector<16xf32>
          %ge3A_310 = arith.constant 0.000000e+00 : f32
          %ge3A_311 = vector.broadcast %ge3A_310 : f32 to vector<16xf32>
          %ge3A_312 = arith.cmpf oge, %add3A_309, %ge3A_311 : vector<16xf32>
          %mul3A_313 = arith.constant 2.000000e-01 : f32
          %mul3A_314 = vector.broadcast %mul3A_313 : f32 to vector<16xf32>
          %mul3A_315 = arith.mulf %mul3A_314, %add3A_309 : vector<16xf32>
          %select_n3A_316 = arith.select %ge3A_312, %add3A_309, %mul3A_315 : vector<16xi1>, vector<16xf32>
          %exp3A_317 = math.exp %select_n3A_316 : vector<16xf32>
          %mul3A_318 = arith.mulf %exp3A_317, %get3A_253 : vector<16xf32>
          tpu.vector_store_idx %arg29[%add3A_249, %broadcast_in_dim3A_303], %mul3A_318 : memref<128x8xf32, #tpu.memory_space<vmem>>[vector<16xi32>, vector<16xi32>], vector<16xf32>,
          tpu.vector_store_idx %arg28[%add3A_249, %broadcast_in_dim3A_303], %mul3A_318 : memref<128x16xf32, #tpu.memory_space<vmem>>[vector<16xi32>, vector<16xi32>], vector<16xf32>,
          %broadcast_in_dim3A_319 = arith.constant 4 : i32
          %broadcast_in_dim3A_320 = vector.broadcast %broadcast_in_dim3A_319 : i32 to vector<16xi32>
          %gather3A_321 = tpu.vector_load_idx %arg27[%add3A_249, %broadcast_in_dim3A_320] : memref<128x16xf32, #tpu.memory_space<vmem>>[vector<16xi32>, vector<16xi32>], vector<16xf32>,
          %add3A_322 = arith.constant 8 : i32
          %add3A_323 = vector.broadcast %add3A_322 : i32 to vector<16xi32>
          %add3A_324 = arith.addi %broadcast_in_dim3A_320, %add3A_323 : vector<16xi32>
          %gather3A_325 = tpu.vector_load_idx %arg28[%add3A_249, %add3A_324] : memref<128x16xf32, #tpu.memory_space<vmem>>[vector<16xi32>, vector<16xi32>], vector<16xf32>,
          %add3A_326 = arith.addf %gather3A_321, %gather3A_325 : vector<16xf32>
          %ge3A_327 = arith.constant 0.000000e+00 : f32
          %ge3A_328 = vector.broadcast %ge3A_327 : f32 to vector<16xf32>
          %ge3A_329 = arith.cmpf oge, %add3A_326, %ge3A_328 : vector<16xf32>
          %mul3A_330 = arith.constant 2.000000e-01 : f32
          %mul3A_331 = vector.broadcast %mul3A_330 : f32 to vector<16xf32>
          %mul3A_332 = arith.mulf %mul3A_331, %add3A_326 : vector<16xf32>
          %select_n3A_333 = arith.select %ge3A_329, %add3A_326, %mul3A_332 : vector<16xi1>, vector<16xf32>
          %exp3A_334 = math.exp %select_n3A_333 : vector<16xf32>
          %mul3A_335 = arith.mulf %exp3A_334, %get3A_253 : vector<16xf32>
          tpu.vector_store_idx %arg29[%add3A_249, %broadcast_in_dim3A_320], %mul3A_335 : memref<128x8xf32, #tpu.memory_space<vmem>>[vector<16xi32>, vector<16xi32>], vector<16xf32>,
          tpu.vector_store_idx %arg28[%add3A_249, %broadcast_in_dim3A_320], %mul3A_335 : memref<128x16xf32, #tpu.memory_space<vmem>>[vector<16xi32>, vector<16xi32>], vector<16xf32>,
          %broadcast_in_dim3A_336 = arith.constant 5 : i32
          %broadcast_in_dim3A_337 = vector.broadcast %broadcast_in_dim3A_336 : i32 to vector<16xi32>
          %gather3A_338 = tpu.vector_load_idx %arg27[%add3A_249, %broadcast_in_dim3A_337] : memref<128x16xf32, #tpu.memory_space<vmem>>[vector<16xi32>, vector<16xi32>], vector<16xf32>,
          %add3A_339 = arith.constant 8 : i32
          %add3A_340 = vector.broadcast %add3A_339 : i32 to vector<16xi32>
          %add3A_341 = arith.addi %broadcast_in_dim3A_337, %add3A_340 : vector<16xi32>
          %gather3A_342 = tpu.vector_load_idx %arg28[%add3A_249, %add3A_341] : memref<128x16xf32, #tpu.memory_space<vmem>>[vector<16xi32>, vector<16xi32>], vector<16xf32>,
          %add3A_343 = arith.addf %gather3A_338, %gather3A_342 : vector<16xf32>
          %ge3A_344 = arith.constant 0.000000e+00 : f32
          %ge3A_345 = vector.broadcast %ge3A_344 : f32 to vector<16xf32>
          %ge3A_346 = arith.cmpf oge, %add3A_343, %ge3A_345 : vector<16xf32>
          %mul3A_347 = arith.constant 2.000000e-01 : f32
          %mul3A_348 = vector.broadcast %mul3A_347 : f32 to vector<16xf32>
          %mul3A_349 = arith.mulf %mul3A_348, %add3A_343 : vector<16xf32>
          %select_n3A_350 = arith.select %ge3A_346, %add3A_343, %mul3A_349 : vector<16xi1>, vector<16xf32>
          %exp3A_351 = math.exp %select_n3A_350 : vector<16xf32>
          %mul3A_352 = arith.mulf %exp3A_351, %get3A_253 : vector<16xf32>
          tpu.vector_store_idx %arg29[%add3A_249, %broadcast_in_dim3A_337], %mul3A_352 : memref<128x8xf32, #tpu.memory_space<vmem>>[vector<16xi32>, vector<16xi32>], vector<16xf32>,
          tpu.vector_store_idx %arg28[%add3A_249, %broadcast_in_dim3A_337], %mul3A_352 : memref<128x16xf32, #tpu.memory_space<vmem>>[vector<16xi32>, vector<16xi32>], vector<16xf32>,
          %broadcast_in_dim3A_353 = arith.constant 6 : i32
          %broadcast_in_dim3A_354 = vector.broadcast %broadcast_in_dim3A_353 : i32 to vector<16xi32>
          %gather3A_355 = tpu.vector_load_idx %arg27[%add3A_249, %broadcast_in_dim3A_354] : memref<128x16xf32, #tpu.memory_space<vmem>>[vector<16xi32>, vector<16xi32>], vector<16xf32>,
          %add3A_356 = arith.constant 8 : i32
          %add3A_357 = vector.broadcast %add3A_356 : i32 to vector<16xi32>
          %add3A_358 = arith.addi %broadcast_in_dim3A_354, %add3A_357 : vector<16xi32>
          %gather3A_359 = tpu.vector_load_idx %arg28[%add3A_249, %add3A_358] : memref<128x16xf32, #tpu.memory_space<vmem>>[vector<16xi32>, vector<16xi32>], vector<16xf32>,
          %add3A_360 = arith.addf %gather3A_355, %gather3A_359 : vector<16xf32>
          %ge3A_361 = arith.constant 0.000000e+00 : f32
          %ge3A_362 = vector.broadcast %ge3A_361 : f32 to vector<16xf32>
          %ge3A_363 = arith.cmpf oge, %add3A_360, %ge3A_362 : vector<16xf32>
          %mul3A_364 = arith.constant 2.000000e-01 : f32
          %mul3A_365 = vector.broadcast %mul3A_364 : f32 to vector<16xf32>
          %mul3A_366 = arith.mulf %mul3A_365, %add3A_360 : vector<16xf32>
          %select_n3A_367 = arith.select %ge3A_363, %add3A_360, %mul3A_366 : vector<16xi1>, vector<16xf32>
          %exp3A_368 = math.exp %select_n3A_367 : vector<16xf32>
          %mul3A_369 = arith.mulf %exp3A_368, %get3A_253 : vector<16xf32>
          tpu.vector_store_idx %arg29[%add3A_249, %broadcast_in_dim3A_354], %mul3A_369 : memref<128x8xf32, #tpu.memory_space<vmem>>[vector<16xi32>, vector<16xi32>], vector<16xf32>,
          tpu.vector_store_idx %arg28[%add3A_249, %broadcast_in_dim3A_354], %mul3A_369 : memref<128x16xf32, #tpu.memory_space<vmem>>[vector<16xi32>, vector<16xi32>], vector<16xf32>,
          %broadcast_in_dim3A_370 = arith.constant 7 : i32
          %broadcast_in_dim3A_371 = vector.broadcast %broadcast_in_dim3A_370 : i32 to vector<16xi32>
          %gather3A_372 = tpu.vector_load_idx %arg27[%add3A_249, %broadcast_in_dim3A_371] : memref<128x16xf32, #tpu.memory_space<vmem>>[vector<16xi32>, vector<16xi32>], vector<16xf32>,
          %add3A_373 = arith.constant 8 : i32
          %add3A_374 = vector.broadcast %add3A_373 : i32 to vector<16xi32>
          %add3A_375 = arith.addi %broadcast_in_dim3A_371, %add3A_374 : vector<16xi32>
          %gather3A_376 = tpu.vector_load_idx %arg28[%add3A_249, %add3A_375] : memref<128x16xf32, #tpu.memory_space<vmem>>[vector<16xi32>, vector<16xi32>], vector<16xf32>,
          %add3A_377 = arith.addf %gather3A_372, %gather3A_376 : vector<16xf32>
          %ge3A_378 = arith.constant 0.000000e+00 : f32
          %ge3A_379 = vector.broadcast %ge3A_378 : f32 to vector<16xf32>
          %ge3A_380 = arith.cmpf oge, %add3A_377, %ge3A_379 : vector<16xf32>
          %mul3A_381 = arith.constant 2.000000e-01 : f32
          %mul3A_382 = vector.broadcast %mul3A_381 : f32 to vector<16xf32>
          %mul3A_383 = arith.mulf %mul3A_382, %add3A_377 : vector<16xf32>
          %select_n3A_384 = arith.select %ge3A_380, %add3A_377, %mul3A_383 : vector<16xi1>, vector<16xf32>
          %exp3A_385 = math.exp %select_n3A_384 : vector<16xf32>
          %mul3A_386 = arith.mulf %exp3A_385, %get3A_253 : vector<16xf32>
          tpu.vector_store_idx %arg29[%add3A_249, %broadcast_in_dim3A_371], %mul3A_386 : memref<128x8xf32, #tpu.memory_space<vmem>>[vector<16xi32>, vector<16xi32>], vector<16xf32>,
          tpu.vector_store_idx %arg28[%add3A_249, %broadcast_in_dim3A_371], %mul3A_386 : memref<128x16xf32, #tpu.memory_space<vmem>>[vector<16xi32>, vector<16xi32>], vector<16xf32>,
        }
        %scan3A_186 = arith.constant 8 : i32
        "tpu.region"() ({
          %run_scoped3A = tpu.sem_alloc : memref<!tpu.dma_semaphore, #tpu.memory_space<semaphore_mem>>
          %dma_start3A_245 = arith.constant 0 : i32
          %dma_start3A_246 = arith.constant 0 : i32
          %dma_start3A_247 = tpu.memref_slice %arg16[%dma_start3A_245, %dma_start3A_246] : memref<51200x8xf32, #tpu.memory_space<vmem_shared>> -> memref<51200x8xf32, #tpu.memory_space<vmem_shared>>
          tpu.enqueue_indirect_dma source(%arg29 : memref<128x8xf32, #tpu.memory_space<vmem>>) target(%dma_start3A_247 : memref<51200x8xf32, #tpu.memory_space<vmem_shared>>) offsets(%arg21 : memref<128xi32, #tpu.memory_space<vmem>>) semaphore(%run_scoped3A : memref<!tpu.dma_semaphore, #tpu.memory_space<semaphore_mem>>) {add = true}
          %dma_wait3A_248 = arith.constant 0 : i32
          %dma_wait3A_249 = arith.constant 0 : i32
          %dma_wait3A_250 = tpu.memref_slice %arg16[%dma_wait3A_248, %dma_wait3A_249] : memref<51200x8xf32, #tpu.memory_space<vmem_shared>> -> memref<51200x8xf32, #tpu.memory_space<vmem_shared>>
          tpu.wait_indirect_dma semaphore(%run_scoped3A : memref<!tpu.dma_semaphore, #tpu.memory_space<semaphore_mem>>) src(%arg29 : memref<128x8xf32, #tpu.memory_space<vmem>>) dst(%dma_wait3A_250 : memref<51200x8xf32, #tpu.memory_space<vmem_shared>>)
          tpu.yield
        }) : () -> ()
        %get3A = arith.constant 0 : index
        %get3A_187 = tpu.vector_load %arg21[%get3A] {strides = array<i32>} : memref<128xi32, #tpu.memory_space<vmem>>, vector<16xi32>,
        %sub3A_188 = vector.broadcast %mul3A_40 : i32 to vector<16xi32>
        %sub3A_189 = arith.subi %get3A_187, %sub3A_188 : vector<16xi32>
        %swap3A = arith.constant 0 : index
        %swap3A_190 = tpu.vector_load %arg30[%swap3A] {strides = array<i32>} : memref<128xi32, #tpu.memory_space<vmem>>, vector<16xi32>,
        tpu.vector_store %arg30[%swap3A], %sub3A_189 {strides = array<i32>} : memref<128xi32, #tpu.memory_space<vmem>>, vector<16xi32>,
        %get3A_191 = arith.constant 16 : index
        %get3A_192 = tpu.vector_load %arg21[%get3A_191] {strides = array<i32>} : memref<128xi32, #tpu.memory_space<vmem>>, vector<16xi32>,
        %sub3A_193 = vector.broadcast %mul3A_40 : i32 to vector<16xi32>
        %sub3A_194 = arith.subi %get3A_192, %sub3A_193 : vector<16xi32>
        %swap3A_195 = arith.constant 16 : index
        %swap3A_196 = tpu.vector_load %arg30[%swap3A_195] {strides = array<i32>} : memref<128xi32, #tpu.memory_space<vmem>>, vector<16xi32>,
        tpu.vector_store %arg30[%swap3A_195], %sub3A_194 {strides = array<i32>} : memref<128xi32, #tpu.memory_space<vmem>>, vector<16xi32>,
        %get3A_197 = arith.constant 32 : index
        %get3A_198 = tpu.vector_load %arg21[%get3A_197] {strides = array<i32>} : memref<128xi32, #tpu.memory_space<vmem>>, vector<16xi32>,
        %sub3A_199 = vector.broadcast %mul3A_40 : i32 to vector<16xi32>
        %sub3A_200 = arith.subi %get3A_198, %sub3A_199 : vector<16xi32>
        %swap3A_201 = arith.constant 32 : index
        %swap3A_202 = tpu.vector_load %arg30[%swap3A_201] {strides = array<i32>} : memref<128xi32, #tpu.memory_space<vmem>>, vector<16xi32>,
        tpu.vector_store %arg30[%swap3A_201], %sub3A_200 {strides = array<i32>} : memref<128xi32, #tpu.memory_space<vmem>>, vector<16xi32>,
        %get3A_203 = arith.constant 48 : index
        %get3A_204 = tpu.vector_load %arg21[%get3A_203] {strides = array<i32>} : memref<128xi32, #tpu.memory_space<vmem>>, vector<16xi32>,
        %sub3A_205 = vector.broadcast %mul3A_40 : i32 to vector<16xi32>
        %sub3A_206 = arith.subi %get3A_204, %sub3A_205 : vector<16xi32>
        %swap3A_207 = arith.constant 48 : index
        %swap3A_208 = tpu.vector_load %arg30[%swap3A_207] {strides = array<i32>} : memref<128xi32, #tpu.memory_space<vmem>>, vector<16xi32>,
        tpu.vector_store %arg30[%swap3A_207], %sub3A_206 {strides = array<i32>} : memref<128xi32, #tpu.memory_space<vmem>>, vector<16xi32>,
        %get3A_209 = arith.constant 64 : index
        %get3A_210 = tpu.vector_load %arg21[%get3A_209] {strides = array<i32>} : memref<128xi32, #tpu.memory_space<vmem>>, vector<16xi32>,
        %sub3A_211 = vector.broadcast %mul3A_40 : i32 to vector<16xi32>
        %sub3A_212 = arith.subi %get3A_210, %sub3A_211 : vector<16xi32>
        %swap3A_213 = arith.constant 64 : index
        %swap3A_214 = tpu.vector_load %arg30[%swap3A_213] {strides = array<i32>} : memref<128xi32, #tpu.memory_space<vmem>>, vector<16xi32>,
        tpu.vector_store %arg30[%swap3A_213], %sub3A_212 {strides = array<i32>} : memref<128xi32, #tpu.memory_space<vmem>>, vector<16xi32>,
        %get3A_215 = arith.constant 80 : index
        %get3A_216 = tpu.vector_load %arg21[%get3A_215] {strides = array<i32>} : memref<128xi32, #tpu.memory_space<vmem>>, vector<16xi32>,
        %sub3A_217 = vector.broadcast %mul3A_40 : i32 to vector<16xi32>
        %sub3A_218 = arith.subi %get3A_216, %sub3A_217 : vector<16xi32>
        %swap3A_219 = arith.constant 80 : index
        %swap3A_220 = tpu.vector_load %arg30[%swap3A_219] {strides = array<i32>} : memref<128xi32, #tpu.memory_space<vmem>>, vector<16xi32>,
        tpu.vector_store %arg30[%swap3A_219], %sub3A_218 {strides = array<i32>} : memref<128xi32, #tpu.memory_space<vmem>>, vector<16xi32>,
        %get3A_221 = arith.constant 96 : index
        %get3A_222 = tpu.vector_load %arg21[%get3A_221] {strides = array<i32>} : memref<128xi32, #tpu.memory_space<vmem>>, vector<16xi32>,
        %sub3A_223 = vector.broadcast %mul3A_40 : i32 to vector<16xi32>
        %sub3A_224 = arith.subi %get3A_222, %sub3A_223 : vector<16xi32>
        %swap3A_225 = arith.constant 96 : index
        %swap3A_226 = tpu.vector_load %arg30[%swap3A_225] {strides = array<i32>} : memref<128xi32, #tpu.memory_space<vmem>>, vector<16xi32>,
        tpu.vector_store %arg30[%swap3A_225], %sub3A_224 {strides = array<i32>} : memref<128xi32, #tpu.memory_space<vmem>>, vector<16xi32>,
        %get3A_227 = arith.constant 112 : index
        %get3A_228 = tpu.vector_load %arg21[%get3A_227] {strides = array<i32>} : memref<128xi32, #tpu.memory_space<vmem>>, vector<16xi32>,
        %sub3A_229 = vector.broadcast %mul3A_40 : i32 to vector<16xi32>
        %sub3A_230 = arith.subi %get3A_228, %sub3A_229 : vector<16xi32>
        %swap3A_231 = arith.constant 112 : index
        %swap3A_232 = tpu.vector_load %arg30[%swap3A_231] {strides = array<i32>} : memref<128xi32, #tpu.memory_space<vmem>>, vector<16xi32>,
        tpu.vector_store %arg30[%swap3A_231], %sub3A_230 {strides = array<i32>} : memref<128xi32, #tpu.memory_space<vmem>>, vector<16xi32>,
        %dma_wait3A_233 = arith.constant 0 : i32
        %dma_wait3A_234 = arith.constant 0 : i32
        %dma_wait3A_235 = tpu.memref_slice %arg3[%dma_wait3A_233, %dma_wait3A_234] : memref<50000x128xf32, #tpu.memory_space<hbm>> -> memref<50000x128xf32, #tpu.memory_space<hbm>>
        tpu.wait_indirect_dma semaphore(%arg31 : memref<!tpu.dma_semaphore, #tpu.memory_space<semaphore_mem>>) src(%dma_wait3A_235 : memref<50000x128xf32, #tpu.memory_space<hbm>>) dst(%arg26 : memref<128x128xf32, #tpu.memory_space<vmem>>)
        %scan3A_236 = arith.constant 0 : i32
        %scan3A_237 = arith.constant 0 : i32
        %scan3A_238 = arith.constant 128 : i32
        %scan3A_239 = arith.addi %scan3A_237, %scan3A_238 : i32
        %scan3A_240 = arith.constant 1 : i32
        scf.for %scan3A_245 = %scan3A_237 to %scan3A_239 step %scan3A_240  : i32 {
          %get3A_246 = arith.index_cast %scan3A_245 : i32 to index
          %get3A_247 = arith.constant 0 : index
          %get3A_248 = tpu.vector_load %arg28[%get3A_246, %get3A_247] {strides = array<i32>} : memref<128x16xf32, #tpu.memory_space<vmem>>, vector<16xf32>,
          %broadcast_in_dim3A_249 = arith.constant 0 : i32
          %broadcast_in_dim3A_250 = vector.broadcast %broadcast_in_dim3A_249 : i32 to vector<16x1xi32>
          %gather3A = vector.shape_cast %broadcast_in_dim3A_250 : vector<16x1xi32> to vector<16xi32>
          %gather3A_251 = tpu.dynamic_gather %get3A_248[%gather3A] in [0] : vector<16xf32>, vector<16xi32> -> vector<16xf32>
          %get3A_252 = arith.index_cast %scan3A_245 : i32 to index
          %get3A_253 = arith.constant 0 : index
          %get3A_254 = tpu.vector_load %arg26[%get3A_252, %get3A_253] {strides = array<i32>} : memref<128x128xf32, #tpu.memory_space<vmem>>, vector<16xf32>,
          %mul3A_255 = arith.mulf %get3A_254, %gather3A_251 : vector<16xf32>
          %swap3A_256 = arith.index_cast %scan3A_245 : i32 to index
          %swap3A_257 = arith.constant 0 : index
          %swap3A_258 = tpu.vector_load %arg26[%swap3A_256, %swap3A_257] {strides = array<i32>} : memref<128x128xf32, #tpu.memory_space<vmem>>, vector<16xf32>,
          tpu.vector_store %arg26[%swap3A_256, %swap3A_257], %mul3A_255 {strides = array<i32>} : memref<128x128xf32, #tpu.memory_space<vmem>>, vector<16xf32>,
          %broadcast_in_dim3A_259 = arith.constant 1 : i32
          %broadcast_in_dim3A_260 = vector.broadcast %broadcast_in_dim3A_259 : i32 to vector<16x1xi32>
          %gather3A_261 = vector.shape_cast %broadcast_in_dim3A_260 : vector<16x1xi32> to vector<16xi32>
          %gather3A_262 = tpu.dynamic_gather %get3A_248[%gather3A_261] in [0] : vector<16xf32>, vector<16xi32> -> vector<16xf32>
          %get3A_263 = arith.index_cast %scan3A_245 : i32 to index
          %get3A_264 = arith.constant 16 : index
          %get3A_265 = tpu.vector_load %arg26[%get3A_263, %get3A_264] {strides = array<i32>} : memref<128x128xf32, #tpu.memory_space<vmem>>, vector<16xf32>,
          %mul3A_266 = arith.mulf %get3A_265, %gather3A_262 : vector<16xf32>
          %swap3A_267 = arith.index_cast %scan3A_245 : i32 to index
          %swap3A_268 = arith.constant 16 : index
          %swap3A_269 = tpu.vector_load %arg26[%swap3A_267, %swap3A_268] {strides = array<i32>} : memref<128x128xf32, #tpu.memory_space<vmem>>, vector<16xf32>,
          tpu.vector_store %arg26[%swap3A_267, %swap3A_268], %mul3A_266 {strides = array<i32>} : memref<128x128xf32, #tpu.memory_space<vmem>>, vector<16xf32>,
          %broadcast_in_dim3A_270 = arith.constant 2 : i32
          %broadcast_in_dim3A_271 = vector.broadcast %broadcast_in_dim3A_270 : i32 to vector<16x1xi32>
          %gather3A_272 = vector.shape_cast %broadcast_in_dim3A_271 : vector<16x1xi32> to vector<16xi32>
          %gather3A_273 = tpu.dynamic_gather %get3A_248[%gather3A_272] in [0] : vector<16xf32>, vector<16xi32> -> vector<16xf32>
          %get3A_274 = arith.index_cast %scan3A_245 : i32 to index
          %get3A_275 = arith.constant 32 : index
          %get3A_276 = tpu.vector_load %arg26[%get3A_274, %get3A_275] {strides = array<i32>} : memref<128x128xf32, #tpu.memory_space<vmem>>, vector<16xf32>,
          %mul3A_277 = arith.mulf %get3A_276, %gather3A_273 : vector<16xf32>
          %swap3A_278 = arith.index_cast %scan3A_245 : i32 to index
          %swap3A_279 = arith.constant 32 : index
          %swap3A_280 = tpu.vector_load %arg26[%swap3A_278, %swap3A_279] {strides = array<i32>} : memref<128x128xf32, #tpu.memory_space<vmem>>, vector<16xf32>,
          tpu.vector_store %arg26[%swap3A_278, %swap3A_279], %mul3A_277 {strides = array<i32>} : memref<128x128xf32, #tpu.memory_space<vmem>>, vector<16xf32>,
          %broadcast_in_dim3A_281 = arith.constant 3 : i32
          %broadcast_in_dim3A_282 = vector.broadcast %broadcast_in_dim3A_281 : i32 to vector<16x1xi32>
          %gather3A_283 = vector.shape_cast %broadcast_in_dim3A_282 : vector<16x1xi32> to vector<16xi32>
          %gather3A_284 = tpu.dynamic_gather %get3A_248[%gather3A_283] in [0] : vector<16xf32>, vector<16xi32> -> vector<16xf32>
          %get3A_285 = arith.index_cast %scan3A_245 : i32 to index
          %get3A_286 = arith.constant 48 : index
          %get3A_287 = tpu.vector_load %arg26[%get3A_285, %get3A_286] {strides = array<i32>} : memref<128x128xf32, #tpu.memory_space<vmem>>, vector<16xf32>,
          %mul3A_288 = arith.mulf %get3A_287, %gather3A_284 : vector<16xf32>
          %swap3A_289 = arith.index_cast %scan3A_245 : i32 to index
          %swap3A_290 = arith.constant 48 : index
          %swap3A_291 = tpu.vector_load %arg26[%swap3A_289, %swap3A_290] {strides = array<i32>} : memref<128x128xf32, #tpu.memory_space<vmem>>, vector<16xf32>,
          tpu.vector_store %arg26[%swap3A_289, %swap3A_290], %mul3A_288 {strides = array<i32>} : memref<128x128xf32, #tpu.memory_space<vmem>>, vector<16xf32>,
          %broadcast_in_dim3A_292 = arith.constant 4 : i32
          %broadcast_in_dim3A_293 = vector.broadcast %broadcast_in_dim3A_292 : i32 to vector<16x1xi32>
          %gather3A_294 = vector.shape_cast %broadcast_in_dim3A_293 : vector<16x1xi32> to vector<16xi32>
          %gather3A_295 = tpu.dynamic_gather %get3A_248[%gather3A_294] in [0] : vector<16xf32>, vector<16xi32> -> vector<16xf32>
          %get3A_296 = arith.index_cast %scan3A_245 : i32 to index
          %get3A_297 = arith.constant 64 : index
          %get3A_298 = tpu.vector_load %arg26[%get3A_296, %get3A_297] {strides = array<i32>} : memref<128x128xf32, #tpu.memory_space<vmem>>, vector<16xf32>,
          %mul3A_299 = arith.mulf %get3A_298, %gather3A_295 : vector<16xf32>
          %swap3A_300 = arith.index_cast %scan3A_245 : i32 to index
          %swap3A_301 = arith.constant 64 : index
          %swap3A_302 = tpu.vector_load %arg26[%swap3A_300, %swap3A_301] {strides = array<i32>} : memref<128x128xf32, #tpu.memory_space<vmem>>, vector<16xf32>,
          tpu.vector_store %arg26[%swap3A_300, %swap3A_301], %mul3A_299 {strides = array<i32>} : memref<128x128xf32, #tpu.memory_space<vmem>>, vector<16xf32>,
          %broadcast_in_dim3A_303 = arith.constant 5 : i32
          %broadcast_in_dim3A_304 = vector.broadcast %broadcast_in_dim3A_303 : i32 to vector<16x1xi32>
          %gather3A_305 = vector.shape_cast %broadcast_in_dim3A_304 : vector<16x1xi32> to vector<16xi32>
          %gather3A_306 = tpu.dynamic_gather %get3A_248[%gather3A_305] in [0] : vector<16xf32>, vector<16xi32> -> vector<16xf32>
          %get3A_307 = arith.index_cast %scan3A_245 : i32 to index
          %get3A_308 = arith.constant 80 : index
          %get3A_309 = tpu.vector_load %arg26[%get3A_307, %get3A_308] {strides = array<i32>} : memref<128x128xf32, #tpu.memory_space<vmem>>, vector<16xf32>,
          %mul3A_310 = arith.mulf %get3A_309, %gather3A_306 : vector<16xf32>
          %swap3A_311 = arith.index_cast %scan3A_245 : i32 to index
          %swap3A_312 = arith.constant 80 : index
          %swap3A_313 = tpu.vector_load %arg26[%swap3A_311, %swap3A_312] {strides = array<i32>} : memref<128x128xf32, #tpu.memory_space<vmem>>, vector<16xf32>,
          tpu.vector_store %arg26[%swap3A_311, %swap3A_312], %mul3A_310 {strides = array<i32>} : memref<128x128xf32, #tpu.memory_space<vmem>>, vector<16xf32>,
          %broadcast_in_dim3A_314 = arith.constant 6 : i32
          %broadcast_in_dim3A_315 = vector.broadcast %broadcast_in_dim3A_314 : i32 to vector<16x1xi32>
          %gather3A_316 = vector.shape_cast %broadcast_in_dim3A_315 : vector<16x1xi32> to vector<16xi32>
          %gather3A_317 = tpu.dynamic_gather %get3A_248[%gather3A_316] in [0] : vector<16xf32>, vector<16xi32> -> vector<16xf32>
          %get3A_318 = arith.index_cast %scan3A_245 : i32 to index
          %get3A_319 = arith.constant 96 : index
          %get3A_320 = tpu.vector_load %arg26[%get3A_318, %get3A_319] {strides = array<i32>} : memref<128x128xf32, #tpu.memory_space<vmem>>, vector<16xf32>,
          %mul3A_321 = arith.mulf %get3A_320, %gather3A_317 : vector<16xf32>
          %swap3A_322 = arith.index_cast %scan3A_245 : i32 to index
          %swap3A_323 = arith.constant 96 : index
          %swap3A_324 = tpu.vector_load %arg26[%swap3A_322, %swap3A_323] {strides = array<i32>} : memref<128x128xf32, #tpu.memory_space<vmem>>, vector<16xf32>,
          tpu.vector_store %arg26[%swap3A_322, %swap3A_323], %mul3A_321 {strides = array<i32>} : memref<128x128xf32, #tpu.memory_space<vmem>>, vector<16xf32>,
          %broadcast_in_dim3A_325 = arith.constant 7 : i32
          %broadcast_in_dim3A_326 = vector.broadcast %broadcast_in_dim3A_325 : i32 to vector<16x1xi32>
          %gather3A_327 = vector.shape_cast %broadcast_in_dim3A_326 : vector<16x1xi32> to vector<16xi32>
          %gather3A_328 = tpu.dynamic_gather %get3A_248[%gather3A_327] in [0] : vector<16xf32>, vector<16xi32> -> vector<16xf32>
          %get3A_329 = arith.index_cast %scan3A_245 : i32 to index
          %get3A_330 = arith.constant 112 : index
          %get3A_331 = tpu.vector_load %arg26[%get3A_329, %get3A_330] {strides = array<i32>} : memref<128x128xf32, #tpu.memory_space<vmem>>, vector<16xf32>,
          %mul3A_332 = arith.mulf %get3A_331, %gather3A_328 : vector<16xf32>
          %swap3A_333 = arith.index_cast %scan3A_245 : i32 to index
          %swap3A_334 = arith.constant 112 : index
          %swap3A_335 = tpu.vector_load %arg26[%swap3A_333, %swap3A_334] {strides = array<i32>} : memref<128x128xf32, #tpu.memory_space<vmem>>, vector<16xf32>,
          tpu.vector_store %arg26[%swap3A_333, %swap3A_334], %mul3A_332 {strides = array<i32>} : memref<128x128xf32, #tpu.memory_space<vmem>>, vector<16xf32>,
        }
        %scan3A_241 = arith.constant 128 : i32
        "tpu.region"() ({
          %run_scoped3A = tpu.sem_alloc : memref<!tpu.dma_semaphore, #tpu.memory_space<semaphore_mem>>
          %dma_start3A_245 = arith.constant 0 : i32
          %dma_start3A_246 = arith.constant 0 : i32
          %dma_start3A_247 = tpu.memref_slice %arg17[%dma_start3A_245, %dma_start3A_246] : memref<10240x128xf32, #tpu.memory_space<vmem_shared>> -> memref<10240x128xf32, #tpu.memory_space<vmem_shared>>
          tpu.enqueue_indirect_dma source(%arg26 : memref<128x128xf32, #tpu.memory_space<vmem>>) target(%dma_start3A_247 : memref<10240x128xf32, #tpu.memory_space<vmem_shared>>) offsets(%arg30 : memref<128xi32, #tpu.memory_space<vmem>>) semaphore(%run_scoped3A : memref<!tpu.dma_semaphore, #tpu.memory_space<semaphore_mem>>) {add = true}
          %dma_wait3A_248 = arith.constant 0 : i32
          %dma_wait3A_249 = arith.constant 0 : i32
          %dma_wait3A_250 = tpu.memref_slice %arg17[%dma_wait3A_248, %dma_wait3A_249] : memref<10240x128xf32, #tpu.memory_space<vmem_shared>> -> memref<10240x128xf32, #tpu.memory_space<vmem_shared>>
          tpu.wait_indirect_dma semaphore(%run_scoped3A : memref<!tpu.dma_semaphore, #tpu.memory_space<semaphore_mem>>) src(%arg26 : memref<128x128xf32, #tpu.memory_space<vmem>>) dst(%dma_wait3A_250 : memref<10240x128xf32, #tpu.memory_space<vmem_shared>>)
          tpu.yield
        }) : () -> ()
        %barrier3A_242 = arith.constant 0 : index
        tpu.barrier barrier_id(%barrier3A_242)
        %add3A_243 = arith.addi %mul3A_40, %mul3A_28 : i32
        "tpu.region"() ({
          %run_scoped3A = tpu.sem_alloc : memref<!tpu.dma_semaphore, #tpu.memory_space<semaphore_mem>>
          %dma_start3A_245 = arith.constant 0 : i32
          %dma_start3A_246 = tpu.memref_slice %arg14[%add3A_243, %dma_start3A_245] : memref<51200x128xf32, #tpu.memory_space<hbm>> -> memref<640x128xf32, #tpu.memory_space<hbm>>
          %dma_start3A_247 = arith.constant 0 : i32
          %dma_start3A_248 = tpu.memref_slice %arg17[%mul3A_28, %dma_start3A_247] : memref<10240x128xf32, #tpu.memory_space<vmem_shared>> -> memref<640x128xf32, #tpu.memory_space<vmem_shared>>
          tpu.enqueue_dma source(%dma_start3A_248 : memref<640x128xf32, #tpu.memory_space<vmem_shared>>) target(%dma_start3A_246 : memref<640x128xf32, #tpu.memory_space<hbm>>) target_semaphore(%run_scoped3A : memref<!tpu.dma_semaphore, #tpu.memory_space<semaphore_mem>>)
          %dma_wait3A_249 = arith.constant 0 : i32
          %dma_wait3A_250 = tpu.memref_slice %arg14[%add3A_243, %dma_wait3A_249] : memref<51200x128xf32, #tpu.memory_space<hbm>> -> memref<640x128xf32, #tpu.memory_space<hbm>>
          %dma_wait3A_251 = arith.constant 0 : i32
          %dma_wait3A_252 = tpu.memref_slice %arg17[%mul3A_28, %dma_wait3A_251] : memref<10240x128xf32, #tpu.memory_space<vmem_shared>> -> memref<640x128xf32, #tpu.memory_space<vmem_shared>>
          tpu.wait_dma2 semaphore(%run_scoped3A : memref<!tpu.dma_semaphore, #tpu.memory_space<semaphore_mem>>) src(%dma_wait3A_252 : memref<640x128xf32, #tpu.memory_space<vmem_shared>>) dst(%dma_wait3A_250 : memref<640x128xf32, #tpu.memory_space<hbm>>)
          tpu.yield
        }) : () -> ()
        %barrier3A_244 = arith.constant 0 : index
        tpu.barrier barrier_id(%barrier3A_244)
      }
      %scan3A_33 = arith.constant 5 : i32
      %mul3A_34 = arith.constant 3200 : i32
      %mul3A_35 = arith.muli %arg1, %mul3A_34 : i32
      %mul3A_36 = arith.constant 3200 : i32
      %mul3A_37 = arith.muli %arg1, %mul3A_36 : i32
      "tpu.region"() ({
        %run_scoped3A = tpu.sem_alloc : memref<!tpu.dma_semaphore, #tpu.memory_space<semaphore_mem>>
        %dma_start3A = arith.constant 0 : i32
        %dma_start3A_38 = tpu.memref_slice %arg15[%mul3A_37, %dma_start3A] : memref<51200x8xf32, #tpu.memory_space<hbm>> -> memref<3200x8xf32, #tpu.memory_space<hbm>>
        %dma_start3A_39 = arith.constant 0 : i32
        %dma_start3A_40 = tpu.memref_slice %arg16[%mul3A_35, %dma_start3A_39] : memref<51200x8xf32, #tpu.memory_space<vmem_shared>> -> memref<3200x8xf32, #tpu.memory_space<vmem_shared>>
        tpu.enqueue_dma source(%dma_start3A_40 : memref<3200x8xf32, #tpu.memory_space<vmem_shared>>) target(%dma_start3A_38 : memref<3200x8xf32, #tpu.memory_space<hbm>>) target_semaphore(%run_scoped3A : memref<!tpu.dma_semaphore, #tpu.memory_space<semaphore_mem>>)
        %dma_wait3A = arith.constant 0 : i32
        %dma_wait3A_41 = tpu.memref_slice %arg15[%mul3A_37, %dma_wait3A] : memref<51200x8xf32, #tpu.memory_space<hbm>> -> memref<3200x8xf32, #tpu.memory_space<hbm>>
        %dma_wait3A_42 = arith.constant 0 : i32
        %dma_wait3A_43 = tpu.memref_slice %arg16[%mul3A_35, %dma_wait3A_42] : memref<51200x8xf32, #tpu.memory_space<vmem_shared>> -> memref<3200x8xf32, #tpu.memory_space<vmem_shared>>
        tpu.wait_dma2 semaphore(%run_scoped3A : memref<!tpu.dma_semaphore, #tpu.memory_space<semaphore_mem>>) src(%dma_wait3A_43 : memref<3200x8xf32, #tpu.memory_space<vmem_shared>>) dst(%dma_wait3A_41 : memref<3200x8xf32, #tpu.memory_space<hbm>>)
        tpu.yield
      }) : () -> ()
    } else {
    }
    return
  }
}

module attributes {stable_mosaic.version = 14 : i64} {
  func.func @_proj_body(%arg0: i32, %arg1: memref<400x128xf32, #tpu.memory_space<vmem>>, %arg2: memref<400x128xf32, #tpu.memory_space<vmem>>, %arg3: memref<128x128xf32, #tpu.memory_space<vmem>>, %arg4: memref<1x128xf32, #tpu.memory_space<vmem>>, %arg5: memref<128x128xf32, #tpu.memory_space<vmem>>, %arg6: memref<1x128xf32, #tpu.memory_space<vmem>>, %arg7: memref<1x128xf32, #tpu.memory_space<vmem>>, %arg8: memref<1x128xf32, #tpu.memory_space<vmem>>, %arg9: memref<1x128xf32, #tpu.memory_space<vmem>>, %arg10: memref<1x128xf32, #tpu.memory_space<vmem>>, %arg11: memref<400x128xf32, #tpu.memory_space<vmem>>, %arg12: memref<400x128xf32, #tpu.memory_space<vmem>>, %arg13: memref<400x16xf32, #tpu.memory_space<vmem>>, %arg14: memref<400x16xf32, #tpu.memory_space<vmem>>) attributes {dimension_semantics = [#tpu.dimension_semantics<arbitrary>], iteration_bounds = array<i64: 125>, scalar_prefetch = 0 : i64, scratch_operands = 0 : i64, tpu.core_type = #tpu.core_type<tc>, window_params = [{transform_indices = @transform_0, window_bounds = array<i64: 400, 128>}, {transform_indices = @transform_1, window_bounds = array<i64: 400, 128>}, {pipeline_mode = #tpu.pipeline_mode<synchronous>, transform_indices = @transform_2, window_bounds = array<i64: 128, 128>}, {pipeline_mode = #tpu.pipeline_mode<synchronous>, transform_indices = @transform_3, window_bounds = array<i64: 1, 128>}, {pipeline_mode = #tpu.pipeline_mode<synchronous>, transform_indices = @transform_4, window_bounds = array<i64: 128, 128>}, {pipeline_mode = #tpu.pipeline_mode<synchronous>, transform_indices = @transform_5, window_bounds = array<i64: 1, 128>}, {pipeline_mode = #tpu.pipeline_mode<synchronous>, transform_indices = @transform_6, window_bounds = array<i64: 1, 128>}, {pipeline_mode = #tpu.pipeline_mode<synchronous>, transform_indices = @transform_7, window_bounds = array<i64: 1, 128>}, {pipeline_mode = #tpu.pipeline_mode<synchronous>, transform_indices = @transform_8, window_bounds = array<i64: 1, 128>}, {pipeline_mode = #tpu.pipeline_mode<synchronous>, transform_indices = @transform_9, window_bounds = array<i64: 1, 128>}, {transform_indices = @transform_10, window_bounds = array<i64: 400, 128>}, {transform_indices = @transform_11, window_bounds = array<i64: 400, 128>}, {transform_indices = @transform_12, window_bounds = array<i64: 400, 16>}, {transform_indices = @transform_13, window_bounds = array<i64: 400, 16>}]} {
    %get3A = arith.constant 0 : index
    %get3A_0 = arith.constant 0 : index
    %get3A_1 = vector.load %arg1[%get3A, %get3A_0] : memref<400x128xf32, #tpu.memory_space<vmem>>, vector<400x128xf32>
    %get3A_2 = arith.constant 0 : index
    %get3A_3 = arith.constant 0 : index
    %get3A_4 = vector.load %arg3[%get3A_2, %get3A_3] : memref<128x128xf32, #tpu.memory_space<vmem>>, vector<128x128xf32>
    %dot_general3A = arith.constant dense<0.000000e+00> : vector<400x128xf32>
    %dot_general3A_5 = tpu.matmul %get3A_1, %get3A_4, %dot_general3A {dimension_numbers = #tpu.dot_dimension_numbers<[1], [0], [0], [1], [0, 0, 1, 1], [], []>, transpose_lhs_hint = false} : vector<400x128xf32>, vector<128x128xf32>, vector<400x128xf32> -> vector<400x128xf32>
    %get3A_6 = arith.constant 0 : index
    %get3A_7 = arith.constant 0 : index
    %get3A_8 = vector.load %arg4[%get3A_6, %get3A_7] : memref<1x128xf32, #tpu.memory_space<vmem>>, vector<1x128xf32>
    %add3A = vector.broadcast %get3A_8 : vector<1x128xf32> to vector<400x128xf32>
    %add3A_9 = arith.addf %dot_general3A_5, %add3A : vector<400x128xf32>
    %get3A_10 = arith.constant 0 : index
    %get3A_11 = arith.constant 0 : index
    %get3A_12 = vector.load %arg2[%get3A_10, %get3A_11] : memref<400x128xf32, #tpu.memory_space<vmem>>, vector<400x128xf32>
    %get3A_13 = arith.constant 0 : index
    %get3A_14 = arith.constant 0 : index
    %get3A_15 = vector.load %arg5[%get3A_13, %get3A_14] : memref<128x128xf32, #tpu.memory_space<vmem>>, vector<128x128xf32>
    %dot_general3A_16 = arith.constant dense<0.000000e+00> : vector<400x128xf32>
    %dot_general3A_17 = tpu.matmul %get3A_12, %get3A_15, %dot_general3A_16 {dimension_numbers = #tpu.dot_dimension_numbers<[1], [0], [0], [1], [0, 0, 1, 1], [], []>, transpose_lhs_hint = false} : vector<400x128xf32>, vector<128x128xf32>, vector<400x128xf32> -> vector<400x128xf32>
    %get3A_18 = arith.constant 0 : index
    %get3A_19 = arith.constant 0 : index
    %get3A_20 = vector.load %arg6[%get3A_18, %get3A_19] : memref<1x128xf32, #tpu.memory_space<vmem>>, vector<1x128xf32>
    %add3A_21 = vector.broadcast %get3A_20 : vector<1x128xf32> to vector<400x128xf32>
    %add3A_22 = arith.addf %dot_general3A_17, %add3A_21 : vector<400x128xf32>
    %swap3A = arith.constant 0 : index
    %swap3A_23 = arith.constant 0 : index
    %swap3A_24 = vector.load %arg11[%swap3A, %swap3A_23] : memref<400x128xf32, #tpu.memory_space<vmem>>, vector<400x128xf32>
    tpu.vector_store %arg11[%swap3A, %swap3A_23], %add3A_9 {strides = array<i32>} : memref<400x128xf32, #tpu.memory_space<vmem>>, vector<400x128xf32>,
    %swap3A_25 = arith.constant 0 : index
    %swap3A_26 = arith.constant 0 : index
    %swap3A_27 = vector.load %arg12[%swap3A_25, %swap3A_26] : memref<400x128xf32, #tpu.memory_space<vmem>>, vector<400x128xf32>
    tpu.vector_store %arg12[%swap3A_25, %swap3A_26], %add3A_22 {strides = array<i32>} : memref<400x128xf32, #tpu.memory_space<vmem>>, vector<400x128xf32>,
    %iota3A = tpu.iota {dimensions = array<i32: 0>} : vector<128x8xi32>
    %iota3A_28 = tpu.iota {dimensions = array<i32: 1>} : vector<128x8xi32>
    %jit3A = arith.constant 16 : i32
    %div3A = vector.broadcast %jit3A : i32 to vector<128x8xi32>
    %div3A_29 = arith.divsi %iota3A, %div3A : vector<128x8xi32>
    %sign3A = arith.constant 0 : i32
    %sign3A_30 = vector.broadcast %sign3A : i32 to vector<128x8xi32>
    %sign3A_31 = arith.cmpi sgt, %iota3A, %sign3A_30 : vector<128x8xi32>
    %sign3A_32 = arith.extui %sign3A_31 : vector<128x8xi1> to vector<128x8xi32>
    %sign3A_33 = arith.constant 0 : i32
    %sign3A_34 = vector.broadcast %sign3A_33 : i32 to vector<128x8xi32>
    %sign3A_35 = arith.cmpi slt, %iota3A, %sign3A_34 : vector<128x8xi32>
    %sign3A_36 = arith.extui %sign3A_35 : vector<128x8xi1> to vector<128x8xi32>
    %sign3A_37 = arith.subi %sign3A_32, %sign3A_36 : vector<128x8xi32>
    %sign3A_38 = arith.constant 0 : i32
    %sign3A_39 = arith.cmpi sgt, %jit3A, %sign3A_38 : i32
    %sign3A_40 = arith.extui %sign3A_39 : i1 to i32
    %sign3A_41 = arith.constant 0 : i32
    %sign3A_42 = arith.cmpi slt, %jit3A, %sign3A_41 : i32
    %sign3A_43 = arith.extui %sign3A_42 : i1 to i32
    %sign3A_44 = arith.subi %sign3A_40, %sign3A_43 : i32
    %ne3A = vector.broadcast %sign3A_44 : i32 to vector<128x8xi32>
    %ne3A_45 = arith.cmpi ne, %sign3A_37, %ne3A : vector<128x8xi32>
    %rem3A = vector.broadcast %jit3A : i32 to vector<128x8xi32>
    %rem3A_46 = arith.remsi %iota3A, %rem3A : vector<128x8xi32>
    %ne3A_47 = arith.constant 0 : i32
    %ne3A_48 = vector.broadcast %ne3A_47 : i32 to vector<128x8xi32>
    %ne3A_49 = arith.cmpi ne, %rem3A_46, %ne3A_48 : vector<128x8xi32>
    %and3A = arith.andi %ne3A_45, %ne3A_49 : vector<128x8xi1>
    %sub3A = arith.constant 1 : i32
    %sub3A_50 = vector.broadcast %sub3A : i32 to vector<128x8xi32>
    %sub3A_51 = arith.subi %div3A_29, %sub3A_50 : vector<128x8xi32>
    %select_n3A = arith.select %and3A, %sub3A_51, %div3A_29 : vector<128x8xi1>, vector<128x8xi32>
    %eq3A = arith.cmpi eq, %select_n3A, %iota3A_28 : vector<128x8xi32>
    %get3A_52 = arith.constant 0 : index
    %get3A_53 = arith.constant 0 : index
    %get3A_54 = vector.load %arg7[%get3A_52, %get3A_53] : memref<1x128xf32, #tpu.memory_space<vmem>>, vector<1x128xf32>
    %get3A_55 = vector.shape_cast %get3A_54 : vector<1x128xf32> to vector<128xf32>
    %broadcast_in_dim3A = vector.shape_cast %get3A_55 : vector<128xf32> to vector<128x1xf32>
    %jit3A_56 = arith.constant 0.000000e+00 : f32
    %broadcast_in_dim3A_57 = vector.shape_cast %broadcast_in_dim3A : vector<128x1xf32> to vector<128x1xf32>
    %broadcast_in_dim3A_58 = vector.broadcast %broadcast_in_dim3A_57 : vector<128x1xf32> to vector<128x8xf32>
    %broadcast_in_dim3A_59 = vector.broadcast %jit3A_56 : f32 to vector<128x8xf32>
    %select_n3A_60 = arith.select %eq3A, %broadcast_in_dim3A_58, %broadcast_in_dim3A_59 : vector<128x8xi1>, vector<128x8xf32>
    %dot_general3A_61 = arith.constant dense<0.000000e+00> : vector<400x8xf32>
    %dot_general3A_62 = tpu.matmul %add3A_22, %select_n3A_60, %dot_general3A_61 {dimension_numbers = #tpu.dot_dimension_numbers<[1], [0], [0], [1], [0, 0, 1, 1], [], []>, transpose_lhs_hint = false} : vector<400x128xf32>, vector<128x8xf32>, vector<400x8xf32> -> vector<400x8xf32>
    %iota3A_63 = tpu.iota {dimensions = array<i32: 0>} : vector<128x8xi32>
    %iota3A_64 = tpu.iota {dimensions = array<i32: 1>} : vector<128x8xi32>
    %jit3A_65 = arith.constant 16 : i32
    %div3A_66 = vector.broadcast %jit3A_65 : i32 to vector<128x8xi32>
    %div3A_67 = arith.divsi %iota3A_63, %div3A_66 : vector<128x8xi32>
    %sign3A_68 = arith.constant 0 : i32
    %sign3A_69 = vector.broadcast %sign3A_68 : i32 to vector<128x8xi32>
    %sign3A_70 = arith.cmpi sgt, %iota3A_63, %sign3A_69 : vector<128x8xi32>
    %sign3A_71 = arith.extui %sign3A_70 : vector<128x8xi1> to vector<128x8xi32>
    %sign3A_72 = arith.constant 0 : i32
    %sign3A_73 = vector.broadcast %sign3A_72 : i32 to vector<128x8xi32>
    %sign3A_74 = arith.cmpi slt, %iota3A_63, %sign3A_73 : vector<128x8xi32>
    %sign3A_75 = arith.extui %sign3A_74 : vector<128x8xi1> to vector<128x8xi32>
    %sign3A_76 = arith.subi %sign3A_71, %sign3A_75 : vector<128x8xi32>
    %sign3A_77 = arith.constant 0 : i32
    %sign3A_78 = arith.cmpi sgt, %jit3A_65, %sign3A_77 : i32
    %sign3A_79 = arith.extui %sign3A_78 : i1 to i32
    %sign3A_80 = arith.constant 0 : i32
    %sign3A_81 = arith.cmpi slt, %jit3A_65, %sign3A_80 : i32
    %sign3A_82 = arith.extui %sign3A_81 : i1 to i32
    %sign3A_83 = arith.subi %sign3A_79, %sign3A_82 : i32
    %ne3A_84 = vector.broadcast %sign3A_83 : i32 to vector<128x8xi32>
    %ne3A_85 = arith.cmpi ne, %sign3A_76, %ne3A_84 : vector<128x8xi32>
    %rem3A_86 = vector.broadcast %jit3A_65 : i32 to vector<128x8xi32>
    %rem3A_87 = arith.remsi %iota3A_63, %rem3A_86 : vector<128x8xi32>
    %ne3A_88 = arith.constant 0 : i32
    %ne3A_89 = vector.broadcast %ne3A_88 : i32 to vector<128x8xi32>
    %ne3A_90 = arith.cmpi ne, %rem3A_87, %ne3A_89 : vector<128x8xi32>
    %and3A_91 = arith.andi %ne3A_85, %ne3A_90 : vector<128x8xi1>
    %sub3A_92 = arith.constant 1 : i32
    %sub3A_93 = vector.broadcast %sub3A_92 : i32 to vector<128x8xi32>
    %sub3A_94 = arith.subi %div3A_67, %sub3A_93 : vector<128x8xi32>
    %select_n3A_95 = arith.select %and3A_91, %sub3A_94, %div3A_67 : vector<128x8xi1>, vector<128x8xi32>
    %eq3A_96 = arith.cmpi eq, %select_n3A_95, %iota3A_64 : vector<128x8xi32>
    %get3A_97 = arith.constant 0 : index
    %get3A_98 = arith.constant 0 : index
    %get3A_99 = vector.load %arg8[%get3A_97, %get3A_98] : memref<1x128xf32, #tpu.memory_space<vmem>>, vector<1x128xf32>
    %get3A_100 = vector.shape_cast %get3A_99 : vector<1x128xf32> to vector<128xf32>
    %broadcast_in_dim3A_101 = vector.shape_cast %get3A_100 : vector<128xf32> to vector<128x1xf32>
    %jit3A_102 = arith.constant 0.000000e+00 : f32
    %broadcast_in_dim3A_103 = vector.shape_cast %broadcast_in_dim3A_101 : vector<128x1xf32> to vector<128x1xf32>
    %broadcast_in_dim3A_104 = vector.broadcast %broadcast_in_dim3A_103 : vector<128x1xf32> to vector<128x8xf32>
    %broadcast_in_dim3A_105 = vector.broadcast %jit3A_102 : f32 to vector<128x8xf32>
    %select_n3A_106 = arith.select %eq3A_96, %broadcast_in_dim3A_104, %broadcast_in_dim3A_105 : vector<128x8xi1>, vector<128x8xf32>
    %dot_general3A_107 = arith.constant dense<0.000000e+00> : vector<400x8xf32>
    %dot_general3A_108 = tpu.matmul %add3A_9, %select_n3A_106, %dot_general3A_107 {dimension_numbers = #tpu.dot_dimension_numbers<[1], [0], [0], [1], [0, 0, 1, 1], [], []>, transpose_lhs_hint = false} : vector<400x128xf32>, vector<128x8xf32>, vector<400x8xf32> -> vector<400x8xf32>
    %concatenate3A = tpu.concatenate %dot_general3A_62, %dot_general3A_108 in 1 : vector<400x8xf32>, vector<400x8xf32> -> vector<400x16xf32>
    %swap3A_109 = arith.constant 0 : index
    %swap3A_110 = arith.constant 0 : index
    %swap3A_111 = vector.load %arg13[%swap3A_109, %swap3A_110] : memref<400x16xf32, #tpu.memory_space<vmem>>, vector<400x16xf32>
    tpu.vector_store %arg13[%swap3A_109, %swap3A_110], %concatenate3A {strides = array<i32>} : memref<400x16xf32, #tpu.memory_space<vmem>>, vector<400x16xf32>,
    %iota3A_112 = tpu.iota {dimensions = array<i32: 0>} : vector<128x8xi32>
    %iota3A_113 = tpu.iota {dimensions = array<i32: 1>} : vector<128x8xi32>
    %jit3A_114 = arith.constant 16 : i32
    %div3A_115 = vector.broadcast %jit3A_114 : i32 to vector<128x8xi32>
    %div3A_116 = arith.divsi %iota3A_112, %div3A_115 : vector<128x8xi32>
    %sign3A_117 = arith.constant 0 : i32
    %sign3A_118 = vector.broadcast %sign3A_117 : i32 to vector<128x8xi32>
    %sign3A_119 = arith.cmpi sgt, %iota3A_112, %sign3A_118 : vector<128x8xi32>
    %sign3A_120 = arith.extui %sign3A_119 : vector<128x8xi1> to vector<128x8xi32>
    %sign3A_121 = arith.constant 0 : i32
    %sign3A_122 = vector.broadcast %sign3A_121 : i32 to vector<128x8xi32>
    %sign3A_123 = arith.cmpi slt, %iota3A_112, %sign3A_122 : vector<128x8xi32>
    %sign3A_124 = arith.extui %sign3A_123 : vector<128x8xi1> to vector<128x8xi32>
    %sign3A_125 = arith.subi %sign3A_120, %sign3A_124 : vector<128x8xi32>
    %sign3A_126 = arith.constant 0 : i32
    %sign3A_127 = arith.cmpi sgt, %jit3A_114, %sign3A_126 : i32
    %sign3A_128 = arith.extui %sign3A_127 : i1 to i32
    %sign3A_129 = arith.constant 0 : i32
    %sign3A_130 = arith.cmpi slt, %jit3A_114, %sign3A_129 : i32
    %sign3A_131 = arith.extui %sign3A_130 : i1 to i32
    %sign3A_132 = arith.subi %sign3A_128, %sign3A_131 : i32
    %ne3A_133 = vector.broadcast %sign3A_132 : i32 to vector<128x8xi32>
    %ne3A_134 = arith.cmpi ne, %sign3A_125, %ne3A_133 : vector<128x8xi32>
    %rem3A_135 = vector.broadcast %jit3A_114 : i32 to vector<128x8xi32>
    %rem3A_136 = arith.remsi %iota3A_112, %rem3A_135 : vector<128x8xi32>
    %ne3A_137 = arith.constant 0 : i32
    %ne3A_138 = vector.broadcast %ne3A_137 : i32 to vector<128x8xi32>
    %ne3A_139 = arith.cmpi ne, %rem3A_136, %ne3A_138 : vector<128x8xi32>
    %and3A_140 = arith.andi %ne3A_134, %ne3A_139 : vector<128x8xi1>
    %sub3A_141 = arith.constant 1 : i32
    %sub3A_142 = vector.broadcast %sub3A_141 : i32 to vector<128x8xi32>
    %sub3A_143 = arith.subi %div3A_116, %sub3A_142 : vector<128x8xi32>
    %select_n3A_144 = arith.select %and3A_140, %sub3A_143, %div3A_116 : vector<128x8xi1>, vector<128x8xi32>
    %eq3A_145 = arith.cmpi eq, %select_n3A_144, %iota3A_113 : vector<128x8xi32>
    %get3A_146 = arith.constant 0 : index
    %get3A_147 = arith.constant 0 : index
    %get3A_148 = vector.load %arg9[%get3A_146, %get3A_147] : memref<1x128xf32, #tpu.memory_space<vmem>>, vector<1x128xf32>
    %get3A_149 = vector.shape_cast %get3A_148 : vector<1x128xf32> to vector<128xf32>
    %broadcast_in_dim3A_150 = vector.shape_cast %get3A_149 : vector<128xf32> to vector<128x1xf32>
    %jit3A_151 = arith.constant 0.000000e+00 : f32
    %broadcast_in_dim3A_152 = vector.shape_cast %broadcast_in_dim3A_150 : vector<128x1xf32> to vector<128x1xf32>
    %broadcast_in_dim3A_153 = vector.broadcast %broadcast_in_dim3A_152 : vector<128x1xf32> to vector<128x8xf32>
    %broadcast_in_dim3A_154 = vector.broadcast %jit3A_151 : f32 to vector<128x8xf32>
    %select_n3A_155 = arith.select %eq3A_145, %broadcast_in_dim3A_153, %broadcast_in_dim3A_154 : vector<128x8xi1>, vector<128x8xf32>
    %dot_general3A_156 = arith.constant dense<0.000000e+00> : vector<400x8xf32>
    %dot_general3A_157 = tpu.matmul %add3A_9, %select_n3A_155, %dot_general3A_156 {dimension_numbers = #tpu.dot_dimension_numbers<[1], [0], [0], [1], [0, 0, 1, 1], [], []>, transpose_lhs_hint = false} : vector<400x128xf32>, vector<128x8xf32>, vector<400x8xf32> -> vector<400x8xf32>
    %iota3A_158 = tpu.iota {dimensions = array<i32: 0>} : vector<128x8xi32>
    %iota3A_159 = tpu.iota {dimensions = array<i32: 1>} : vector<128x8xi32>
    %jit3A_160 = arith.constant 16 : i32
    %div3A_161 = vector.broadcast %jit3A_160 : i32 to vector<128x8xi32>
    %div3A_162 = arith.divsi %iota3A_158, %div3A_161 : vector<128x8xi32>
    %sign3A_163 = arith.constant 0 : i32
    %sign3A_164 = vector.broadcast %sign3A_163 : i32 to vector<128x8xi32>
    %sign3A_165 = arith.cmpi sgt, %iota3A_158, %sign3A_164 : vector<128x8xi32>
    %sign3A_166 = arith.extui %sign3A_165 : vector<128x8xi1> to vector<128x8xi32>
    %sign3A_167 = arith.constant 0 : i32
    %sign3A_168 = vector.broadcast %sign3A_167 : i32 to vector<128x8xi32>
    %sign3A_169 = arith.cmpi slt, %iota3A_158, %sign3A_168 : vector<128x8xi32>
    %sign3A_170 = arith.extui %sign3A_169 : vector<128x8xi1> to vector<128x8xi32>
    %sign3A_171 = arith.subi %sign3A_166, %sign3A_170 : vector<128x8xi32>
    %sign3A_172 = arith.constant 0 : i32
    %sign3A_173 = arith.cmpi sgt, %jit3A_160, %sign3A_172 : i32
    %sign3A_174 = arith.extui %sign3A_173 : i1 to i32
    %sign3A_175 = arith.constant 0 : i32
    %sign3A_176 = arith.cmpi slt, %jit3A_160, %sign3A_175 : i32
    %sign3A_177 = arith.extui %sign3A_176 : i1 to i32
    %sign3A_178 = arith.subi %sign3A_174, %sign3A_177 : i32
    %ne3A_179 = vector.broadcast %sign3A_178 : i32 to vector<128x8xi32>
    %ne3A_180 = arith.cmpi ne, %sign3A_171, %ne3A_179 : vector<128x8xi32>
    %rem3A_181 = vector.broadcast %jit3A_160 : i32 to vector<128x8xi32>
    %rem3A_182 = arith.remsi %iota3A_158, %rem3A_181 : vector<128x8xi32>
    %ne3A_183 = arith.constant 0 : i32
    %ne3A_184 = vector.broadcast %ne3A_183 : i32 to vector<128x8xi32>
    %ne3A_185 = arith.cmpi ne, %rem3A_182, %ne3A_184 : vector<128x8xi32>
    %and3A_186 = arith.andi %ne3A_180, %ne3A_185 : vector<128x8xi1>
    %sub3A_187 = arith.constant 1 : i32
    %sub3A_188 = vector.broadcast %sub3A_187 : i32 to vector<128x8xi32>
    %sub3A_189 = arith.subi %div3A_162, %sub3A_188 : vector<128x8xi32>
    %select_n3A_190 = arith.select %and3A_186, %sub3A_189, %div3A_162 : vector<128x8xi1>, vector<128x8xi32>
    %eq3A_191 = arith.cmpi eq, %select_n3A_190, %iota3A_159 : vector<128x8xi32>
    %get3A_192 = arith.constant 0 : index
    %get3A_193 = arith.constant 0 : index
    %get3A_194 = vector.load %arg10[%get3A_192, %get3A_193] : memref<1x128xf32, #tpu.memory_space<vmem>>, vector<1x128xf32>
    %get3A_195 = vector.shape_cast %get3A_194 : vector<1x128xf32> to vector<128xf32>
    %broadcast_in_dim3A_196 = vector.shape_cast %get3A_195 : vector<128xf32> to vector<128x1xf32>
    %jit3A_197 = arith.constant 0.000000e+00 : f32
    %broadcast_in_dim3A_198 = vector.shape_cast %broadcast_in_dim3A_196 : vector<128x1xf32> to vector<128x1xf32>
    %broadcast_in_dim3A_199 = vector.broadcast %broadcast_in_dim3A_198 : vector<128x1xf32> to vector<128x8xf32>
    %broadcast_in_dim3A_200 = vector.broadcast %jit3A_197 : f32 to vector<128x8xf32>
    %select_n3A_201 = arith.select %eq3A_191, %broadcast_in_dim3A_199, %broadcast_in_dim3A_200 : vector<128x8xi1>, vector<128x8xf32>
    %dot_general3A_202 = arith.constant dense<0.000000e+00> : vector<400x8xf32>
    %dot_general3A_203 = tpu.matmul %add3A_9, %select_n3A_201, %dot_general3A_202 {dimension_numbers = #tpu.dot_dimension_numbers<[1], [0], [0], [1], [0, 0, 1, 1], [], []>, transpose_lhs_hint = false} : vector<400x128xf32>, vector<128x8xf32>, vector<400x8xf32> -> vector<400x8xf32>
    %concatenate3A_204 = tpu.concatenate %dot_general3A_157, %dot_general3A_203 in 1 : vector<400x8xf32>, vector<400x8xf32> -> vector<400x16xf32>
    %swap3A_205 = arith.constant 0 : index
    %swap3A_206 = arith.constant 0 : index
    %swap3A_207 = vector.load %arg14[%swap3A_205, %swap3A_206] : memref<400x16xf32, #tpu.memory_space<vmem>>, vector<400x16xf32>
    tpu.vector_store %arg14[%swap3A_205, %swap3A_206], %concatenate3A_204 {strides = array<i32>} : memref<400x16xf32, #tpu.memory_space<vmem>>, vector<400x16xf32>,
    return
  }
  func.func @transform_0(%arg0: i32) -> (i32, i32) {
    %c0_i32 = arith.constant 0 : i32
    %c0_i32_0 = arith.constant 0 : i32
    return %arg0, %c0_i32 : i32, i32
  }
  func.func @transform_1(%arg0: i32) -> (i32, i32) {
    %c0_i32 = arith.constant 0 : i32
    %c0_i32_0 = arith.constant 0 : i32
    return %arg0, %c0_i32 : i32, i32
  }
  func.func @transform_2(%arg0: i32) -> (i32, i32) {
    %c0_i32 = arith.constant 0 : i32
    %c0_i32_0 = arith.constant 0 : i32
    %c0_i32_1 = arith.constant 0 : i32
    return %c0_i32, %c0_i32_0 : i32, i32
  }
  func.func @transform_3(%arg0: i32) -> (i32, i32) {
    %c0_i32 = arith.constant 0 : i32
    %c0_i32_0 = arith.constant 0 : i32
    %c0_i32_1 = arith.constant 0 : i32
    return %c0_i32, %c0_i32_0 : i32, i32
  }
  func.func @transform_4(%arg0: i32) -> (i32, i32) {
    %c0_i32 = arith.constant 0 : i32
    %c0_i32_0 = arith.constant 0 : i32
    %c0_i32_1 = arith.constant 0 : i32
    return %c0_i32, %c0_i32_0 : i32, i32
  }
  func.func @transform_5(%arg0: i32) -> (i32, i32) {
    %c0_i32 = arith.constant 0 : i32
    %c0_i32_0 = arith.constant 0 : i32
    %c0_i32_1 = arith.constant 0 : i32
    return %c0_i32, %c0_i32_0 : i32, i32
  }
  func.func @transform_6(%arg0: i32) -> (i32, i32) {
    %c0_i32 = arith.constant 0 : i32
    %c0_i32_0 = arith.constant 0 : i32
    %c0_i32_1 = arith.constant 0 : i32
    return %c0_i32, %c0_i32_0 : i32, i32
  }
  func.func @transform_7(%arg0: i32) -> (i32, i32) {
    %c0_i32 = arith.constant 0 : i32
    %c0_i32_0 = arith.constant 0 : i32
    %c0_i32_1 = arith.constant 0 : i32
    return %c0_i32, %c0_i32_0 : i32, i32
  }
  func.func @transform_8(%arg0: i32) -> (i32, i32) {
    %c0_i32 = arith.constant 0 : i32
    %c0_i32_0 = arith.constant 0 : i32
    %c0_i32_1 = arith.constant 0 : i32
    return %c0_i32, %c0_i32_0 : i32, i32
  }
  func.func @transform_9(%arg0: i32) -> (i32, i32) {
    %c0_i32 = arith.constant 0 : i32
    %c0_i32_0 = arith.constant 0 : i32
    %c0_i32_1 = arith.constant 0 : i32
    return %c0_i32, %c0_i32_0 : i32, i32
  }
  func.func @transform_10(%arg0: i32) -> (i32, i32) {
    %c0_i32 = arith.constant 0 : i32
    %c0_i32_0 = arith.constant 0 : i32
    return %arg0, %c0_i32 : i32, i32
  }
  func.func @transform_11(%arg0: i32) -> (i32, i32) {
    %c0_i32 = arith.constant 0 : i32
    %c0_i32_0 = arith.constant 0 : i32
    return %arg0, %c0_i32 : i32, i32
  }
  func.func @transform_12(%arg0: i32) -> (i32, i32) {
    %c0_i32 = arith.constant 0 : i32
    %c0_i32_0 = arith.constant 0 : i32
    return %arg0, %c0_i32 : i32, i32
  }
  func.func @transform_13(%arg0: i32) -> (i32, i32) {
    %c0_i32 = arith.constant 0 : i32
    %c0_i32_0 = arith.constant 0 : i32
    return %arg0, %c0_i32 : i32, i32
  }
}

module attributes {stable_mosaic.version = 14 : i64} {
  func.func @_c1_body(%arg0: i32, %arg1: memref<400x128xf32, #tpu.memory_space<vmem>>, %arg2: memref<400x8xf32, #tpu.memory_space<vmem>>, %arg3: memref<400x128xf32, #tpu.memory_space<vmem>>, %arg4: memref<400x8xf32, #tpu.memory_space<vmem>>, %arg5: memref<128x128xf32, #tpu.memory_space<vmem>>, %arg6: memref<1x128xf32, #tpu.memory_space<vmem>>, %arg7: memref<8x128xf32, #tpu.memory_space<vmem>>, %arg8: memref<1x128xf32, #tpu.memory_space<vmem>>, %arg9: memref<1x128xf32, #tpu.memory_space<vmem>>) attributes {dimension_semantics = [#tpu.dimension_semantics<arbitrary>], iteration_bounds = array<i64: 125>, scalar_prefetch = 0 : i64, scratch_operands = 0 : i64, tpu.core_type = #tpu.core_type<tc>, window_params = [{transform_indices = @transform_0, window_bounds = array<i64: 400, 128>}, {transform_indices = @transform_1, window_bounds = array<i64: 400, 8>}, {transform_indices = @transform_2, window_bounds = array<i64: 400, 128>}, {transform_indices = @transform_3, window_bounds = array<i64: 400, 8>}, {pipeline_mode = #tpu.pipeline_mode<synchronous>, transform_indices = @transform_4, window_bounds = array<i64: 128, 128>}, {pipeline_mode = #tpu.pipeline_mode<synchronous>, transform_indices = @transform_5, window_bounds = array<i64: 1, 128>}, {pipeline_mode = #tpu.pipeline_mode<synchronous>, transform_indices = @transform_6, window_bounds = array<i64: 8, 128>}, {pipeline_mode = #tpu.pipeline_mode<synchronous>, transform_indices = @transform_7, window_bounds = array<i64: 1, 128>}, {pipeline_mode = #tpu.pipeline_mode<synchronous>, transform_indices = @transform_8, window_bounds = array<i64: 1, 128>}]} {
    %eq3A = arith.constant 0 : i32
    %eq3A_0 = arith.cmpi eq, %arg0, %eq3A : i32
    %convert_element_type3A = arith.extui %eq3A_0 : i1 to i32
    %cond3A = arith.constant 0 : i32
    %cond3A_1 = arith.cmpi ne, %convert_element_type3A, %cond3A : i32
    scf.if %cond3A_1 {
      %broadcast_in_dim3A_76 = arith.constant 0.000000e+00 : f32
      %broadcast_in_dim3A_77 = vector.broadcast %broadcast_in_dim3A_76 : f32 to vector<1x128xf32>
      %swap3A_78 = arith.constant 0 : index
      %swap3A_79 = arith.constant 0 : index
      %swap3A_80 = vector.load %arg8[%swap3A_78, %swap3A_79] : memref<1x128xf32, #tpu.memory_space<vmem>>, vector<1x128xf32>
      tpu.vector_store %arg8[%swap3A_78, %swap3A_79], %broadcast_in_dim3A_77 {strides = array<i32>} : memref<1x128xf32, #tpu.memory_space<vmem>>, vector<1x128xf32>,
      %broadcast_in_dim3A_81 = arith.constant 0.000000e+00 : f32
      %broadcast_in_dim3A_82 = vector.broadcast %broadcast_in_dim3A_81 : f32 to vector<1x128xf32>
      %swap3A_83 = arith.constant 0 : index
      %swap3A_84 = arith.constant 0 : index
      %swap3A_85 = vector.load %arg9[%swap3A_83, %swap3A_84] : memref<1x128xf32, #tpu.memory_space<vmem>>, vector<1x128xf32>
      tpu.vector_store %arg9[%swap3A_83, %swap3A_84], %broadcast_in_dim3A_82 {strides = array<i32>} : memref<1x128xf32, #tpu.memory_space<vmem>>, vector<1x128xf32>,
    } else {
    }
    %get3A = arith.constant 0 : index
    %get3A_2 = arith.constant 0 : index
    %get3A_3 = vector.load %arg2[%get3A, %get3A_2] : memref<400x8xf32, #tpu.memory_space<vmem>>, vector<400x8xf32>
    %add3A = arith.constant 1.000000e-16 : f32
    %add3A_4 = vector.broadcast %add3A : f32 to vector<400x8xf32>
    %add3A_5 = arith.addf %get3A_3, %add3A_4 : vector<400x8xf32>
    %div3A = arith.constant 1.000000e+00 : f32
    %div3A_6 = vector.broadcast %div3A : f32 to vector<400x8xf32>
    %div3A_7 = arith.divf %div3A_6, %add3A_5 : vector<400x8xf32>
    %get3A_8 = arith.constant 0 : index
    %get3A_9 = arith.constant 0 : index
    %get3A_10 = vector.load %arg7[%get3A_8, %get3A_9] : memref<8x128xf32, #tpu.memory_space<vmem>>, vector<8x128xf32>
    %dot_general3A = arith.constant dense<0.000000e+00> : vector<400x128xf32>
    %dot_general3A_11 = tpu.matmul %div3A_7, %get3A_10, %dot_general3A {dimension_numbers = #tpu.dot_dimension_numbers<[1], [0], [0], [1], [0, 0, 1, 1], [], []>, transpose_lhs_hint = false} : vector<400x8xf32>, vector<8x128xf32>, vector<400x128xf32> -> vector<400x128xf32>
    %get3A_12 = arith.constant 0 : index
    %get3A_13 = arith.constant 0 : index
    %get3A_14 = vector.load %arg1[%get3A_12, %get3A_13] : memref<400x128xf32, #tpu.memory_space<vmem>>, vector<400x128xf32>
    %mul3A = arith.mulf %get3A_14, %dot_general3A_11 : vector<400x128xf32>
    %max3A = arith.constant 0.000000e+00 : f32
    %max3A_15 = vector.broadcast %max3A : f32 to vector<400x128xf32>
    %max3A_16 = arith.maximumf %mul3A, %max3A_15 : vector<400x128xf32>
    %get3A_17 = arith.constant 0 : index
    %get3A_18 = arith.constant 0 : index
    %get3A_19 = vector.load %arg4[%get3A_17, %get3A_18] : memref<400x8xf32, #tpu.memory_space<vmem>>, vector<400x8xf32>
    %add3A_20 = arith.constant 1.000000e-16 : f32
    %add3A_21 = vector.broadcast %add3A_20 : f32 to vector<400x8xf32>
    %add3A_22 = arith.addf %get3A_19, %add3A_21 : vector<400x8xf32>
    %div3A_23 = arith.constant 1.000000e+00 : f32
    %div3A_24 = vector.broadcast %div3A_23 : f32 to vector<400x8xf32>
    %div3A_25 = arith.divf %div3A_24, %add3A_22 : vector<400x8xf32>
    %get3A_26 = arith.constant 0 : index
    %get3A_27 = arith.constant 0 : index
    %get3A_28 = vector.load %arg7[%get3A_26, %get3A_27] : memref<8x128xf32, #tpu.memory_space<vmem>>, vector<8x128xf32>
    %dot_general3A_29 = arith.constant dense<0.000000e+00> : vector<400x128xf32>
    %dot_general3A_30 = tpu.matmul %div3A_25, %get3A_28, %dot_general3A_29 {dimension_numbers = #tpu.dot_dimension_numbers<[1], [0], [0], [1], [0, 0, 1, 1], [], []>, transpose_lhs_hint = false} : vector<400x8xf32>, vector<8x128xf32>, vector<400x128xf32> -> vector<400x128xf32>
    %get3A_31 = arith.constant 0 : index
    %get3A_32 = arith.constant 0 : index
    %get3A_33 = vector.load %arg3[%get3A_31, %get3A_32] : memref<400x128xf32, #tpu.memory_space<vmem>>, vector<400x128xf32>
    %mul3A_34 = arith.mulf %get3A_33, %dot_general3A_30 : vector<400x128xf32>
    %max3A_35 = arith.constant 0.000000e+00 : f32
    %max3A_36 = vector.broadcast %max3A_35 : f32 to vector<400x128xf32>
    %max3A_37 = arith.maximumf %mul3A_34, %max3A_36 : vector<400x128xf32>
    %get3A_38 = arith.constant 0 : index
    %get3A_39 = arith.constant 0 : index
    %get3A_40 = vector.load %arg5[%get3A_38, %get3A_39] : memref<128x128xf32, #tpu.memory_space<vmem>>, vector<128x128xf32>
    %dot_general3A_41 = arith.constant dense<0.000000e+00> : vector<400x128xf32>
    %dot_general3A_42 = tpu.matmul %max3A_16, %get3A_40, %dot_general3A_41 {dimension_numbers = #tpu.dot_dimension_numbers<[1], [0], [0], [1], [0, 0, 1, 1], [], []>, transpose_lhs_hint = false} : vector<400x128xf32>, vector<128x128xf32>, vector<400x128xf32> -> vector<400x128xf32>
    %get3A_43 = arith.constant 0 : index
    %get3A_44 = arith.constant 0 : index
    %get3A_45 = vector.load %arg6[%get3A_43, %get3A_44] : memref<1x128xf32, #tpu.memory_space<vmem>>, vector<1x128xf32>
    %add3A_46 = vector.broadcast %get3A_45 : vector<1x128xf32> to vector<400x128xf32>
    %add3A_47 = arith.addf %dot_general3A_42, %add3A_46 : vector<400x128xf32>
    %tanh3A = math.tanh %add3A_47 : vector<400x128xf32>
    %get3A_48 = arith.constant 0 : index
    %get3A_49 = arith.constant 0 : index
    %get3A_50 = vector.load %arg5[%get3A_48, %get3A_49] : memref<128x128xf32, #tpu.memory_space<vmem>>, vector<128x128xf32>
    %dot_general3A_51 = arith.constant dense<0.000000e+00> : vector<400x128xf32>
    %dot_general3A_52 = tpu.matmul %max3A_37, %get3A_50, %dot_general3A_51 {dimension_numbers = #tpu.dot_dimension_numbers<[1], [0], [0], [1], [0, 0, 1, 1], [], []>, transpose_lhs_hint = false} : vector<400x128xf32>, vector<128x128xf32>, vector<400x128xf32> -> vector<400x128xf32>
    %get3A_53 = arith.constant 0 : index
    %get3A_54 = arith.constant 0 : index
    %get3A_55 = vector.load %arg6[%get3A_53, %get3A_54] : memref<1x128xf32, #tpu.memory_space<vmem>>, vector<1x128xf32>
    %add3A_56 = vector.broadcast %get3A_55 : vector<1x128xf32> to vector<400x128xf32>
    %add3A_57 = arith.addf %dot_general3A_52, %add3A_56 : vector<400x128xf32>
    %tanh3A_58 = math.tanh %add3A_57 : vector<400x128xf32>
    %get3A_59 = arith.constant 0 : index
    %get3A_60 = arith.constant 0 : index
    %get3A_61 = vector.load %arg8[%get3A_59, %get3A_60] : memref<1x128xf32, #tpu.memory_space<vmem>>, vector<1x128xf32>
    %reduce_sum3A = arith.constant dense<0.000000e+00> : vector<128xf32>
    %reduce_sum3A_62 = vector.multi_reduction <add>, %tanh3A, %reduce_sum3A [0] : vector<400x128xf32> to vector<128xf32>
    %broadcast_in_dim3A = vector.shape_cast %reduce_sum3A_62 : vector<128xf32> to vector<1x128xf32>
    %add3A_63 = arith.addf %get3A_61, %broadcast_in_dim3A : vector<1x128xf32>
    %swap3A = arith.constant 0 : index
    %swap3A_64 = arith.constant 0 : index
    %swap3A_65 = vector.load %arg8[%swap3A, %swap3A_64] : memref<1x128xf32, #tpu.memory_space<vmem>>, vector<1x128xf32>
    tpu.vector_store %arg8[%swap3A, %swap3A_64], %add3A_63 {strides = array<i32>} : memref<1x128xf32, #tpu.memory_space<vmem>>, vector<1x128xf32>,
    %get3A_66 = arith.constant 0 : index
    %get3A_67 = arith.constant 0 : index
    %get3A_68 = vector.load %arg9[%get3A_66, %get3A_67] : memref<1x128xf32, #tpu.memory_space<vmem>>, vector<1x128xf32>
    %reduce_sum3A_69 = arith.constant dense<0.000000e+00> : vector<128xf32>
    %reduce_sum3A_70 = vector.multi_reduction <add>, %tanh3A_58, %reduce_sum3A_69 [0] : vector<400x128xf32> to vector<128xf32>
    %broadcast_in_dim3A_71 = vector.shape_cast %reduce_sum3A_70 : vector<128xf32> to vector<1x128xf32>
    %add3A_72 = arith.addf %get3A_68, %broadcast_in_dim3A_71 : vector<1x128xf32>
    %swap3A_73 = arith.constant 0 : index
    %swap3A_74 = arith.constant 0 : index
    %swap3A_75 = vector.load %arg9[%swap3A_73, %swap3A_74] : memref<1x128xf32, #tpu.memory_space<vmem>>, vector<1x128xf32>
    tpu.vector_store %arg9[%swap3A_73, %swap3A_74], %add3A_72 {strides = array<i32>} : memref<1x128xf32, #tpu.memory_space<vmem>>, vector<1x128xf32>,
    return
  }
  func.func @transform_0(%arg0: i32) -> (i32, i32) {
    %c0_i32 = arith.constant 0 : i32
    %c0_i32_0 = arith.constant 0 : i32
    return %arg0, %c0_i32 : i32, i32
  }
  func.func @transform_1(%arg0: i32) -> (i32, i32) {
    %c0_i32 = arith.constant 0 : i32
    %c0_i32_0 = arith.constant 0 : i32
    return %arg0, %c0_i32 : i32, i32
  }
  func.func @transform_2(%arg0: i32) -> (i32, i32) {
    %c0_i32 = arith.constant 0 : i32
    %c0_i32_0 = arith.constant 0 : i32
    return %arg0, %c0_i32 : i32, i32
  }
  func.func @transform_3(%arg0: i32) -> (i32, i32) {
    %c0_i32 = arith.constant 0 : i32
    %c0_i32_0 = arith.constant 0 : i32
    return %arg0, %c0_i32 : i32, i32
  }
  func.func @transform_4(%arg0: i32) -> (i32, i32) {
    %c0_i32 = arith.constant 0 : i32
    %c0_i32_0 = arith.constant 0 : i32
    %c0_i32_1 = arith.constant 0 : i32
    return %c0_i32, %c0_i32_0 : i32, i32
  }
  func.func @transform_5(%arg0: i32) -> (i32, i32) {
    %c0_i32 = arith.constant 0 : i32
    %c0_i32_0 = arith.constant 0 : i32
    %c0_i32_1 = arith.constant 0 : i32
    return %c0_i32, %c0_i32_0 : i32, i32
  }
  func.func @transform_6(%arg0: i32) -> (i32, i32) {
    %c0_i32 = arith.constant 0 : i32
    %c0_i32_0 = arith.constant 0 : i32
    %c0_i32_1 = arith.constant 0 : i32
    return %c0_i32, %c0_i32_0 : i32, i32
  }
  func.func @transform_7(%arg0: i32) -> (i32, i32) {
    %c0_i32 = arith.constant 0 : i32
    %c0_i32_0 = arith.constant 0 : i32
    %c0_i32_1 = arith.constant 0 : i32
    return %c0_i32, %c0_i32_0 : i32, i32
  }
  func.func @transform_8(%arg0: i32) -> (i32, i32) {
    %c0_i32 = arith.constant 0 : i32
    %c0_i32_0 = arith.constant 0 : i32
    %c0_i32_1 = arith.constant 0 : i32
    return %c0_i32, %c0_i32_0 : i32, i32
  }
}

module attributes {stable_mosaic.version = 14 : i64} {
  func.func @_c2_body(%arg0: i32, %arg1: memref<400x128xf32, #tpu.memory_space<vmem>>, %arg2: memref<400x8xf32, #tpu.memory_space<vmem>>, %arg3: memref<400x128xf32, #tpu.memory_space<vmem>>, %arg4: memref<400x8xf32, #tpu.memory_space<vmem>>, %arg5: memref<1x128xf32, #tpu.memory_space<vmem>>, %arg6: memref<1x128xf32, #tpu.memory_space<vmem>>, %arg7: memref<1x128xf32, #tpu.memory_space<vmem>>, %arg8: memref<128x64xf32, #tpu.memory_space<vmem>>, %arg9: memref<1x64xf32, #tpu.memory_space<vmem>>, %arg10: memref<8x128xf32, #tpu.memory_space<vmem>>, %arg11: memref<400x64xf32, #tpu.memory_space<vmem>>) attributes {dimension_semantics = [#tpu.dimension_semantics<arbitrary>], iteration_bounds = array<i64: 125>, scalar_prefetch = 0 : i64, scratch_operands = 0 : i64, tpu.core_type = #tpu.core_type<tc>, window_params = [{transform_indices = @transform_0, window_bounds = array<i64: 400, 128>}, {transform_indices = @transform_1, window_bounds = array<i64: 400, 8>}, {transform_indices = @transform_2, window_bounds = array<i64: 400, 128>}, {transform_indices = @transform_3, window_bounds = array<i64: 400, 8>}, {pipeline_mode = #tpu.pipeline_mode<synchronous>, transform_indices = @transform_4, window_bounds = array<i64: 1, 128>}, {pipeline_mode = #tpu.pipeline_mode<synchronous>, transform_indices = @transform_5, window_bounds = array<i64: 1, 128>}, {pipeline_mode = #tpu.pipeline_mode<synchronous>, transform_indices = @transform_6, window_bounds = array<i64: 1, 128>}, {pipeline_mode = #tpu.pipeline_mode<synchronous>, transform_indices = @transform_7, window_bounds = array<i64: 128, 64>}, {pipeline_mode = #tpu.pipeline_mode<synchronous>, transform_indices = @transform_8, window_bounds = array<i64: 1, 64>}, {pipeline_mode = #tpu.pipeline_mode<synchronous>, transform_indices = @transform_9, window_bounds = array<i64: 8, 128>}, {transform_indices = @transform_10, window_bounds = array<i64: 400, 64>}]} {
    %get3A = arith.constant 0 : index
    %get3A_0 = arith.constant 0 : index
    %get3A_1 = vector.load %arg2[%get3A, %get3A_0] : memref<400x8xf32, #tpu.memory_space<vmem>>, vector<400x8xf32>
    %add3A = arith.constant 1.000000e-16 : f32
    %add3A_2 = vector.broadcast %add3A : f32 to vector<400x8xf32>
    %add3A_3 = arith.addf %get3A_1, %add3A_2 : vector<400x8xf32>
    %div3A = arith.constant 1.000000e+00 : f32
    %div3A_4 = vector.broadcast %div3A : f32 to vector<400x8xf32>
    %div3A_5 = arith.divf %div3A_4, %add3A_3 : vector<400x8xf32>
    %get3A_6 = arith.constant 0 : index
    %get3A_7 = arith.constant 0 : index
    %get3A_8 = vector.load %arg10[%get3A_6, %get3A_7] : memref<8x128xf32, #tpu.memory_space<vmem>>, vector<8x128xf32>
    %dot_general3A = arith.constant dense<0.000000e+00> : vector<400x128xf32>
    %dot_general3A_9 = tpu.matmul %div3A_5, %get3A_8, %dot_general3A {dimension_numbers = #tpu.dot_dimension_numbers<[1], [0], [0], [1], [0, 0, 1, 1], [], []>, transpose_lhs_hint = false} : vector<400x8xf32>, vector<8x128xf32>, vector<400x128xf32> -> vector<400x128xf32>
    %get3A_10 = arith.constant 0 : index
    %get3A_11 = arith.constant 0 : index
    %get3A_12 = vector.load %arg1[%get3A_10, %get3A_11] : memref<400x128xf32, #tpu.memory_space<vmem>>, vector<400x128xf32>
    %mul3A = arith.mulf %get3A_12, %dot_general3A_9 : vector<400x128xf32>
    %max3A = arith.constant 0.000000e+00 : f32
    %max3A_13 = vector.broadcast %max3A : f32 to vector<400x128xf32>
    %max3A_14 = arith.maximumf %mul3A, %max3A_13 : vector<400x128xf32>
    %get3A_15 = arith.constant 0 : index
    %get3A_16 = arith.constant 0 : index
    %get3A_17 = vector.load %arg4[%get3A_15, %get3A_16] : memref<400x8xf32, #tpu.memory_space<vmem>>, vector<400x8xf32>
    %add3A_18 = arith.constant 1.000000e-16 : f32
    %add3A_19 = vector.broadcast %add3A_18 : f32 to vector<400x8xf32>
    %add3A_20 = arith.addf %get3A_17, %add3A_19 : vector<400x8xf32>
    %div3A_21 = arith.constant 1.000000e+00 : f32
    %div3A_22 = vector.broadcast %div3A_21 : f32 to vector<400x8xf32>
    %div3A_23 = arith.divf %div3A_22, %add3A_20 : vector<400x8xf32>
    %get3A_24 = arith.constant 0 : index
    %get3A_25 = arith.constant 0 : index
    %get3A_26 = vector.load %arg10[%get3A_24, %get3A_25] : memref<8x128xf32, #tpu.memory_space<vmem>>, vector<8x128xf32>
    %dot_general3A_27 = arith.constant dense<0.000000e+00> : vector<400x128xf32>
    %dot_general3A_28 = tpu.matmul %div3A_23, %get3A_26, %dot_general3A_27 {dimension_numbers = #tpu.dot_dimension_numbers<[1], [0], [0], [1], [0, 0, 1, 1], [], []>, transpose_lhs_hint = false} : vector<400x8xf32>, vector<8x128xf32>, vector<400x128xf32> -> vector<400x128xf32>
    %get3A_29 = arith.constant 0 : index
    %get3A_30 = arith.constant 0 : index
    %get3A_31 = vector.load %arg3[%get3A_29, %get3A_30] : memref<400x128xf32, #tpu.memory_space<vmem>>, vector<400x128xf32>
    %mul3A_32 = arith.mulf %get3A_31, %dot_general3A_28 : vector<400x128xf32>
    %max3A_33 = arith.constant 0.000000e+00 : f32
    %max3A_34 = vector.broadcast %max3A_33 : f32 to vector<400x128xf32>
    %max3A_35 = arith.maximumf %mul3A_32, %max3A_34 : vector<400x128xf32>
    %get3A_36 = arith.constant 0 : index
    %get3A_37 = arith.constant 0 : index
    %get3A_38 = vector.load %arg5[%get3A_36, %get3A_37] : memref<1x128xf32, #tpu.memory_space<vmem>>, vector<1x128xf32>
    %get3A_39 = arith.constant 0 : index
    %get3A_40 = arith.constant 0 : index
    %get3A_41 = vector.load %arg7[%get3A_39, %get3A_40] : memref<1x128xf32, #tpu.memory_space<vmem>>, vector<1x128xf32>
    %mul3A_42 = arith.mulf %get3A_38, %get3A_41 : vector<1x128xf32>
    %reduce_sum3A = vector.shape_cast %mul3A_42 : vector<1x128xf32> to vector<1x1x128xf32>
    %reduce_sum3A_43 = arith.constant dense<0.000000e+00> : vector<1xf32>
    %reduce_sum3A_44 = vector.multi_reduction <add>, %reduce_sum3A, %reduce_sum3A_43 [1, 2] : vector<1x1x128xf32> to vector<1xf32>
    %reduce_sum3A_45 = vector.shape_cast %reduce_sum3A_44 : vector<1xf32> to vector<1x1x1xf32>
    %reduce_sum3A_46 = vector.extract %reduce_sum3A_45[0, 0, 0] : f32 from vector<1x1x1xf32>
    %mul3A_47 = arith.constant 2.000000e-05 : f32
    %mul3A_48 = arith.mulf %reduce_sum3A_46, %mul3A_47 : f32
    %get3A_49 = arith.constant 0 : index
    %get3A_50 = arith.constant 0 : index
    %get3A_51 = vector.load %arg6[%get3A_49, %get3A_50] : memref<1x128xf32, #tpu.memory_space<vmem>>, vector<1x128xf32>
    %get3A_52 = arith.constant 0 : index
    %get3A_53 = arith.constant 0 : index
    %get3A_54 = vector.load %arg7[%get3A_52, %get3A_53] : memref<1x128xf32, #tpu.memory_space<vmem>>, vector<1x128xf32>
    %mul3A_55 = arith.mulf %get3A_51, %get3A_54 : vector<1x128xf32>
    %reduce_sum3A_56 = vector.shape_cast %mul3A_55 : vector<1x128xf32> to vector<1x1x128xf32>
    %reduce_sum3A_57 = arith.constant dense<0.000000e+00> : vector<1xf32>
    %reduce_sum3A_58 = vector.multi_reduction <add>, %reduce_sum3A_56, %reduce_sum3A_57 [1, 2] : vector<1x1x128xf32> to vector<1xf32>
    %reduce_sum3A_59 = vector.shape_cast %reduce_sum3A_58 : vector<1xf32> to vector<1x1x1xf32>
    %reduce_sum3A_60 = vector.extract %reduce_sum3A_59[0, 0, 0] : f32 from vector<1x1x1xf32>
    %mul3A_61 = arith.constant 2.000000e-05 : f32
    %mul3A_62 = arith.mulf %reduce_sum3A_60, %mul3A_61 : f32
    %max3A_63 = arith.maximumf %mul3A_48, %mul3A_62 : f32
    %sub3A = arith.subf %mul3A_48, %max3A_63 : f32
    %exp3A = math.exp %sub3A : f32
    %sub3A_64 = arith.subf %mul3A_62, %max3A_63 : f32
    %exp3A_65 = math.exp %sub3A_64 : f32
    %add3A_66 = arith.addf %exp3A, %exp3A_65 : f32
    %div3A_67 = arith.constant 1.000000e+00 : f32
    %div3A_68 = arith.divf %div3A_67, %add3A_66 : f32
    %mul3A_69 = arith.mulf %exp3A, %div3A_68 : f32
    %mul3A_70 = vector.broadcast %mul3A_69 : f32 to vector<400x128xf32>
    %mul3A_71 = arith.mulf %mul3A_70, %max3A_14 : vector<400x128xf32>
    %mul3A_72 = arith.mulf %exp3A_65, %div3A_68 : f32
    %mul3A_73 = vector.broadcast %mul3A_72 : f32 to vector<400x128xf32>
    %mul3A_74 = arith.mulf %mul3A_73, %max3A_35 : vector<400x128xf32>
    %add3A_75 = arith.addf %mul3A_71, %mul3A_74 : vector<400x128xf32>
    %get3A_76 = arith.constant 0 : index
    %get3A_77 = arith.constant 0 : index
    %get3A_78 = vector.load %arg8[%get3A_76, %get3A_77] : memref<128x64xf32, #tpu.memory_space<vmem>>, vector<128x64xf32>
    %dot_general3A_79 = arith.constant dense<0.000000e+00> : vector<400x64xf32>
    %dot_general3A_80 = tpu.matmul %add3A_75, %get3A_78, %dot_general3A_79 {dimension_numbers = #tpu.dot_dimension_numbers<[1], [0], [0], [1], [0, 0, 1, 1], [], []>, transpose_lhs_hint = false} : vector<400x128xf32>, vector<128x64xf32>, vector<400x64xf32> -> vector<400x64xf32>
    %get3A_81 = arith.constant 0 : index
    %get3A_82 = arith.constant 0 : index
    %get3A_83 = vector.load %arg9[%get3A_81, %get3A_82] : memref<1x64xf32, #tpu.memory_space<vmem>>, vector<1x64xf32>
    %add3A_84 = vector.broadcast %get3A_83 : vector<1x64xf32> to vector<400x64xf32>
    %add3A_85 = arith.addf %dot_general3A_80, %add3A_84 : vector<400x64xf32>
    %swap3A = arith.constant 0 : index
    %swap3A_86 = arith.constant 0 : index
    %swap3A_87 = vector.load %arg11[%swap3A, %swap3A_86] : memref<400x64xf32, #tpu.memory_space<vmem>>, vector<400x64xf32>
    tpu.vector_store %arg11[%swap3A, %swap3A_86], %add3A_85 {strides = array<i32>} : memref<400x64xf32, #tpu.memory_space<vmem>>, vector<400x64xf32>,
    return
  }
  func.func @transform_0(%arg0: i32) -> (i32, i32) {
    %c0_i32 = arith.constant 0 : i32
    %c0_i32_0 = arith.constant 0 : i32
    return %arg0, %c0_i32 : i32, i32
  }
  func.func @transform_1(%arg0: i32) -> (i32, i32) {
    %c0_i32 = arith.constant 0 : i32
    %c0_i32_0 = arith.constant 0 : i32
    return %arg0, %c0_i32 : i32, i32
  }
  func.func @transform_2(%arg0: i32) -> (i32, i32) {
    %c0_i32 = arith.constant 0 : i32
    %c0_i32_0 = arith.constant 0 : i32
    return %arg0, %c0_i32 : i32, i32
  }
  func.func @transform_3(%arg0: i32) -> (i32, i32) {
    %c0_i32 = arith.constant 0 : i32
    %c0_i32_0 = arith.constant 0 : i32
    return %arg0, %c0_i32 : i32, i32
  }
  func.func @transform_4(%arg0: i32) -> (i32, i32) {
    %c0_i32 = arith.constant 0 : i32
    %c0_i32_0 = arith.constant 0 : i32
    %c0_i32_1 = arith.constant 0 : i32
    return %c0_i32, %c0_i32_0 : i32, i32
  }
  func.func @transform_5(%arg0: i32) -> (i32, i32) {
    %c0_i32 = arith.constant 0 : i32
    %c0_i32_0 = arith.constant 0 : i32
    %c0_i32_1 = arith.constant 0 : i32
    return %c0_i32, %c0_i32_0 : i32, i32
  }
  func.func @transform_6(%arg0: i32) -> (i32, i32) {
    %c0_i32 = arith.constant 0 : i32
    %c0_i32_0 = arith.constant 0 : i32
    %c0_i32_1 = arith.constant 0 : i32
    return %c0_i32, %c0_i32_0 : i32, i32
  }
  func.func @transform_7(%arg0: i32) -> (i32, i32) {
    %c0_i32 = arith.constant 0 : i32
    %c0_i32_0 = arith.constant 0 : i32
    %c0_i32_1 = arith.constant 0 : i32
    return %c0_i32, %c0_i32_0 : i32, i32
  }
  func.func @transform_8(%arg0: i32) -> (i32, i32) {
    %c0_i32 = arith.constant 0 : i32
    %c0_i32_0 = arith.constant 0 : i32
    %c0_i32_1 = arith.constant 0 : i32
    return %c0_i32, %c0_i32_0 : i32, i32
  }
  func.func @transform_9(%arg0: i32) -> (i32, i32) {
    %c0_i32 = arith.constant 0 : i32
    %c0_i32_0 = arith.constant 0 : i32
    %c0_i32_1 = arith.constant 0 : i32
    return %c0_i32, %c0_i32_0 : i32, i32
  }
  func.func @transform_10(%arg0: i32) -> (i32, i32) {
    %c0_i32 = arith.constant 0 : i32
    %c0_i32_0 = arith.constant 0 : i32
    return %arg0, %c0_i32 : i32, i32
  }
}

</mosaic_0001>

<sc_bundles>
// kernel: kernel.6.cloned.1.call-start
scs
__scs_entry_jumppad:
0x0: {  	(pc) =	sbr.rel $0x88, $3  }
0x1: {  	(tag) =	ssettag $0x0;
	lr =	simm.s32 $0x1  }
0x2: {  	[smem:$0x3F90] =	sst lr;
	_ =	strace $0xD0000000  }
0x3: {  	_ = 	snop  }
0x4: {  	_ = 	snop  }
0x5: {  	_ = 	snop  }
0x6: {  	_ = 	snop  }
0x7: {  	_ = 	snop  }
__scs_overlays_trampoline_lowered:
0x8: {  	[smem:$0x3F9F] =	sst s0  }
0x9: {  	[smem:$0x3FA0] =	sst s1  }
0xa: {  	[smem:$0x3FA1] =	sst s2  }
0xb: {  	[smem:$0x3FA2] =	sst s3  }
0xc: {  	[smem:$0x3FA3] =	sst s4  }
0xd: {  	[smem:$0x3FA4] =	sst s5  }
0xe: {  	[smem:$0x3FA5] =	sst s6  }
0xf: {  	[smem:$0x3FA6] =	sst s7  }
0x10: {  	[smem:$0x3FA7] =	sst s8  }
0x11: {  	[smem:$0x3FA8] =	sst s9;
	s0 =	simm.s32 @!p0 $0x0  }
0x12: {  	s1 =	sld [smem:$0x3F8E];
	s0 =	simm.s32 @p0 $0x1  }
0x13: {  	[smem:$0x3FA9] =	sst s0;
	s0 =	simm.s32 @!p1 $0x0  }
0x14: {  	s2 =	sld [smem:$0x3F8D];
	s0 =	simm.s32 @p1 $0x1  }
0x15: {  	[smem:$0x3FAA] =	sst s0;
	s0 =	simm.s32 @!p2 $0x0  }
0x16: {  	s3 =	sld [smem:$0x3FDB];
	s0 =	simm.s32 @p2 $0x1  }
0x17: {  	s4 =	simm.s32 $0x1BF5;
	[smem:$0x3FAC] =	sst s0  }
0x18: {  	s0 =	sld [smem:$0x3F8F];
	_ =	swait.ge [sflag:s4], $0x0  }
0x19: {  	s7 =	sld [smem:$0x3F90]  }
0x1a: {  	s8 =	sadd.s32 $0xFFFFE003, lr  }
0x1b: {  	s9 =	sadd.s32 $0xFFFFFEF7, lr;
	s5 =	simm.s32 $0xFFFFFFFF;
	p2 =	slt.u32 s8, $0xFFFFF086  }
0x1c: {  	p1 =	slt.u32 s9, $0xF7A;
	s5 =	simm.s32 @!p2 $0x0  }
0x1d: {  	s5 =	simm.s32 @p1 $0x1;
	p0 =	seq.s32 s7, s2  }
0x1e: {  	s7 =	smul.u32 @!p0 $0xF7A, s2;
	p2 =	seq.s32 @!p0 s5, $0x0  }
0x1f: {  	s9 =	smul.u32 $0xF7A, s1;
	s8 =	simm.s32 @!p0 $0x1BF5;
	p2 =	por !p2, p0  }
0x20: {  	[sflag:s8] =	ssyncset.s32 @!p0 $0xFFFFF086;
	s6 =	sadd.s32 @!p0 s3, s7;
	s7 =	simm.s32 @!p0 $0x108  }
0x21: {  	s3 =	sadd.s32 s3, s9;
	s6 =	sadd.s32 @!p0 $0x88, s6;
	s7 =	simm.s32 @p2 $0x1082  }
0x22: {  	[simem:s7], [sflag:s8] =	dma.local @!p0 [hbm:s6], $0xF7A  }
0x23: {  	s9 =	sor.u32 $0xD0000000, s2;
	s6 =	simm.s32 $0x108;
	_ =	swait.ge @!p0 [sflag:s8], $0x0  }
0x24: {  	s3 =	sadd.s32 $0x88, s3;
	s6 =	simm.s32 @!p1 $0x1082;
	[sflag:s4] =	ssyncset.s32 $0xFFFFF086  }
0x25: {  	[simem:s6], [sflag:s4] =	dma.local [hbm:s3], $0xF7A  }
0x26: {  	[smem:$0x3F90] =	sst s1;
	(tag) =	ssettag s2;
	_ =	strace s9  }
0x27: {  	s1 =	sld [smem:$0x3FA0]  }
0x28: {  	s2 =	sld [smem:$0x3FA1]  }
0x29: {  	s4 =	sld [smem:$0x3FA3]  }
0x2a: {  	p0 =	seq.s32 s5, $0x0;
	s5 =	sld [smem:$0x3FA4]  }
0x2b: {  	s6 =	sld [smem:$0x3FA5]  }
0x2c: {  	s7 =	sld [smem:$0x3FA6]  }
0x2d: {  	s3 =	simm.s32 $0x108;
	s8 =	sld [smem:$0x3FA7]  }
0x2e: {  	s3 =	simm.s32 @!p0 $0x1082;
	s9 =	sld [smem:$0x3FA8]  }
0x2f: {  	lr =	sadd.s32 s0, s3;
	s0 =	sld [smem:$0x3F9F]  }
0x30: {  	s3 =	sld [smem:$0x3FA2]  }
0x31: {  	[smem:$0x3FAB] =	sst s10  }
0x32: {  	s10 =	sld [smem:$0x3FA9];
	_ =	sdelay $0x3  }
0x33: {  	p0 =	seq.s32 s10, $0x1;
	s10 =	sld [smem:$0x3FAB];
	_ =	sdelay $0x3  }
0x34: {  	[smem:$0x3FAB] =	sst s10  }
0x35: {  	s10 =	sld [smem:$0x3FAA];
	_ =	sdelay $0x3  }
0x36: {  	p1 =	seq.s32 s10, $0x1;
	s10 =	sld [smem:$0x3FAB];
	_ =	sdelay $0x3  }
0x37: {  	[smem:$0x3FAB] =	sst s10  }
0x38: {  	s10 =	sld [smem:$0x3FAC]  }
0x39: {  	_ = 	snop;
	(pc) =	sbr.ind lr, $3  }
0x3a: {  	_ = 	snop  }
0x3b: {  	_ = 	snop  }
0x3c: {  	p2 =	seq.s32 s10, $0x1;
	s10 =	sld [smem:$0x3FAB]  }
0x3d: {  	_ =	shalt  }
0x3e: {  	_ =	shalt  }
0x3f: {  	_ =	shalt  }
0x40: {  	_ =	shalt  }
0x41: {  	_ =	shalt  }
0x42: {  	_ =	shalt  }
0x43: {  	_ =	shalt  }
0x44: {  	_ =	shalt  }
0x45: {  	_ =	shalt  }
0x46: {  	_ =	shalt  }
0x47: {  	_ =	shalt  }
0x48: {  	_ =	shalt  }
0x49: {  	_ =	shalt  }
0x4a: {  	_ =	shalt  }
0x4b: {  	_ =	shalt  }
0x4c: {  	_ =	shalt  }
0x4d: {  	_ =	shalt  }
0x4e: {  	_ =	shalt  }
0x4f: {  	_ =	shalt  }
0x50: {  	_ =	shalt  }
0x51: {  	_ =	shalt  }
0x52: {  	_ =	shalt  }
0x53: {  	_ =	shalt  }
0x54: {  	_ =	shalt  }
0x55: {  	_ =	shalt  }
0x56: {  	_ =	shalt  }
0x57: {  	_ =	shalt  }
0x58: {  	_ =	shalt  }
0x59: {  	_ =	shalt  }
0x5a: {  	_ =	shalt  }
0x5b: {  	_ =	shalt  }
0x5c: {  	_ =	shalt  }
0x5d: {  	_ =	shalt  }
0x5e: {  	_ =	shalt  }
0x5f: {  	_ =	shalt  }
0x60: {  	_ =	shalt  }
0x61: {  	_ =	shalt  }
0x62: {  	_ =	shalt  }
0x63: {  	_ =	shalt  }
0x64: {  	_ =	shalt  }
0x65: {  	_ =	shalt  }
0x66: {  	_ =	shalt  }
0x67: {  	_ =	shalt  }
0x68: {  	_ =	shalt  }
0x69: {  	_ =	shalt  }
0x6a: {  	_ =	shalt  }
0x6b: {  	_ =	shalt  }
0x6c: {  	_ =	shalt  }
0x6d: {  	_ =	shalt  }
0x6e: {  	_ =	shalt  }
0x6f: {  	_ =	shalt  }
0x70: {  	_ =	shalt  }
0x71: {  	_ =	shalt  }
0x72: {  	_ =	shalt  }
0x73: {  	_ =	shalt  }
0x74: {  	_ =	shalt  }
0x75: {  	_ =	shalt  }
0x76: {  	_ =	shalt  }
0x77: {  	_ =	shalt  }
0x78: {  	_ =	shalt  }
0x79: {  	_ =	shalt  }
0x7a: {  	_ =	shalt  }
0x7b: {  	_ =	shalt  }
0x7c: {  	_ =	shalt  }
0x7d: {  	_ =	shalt  }
0x7e: {  	_ =	shalt  }
0x7f: {  	_ =	shalt  }
0x80: {  	_ =	shalt  }
0x81: {  	_ =	shalt  }
0x82: {  	_ =	shalt  }
0x83: {  	_ =	shalt  }
0x84: {  	_ =	shalt  }
0x85: {  	_ =	shalt  }
0x86: {  	_ =	shalt  }
0x87: {  	_ =	shalt  }
.Lfunc_end0:
.L_simem_size_0:
called_computation_lowered:
.L_overlay_start_0:
0x88: {  	s2 =	sld [smem:$0x3FD9]  }
0x89: {  	s3 =	sld [smem:$0x3FFE];
	_ =	sdelay $0x1  }
0x8a: {  	s1 =	srdreg.scid  }
0x8b: {  	s0 =	sand.u32 $0x1, s1  }
0x8c: {  	s17 =	sshll.u32 s0, $0xA;
	s2 =	sadd.s32 s3, s2  }
0x8d: {  	s2 =	sadd.s32 s2, s17  }
0x8e: {  	[smem:$0x3FB7] =	sst s2  }
0x8f: {  	_ = 	snop  }
0x90: {  	s2 =	sld [smem:$0x3FD0];
	(tm) =	ssettm $0x1  }
0x91: {  	s18 =	sld [smem:$0x3FFB];
	_ =	sdelay $0x3  }
0x92: {  	_ =	strace s18  }
0x93: {  	s3 =	sld [smem:$0x3FFC];
	_ =	sdelay $0x3  }
0x94: {  	_ =	strace s3  }
0x95: {  	s3 =	sld [smem:$0x3FFD];
	_ =	sdelay $0x3  }
0x96: {  	_ =	strace s3  }
0x97: {  	_ =	strace $0x8FFFFFFF  }
0x98: {  	s19 =	sld [smem:$0x3FDB];
	_ =	sdelay $0x1  }
0x99: {  	s4 =	simm.s32 $_scs_section_size  }
0x9a: {  	s5 =	simm.s32 $_size__tile_overlayer_lowered;
	s6 =	simm.s32 $_tile_overlayer_lowered  }
0x9b: {  	s22 =	simm.s32 $0x1BFF;
	s21 =	sshll.u32 s6, $0x1;
	s3 =	sadd.s32 s4, s19  }
0x9c: {  	s7 =	simm.s32 $0x0;
	s20 =	sshll.u32 s5, $0x1;
	s5 =	sadd.s32 s21, s3  }
0x9d: {  	[timem:s7], [sflag:s22] =	dma.local [hbm:s5], s20  }
0x9e: {  	_ =	swait.ge [sflag:s22], s20  }
0x9f: {  	s4 =	ssub.s32 $0x0, s20;
	[sflag:s22] =	ssyncset.done $0x0  }
0xa0: {  	[sflag:s22] =	ssyncadd.s32 s4;
	_ =	sdelay $0x1  }
0xa1: {  	s23 =	simm.s32 $0x1B8B  }
0xa2: {  	_ =	swait.ge [sflag:s23], $0x1  }
0xa3: {  	[sflag:s23] =	ssyncset.done $0x0  }
0xa4: {  	s25 =	simm.s32 $0x1B8E;
	s24 =	sld [smem:$0x3FFE];
	[sflag:s23] =	ssyncadd.s32 $0xFFFFFFFF  }
0xa5: {  	s26 =	simm.s32 $execute0_lowered;
	[smem:$0x3FD2] =	sst s25  }
0xa6: {  	s5 =	sshll.u32 s26, $0x1;
	_ =	strace $0x80000046;
	[dreg:$0x1] =	wrdreg $0xFFFFFFFF  }
0xa7: {  	s28 =	simm.s32 $_size_execute0_lowered;
	s3 =	sadd.s32 s3, s5;
	[dreg:$0x0] =	wrdreg $0x0  }
0xa8: {  	s5 =	sshll.u32 s28, $0x1;
	[dreg:$0x2] =	wrdreg s3  }
0xa9: {  	[dreg:$0x3] =	wrdreg s5  }
0xaa: {  	[dreg:$0x4] =	wrdreg $0xC0  }
0xab: {  	_ =	task [dreg:s7], $0x5FFFF  }
0xac: {  	[dreg:$0x1] =	wrdreg $0xFFFFFFFF  }
0xad: {  	[dreg:$0x0] =	wrdreg $0x60  }
0xae: {  	[dreg:$0x2] =	wrdreg s24  }
0xaf: {  	[dreg:$0x3] =	wrdreg s2  }
0xb0: {  	[dreg:$0x4] =	wrdreg $0x0  }
0xb1: {  	[dreg:$0x5] =	wrdreg $0x64000  }
0xb2: {  	[dreg:$0x6] =	wrdreg $0x9  }
0xb3: {  	_ =	task.clear_ibuf [dreg:s7], $0x7FFFF;
	_ =	strace $0x90000046  }
0xb4: {  	s29 =	simm.s32 $0x9;
	_ =	strace $0x80000048  }
0xb5: {  	_ =	swait.ge [sflag:s29], $0x1  }
0xb6: {  	[sflag:s29] =	ssyncadd.s32 $0xFFFFFFFF  }
0xb7: {  	_ =	strace $0x90000048  }
0xb8: {  	_ =	sfence  }
0xb9: {  	s30 =	sld [smem:$0x0];
	_ =	sdelay $0x2  }
0xba: {  	s31 =	sshll.u32 s1, $0xD;
	s1 =	sshrl.u32 s1, $0x2  }
0xbb: {  	s3 =	sand.u32 $0x4000, s31;
	s1 =	sadd.s32 s1, s30  }
0xbc: {  	s0 =	sor.u32 s3, s0;
	s1 =	sshll.u32 s1, $0x11  }
0xbd: {  	s0 =	sor.u32 s1, s0  }
0xbe: {  	s0 =	sadd.s32 $0x8F2B, s0  }
0xbf: {  	[sflag:s0] =	ssyncadd.remote.s32 $0x1  }
0xc0: {  	_ =	sfence.sel $0xFFFF  }
0xc1: {  	[dreg:$0x0] =	wrdreg $0xFFFFFFFF;
	(pc) =	sbr.abs _section_cstart, $3  }
0xc2: {  	[dreg:$0x1] =	wrdreg $0xFFFFFFFF  }
0xc3: {  	_ =	task.clear_ibuf [dreg:s7], $0x2FFFF;
	_ =	strace $0x9FFFFFFF  }
0xc4: {  	(tm) =	ssettm $0x7FFFFFFF  }
0xc5: {  	_ =	shalt  }
tec
execute0_lowered:
.L_overlay_start_1:
0x0: {  	(tag) =	ssettag $0x1  }
0x1: {  	s0 =	rddreg [dreg:$0x0]  }
0x2: {  	s1 =	rddreg [dreg:$0x1]  }
0x3: {  	s2 =	rddreg [dreg:$0x2]  }
0x4: {  	s3 =	rddreg [dreg:$0x3];
	s11 =	simm.s32 $0x0  }
0x5: {  	[smem:$0x7FF] =	sst s11;
	s4 =	sadd.s32 $0x7200, s0  }
0x6: {  	s9 =	sadd.s32 $0x1000, s0;
	_ =	strace $0x80000047;
	[dreg:$0x6] =	wrdreg s4  }
0x7: {  	s10 =	sadd.s32 $0x13600, s0;
	[dreg:$0x7] =	wrdreg s9  }
0x8: {  	s16 =	srdreg.scid;
	s12 =	sadd.s32 $0xD400, s0;
	[dreg:$0x8] =	wrdreg s10  }
0x9: {  	s29 =	simm.s32 $0x4;
	s13 =	sadd.s32 $0x32E00, s0;
	[dreg:$0x9] =	wrdreg s12  }
0xa: {  	s28 =	simm.s32 $0x1FBB0;
	s14 =	sadd.s32 $0x32000, s0;
	[dreg:$0xa] =	wrdreg s13  }
0xb: {  	s5 =	sadd.s32 $0x263A00, s0;
	s15 =	sadd.s32 $0x4E600, s0;
	[dreg:$0xb] =	wrdreg s14  }
0xc: {  	s6 =	sadd.s32 $0x1A0400, s0;
	s8 =	sadd.s32 $0x35600, s0;
	[dreg:$0xc] =	wrdreg s15  }
0xd: {  	s7 =	sadd.s32 $0x19800, s0;
	s17 =	sadd.s32 $0x327000, s0;
	[dreg:$0xd] =	wrdreg s8  }
0xe: {  	s0 =	sadd.s32 $0x41E00, s0;
	s12 =	stileid.u32;
	[dreg:$0xe] =	wrdreg s17  }
0xf: {  	s4 =	sand.u32 $0x1, s16;
	[dreg:$0xf] =	wrdreg s0;
	s13 =	simm.s32 $0x1A680  }
0x10: {  	s16 =	simm.s32 $0x1A700;
	s14 =	simm.s32 $0x1A790;
	s15 =	simm.s32 $0x1EFB0  }
0x11: {  	s17 =	simm.s32 $0x2;
	s18 =	ssub.s32 $0x2, s4;
	s9 =	smul.u32 $0x6400, s12  }
0x12: {  	s10 =	smul.u32 $0x50000, s12;
	p0 =	seq.s32 s4, $0x1;
	s20 =	ssub.s32 $0x31D, s12  }
0x13: {  	s23 =	smul.u32 $0x280, s12;
	s24 =	sshll.u32 s12, $0x6;
	s26 =	sshll.u32 s12, $0x8  }
0x14: {  	s30 =	sshll.u32 s12, $0x4;
	s31 =	sshll.u32 s12, $0x7;
	s12 =	simm.s32 $0x3  }
0x15: {  	s19 =	sshrl.u32 s18, $0x1;
	s4 =	sshrl.u32 s20, $0x4;
	[dreg:$0x17] =	wrdreg s26  }
0x16: {  	[dreg:$0x18] =	wrdreg s31;
	s20 =	simm.s32 $0x1A7A0;
	s0 =	ssub.s32 s18, s19  }
0x17: {  	[dreg:$0x10] =	wrdreg s4;
	s21 =	sadd.s32 s9, s2;
	s22 =	sshrl.u32 s10, $0x2  }
0x18: {  	[dreg:$0x12] =	wrdreg s23;
	s25 =	sshrl.u32 s9, $0x3;
	s10 =	sor.u32 $0x1C04, s24  }
.Ltmp0:
0x19: {  	v0 =	vlaneseq.u32;
	v3 =	vimm.s32 $0x0;
	s18 =	simm.s32 $0x1A780;
	[dreg:$0x11] =	wrdreg s21;
	(pc) =	sbr.rel .LBB2_1-.Ltmp0, $4  }
0x1a: {  	v4 =	vimm.f32 $1.000000000e+00;
	v5 =	vimm.s32 $0x1;
	v6 =	vimm.s32 $0x2;
	s23 =	simm.s32 $0x80;
	s24 =	simm.s32 $0x1A7B0;
	[dreg:$0x14] =	wrdreg s25  }
0x1b: {  	v7 =	vimm.s32 $0x3;
	v8 =	vimm.s32 $0x4;
	v2 =	vmul.u32 $0xFFFFFFFF, v0;
	s4 =	sadd.s32 s22, s3;
	s0 =	smax.u32 s0, $0x1;
	[dreg:$0x16] =	wrdreg s10  }
0x1c: {  	v9 =	vimm.s32 $0x5;
	v10 =	vimm.s32 $0x6;
	v11 =	vimm.s32 $0x7;
	s21 =	simm.s32 $0x1F7B0;
	s22 =	simm.s32 $0x1;
	[dreg:$0x13] =	wrdreg s4  }
0x1d: {  	v12 =	vimm.f32 $0.0e+00;
	v2 =	vadd.s32 $0x30D40, v2;
	v1 =	vor.u32 s30, v0;
	[dreg:$0x15] =	wrdreg s0;
	s0 =	simm.s32 $0x1A600;
	s4 =	simm.s32 $0x1E7B0  }
.LBB2_34:
0x1e: {  	s9 =	rddreg [dreg:$0x14]  }
0x1f: {  	s30 =	rddreg [dreg:$0x19];
	s8 =	sadd.s32 s8, s9  }
0x20: {  	[hbm:s8], [sflag:s10] =	dma.local [spmem:s30], $0xC80  }
0x21: {  	_ =	swait.ge [sflag:s29], $0xC80  }
0x22: {  	s11 =	sadd.s32 $0x1, s11;
	s31 =	rddreg [dreg:$0x15]  }
0x23: {  	p1 =	sne.s32 s11, s31  }
.Ltmp1:
0x24: {  	_ = 	snop;
	(pc) =	sbr.rel @!p1 .LBB2_35-.Ltmp1, $3  }
0x25: {  	_ =	sdelay $0x1  }
0x26: {  	[sflag:s29] =	ssyncset.done $0x0  }
0x27: {  	[sflag:s29] =	ssyncadd.s32 $0xFFFFF380  }
.LBB2_1:
0x28: {  	[dreg:$0x5] =	wrdreg s11  }
0x29: {  	s8 =	rddreg [dreg:$0x11]  }
0x2a: {  	s31 =	rddreg [dreg:$0xb];
	s9 =	sshrl.u32 s8, $0x3  }
.Ltmp2:
0x2b: {  	[dreg:$0x19] =	wrdreg s9;
	(pc) =	sbr.rel @!p0 .LBB2_2-.Ltmp2, $4  }
0x2c: {  	[spmem:s9], [sflag:s10] =	dma.local [hbm:s31], $0xC80  }
0x2d: {  	_ =	swait.ge [sflag:s29], $0xC80  }
0x2e: {  	[sflag:s29] =	ssyncset.done $0x0  }
0x2f: {  	s11 =	simm.s32 $0x0;
	s9 =	simm.s32 $0x0;
	[sflag:s29] =	ssyncadd.s32 $0xFFFFF380  }
.LBB2_18:
0x30: {  	s8 =	rddreg [dreg:$0x13]  }
0x31: {  	s26 =	rddreg [dreg:$0xa];
	s9 =	sshrl.u32 s8, $0x3  }
0x32: {  	[dreg:$0x1d] =	wrdreg s9  }
0x33: {  	[spmem:s9], [sflag:s10] =	dma.local [hbm:s26], $0x2800  }
.Ltmp3:
0x34: {  	_ =	swait.ge [sflag:s29], $0x2800;
	(pc) =	sbr.rel .LBB2_19-.Ltmp3, $4  }
0x35: {  	s30 =	smul.u32 $0x2800, s11;
	[sflag:s29] =	ssyncset.done $0x0  }
0x36: {  	[dreg:$0x1b] =	wrdreg s11;
	[sflag:s29] =	ssyncadd.s32 $0xFFFFD800  }
0x37: {  	s25 =	simm.s32 $0x0;
	s31 =	sadd.s32 $0x2800, s30;
	[bflag:$0x0] =	sbarrier.arrive $0xFFFF  }
0x38: {  	s8 =	simm.s32 $0x0;
	v13 =	vmov s30;
	v14 =	vmov s31;
	s9 =	simm.s32 $0x0;
	[dreg:$0x1f] =	wrdreg s30  }
.LBB2_27:
0x39: {  	s9 =	sadd.s32 $0x1, s9;
	s10 =	rddreg [dreg:$0x10]  }
0x3a: {  	p1 =	sne.s32 s9, s10  }
.Ltmp4:
0x3b: {  	_ = 	snop;
	(pc) =	sbr.rel @!p1 .LBB2_28-.Ltmp4, $1  }
0x3c: {  	_ =	sdelay $0x3  }
.LBB2_19:
0x3d: {  	s10 =	sshll.u32 s9, $0xC;
	s11 =	rddreg [dreg:$0x17]  }
0x3e: {  	s10 =	sor.u32 s11, s10  }
0x3f: {  	s19 =	rddreg [dreg:$0x8];
	s11 =	sshrl.u32 s10, $0x3  }
0x40: {  	s26 =	simm.s32 $0x1A400;
	s19 =	sadd.s32 s19, s11  }
0x41: {  	[tilespmem:s26], [sflag:$0x4] =	stream.linear.gather [hbm4b:s19+s8], $0x100, $0x38;
	[tilespmem:$0x1FC30] =	vst v63  }
0x42: {  	_ =	swait.ge [sflag:s29], $0x100  }
0x43: {  	s31 =	simm.s32 $0x1A500;
	[sflag:s29] =	ssyncset.done $0x0;
	s30 =	rddreg [dreg:$0x9]  }
.Ltmp5:
0x44: {  	[sflag:s29] =	ssyncadd.s32 $0xFFFFFF00;
	s11 =	sadd.s32 s30, s11;
	(pc) =	sbr.rel .LBB2_20-.Ltmp5, $4  }
0x45: {  	[tilespmem:s31], [sflag:$0x4] =	stream.linear.gather [hbm4b:s11+s8], $0x100, $0x38;
	[tilespmem:$0x1FC30] =	vst v63  }
0x46: {  	_ =	swait.ge [sflag:s29], $0x100  }
0x47: {  	[sflag:s29] =	ssyncset.done $0x0  }
0x48: {  	s11 =	simm.s32 $0x0;
	[sflag:s29] =	ssyncadd.s32 $0xFFFFFF00  }
.LBB2_26:
0x49: {  	s11 =	sadd.s32 $0x1, s11  }
0x4a: {  	p1 =	sne.s32 s11, $0x10  }
.Ltmp6:
0x4b: {  	_ = 	snop;
	(pc) =	sbr.rel @!p1 .LBB2_27-.Ltmp6, $1  }
0x4c: {  	_ =	sdelay $0x3  }
.LBB2_20:
0x4d: {  	s19 =	sshll.u32 s11, $0x4  }
0x4e: {  	v15 =	vld [tilespmem:s19+$0x1A500];
	_ =	sdelay $0x2  }
0x4f: {  	s26 =	sor.u32 s10, s19  }
0x50: {  	v16 =	vmov s26  }
0x51: {  	vm1 =	vlt.s32 v16, v2;
	vm0 =	vlt.s32 v15, v14  }
0x52: {  	vm2 =	vge.s32 v15, v13;
	vm0 =	vmand vm0, vm1  }
0x53: {  	vm0 =	vmand vm0, vm2  }
0x54: {  	v63 =	vsel vm0, $0x1, v3  }
0x55: {  	(xrf0) =	vadd.scan.msk.s32 $0xffff, v63;
	_ =	sdelay $0x5  }
0x56: {  	v16, _, _ =	vpop (xrf0)  }
0x57: {  	(v2sf) =	vpush v16, $0xF;
	_ =	sdelay $0x7  }
0x58: {  	v16 =	vadd.s32 s25, v16  }
0x59: {  	v17 =	vadd.s32 $0xFFFFFFFF, v16  }
0x5a: {  	vm14 =	vlt.s32 v17, $0x80  }
0x5b: {  	vm1 =	vmand vm0, vm14  }
0x5c: {  	v18 =	vld [tilespmem:s19+$0x1A400]  }
0x5d: {  	vm15 =	vgt.s32 v17, $0x7F  }
0x5e: {  	vm0 =	vmand vm0, vm15  }
0x5f: {  	v16 =	vadd.s32 $0xFFFFFF7F, v16;
	s31 =	spop (v2sf)  }
0x60: {  	s25 =	sadd.s32 s25, s31  }
0x61: {  	[tilespmem:v17+s0+$0x0] =	vst.idx.msk vm1, v18;
	p1 =	slt.s32 s25, $0x80  }
.Ltmp7:
0x62: {  	[tilespmem:v17+s13+$0x0] =	vst.idx.msk vm1, v15;
	(pc) =	sbr.rel @p1 .LBB2_26-.Ltmp7, $4  }
0x63: {  	[tilespmem:v17+s16+$0x0] =	vst.idx.msk vm1, v4  }
0x64: {  	[tilespmem:v16+s18+$0x0] =	vst.idx.msk vm0, v18  }
0x65: {  	[tilespmem:v16+s14+$0x0] =	vst.idx.msk vm0, v15  }
0x66: {  	[tilespmem:v16+s20+$0x0] =	vst.idx.msk vm0, v4  }
0x67: {  	[tilespmem:s24], [sflag:$0x1] =	stream.indirect.gather [hbm4b:s6+s23], $0x80, s0, s23, $0xb8;
	[tilespmem:$0x1FC30] =	vst v63  }
0x68: {  	_ = 	snop  }
0x69: {  	[tilespmem:s4], [sflag:$0x2] =	stream.indirect.gather [hbm4b:s7+s23], $0x10, s0, s23, $0xb8;
	[tilespmem:$0x1FC30] =	vst v63  }
0x6a: {  	s19 =	simm.s32 $0x0  }
0x6b: {  	[tilespmem:s15], [sflag:$0x3] =	stream.indirect.gather [hbm4b:s7+s23], $0x10, s13, s23, $0xb8;
	[tilespmem:$0x1FC30] =	vst v63  }
0x6c: {  	v16 =	vor.u32 s19, v0;
	_ =	swait.ge [sflag:s17], $0x800  }
0x6d: {  	v17 =	vshll.u32 v16, $0x4;
	[sflag:s17] =	ssyncset.done $0x0  }
0x6e: {  	v15 =	vor.u32 $0x8, v17;
	[sflag:s17] =	ssyncadd.s32 $0xFFFFF800  }
0x6f: {  	_ =	swait.ge [sflag:s12], $0x800  }
0x70: {  	[sflag:s12] =	ssyncset.done $0x0  }
0x71: {  	[sflag:s12] =	ssyncadd.s32 $0xFFFFF800  }
0x72: {  	v18 =	vld.idx.msk [tilespmem:v17+s4+$0x0], $0xffff  }
0x73: {  	v15 =	vld.idx.msk [tilespmem:v15+s15+$0x0], $0xffff;
	_ =	sdelay $0x4  }
0x74: {  	v15 =	vadd.f32 v15, v18;
	_ =	sdelay $0x1  }
0x75: {  	v18 =	vmul.f32 $2.000000030e-01, v15  }
0x76: {  	vm0 =	vge.f32 v15, $0.0e+00  }
0x77: {  	v15 =	vsel vm0, v15, v18  }
0x78: {  	v15 =	vmul.f32 $1.442695020e+00, v15;
	_ =	sdelay $0x1  }
0x79: {  	(erf) = vpow2.f32 v15;
	_ =	sdelay $0x3  }
0x7a: {  	s30 =	simm.s32 $0x1A700  }
0x7b: {  	v15 =	vld [tilespmem:s30+$0x0];
	_ =	sdelay $0x1  }
0x7c: {  	v16 =	vshll.u32 v16, $0x3;
	_ =	sdelay $0x1  }
0x7d: {  	v18 =	vor.u32 $0x1, v17;
	v19 =	vpop (erf)  }
0x7e: {  	v20 =	vor.u32 $0x9, v17;
	v19 =	vmul.f32 v19, v15;
	_ =	sdelay $0x1  }
0x7f: {  	[tilespmem:v16+s21+$0x0] =	vst.idx.msk $0xffff, v19  }
0x80: {  	[tilespmem:v17+s15+$0x0] =	vst.idx.msk $0xffff, v19  }
0x81: {  	v19 =	vld.idx.msk [tilespmem:v18+s4+$0x0], $0xffff  }
0x82: {  	v20 =	vld.idx.msk [tilespmem:v20+s15+$0x0], $0xffff;
	_ =	sdelay $0x4  }
0x83: {  	v19 =	vadd.f32 v20, v19;
	_ =	sdelay $0x1  }
0x84: {  	v20 =	vmul.f32 $2.000000030e-01, v19  }
0x85: {  	vm9 =	vge.f32 v19, $0.0e+00  }
0x86: {  	v19 =	vsel vm9, v19, v20  }
0x87: {  	v19 =	vmul.f32 $1.442695020e+00, v19;
	_ =	sdelay $0x1  }
0x88: {  	(erf) = vpow2.f32 v19;
	_ =	sdelay $0x6  }
0x89: {  	v19 =	vor.u32 $0x1, v16;
	_ =	sdelay $0x1  }
0x8a: {  	v20 =	vor.u32 $0x2, v17;
	v21 =	vpop (erf)  }
0x8b: {  	v22 =	vor.u32 $0xA, v17;
	v21 =	vmul.f32 v21, v15;
	_ =	sdelay $0x1  }
0x8c: {  	[tilespmem:v19+s21+$0x0] =	vst.idx.msk $0xffff, v21  }
0x8d: {  	[tilespmem:v18+s15+$0x0] =	vst.idx.msk $0xffff, v21  }
0x8e: {  	v18 =	vld.idx.msk [tilespmem:v20+s4+$0x0], $0xffff  }
0x8f: {  	v19 =	vld.idx.msk [tilespmem:v22+s15+$0x0], $0xffff;
	_ =	sdelay $0x4  }
0x90: {  	v18 =	vadd.f32 v19, v18;
	_ =	sdelay $0x1  }
0x91: {  	v19 =	vmul.f32 $2.000000030e-01, v18  }
0x92: {  	vm10 =	vge.f32 v18, $0.0e+00  }
0x93: {  	v18 =	vsel vm10, v18, v19  }
0x94: {  	v18 =	vmul.f32 $1.442695020e+00, v18;
	_ =	sdelay $0x1  }
0x95: {  	(erf) = vpow2.f32 v18;
	_ =	sdelay $0x6  }
0x96: {  	v18 =	vor.u32 $0x2, v16;
	_ =	sdelay $0x1  }
0x97: {  	v19 =	vor.u32 $0x3, v17;
	v55 =	vpop (erf)  }
0x98: {  	v56 =	vor.u32 $0xB, v17;
	v21 =	vmul.f32 v55, v15;
	_ =	sdelay $0x1  }
0x99: {  	[tilespmem:v18+s21+$0x0] =	vst.idx.msk $0xffff, v21  }
0x9a: {  	[tilespmem:v20+s15+$0x0] =	vst.idx.msk $0xffff, v21  }
0x9b: {  	v18 =	vld.idx.msk [tilespmem:v19+s4+$0x0], $0xffff  }
0x9c: {  	v20 =	vld.idx.msk [tilespmem:v56+s15+$0x0], $0xffff;
	_ =	sdelay $0x4  }
0x9d: {  	v18 =	vadd.f32 v20, v18;
	_ =	sdelay $0x1  }
0x9e: {  	v20 =	vmul.f32 $2.000000030e-01, v18  }
0x9f: {  	vm11 =	vge.f32 v18, $0.0e+00  }
0xa0: {  	v18 =	vsel vm11, v18, v20  }
0xa1: {  	v18 =	vmul.f32 $1.442695020e+00, v18;
	_ =	sdelay $0x1  }
0xa2: {  	(erf) = vpow2.f32 v18;
	_ =	sdelay $0x6  }
0xa3: {  	v18 =	vor.u32 $0x3, v16;
	_ =	sdelay $0x1  }
0xa4: {  	v20 =	vor.u32 $0x4, v17;
	v57 =	vpop (erf)  }
0xa5: {  	v58 =	vor.u32 $0xC, v17;
	v21 =	vmul.f32 v57, v15;
	_ =	sdelay $0x1  }
0xa6: {  	[tilespmem:v18+s21+$0x0] =	vst.idx.msk $0xffff, v21  }
0xa7: {  	[tilespmem:v19+s15+$0x0] =	vst.idx.msk $0xffff, v21  }
0xa8: {  	v18 =	vld.idx.msk [tilespmem:v20+s4+$0x0], $0xffff  }
0xa9: {  	v19 =	vld.idx.msk [tilespmem:v58+s15+$0x0], $0xffff;
	_ =	sdelay $0x4  }
0xaa: {  	v18 =	vadd.f32 v19, v18;
	_ =	sdelay $0x1  }
0xab: {  	v19 =	vmul.f32 $2.000000030e-01, v18  }
0xac: {  	vm12 =	vge.f32 v18, $0.0e+00  }
0xad: {  	v18 =	vsel vm12, v18, v19  }
0xae: {  	v18 =	vmul.f32 $1.442695020e+00, v18;
	_ =	sdelay $0x1  }
0xaf: {  	(erf) = vpow2.f32 v18;
	_ =	sdelay $0x6  }
0xb0: {  	v18 =	vor.u32 $0x4, v16;
	_ =	sdelay $0x1  }
0xb1: {  	v19 =	vor.u32 $0x5, v17;
	v59 =	vpop (erf)  }
0xb2: {  	v60 =	vor.u32 $0xD, v17;
	v21 =	vmul.f32 v59, v15;
	_ =	sdelay $0x1  }
0xb3: {  	[tilespmem:v18+s21+$0x0] =	vst.idx.msk $0xffff, v21  }
0xb4: {  	[tilespmem:v20+s15+$0x0] =	vst.idx.msk $0xffff, v21  }
0xb5: {  	v18 =	vld.idx.msk [tilespmem:v19+s4+$0x0], $0xffff  }
0xb6: {  	v20 =	vld.idx.msk [tilespmem:v60+s15+$0x0], $0xffff;
	_ =	sdelay $0x4  }
0xb7: {  	v18 =	vadd.f32 v20, v18;
	_ =	sdelay $0x1  }
0xb8: {  	v20 =	vmul.f32 $2.000000030e-01, v18  }
0xb9: {  	vm13 =	vge.f32 v18, $0.0e+00  }
0xba: {  	v18 =	vsel vm13, v18, v20  }
0xbb: {  	v18 =	vmul.f32 $1.442695020e+00, v18;
	_ =	sdelay $0x1  }
0xbc: {  	(erf) = vpow2.f32 v18;
	_ =	sdelay $0x6  }
0xbd: {  	v18 =	vor.u32 $0x5, v16;
	_ =	sdelay $0x1  }
0xbe: {  	v20 =	vor.u32 $0x6, v17;
	v61 =	vpop (erf)  }
0xbf: {  	v62 =	vor.u32 $0xE, v17;
	v21 =	vmul.f32 v61, v15;
	_ =	sdelay $0x1  }
0xc0: {  	[tilespmem:v18+s21+$0x0] =	vst.idx.msk $0xffff, v21  }
0xc1: {  	[tilespmem:v19+s15+$0x0] =	vst.idx.msk $0xffff, v21  }
0xc2: {  	v18 =	vld.idx.msk [tilespmem:v20+s4+$0x0], $0xffff  }
0xc3: {  	v19 =	vld.idx.msk [tilespmem:v62+s15+$0x0], $0xffff;
	_ =	sdelay $0x4  }
0xc4: {  	v18 =	vadd.f32 v19, v18;
	_ =	sdelay $0x1  }
0xc5: {  	v19 =	vmul.f32 $2.000000030e-01, v18  }
0xc6: {  	vm14 =	vge.f32 v18, $0.0e+00  }
0xc7: {  	v18 =	vsel vm14, v18, v19  }
0xc8: {  	v18 =	vmul.f32 $1.442695020e+00, v18;
	_ =	sdelay $0x1  }
0xc9: {  	(erf) = vpow2.f32 v18;
	_ =	sdelay $0x6  }
0xca: {  	v19 =	vor.u32 $0x6, v16;
	_ =	sdelay $0x1  }
0xcb: {  	v18 =	vor.u32 $0x7, v17;
	v63 =	vpop (erf)  }
0xcc: {  	v17 =	vor.u32 $0xF, v17;
	v21 =	vmul.f32 v63, v15;
	_ =	sdelay $0x1  }
0xcd: {  	[tilespmem:v19+s21+$0x0] =	vst.idx.msk $0xffff, v21  }
0xce: {  	[tilespmem:v20+s15+$0x0] =	vst.idx.msk $0xffff, v21  }
0xcf: {  	v19 =	vld.idx.msk [tilespmem:v18+s4+$0x0], $0xffff  }
0xd0: {  	v17 =	vld.idx.msk [tilespmem:v17+s15+$0x0], $0xffff;
	_ =	sdelay $0x4  }
0xd1: {  	v17 =	vadd.f32 v17, v19;
	_ =	sdelay $0x1  }
0xd2: {  	v19 =	vmul.f32 $2.000000030e-01, v17  }
0xd3: {  	vm15 =	vge.f32 v17, $0.0e+00  }
0xd4: {  	v17 =	vsel vm15, v17, v19  }
0xd5: {  	v19 =	vmul.f32 $1.442695020e+00, v17;
	_ =	sdelay $0x1  }
0xd6: {  	s31 =	simm.s32 $0x10;
	v17 =	vor.u32 $0x7, v16;
	(erf) = vpow2.f32 v19  }
.LBB2_22:
0xd7: {  	_ =	sdelay $0x3  }
0xd8: {  	p1 =	sne.s32 s31, $0x70  }
0xd9: {  	s30 =	sadd.s32 $0x10, s30;
	s19 =	smov.u32 s31;
	s31 =	sadd.s32 $0x10, s31  }
0xda: {  	_ = 	snop  }
0xdb: {  	v19 =	vor.u32 s19, v0  }
0xdc: {  	v16 =	vshll.u32 v19, $0x4;
	v20 =	vpop (erf)  }
0xdd: {  	v21 =	vor.u32 $0x8, v16;
	v15 =	vmul.f32 v20, v15;
	_ =	sdelay $0x1  }
0xde: {  	[tilespmem:v17+s21+$0x0] =	vst.idx.msk $0xffff, v15  }
0xdf: {  	[tilespmem:v18+s15+$0x0] =	vst.idx.msk $0xffff, v15  }
0xe0: {  	v15 =	vld.idx.msk [tilespmem:v16+s4+$0x0], $0xffff  }
0xe1: {  	v17 =	vld.idx.msk [tilespmem:v21+s15+$0x0], $0xffff;
	_ =	sdelay $0x5  }
0xe2: {  	v15 =	vadd.f32 v17, v15;
	_ =	sdelay $0x1  }
0xe3: {  	v17 =	vmul.f32 $2.000000030e-01, v15  }
0xe4: {  	vm0 =	vge.f32 v15, $0.0e+00  }
0xe5: {  	v15 =	vsel vm0, v15, v17  }
0xe6: {  	v15 =	vmul.f32 $1.442695020e+00, v15;
	_ =	sdelay $0x1  }
0xe7: {  	(erf) = vpow2.f32 v15;
	_ =	sdelay $0x4  }
0xe8: {  	v15 =	vld [tilespmem:s30+$0x0];
	_ =	sdelay $0x1  }
0xe9: {  	v17 =	vshll.u32 v19, $0x3;
	_ =	sdelay $0x1  }
0xea: {  	v18 =	vor.u32 $0x1, v16;
	v19 =	vor.u32 $0x9, v16;
	v20 =	vpop (erf)  }
0xeb: {  	v20 =	vmul.f32 v20, v15;
	_ =	sdelay $0x1  }
0xec: {  	[tilespmem:v17+s21+$0x0] =	vst.idx.msk $0xffff, v20  }
0xed: {  	[tilespmem:v16+s15+$0x0] =	vst.idx.msk $0xffff, v20  }
0xee: {  	v20 =	vld.idx.msk [tilespmem:v18+s4+$0x0], $0xffff  }
0xef: {  	v19 =	vld.idx.msk [tilespmem:v19+s15+$0x0], $0xffff;
	_ =	sdelay $0x5  }
0xf0: {  	v19 =	vadd.f32 v19, v20;
	_ =	sdelay $0x1  }
0xf1: {  	vm0 =	vge.f32 v19, $0.0e+00;
	v20 =	vmul.f32 $2.000000030e-01, v19;
	_ =	sdelay $0x1  }
0xf2: {  	v19 =	vsel vm0, v19, v20  }
0xf3: {  	v19 =	vmul.f32 $1.442695020e+00, v19;
	_ =	sdelay $0x1  }
0xf4: {  	(erf) = vpow2.f32 v19;
	_ =	sdelay $0x5  }
0xf5: {  	v19 =	vor.u32 $0x1, v17;
	_ =	sdelay $0x2  }
0xf6: {  	v21 =	vor.u32 $0xA, v16;
	v20 =	vor.u32 $0x2, v16;
	v22 =	vpop (erf)  }
0xf7: {  	v22 =	vmul.f32 v22, v15;
	_ =	sdelay $0x1  }
0xf8: {  	[tilespmem:v19+s21+$0x0] =	vst.idx.msk $0xffff, v22  }
0xf9: {  	[tilespmem:v18+s15+$0x0] =	vst.idx.msk $0xffff, v22  }
0xfa: {  	v18 =	vld.idx.msk [tilespmem:v20+s4+$0x0], $0xffff  }
0xfb: {  	v19 =	vld.idx.msk [tilespmem:v21+s15+$0x0], $0xffff;
	_ =	sdelay $0x5  }
0xfc: {  	v18 =	vadd.f32 v19, v18;
	_ =	sdelay $0x1  }
0xfd: {  	vm0 =	vge.f32 v18, $0.0e+00;
	v19 =	vmul.f32 $2.000000030e-01, v18;
	_ =	sdelay $0x1  }
0xfe: {  	v18 =	vsel vm0, v18, v19  }
0xff: {  	v18 =	vmul.f32 $1.442695020e+00, v18;
	_ =	sdelay $0x1  }
0x100: {  	(erf) = vpow2.f32 v18;
	_ =	sdelay $0x4  }
0x101: {  	v18 =	vor.u32 $0x2, v17;
	_ =	sdelay $0x3  }
0x102: {  	v21 =	vor.u32 $0xB, v16;
	v19 =	vor.u32 $0x3, v16;
	v22 =	vpop (erf)  }
0x103: {  	v22 =	vmul.f32 v22, v15;
	_ =	sdelay $0x1  }
0x104: {  	[tilespmem:v18+s21+$0x0] =	vst.idx.msk $0xffff, v22  }
0x105: {  	[tilespmem:v20+s15+$0x0] =	vst.idx.msk $0xffff, v22  }
0x106: {  	v18 =	vld.idx.msk [tilespmem:v19+s4+$0x0], $0xffff  }
0x107: {  	v20 =	vld.idx.msk [tilespmem:v21+s15+$0x0], $0xffff;
	_ =	sdelay $0x5  }
0x108: {  	v18 =	vadd.f32 v20, v18;
	_ =	sdelay $0x1  }
0x109: {  	vm0 =	vge.f32 v18, $0.0e+00;
	v20 =	vmul.f32 $2.000000030e-01, v18;
	_ =	sdelay $0x1  }
0x10a: {  	v18 =	vsel vm0, v18, v20  }
0x10b: {  	v18 =	vmul.f32 $1.442695020e+00, v18;
	_ =	sdelay $0x1  }
0x10c: {  	(erf) = vpow2.f32 v18;
	_ =	sdelay $0x3  }
0x10d: {  	v18 =	vor.u32 $0x3, v17;
	_ =	sdelay $0x4  }
0x10e: {  	v21 =	vor.u32 $0xC, v16;
	v20 =	vor.u32 $0x4, v16;
	v22 =	vpop (erf)  }
0x10f: {  	v22 =	vmul.f32 v22, v15;
	_ =	sdelay $0x1  }
0x110: {  	[tilespmem:v18+s21+$0x0] =	vst.idx.msk $0xffff, v22  }
0x111: {  	[tilespmem:v19+s15+$0x0] =	vst.idx.msk $0xffff, v22  }
0x112: {  	v18 =	vld.idx.msk [tilespmem:v20+s4+$0x0], $0xffff  }
0x113: {  	v19 =	vld.idx.msk [tilespmem:v21+s15+$0x0], $0xffff;
	_ =	sdelay $0x5  }
0x114: {  	v18 =	vadd.f32 v19, v18;
	_ =	sdelay $0x1  }
0x115: {  	vm0 =	vge.f32 v18, $0.0e+00;
	v19 =	vmul.f32 $2.000000030e-01, v18;
	_ =	sdelay $0x1  }
0x116: {  	v18 =	vsel vm0, v18, v19  }
0x117: {  	v18 =	vmul.f32 $1.442695020e+00, v18;
	_ =	sdelay $0x1  }
0x118: {  	(erf) = vpow2.f32 v18;
	_ =	sdelay $0x2  }
0x119: {  	v18 =	vor.u32 $0x4, v17;
	_ =	sdelay $0x5  }
0x11a: {  	v21 =	vor.u32 $0xD, v16;
	v19 =	vor.u32 $0x5, v16;
	v22 =	vpop (erf)  }
0x11b: {  	v22 =	vmul.f32 v22, v15;
	_ =	sdelay $0x1  }
0x11c: {  	[tilespmem:v18+s21+$0x0] =	vst.idx.msk $0xffff, v22  }
0x11d: {  	[tilespmem:v20+s15+$0x0] =	vst.idx.msk $0xffff, v22  }
0x11e: {  	v18 =	vld.idx.msk [tilespmem:v19+s4+$0x0], $0xffff  }
0x11f: {  	v20 =	vld.idx.msk [tilespmem:v21+s15+$0x0], $0xffff;
	_ =	sdelay $0x5  }
0x120: {  	v18 =	vadd.f32 v20, v18;
	_ =	sdelay $0x1  }
0x121: {  	vm0 =	vge.f32 v18, $0.0e+00;
	v20 =	vmul.f32 $2.000000030e-01, v18;
	_ =	sdelay $0x1  }
0x122: {  	v18 =	vsel vm0, v18, v20  }
0x123: {  	v18 =	vmul.f32 $1.442695020e+00, v18;
	_ =	sdelay $0x1  }
0x124: {  	(erf) = vpow2.f32 v18;
	_ =	sdelay $0x1  }
0x125: {  	v18 =	vor.u32 $0x5, v17;
	_ =	sdelay $0x6  }
0x126: {  	v21 =	vor.u32 $0xE, v16;
	v20 =	vor.u32 $0x6, v16;
	v22 =	vpop (erf)  }
0x127: {  	v22 =	vmul.f32 v22, v15;
	_ =	sdelay $0x1  }
0x128: {  	[tilespmem:v18+s21+$0x0] =	vst.idx.msk $0xffff, v22  }
0x129: {  	[tilespmem:v19+s15+$0x0] =	vst.idx.msk $0xffff, v22  }
0x12a: {  	v18 =	vld.idx.msk [tilespmem:v20+s4+$0x0], $0xffff  }
0x12b: {  	v19 =	vld.idx.msk [tilespmem:v21+s15+$0x0], $0xffff;
	_ =	sdelay $0x5  }
0x12c: {  	v18 =	vadd.f32 v19, v18;
	_ =	sdelay $0x1  }
0x12d: {  	vm0 =	vge.f32 v18, $0.0e+00;
	v19 =	vmul.f32 $2.000000030e-01, v18;
	_ =	sdelay $0x1  }
0x12e: {  	v18 =	vsel vm0, v18, v19  }
0x12f: {  	v18 =	vmul.f32 $1.442695020e+00, v18;
	_ =	sdelay $0x1  }
0x130: {  	(erf) = vpow2.f32 v18  }
0x131: {  	v19 =	vor.u32 $0x6, v17;
	_ =	sdelay $0x7  }
0x132: {  	v18 =	vor.u32 $0x7, v16;
	v16 =	vor.u32 $0xF, v16;
	v21 =	vpop (erf)  }
0x133: {  	v21 =	vmul.f32 v21, v15;
	_ =	sdelay $0x1  }
0x134: {  	[tilespmem:v19+s21+$0x0] =	vst.idx.msk $0xffff, v21  }
0x135: {  	[tilespmem:v20+s15+$0x0] =	vst.idx.msk $0xffff, v21  }
0x136: {  	v19 =	vld.idx.msk [tilespmem:v18+s4+$0x0], $0xffff  }
0x137: {  	v16 =	vld.idx.msk [tilespmem:v16+s15+$0x0], $0xffff;
	_ =	sdelay $0x5  }
0x138: {  	v16 =	vadd.f32 v16, v19;
	_ =	sdelay $0x1  }
0x139: {  	vm0 =	vge.f32 v16, $0.0e+00;
	v19 =	vmul.f32 $2.000000030e-01, v16  }
.Ltmp8:
0x13a: {  	(pc) =	sbr.rel @p1 .LBB2_22-.Ltmp8, $3  }
0x13b: {  	v16 =	vsel vm0, v16, v19  }
0x13c: {  	v16 =	vmul.f32 $1.442695020e+00, v16;
	_ =	sdelay $0x1  }
0x13d: {  	v17 =	vor.u32 $0x7, v17;
	(erf) = vpow2.f32 v16  }
0x13e: {  	_ =	sdelay $0x7  }
0x13f: {  	v16 =	vpop (erf)  }
0x140: {  	v15 =	vmul.f32 v16, v15;
	_ =	sdelay $0x1  }
0x141: {  	[tilespmem:v17+s21+$0x0] =	vst.idx.msk $0xffff, v15  }
0x142: {  	[tilespmem:v18+s15+$0x0] =	vst.idx.msk $0xffff, v15  }
0x143: {  	[spmem:s2] =	stream.indirect.scatter.add.f32 [tilespmem:s21], [sflag:$0x4], $0x8, s13, s23, $0xb8;
	[tilespmem:$0x1FC30] =	vst v63  }
0x144: {  	_ =	swait.ge [sflag:s29], $0x400  }
0x145: {  	[sflag:s29] =	ssyncset.done $0x0  }
0x146: {  	[sflag:s29] =	ssyncadd.s32 $0xFFFFFC00  }
0x147: {  	v15 =	vld [tilespmem:$0x1A680]  }
0x148: {  	v16 =	vld [tilespmem:$0x1A690]  }
0x149: {  	v17 =	vld [tilespmem:$0x1A6A0]  }
0x14a: {  	v63 =	vld [tilespmem:$0x1A6B0]  }
0x14b: {  	v19 =	vld [tilespmem:$0x1A6C0]  }
0x14c: {  	v20 =	vld [tilespmem:$0x1A6D0];
	v15 =	vsub.s32 v15, v13  }
0x14d: {  	[tilespmem:$0x1FBB0] =	vst v15;
	v15 =	vsub.s32 v16, v13;
	v16 =	vld [tilespmem:$0x1A6E0]  }
0x14e: {  	[tilespmem:$0x1FBC0] =	vst v15;
	v15 =	vsub.s32 v17, v13;
	v17 =	vld [tilespmem:$0x1A6F0]  }
0x14f: {  	[tilespmem:$0x1FBD0] =	vst v15;
	v15 =	vsub.s32 v63, v13  }
0x150: {  	[tilespmem:$0x1FBE0] =	vst v15;
	v15 =	vsub.s32 v19, v13  }
0x151: {  	[tilespmem:$0x1FBF0] =	vst v15;
	v15 =	vsub.s32 v20, v13  }
0x152: {  	[tilespmem:$0x1FC00] =	vst v15;
	v15 =	vsub.s32 v16, v13  }
0x153: {  	[tilespmem:$0x1FC10] =	vst v15;
	v15 =	vsub.s32 v17, v13  }
0x154: {  	[tilespmem:$0x1FC20] =	vst v15  }
0x155: {  	_ =	swait.ge [sflag:s22], $0x4000  }
0x156: {  	[sflag:s22] =	ssyncset.done $0x0  }
0x157: {  	s30 =	simm.s32 $0x1A7F0;
	[sflag:s22] =	ssyncadd.s32 $0xFFFFC000  }
0x158: {  	s26 =	simm.s32 $0x0;
	s19 =	simm.s32 $0x40;
	s31 =	simm.s32 $0x1A7F0;
	v15 =	vld [tilespmem:s30+$0xFFFFFFF0]  }
.LBB2_24:
0x159: {  	p1 =	sne.s32 s19, $0x1FC0;
	v16 =	vld [tilespmem:s26+$0x1EFB0]  }
0x15a: {  	v17 =	vld [tilespmem:s30+$0xFFFFFFD0]  }
0x15b: {  	v18 =	vld [tilespmem:s30+$0xFFFFFFC0]  }
0x15c: {  	v19 =	vld [tilespmem:s30+$0xFFFFFFE0]  }
0x15d: {  	v20 =	vld [tilespmem:s30+$0x30]  }
0x15e: {  	v21 =	vperm.xlane v16, v3;
	v22 =	vperm.xlane v16, v5;
	v23 =	vld [tilespmem:s30+$0x10]  }
0x15f: {  	v24 =	vperm.xlane v16, v6;
	v25 =	vperm.xlane v16, v7;
	v26 =	vld [tilespmem:s30+$0x0]  }
0x160: {  	v18 =	vmul.f32 v18, v21;
	v17 =	vmul.f32 v17, v22;
	v21 =	vld [tilespmem:s30+$0x20]  }
0x161: {  	v15 =	vmul.f32 v15, v25;
	v19 =	vmul.f32 v19, v24  }
0x162: {  	v22 =	vperm.xlane v16, v9;
	[tilespmem:s30+$0xFFFFFFC0] =	vst v18;
	v18 =	vperm.xlane v16, v8  }
0x163: {  	[tilespmem:s30+$0xFFFFFFD0] =	vst v17;
	v17 =	vperm.xlane v16, v10;
	v16 =	vperm.xlane v16, v11  }
0x164: {  	[tilespmem:s30+$0xFFFFFFE0] =	vst v19;
	v18 =	vmul.f32 v26, v18;
	v19 =	vmul.f32 v23, v22  }
.Ltmp9:
0x165: {  	[tilespmem:s30+$0xFFFFFFF0] =	vst v15;
	v15 =	vmul.f32 v21, v17;
	v16 =	vmul.f32 v20, v16;
	(pc) =	sbr.rel @p1 .LBB2_24-.Ltmp9, $4  }
0x166: {  	[tilespmem:s30+$0x0] =	vst v18  }
0x167: {  	[tilespmem:s30+$0x10] =	vst v19  }
0x168: {  	s30 =	sadd.s32 $0x80, s30;
	[tilespmem:s31+$0x20] =	vst v15  }
0x169: {  	s26 =	sshra.s32 s19, $0x2;
	s19 =	sadd.s32 $0x40, s19;
	v15 =	vld [tilespmem:s30+$0xFFFFFFF0];
	[tilespmem:s31+$0x30] =	vst v16;
	s31 =	smov.u32 s30  }
0x16a: {  	v16 =	vld [tilespmem:s26+$0x1EFB0];
	_ =	sdelay $0x1  }
0x16b: {  	v17 =	vld [tilespmem:s30+$0xFFFFFFC0]  }
0x16c: {  	v18 =	vld [tilespmem:s30+$0xFFFFFFD0]  }
0x16d: {  	v19 =	vld [tilespmem:s30+$0xFFFFFFE0]  }
0x16e: {  	v20 =	vperm.xlane v16, v3  }
0x16f: {  	v23 =	vld [tilespmem:s30+$0x10];
	v21 =	vperm.xlane v16, v5  }
0x170: {  	v22 =	vld [tilespmem:s30+$0x0];
	v24 =	vperm.xlane v16, v6;
	v17 =	vmul.f32 v17, v20  }
0x171: {  	v57 =	vld [tilespmem:s30+$0x20];
	v56 =	vperm.xlane v16, v7;
	v18 =	vmul.f32 v18, v21  }
0x172: {  	v25 =	vld [tilespmem:s30+$0x30];
	v59 =	vperm.xlane v16, v9;
	v19 =	vmul.f32 v19, v24;
	[tilespmem:s30+$0xFFFFFFC0] =	vst v17  }
0x173: {  	v58 =	vperm.xlane v16, v8;
	v15 =	vmul.f32 v15, v56;
	[tilespmem:s30+$0xFFFFFFD0] =	vst v18  }
0x174: {  	v60 =	vperm.xlane v16, v10;
	v61 =	vmul.f32 v23, v59;
	[tilespmem:s30+$0xFFFFFFE0] =	vst v19  }
0x175: {  	v16 =	vperm.xlane v16, v11;
	v17 =	vmul.f32 v22, v58;
	[tilespmem:s30+$0xFFFFFFF0] =	vst v15  }
0x176: {  	v15 =	vmul.f32 v57, v60;
	[tilespmem:s30+$0x10] =	vst v61  }
0x177: {  	v16 =	vmul.f32 v25, v16;
	[tilespmem:s30+$0x0] =	vst v17  }
0x178: {  	[tilespmem:s31+$0x20] =	vst v15  }
0x179: {  	[tilespmem:s31+$0x30] =	vst v16  }
0x17a: {  	[spmem:s3] =	stream.indirect.scatter.add.f32 [tilespmem:s24], [sflag:$0x4], $0x80, s28, s23, $0xb8;
	[tilespmem:$0x1FC30] =	vst v63  }
0x17b: {  	_ =	swait.ge [sflag:s29], $0x4000  }
0x17c: {  	[sflag:s29] =	ssyncset.done $0x0  }
0x17d: {  	[sflag:s29] =	ssyncadd.s32 $0xFFFFC000  }
0x17e: {  	v15 =	vld [tilespmem:$0x1A780]  }
0x17f: {  	v62 =	vld [tilespmem:$0x1A790]  }
0x180: {  	v63 =	vld [tilespmem:$0x1A7A0]  }
.Ltmp10:
0x181: {  	_ = 	snop;
	(pc) =	sbr.rel .LBB2_26-.Ltmp10, $4  }
0x182: {  	_ = 	snop  }
0x183: {  	[tilespmem:$0x1A600] =	vst v15  }
0x184: {  	[tilespmem:$0x1A680] =	vst v62  }
0x185: {  	s25 =	sadd.s32 $0xFFFFFF80, s25;
	[tilespmem:$0x1A700] =	vst v63  }
.LBB2_28:
0x186: {  	v14 =	vadd.s32 s25, v0  }
0x187: {  	vm0 =	vlt.s32 v14, $0x80  }
0x188: {  	s8 =	sadd.s32 $0x10, s25  }
0x189: {  	v15 =	vadd.s32 s8, v0  }
0x18a: {  	s9 =	rddreg [dreg:$0x18];
	vm1 =	vlt.s32 v15, $0x80  }
0x18b: {  	s26 =	sadd.s32 $0x20, s25;
	s19 =	rddreg [dreg:$0x1f]  }
0x18c: {  	s9 =	sor.u32 s9, s19;
	v16 =	vadd.s32 s26, v0  }
0x18d: {  	v17 =	vor.u32 s9, v0;
	vm2 =	vlt.s32 v16, $0x80;
	[tilespmem:v14+s0+$0x0] =	vst.idx.msk vm0, v1  }
0x18e: {  	s10 =	sadd.s32 $0x30, s25;
	s8 =	simm.s32 $0x1A700;
	[tilespmem:v14+s13+$0x0] =	vst.idx.msk vm0, v17  }
0x18f: {  	s30 =	sor.u32 $0x10, s9;
	[tilespmem:v14+s8+$0x0] =	vst.idx.msk vm0, v12;
	v14 =	vadd.s32 s10, v0  }
0x190: {  	v17 =	vor.u32 s30, v0;
	[tilespmem:v15+s0+$0x0] =	vst.idx.msk vm1, v1;
	vm15 =	vlt.s32 v14, $0x80  }
0x191: {  	s31 =	sadd.s32 $0x40, s25;
	[tilespmem:v15+s13+$0x0] =	vst.idx.msk vm1, v17  }
0x192: {  	s11 =	sor.u32 $0x20, s9;
	[tilespmem:v15+s8+$0x0] =	vst.idx.msk vm1, v12;
	v15 =	vadd.s32 s31, v0  }
0x193: {  	v17 =	vor.u32 s11, v0;
	[tilespmem:v16+s0+$0x0] =	vst.idx.msk vm2, v1;
	vm4 =	vlt.s32 v15, $0x80  }
0x194: {  	s26 =	sadd.s32 $0x50, s25;
	[tilespmem:v16+s13+$0x0] =	vst.idx.msk vm2, v17  }
0x195: {  	s30 =	sor.u32 $0x30, s9;
	[tilespmem:v16+s8+$0x0] =	vst.idx.msk vm2, v12;
	v16 =	vadd.s32 s26, v0  }
0x196: {  	v17 =	vor.u32 s30, v0;
	[tilespmem:v14+s0+$0x0] =	vst.idx.msk vm15, v1;
	vm5 =	vlt.s32 v16, $0x80  }
0x197: {  	s31 =	sadd.s32 $0x60, s25;
	[tilespmem:v14+s13+$0x0] =	vst.idx.msk vm15, v17  }
0x198: {  	s11 =	sor.u32 $0x40, s9;
	[tilespmem:v14+s8+$0x0] =	vst.idx.msk vm15, v12;
	v14 =	vadd.s32 s31, v0  }
0x199: {  	v17 =	vor.u32 s11, v0;
	[tilespmem:v15+s0+$0x0] =	vst.idx.msk vm4, v1;
	vm6 =	vlt.s32 v14, $0x80  }
0x19a: {  	s26 =	sadd.s32 $0x70, s25;
	[tilespmem:v15+s13+$0x0] =	vst.idx.msk vm4, v17  }
0x19b: {  	s11 =	sor.u32 $0x50, s9;
	[tilespmem:v15+s8+$0x0] =	vst.idx.msk vm4, v12;
	v15 =	vadd.s32 s26, v0  }
0x19c: {  	v17 =	vor.u32 s11, v0;
	[tilespmem:v16+s0+$0x0] =	vst.idx.msk vm5, v1;
	vm7 =	vlt.s32 v15, $0x80  }
0x19d: {  	[tilespmem:v16+s13+$0x0] =	vst.idx.msk vm5, v17  }
0x19e: {  	s30 =	sor.u32 $0x60, s9;
	[tilespmem:v16+s8+$0x0] =	vst.idx.msk vm5, v12  }
0x19f: {  	v16 =	vor.u32 s30, v0;
	[tilespmem:v14+s0+$0x0] =	vst.idx.msk vm6, v1  }
0x1a0: {  	[tilespmem:v14+s13+$0x0] =	vst.idx.msk vm6, v16  }
0x1a1: {  	s9 =	sor.u32 $0x70, s9;
	[tilespmem:v14+s8+$0x0] =	vst.idx.msk vm6, v12  }
0x1a2: {  	v14 =	vor.u32 s9, v0;
	[tilespmem:v15+s0+$0x0] =	vst.idx.msk vm7, v1  }
0x1a3: {  	[tilespmem:v15+s13+$0x0] =	vst.idx.msk vm7, v14  }
0x1a4: {  	[tilespmem:v15+s8+$0x0] =	vst.idx.msk vm7, v12  }
0x1a5: {  	[tilespmem:s24], [sflag:$0x1] =	stream.indirect.gather [hbm4b:s6+s23], $0x80, s0, s23, $0xb8;
	[tilespmem:$0x1FC30] =	vst v63  }
0x1a6: {  	_ = 	snop  }
0x1a7: {  	[tilespmem:s4], [sflag:$0x2] =	stream.indirect.gather [hbm4b:s7+s23], $0x10, s0, s23, $0xb8;
	[tilespmem:$0x1FC30] =	vst v63  }
0x1a8: {  	s31 =	simm.s32 $0x0  }
0x1a9: {  	[tilespmem:s15], [sflag:$0x3] =	stream.indirect.gather [hbm4b:s7+s23], $0x10, s13, s23, $0xb8;
	[tilespmem:$0x1FC30] =	vst v63  }
0x1aa: {  	v15 =	vor.u32 s31, v0;
	_ =	swait.ge [sflag:s17], $0x800  }
0x1ab: {  	v16 =	vshll.u32 v15, $0x4;
	[sflag:s17] =	ssyncset.done $0x0  }
0x1ac: {  	v14 =	vor.u32 $0x8, v16;
	[sflag:s17] =	ssyncadd.s32 $0xFFFFF800  }
0x1ad: {  	_ =	swait.ge [sflag:s12], $0x800  }
0x1ae: {  	[sflag:s12] =	ssyncset.done $0x0  }
0x1af: {  	[sflag:s12] =	ssyncadd.s32 $0xFFFFF800  }
0x1b0: {  	v17 =	vld.idx.msk [tilespmem:v16+s4+$0x0], $0xffff  }
0x1b1: {  	v14 =	vld.idx.msk [tilespmem:v14+s15+$0x0], $0xffff;
	_ =	sdelay $0x4  }
0x1b2: {  	v14 =	vadd.f32 v14, v17;
	_ =	sdelay $0x1  }
0x1b3: {  	v17 =	vmul.f32 $2.000000030e-01, v14  }
0x1b4: {  	vm8 =	vge.f32 v14, $0.0e+00  }
0x1b5: {  	v14 =	vsel vm8, v14, v17  }
0x1b6: {  	v14 =	vmul.f32 $1.442695020e+00, v14;
	_ =	sdelay $0x1  }
0x1b7: {  	(erf) = vpow2.f32 v14;
	_ =	sdelay $0x4  }
0x1b8: {  	v14 =	vld [tilespmem:s8+$0x0];
	_ =	sdelay $0x1  }
0x1b9: {  	v15 =	vshll.u32 v15, $0x3;
	_ =	sdelay $0x1  }
0x1ba: {  	v17 =	vor.u32 $0x1, v16;
	v18 =	vpop (erf)  }
0x1bb: {  	v19 =	vor.u32 $0x9, v16;
	v18 =	vmul.f32 v18, v14;
	_ =	sdelay $0x1  }
0x1bc: {  	[tilespmem:v15+s21+$0x0] =	vst.idx.msk $0xffff, v18  }
0x1bd: {  	[tilespmem:v16+s15+$0x0] =	vst.idx.msk $0xffff, v18  }
0x1be: {  	v18 =	vld.idx.msk [tilespmem:v17+s4+$0x0], $0xffff  }
0x1bf: {  	v19 =	vld.idx.msk [tilespmem:v19+s15+$0x0], $0xffff;
	_ =	sdelay $0x4  }
0x1c0: {  	v18 =	vadd.f32 v19, v18;
	_ =	sdelay $0x1  }
0x1c1: {  	v19 =	vmul.f32 $2.000000030e-01, v18  }
0x1c2: {  	vm9 =	vge.f32 v18, $0.0e+00  }
0x1c3: {  	v18 =	vsel vm9, v18, v19  }
0x1c4: {  	v18 =	vmul.f32 $1.442695020e+00, v18;
	_ =	sdelay $0x1  }
0x1c5: {  	(erf) = vpow2.f32 v18;
	_ =	sdelay $0x6  }
0x1c6: {  	v18 =	vor.u32 $0x1, v15;
	_ =	sdelay $0x1  }
0x1c7: {  	v19 =	vor.u32 $0x2, v16;
	v20 =	vpop (erf)  }
0x1c8: {  	v21 =	vor.u32 $0xA, v16;
	v20 =	vmul.f32 v20, v14;
	_ =	sdelay $0x1  }
0x1c9: {  	[tilespmem:v18+s21+$0x0] =	vst.idx.msk $0xffff, v20  }
0x1ca: {  	[tilespmem:v17+s15+$0x0] =	vst.idx.msk $0xffff, v20  }
0x1cb: {  	v17 =	vld.idx.msk [tilespmem:v19+s4+$0x0], $0xffff  }
0x1cc: {  	v18 =	vld.idx.msk [tilespmem:v21+s15+$0x0], $0xffff;
	_ =	sdelay $0x4  }
0x1cd: {  	v17 =	vadd.f32 v18, v17;
	_ =	sdelay $0x1  }
0x1ce: {  	v18 =	vmul.f32 $2.000000030e-01, v17  }
0x1cf: {  	vm10 =	vge.f32 v17, $0.0e+00  }
0x1d0: {  	v17 =	vsel vm10, v17, v18  }
0x1d1: {  	v17 =	vmul.f32 $1.442695020e+00, v17;
	_ =	sdelay $0x1  }
0x1d2: {  	(erf) = vpow2.f32 v17;
	_ =	sdelay $0x6  }
0x1d3: {  	v17 =	vor.u32 $0x2, v15;
	_ =	sdelay $0x1  }
0x1d4: {  	v18 =	vor.u32 $0x3, v16;
	v55 =	vpop (erf)  }
0x1d5: {  	v56 =	vor.u32 $0xB, v16;
	v20 =	vmul.f32 v55, v14;
	_ =	sdelay $0x1  }
0x1d6: {  	[tilespmem:v17+s21+$0x0] =	vst.idx.msk $0xffff, v20  }
0x1d7: {  	[tilespmem:v19+s15+$0x0] =	vst.idx.msk $0xffff, v20  }
0x1d8: {  	v17 =	vld.idx.msk [tilespmem:v18+s4+$0x0], $0xffff  }
0x1d9: {  	v19 =	vld.idx.msk [tilespmem:v56+s15+$0x0], $0xffff;
	_ =	sdelay $0x4  }
0x1da: {  	v17 =	vadd.f32 v19, v17;
	_ =	sdelay $0x1  }
0x1db: {  	v19 =	vmul.f32 $2.000000030e-01, v17  }
0x1dc: {  	vm11 =	vge.f32 v17, $0.0e+00  }
0x1dd: {  	v17 =	vsel vm11, v17, v19  }
0x1de: {  	v17 =	vmul.f32 $1.442695020e+00, v17;
	_ =	sdelay $0x1  }
0x1df: {  	(erf) = vpow2.f32 v17;
	_ =	sdelay $0x6  }
0x1e0: {  	v17 =	vor.u32 $0x3, v15;
	_ =	sdelay $0x1  }
0x1e1: {  	v19 =	vor.u32 $0x4, v16;
	v57 =	vpop (erf)  }
0x1e2: {  	v58 =	vor.u32 $0xC, v16;
	v20 =	vmul.f32 v57, v14;
	_ =	sdelay $0x1  }
0x1e3: {  	[tilespmem:v17+s21+$0x0] =	vst.idx.msk $0xffff, v20  }
0x1e4: {  	[tilespmem:v18+s15+$0x0] =	vst.idx.msk $0xffff, v20  }
0x1e5: {  	v17 =	vld.idx.msk [tilespmem:v19+s4+$0x0], $0xffff  }
0x1e6: {  	v18 =	vld.idx.msk [tilespmem:v58+s15+$0x0], $0xffff;
	_ =	sdelay $0x4  }
0x1e7: {  	v17 =	vadd.f32 v18, v17;
	_ =	sdelay $0x1  }
0x1e8: {  	v18 =	vmul.f32 $2.000000030e-01, v17  }
0x1e9: {  	vm12 =	vge.f32 v17, $0.0e+00  }
0x1ea: {  	v17 =	vsel vm12, v17, v18  }
0x1eb: {  	v17 =	vmul.f32 $1.442695020e+00, v17;
	_ =	sdelay $0x1  }
0x1ec: {  	(erf) = vpow2.f32 v17;
	_ =	sdelay $0x6  }
0x1ed: {  	v17 =	vor.u32 $0x4, v15;
	_ =	sdelay $0x1  }
0x1ee: {  	v18 =	vor.u32 $0x5, v16;
	v59 =	vpop (erf)  }
0x1ef: {  	v60 =	vor.u32 $0xD, v16;
	v20 =	vmul.f32 v59, v14;
	_ =	sdelay $0x1  }
0x1f0: {  	[tilespmem:v17+s21+$0x0] =	vst.idx.msk $0xffff, v20  }
0x1f1: {  	[tilespmem:v19+s15+$0x0] =	vst.idx.msk $0xffff, v20  }
0x1f2: {  	v17 =	vld.idx.msk [tilespmem:v18+s4+$0x0], $0xffff  }
0x1f3: {  	v19 =	vld.idx.msk [tilespmem:v60+s15+$0x0], $0xffff;
	_ =	sdelay $0x4  }
0x1f4: {  	v17 =	vadd.f32 v19, v17;
	_ =	sdelay $0x1  }
0x1f5: {  	v19 =	vmul.f32 $2.000000030e-01, v17  }
0x1f6: {  	vm13 =	vge.f32 v17, $0.0e+00  }
0x1f7: {  	v17 =	vsel vm13, v17, v19  }
0x1f8: {  	v17 =	vmul.f32 $1.442695020e+00, v17;
	_ =	sdelay $0x1  }
0x1f9: {  	(erf) = vpow2.f32 v17;
	_ =	sdelay $0x6  }
0x1fa: {  	v17 =	vor.u32 $0x5, v15;
	_ =	sdelay $0x1  }
0x1fb: {  	v19 =	vor.u32 $0x6, v16;
	v61 =	vpop (erf)  }
0x1fc: {  	v62 =	vor.u32 $0xE, v16;
	v20 =	vmul.f32 v61, v14;
	_ =	sdelay $0x1  }
0x1fd: {  	[tilespmem:v17+s21+$0x0] =	vst.idx.msk $0xffff, v20  }
0x1fe: {  	[tilespmem:v18+s15+$0x0] =	vst.idx.msk $0xffff, v20  }
0x1ff: {  	v17 =	vld.idx.msk [tilespmem:v19+s4+$0x0], $0xffff  }
0x200: {  	v18 =	vld.idx.msk [tilespmem:v62+s15+$0x0], $0xffff;
	_ =	sdelay $0x4  }
0x201: {  	v17 =	vadd.f32 v18, v17;
	_ =	sdelay $0x1  }
0x202: {  	v18 =	vmul.f32 $2.000000030e-01, v17  }
0x203: {  	vm14 =	vge.f32 v17, $0.0e+00  }
0x204: {  	v17 =	vsel vm14, v17, v18  }
0x205: {  	v17 =	vmul.f32 $1.442695020e+00, v17;
	_ =	sdelay $0x1  }
0x206: {  	(erf) = vpow2.f32 v17;
	_ =	sdelay $0x6  }
0x207: {  	v18 =	vor.u32 $0x6, v15;
	_ =	sdelay $0x1  }
0x208: {  	v17 =	vor.u32 $0x7, v16;
	v63 =	vpop (erf)  }
0x209: {  	v16 =	vor.u32 $0xF, v16;
	v20 =	vmul.f32 v63, v14;
	_ =	sdelay $0x1  }
0x20a: {  	[tilespmem:v18+s21+$0x0] =	vst.idx.msk $0xffff, v20  }
0x20b: {  	[tilespmem:v19+s15+$0x0] =	vst.idx.msk $0xffff, v20  }
0x20c: {  	v18 =	vld.idx.msk [tilespmem:v17+s4+$0x0], $0xffff  }
0x20d: {  	v16 =	vld.idx.msk [tilespmem:v16+s15+$0x0], $0xffff;
	_ =	sdelay $0x4  }
0x20e: {  	v16 =	vadd.f32 v16, v18;
	_ =	sdelay $0x1  }
0x20f: {  	v18 =	vmul.f32 $2.000000030e-01, v16  }
0x210: {  	vm15 =	vge.f32 v16, $0.0e+00  }
0x211: {  	v16 =	vsel vm15, v16, v18  }
0x212: {  	v18 =	vmul.f32 $1.442695020e+00, v16;
	_ =	sdelay $0x1  }
0x213: {  	s9 =	simm.s32 $0x10;
	v16 =	vor.u32 $0x7, v15;
	(erf) = vpow2.f32 v18  }
.LBB2_29:
0x214: {  	_ =	sdelay $0x3  }
0x215: {  	p1 =	sne.s32 s9, $0x70  }
0x216: {  	s8 =	sadd.s32 $0x10, s8;
	s10 =	smov.u32 s9;
	s9 =	sadd.s32 $0x10, s9  }
0x217: {  	_ = 	snop  }
0x218: {  	v18 =	vor.u32 s10, v0  }
0x219: {  	v15 =	vshll.u32 v18, $0x4;
	v19 =	vpop (erf)  }
0x21a: {  	v20 =	vor.u32 $0x8, v15;
	v14 =	vmul.f32 v19, v14;
	_ =	sdelay $0x1  }
0x21b: {  	[tilespmem:v16+s21+$0x0] =	vst.idx.msk $0xffff, v14  }
0x21c: {  	[tilespmem:v17+s15+$0x0] =	vst.idx.msk $0xffff, v14  }
0x21d: {  	v14 =	vld.idx.msk [tilespmem:v15+s4+$0x0], $0xffff  }
0x21e: {  	v16 =	vld.idx.msk [tilespmem:v20+s15+$0x0], $0xffff;
	_ =	sdelay $0x5  }
0x21f: {  	v14 =	vadd.f32 v16, v14;
	_ =	sdelay $0x1  }
0x220: {  	v16 =	vmul.f32 $2.000000030e-01, v14  }
0x221: {  	vm0 =	vge.f32 v14, $0.0e+00  }
0x222: {  	v14 =	vsel vm0, v14, v16  }
0x223: {  	v14 =	vmul.f32 $1.442695020e+00, v14;
	_ =	sdelay $0x1  }
0x224: {  	(erf) = vpow2.f32 v14;
	_ =	sdelay $0x4  }
0x225: {  	v14 =	vld [tilespmem:s8+$0x0];
	_ =	sdelay $0x1  }
0x226: {  	v16 =	vshll.u32 v18, $0x3;
	_ =	sdelay $0x1  }
0x227: {  	v17 =	vor.u32 $0x1, v15;
	v18 =	vor.u32 $0x9, v15;
	v19 =	vpop (erf)  }
0x228: {  	v19 =	vmul.f32 v19, v14;
	_ =	sdelay $0x1  }
0x229: {  	[tilespmem:v16+s21+$0x0] =	vst.idx.msk $0xffff, v19  }
0x22a: {  	[tilespmem:v15+s15+$0x0] =	vst.idx.msk $0xffff, v19  }
0x22b: {  	v19 =	vld.idx.msk [tilespmem:v17+s4+$0x0], $0xffff  }
0x22c: {  	v18 =	vld.idx.msk [tilespmem:v18+s15+$0x0], $0xffff;
	_ =	sdelay $0x5  }
0x22d: {  	v18 =	vadd.f32 v18, v19;
	_ =	sdelay $0x1  }
0x22e: {  	vm0 =	vge.f32 v18, $0.0e+00;
	v19 =	vmul.f32 $2.000000030e-01, v18;
	_ =	sdelay $0x1  }
0x22f: {  	v18 =	vsel vm0, v18, v19  }
0x230: {  	v18 =	vmul.f32 $1.442695020e+00, v18;
	_ =	sdelay $0x1  }
0x231: {  	(erf) = vpow2.f32 v18;
	_ =	sdelay $0x5  }
0x232: {  	v18 =	vor.u32 $0x1, v16;
	_ =	sdelay $0x2  }
0x233: {  	v20 =	vor.u32 $0xA, v15;
	v19 =	vor.u32 $0x2, v15;
	v21 =	vpop (erf)  }
0x234: {  	v21 =	vmul.f32 v21, v14;
	_ =	sdelay $0x1  }
0x235: {  	[tilespmem:v18+s21+$0x0] =	vst.idx.msk $0xffff, v21  }
0x236: {  	[tilespmem:v17+s15+$0x0] =	vst.idx.msk $0xffff, v21  }
0x237: {  	v17 =	vld.idx.msk [tilespmem:v19+s4+$0x0], $0xffff  }
0x238: {  	v18 =	vld.idx.msk [tilespmem:v20+s15+$0x0], $0xffff;
	_ =	sdelay $0x5  }
0x239: {  	v17 =	vadd.f32 v18, v17;
	_ =	sdelay $0x1  }
0x23a: {  	vm0 =	vge.f32 v17, $0.0e+00;
	v18 =	vmul.f32 $2.000000030e-01, v17;
	_ =	sdelay $0x1  }
0x23b: {  	v17 =	vsel vm0, v17, v18  }
0x23c: {  	v17 =	vmul.f32 $1.442695020e+00, v17;
	_ =	sdelay $0x1  }
0x23d: {  	(erf) = vpow2.f32 v17;
	_ =	sdelay $0x4  }
0x23e: {  	v17 =	vor.u32 $0x2, v16;
	_ =	sdelay $0x3  }
0x23f: {  	v20 =	vor.u32 $0xB, v15;
	v18 =	vor.u32 $0x3, v15;
	v21 =	vpop (erf)  }
0x240: {  	v21 =	vmul.f32 v21, v14;
	_ =	sdelay $0x1  }
0x241: {  	[tilespmem:v17+s21+$0x0] =	vst.idx.msk $0xffff, v21  }
0x242: {  	[tilespmem:v19+s15+$0x0] =	vst.idx.msk $0xffff, v21  }
0x243: {  	v17 =	vld.idx.msk [tilespmem:v18+s4+$0x0], $0xffff  }
0x244: {  	v19 =	vld.idx.msk [tilespmem:v20+s15+$0x0], $0xffff;
	_ =	sdelay $0x5  }
0x245: {  	v17 =	vadd.f32 v19, v17;
	_ =	sdelay $0x1  }
0x246: {  	vm0 =	vge.f32 v17, $0.0e+00;
	v19 =	vmul.f32 $2.000000030e-01, v17;
	_ =	sdelay $0x1  }
0x247: {  	v17 =	vsel vm0, v17, v19  }
0x248: {  	v17 =	vmul.f32 $1.442695020e+00, v17;
	_ =	sdelay $0x1  }
0x249: {  	(erf) = vpow2.f32 v17;
	_ =	sdelay $0x3  }
0x24a: {  	v17 =	vor.u32 $0x3, v16;
	_ =	sdelay $0x4  }
0x24b: {  	v20 =	vor.u32 $0xC, v15;
	v19 =	vor.u32 $0x4, v15;
	v21 =	vpop (erf)  }
0x24c: {  	v21 =	vmul.f32 v21, v14;
	_ =	sdelay $0x1  }
0x24d: {  	[tilespmem:v17+s21+$0x0] =	vst.idx.msk $0xffff, v21  }
0x24e: {  	[tilespmem:v18+s15+$0x0] =	vst.idx.msk $0xffff, v21  }
0x24f: {  	v17 =	vld.idx.msk [tilespmem:v19+s4+$0x0], $0xffff  }
0x250: {  	v18 =	vld.idx.msk [tilespmem:v20+s15+$0x0], $0xffff;
	_ =	sdelay $0x5  }
0x251: {  	v17 =	vadd.f32 v18, v17;
	_ =	sdelay $0x1  }
0x252: {  	vm0 =	vge.f32 v17, $0.0e+00;
	v18 =	vmul.f32 $2.000000030e-01, v17;
	_ =	sdelay $0x1  }
0x253: {  	v17 =	vsel vm0, v17, v18  }
0x254: {  	v17 =	vmul.f32 $1.442695020e+00, v17;
	_ =	sdelay $0x1  }
0x255: {  	(erf) = vpow2.f32 v17;
	_ =	sdelay $0x2  }
0x256: {  	v17 =	vor.u32 $0x4, v16;
	_ =	sdelay $0x5  }
0x257: {  	v20 =	vor.u32 $0xD, v15;
	v18 =	vor.u32 $0x5, v15;
	v21 =	vpop (erf)  }
0x258: {  	v21 =	vmul.f32 v21, v14;
	_ =	sdelay $0x1  }
0x259: {  	[tilespmem:v17+s21+$0x0] =	vst.idx.msk $0xffff, v21  }
0x25a: {  	[tilespmem:v19+s15+$0x0] =	vst.idx.msk $0xffff, v21  }
0x25b: {  	v17 =	vld.idx.msk [tilespmem:v18+s4+$0x0], $0xffff  }
0x25c: {  	v19 =	vld.idx.msk [tilespmem:v20+s15+$0x0], $0xffff;
	_ =	sdelay $0x5  }
0x25d: {  	v17 =	vadd.f32 v19, v17;
	_ =	sdelay $0x1  }
0x25e: {  	vm0 =	vge.f32 v17, $0.0e+00;
	v19 =	vmul.f32 $2.000000030e-01, v17;
	_ =	sdelay $0x1  }
0x25f: {  	v17 =	vsel vm0, v17, v19  }
0x260: {  	v17 =	vmul.f32 $1.442695020e+00, v17;
	_ =	sdelay $0x1  }
0x261: {  	(erf) = vpow2.f32 v17;
	_ =	sdelay $0x1  }
0x262: {  	v17 =	vor.u32 $0x5, v16;
	_ =	sdelay $0x6  }
0x263: {  	v20 =	vor.u32 $0xE, v15;
	v19 =	vor.u32 $0x6, v15;
	v21 =	vpop (erf)  }
0x264: {  	v21 =	vmul.f32 v21, v14;
	_ =	sdelay $0x1  }
0x265: {  	[tilespmem:v17+s21+$0x0] =	vst.idx.msk $0xffff, v21  }
0x266: {  	[tilespmem:v18+s15+$0x0] =	vst.idx.msk $0xffff, v21  }
0x267: {  	v17 =	vld.idx.msk [tilespmem:v19+s4+$0x0], $0xffff  }
0x268: {  	v18 =	vld.idx.msk [tilespmem:v20+s15+$0x0], $0xffff;
	_ =	sdelay $0x5  }
0x269: {  	v17 =	vadd.f32 v18, v17;
	_ =	sdelay $0x1  }
0x26a: {  	vm0 =	vge.f32 v17, $0.0e+00;
	v18 =	vmul.f32 $2.000000030e-01, v17;
	_ =	sdelay $0x1  }
0x26b: {  	v17 =	vsel vm0, v17, v18  }
0x26c: {  	v17 =	vmul.f32 $1.442695020e+00, v17;
	_ =	sdelay $0x1  }
0x26d: {  	(erf) = vpow2.f32 v17  }
0x26e: {  	v18 =	vor.u32 $0x6, v16;
	_ =	sdelay $0x7  }
0x26f: {  	v17 =	vor.u32 $0x7, v15;
	v15 =	vor.u32 $0xF, v15;
	v20 =	vpop (erf)  }
0x270: {  	v20 =	vmul.f32 v20, v14;
	_ =	sdelay $0x1  }
0x271: {  	[tilespmem:v18+s21+$0x0] =	vst.idx.msk $0xffff, v20  }
0x272: {  	[tilespmem:v19+s15+$0x0] =	vst.idx.msk $0xffff, v20  }
0x273: {  	v18 =	vld.idx.msk [tilespmem:v17+s4+$0x0], $0xffff  }
0x274: {  	v15 =	vld.idx.msk [tilespmem:v15+s15+$0x0], $0xffff;
	_ =	sdelay $0x5  }
0x275: {  	v15 =	vadd.f32 v15, v18;
	_ =	sdelay $0x1  }
0x276: {  	vm0 =	vge.f32 v15, $0.0e+00;
	v18 =	vmul.f32 $2.000000030e-01, v15  }
.Ltmp11:
0x277: {  	(pc) =	sbr.rel @p1 .LBB2_29-.Ltmp11, $3  }
0x278: {  	v15 =	vsel vm0, v15, v18  }
0x279: {  	v15 =	vmul.f32 $1.442695020e+00, v15;
	_ =	sdelay $0x1  }
0x27a: {  	v16 =	vor.u32 $0x7, v16;
	(erf) = vpow2.f32 v15  }
0x27b: {  	_ =	sdelay $0x7  }
0x27c: {  	v15 =	vpop (erf)  }
0x27d: {  	v14 =	vmul.f32 v15, v14;
	_ =	sdelay $0x1  }
0x27e: {  	[tilespmem:v16+s21+$0x0] =	vst.idx.msk $0xffff, v14  }
0x27f: {  	[tilespmem:v17+s15+$0x0] =	vst.idx.msk $0xffff, v14  }
0x280: {  	[spmem:s2] =	stream.indirect.scatter.add.f32 [tilespmem:s21], [sflag:$0x4], $0x8, s13, s23, $0xb8;
	[tilespmem:$0x1FC30] =	vst v63  }
0x281: {  	_ =	swait.ge [sflag:s29], $0x400  }
0x282: {  	[sflag:s29] =	ssyncset.done $0x0  }
0x283: {  	[sflag:s29] =	ssyncadd.s32 $0xFFFFFC00  }
0x284: {  	v14 =	vld [tilespmem:$0x1A680]  }
0x285: {  	v15 =	vld [tilespmem:$0x1A690]  }
0x286: {  	v61 =	vld [tilespmem:$0x1A6A0]  }
0x287: {  	v62 =	vld [tilespmem:$0x1A6B0]  }
0x288: {  	v18 =	vld [tilespmem:$0x1A6C0]  }
0x289: {  	v19 =	vld [tilespmem:$0x1A6D0];
	v14 =	vsub.s32 v14, v13  }
0x28a: {  	[tilespmem:$0x1FBB0] =	vst v14;
	v14 =	vsub.s32 v15, v13;
	v15 =	vld [tilespmem:$0x1A6E0]  }
0x28b: {  	v63 =	vld [tilespmem:$0x1A6F0];
	[tilespmem:$0x1FBC0] =	vst v14;
	v14 =	vsub.s32 v61, v13  }
0x28c: {  	[tilespmem:$0x1FBD0] =	vst v14;
	v14 =	vsub.s32 v62, v13  }
0x28d: {  	[tilespmem:$0x1FBE0] =	vst v14;
	v14 =	vsub.s32 v18, v13  }
0x28e: {  	[tilespmem:$0x1FBF0] =	vst v14;
	v14 =	vsub.s32 v19, v13  }
0x28f: {  	[tilespmem:$0x1FC00] =	vst v14;
	v14 =	vsub.s32 v15, v13  }
0x290: {  	v13 =	vsub.s32 v63, v13;
	[tilespmem:$0x1FC10] =	vst v14  }
0x291: {  	[tilespmem:$0x1FC20] =	vst v13  }
0x292: {  	_ =	swait.ge [sflag:s22], $0x4000  }
0x293: {  	[sflag:s22] =	ssyncset.done $0x0  }
0x294: {  	s8 =	simm.s32 $0x1A7F0;
	[sflag:s22] =	ssyncadd.s32 $0xFFFFC000  }
0x295: {  	s11 =	simm.s32 $0x0;
	s10 =	simm.s32 $0x40;
	s9 =	simm.s32 $0x1A7F0;
	v13 =	vld [tilespmem:s8+$0xFFFFFFF0]  }
.LBB2_31:
0x296: {  	p1 =	sne.s32 s10, $0x1FC0;
	v14 =	vld [tilespmem:s11+$0x1EFB0]  }
0x297: {  	v15 =	vld [tilespmem:s8+$0xFFFFFFD0]  }
0x298: {  	v16 =	vld [tilespmem:s8+$0xFFFFFFC0]  }
0x299: {  	v17 =	vld [tilespmem:s8+$0xFFFFFFE0]  }
0x29a: {  	v18 =	vld [tilespmem:s8+$0x30]  }
0x29b: {  	v19 =	vperm.xlane v14, v3;
	v20 =	vperm.xlane v14, v5;
	v21 =	vld [tilespmem:s8+$0x10]  }
0x29c: {  	v22 =	vperm.xlane v14, v6;
	v23 =	vperm.xlane v14, v7;
	v24 =	vld [tilespmem:s8+$0x0]  }
0x29d: {  	v16 =	vmul.f32 v16, v19;
	v15 =	vmul.f32 v15, v20;
	v19 =	vld [tilespmem:s8+$0x20]  }
0x29e: {  	v13 =	vmul.f32 v13, v23;
	v17 =	vmul.f32 v17, v22  }
0x29f: {  	v20 =	vperm.xlane v14, v9;
	[tilespmem:s8+$0xFFFFFFC0] =	vst v16;
	v16 =	vperm.xlane v14, v8  }
0x2a0: {  	[tilespmem:s8+$0xFFFFFFD0] =	vst v15;
	v15 =	vperm.xlane v14, v10;
	v14 =	vperm.xlane v14, v11  }
0x2a1: {  	[tilespmem:s8+$0xFFFFFFE0] =	vst v17;
	v16 =	vmul.f32 v24, v16;
	v17 =	vmul.f32 v21, v20  }
.Ltmp12:
0x2a2: {  	[tilespmem:s8+$0xFFFFFFF0] =	vst v13;
	v13 =	vmul.f32 v19, v15;
	v14 =	vmul.f32 v18, v14;
	(pc) =	sbr.rel @p1 .LBB2_31-.Ltmp12, $4  }
0x2a3: {  	[tilespmem:s8+$0x0] =	vst v16  }
0x2a4: {  	[tilespmem:s8+$0x10] =	vst v17  }
0x2a5: {  	s8 =	sadd.s32 $0x80, s8;
	[tilespmem:s9+$0x20] =	vst v13  }
0x2a6: {  	s11 =	sshra.s32 s10, $0x2;
	s10 =	sadd.s32 $0x40, s10;
	v13 =	vld [tilespmem:s8+$0xFFFFFFF0];
	[tilespmem:s9+$0x30] =	vst v14;
	s9 =	smov.u32 s8  }
0x2a7: {  	v14 =	vld [tilespmem:s11+$0x1EFB0];
	_ =	sdelay $0x1  }
0x2a8: {  	v15 =	vld [tilespmem:s8+$0xFFFFFFC0]  }
0x2a9: {  	v16 =	vld [tilespmem:s8+$0xFFFFFFD0]  }
0x2aa: {  	v17 =	vld [tilespmem:s8+$0xFFFFFFE0]  }
0x2ab: {  	v18 =	vperm.xlane v14, v3  }
0x2ac: {  	v21 =	vld [tilespmem:s8+$0x10];
	v19 =	vperm.xlane v14, v5  }
0x2ad: {  	v20 =	vld [tilespmem:s8+$0x0];
	v22 =	vperm.xlane v14, v6;
	v15 =	vmul.f32 v15, v18  }
0x2ae: {  	v60 =	vld [tilespmem:s8+$0x20];
	v59 =	vperm.xlane v14, v7;
	v16 =	vmul.f32 v16, v19  }
0x2af: {  	v23 =	vld [tilespmem:s8+$0x30];
	v61 =	vperm.xlane v14, v9;
	v17 =	vmul.f32 v17, v22;
	[tilespmem:s8+$0xFFFFFFC0] =	vst v15  }
0x2b0: {  	v13 =	vmul.f32 v13, v59;
	v15 =	vperm.xlane v14, v8;
	[tilespmem:s8+$0xFFFFFFD0] =	vst v16  }
0x2b1: {  	v62 =	vperm.xlane v14, v10;
	v63 =	vmul.f32 v21, v61;
	[tilespmem:s8+$0xFFFFFFE0] =	vst v17  }
0x2b2: {  	v14 =	vperm.xlane v14, v11;
	[tilespmem:s8+$0xFFFFFFF0] =	vst v13;
	v15 =	vmul.f32 v20, v15  }
0x2b3: {  	v13 =	vmul.f32 v60, v62;
	[tilespmem:s8+$0x10] =	vst v63  }
0x2b4: {  	v14 =	vmul.f32 v23, v14;
	[tilespmem:s8+$0x0] =	vst v15  }
0x2b5: {  	[tilespmem:s9+$0x20] =	vst v13  }
0x2b6: {  	[tilespmem:s9+$0x30] =	vst v14  }
0x2b7: {  	[spmem:s3] =	stream.indirect.scatter.add.f32 [tilespmem:s24], [sflag:$0x4], $0x80, s28, s23, $0xb8;
	[tilespmem:$0x1FC30] =	vst v63  }
0x2b8: {  	_ =	swait.ge [sflag:s29], $0x4000  }
0x2b9: {  	[sflag:s29] =	ssyncset.done $0x0  }
0x2ba: {  	[sflag:s29] =	ssyncadd.s32 $0xFFFFC000  }
0x2bb: {  	s25 =	rddreg [dreg:$0x12];
	[bflag:$0x0] =	sbarrier.arrive $0xFFFF  }
0x2bc: {  	s8 =	sadd.s32 s25, s19;
	s26 =	rddreg [dreg:$0xe]  }
0x2bd: {  	s8 =	sshll.u32 s8, $0x4;
	s10 =	rddreg [dreg:$0x16]  }
0x2be: {  	s30 =	rddreg [dreg:$0x1d];
	s8 =	sadd.s32 s26, s8  }
0x2bf: {  	[hbm:s8], [sflag:s10] =	dma.local [spmem:s30], $0x2800  }
0x2c0: {  	_ =	swait.ge [sflag:s29], $0x2800  }
0x2c1: {  	s31 =	rddreg [dreg:$0x1b]  }
0x2c2: {  	s11 =	sadd.s32 $0x1, s31  }
0x2c3: {  	p1 =	sne.s32 s11, $0x5  }
.Ltmp13:
0x2c4: {  	_ = 	snop;
	(pc) =	sbr.rel @p1 .LBB2_18-.Ltmp13, $3  }
0x2c5: {  	[sflag:s29] =	ssyncset.done $0x0  }
0x2c6: {  	[sflag:s29] =	ssyncadd.s32 $0xFFFFD800  }
0x2c7: {  	[bflag:$0x0] =	sbarrier.arrive $0xFFFF;
	_ =	sdelay $0x1  }
.Ltmp14:
0x2c8: {  	(pc) =	sbr.rel .LBB2_34-.Ltmp14, $3  }
0x2c9: {  	_ =	sdelay $0x1  }
0x2ca: {  	s8 =	rddreg [dreg:$0xf]  }
0x2cb: {  	s11 =	rddreg [dreg:$0x5]  }
.LBB2_2:
0x2cc: {  	s8 =	rddreg [dreg:$0x13]  }
0x2cd: {  	s26 =	rddreg [dreg:$0xa];
	s11 =	sshrl.u32 s8, $0x3  }
0x2ce: {  	[dreg:$0x1c] =	wrdreg s11  }
0x2cf: {  	[spmem:s11], [sflag:s10] =	dma.local [hbm:s26], $0x2800  }
.Ltmp15:
0x2d0: {  	_ =	swait.ge [sflag:s29], $0x2800;
	(pc) =	sbr.rel .LBB2_3-.Ltmp15, $4  }
0x2d1: {  	s30 =	smul.u32 $0x2800, s9;
	[sflag:s29] =	ssyncset.done $0x0  }
0x2d2: {  	[dreg:$0x1a] =	wrdreg s9;
	[sflag:s29] =	ssyncadd.s32 $0xFFFFD800  }
0x2d3: {  	s25 =	simm.s32 $0x0;
	s31 =	sadd.s32 $0x2800, s30;
	[bflag:$0x0] =	sbarrier.arrive $0xFFFF  }
0x2d4: {  	s8 =	simm.s32 $0x0;
	v13 =	vmov s30;
	v14 =	vmov s31;
	s9 =	simm.s32 $0x0;
	[dreg:$0x1e] =	wrdreg s30  }
.LBB2_11:
0x2d5: {  	s9 =	sadd.s32 $0x1, s9;
	s10 =	rddreg [dreg:$0x10]  }
0x2d6: {  	p1 =	sne.s32 s9, s10  }
.Ltmp16:
0x2d7: {  	_ = 	snop;
	(pc) =	sbr.rel @!p1 .LBB2_12-.Ltmp16, $1  }
0x2d8: {  	_ =	sdelay $0x3  }
.LBB2_3:
0x2d9: {  	s10 =	sshll.u32 s9, $0xC;
	s11 =	rddreg [dreg:$0x17]  }
0x2da: {  	s10 =	sor.u32 s11, s10  }
0x2db: {  	s19 =	rddreg [dreg:$0x6];
	s11 =	sshrl.u32 s10, $0x3  }
0x2dc: {  	s26 =	simm.s32 $0x1A400;
	s19 =	sadd.s32 s19, s11  }
0x2dd: {  	[tilespmem:s26], [sflag:$0x4] =	stream.linear.gather [hbm4b:s19+s8], $0x100, $0x38;
	[tilespmem:$0x1FC30] =	vst v63  }
0x2de: {  	_ =	swait.ge [sflag:s29], $0x100  }
0x2df: {  	s31 =	simm.s32 $0x1A500;
	[sflag:s29] =	ssyncset.done $0x0;
	s30 =	rddreg [dreg:$0x7]  }
.Ltmp17:
0x2e0: {  	[sflag:s29] =	ssyncadd.s32 $0xFFFFFF00;
	s11 =	sadd.s32 s30, s11;
	(pc) =	sbr.rel .LBB2_4-.Ltmp17, $4  }
0x2e1: {  	[tilespmem:s31], [sflag:$0x4] =	stream.linear.gather [hbm4b:s11+s8], $0x100, $0x38;
	[tilespmem:$0x1FC30] =	vst v63  }
0x2e2: {  	_ =	swait.ge [sflag:s29], $0x100  }
0x2e3: {  	[sflag:s29] =	ssyncset.done $0x0  }
0x2e4: {  	s11 =	simm.s32 $0x0;
	[sflag:s29] =	ssyncadd.s32 $0xFFFFFF00  }
.LBB2_9:
0x2e5: {  	v16 =	vld [tilespmem:s26+$0x1EFB0];
	_ =	sdelay $0x1  }
0x2e6: {  	v17 =	vld [tilespmem:s30+$0xFFFFFFC0]  }
0x2e7: {  	v18 =	vld [tilespmem:s30+$0xFFFFFFD0]  }
0x2e8: {  	v19 =	vld [tilespmem:s30+$0xFFFFFFE0]  }
0x2e9: {  	v20 =	vperm.xlane v16, v3  }
0x2ea: {  	v23 =	vld [tilespmem:s30+$0x10];
	v21 =	vperm.xlane v16, v5  }
0x2eb: {  	v22 =	vld [tilespmem:s30+$0x0];
	v24 =	vperm.xlane v16, v6;
	v17 =	vmul.f32 v17, v20  }
0x2ec: {  	v57 =	vld [tilespmem:s30+$0x20];
	v56 =	vperm.xlane v16, v7;
	v18 =	vmul.f32 v18, v21  }
0x2ed: {  	v25 =	vld [tilespmem:s30+$0x30];
	v59 =	vperm.xlane v16, v9;
	v19 =	vmul.f32 v19, v24;
	[tilespmem:s30+$0xFFFFFFC0] =	vst v17  }
0x2ee: {  	v58 =	vperm.xlane v16, v8;
	v15 =	vmul.f32 v15, v56;
	[tilespmem:s30+$0xFFFFFFD0] =	vst v18  }
0x2ef: {  	v60 =	vperm.xlane v16, v10;
	v61 =	vmul.f32 v23, v59;
	[tilespmem:s30+$0xFFFFFFE0] =	vst v19  }
0x2f0: {  	v16 =	vperm.xlane v16, v11;
	v17 =	vmul.f32 v22, v58;
	[tilespmem:s30+$0xFFFFFFF0] =	vst v15  }
0x2f1: {  	v15 =	vmul.f32 v57, v60;
	[tilespmem:s30+$0x10] =	vst v61  }
0x2f2: {  	v16 =	vmul.f32 v25, v16;
	[tilespmem:s30+$0x0] =	vst v17  }
0x2f3: {  	[tilespmem:s31+$0x20] =	vst v15  }
0x2f4: {  	[tilespmem:s31+$0x30] =	vst v16  }
0x2f5: {  	[spmem:s3] =	stream.indirect.scatter.add.f32 [tilespmem:s24], [sflag:$0x4], $0x80, s28, s23, $0xb8;
	[tilespmem:$0x1FC30] =	vst v63  }
0x2f6: {  	_ =	swait.ge [sflag:s29], $0x4000  }
0x2f7: {  	[sflag:s29] =	ssyncset.done $0x0  }
0x2f8: {  	[sflag:s29] =	ssyncadd.s32 $0xFFFFC000  }
0x2f9: {  	v15 =	vld [tilespmem:$0x1A780]  }
0x2fa: {  	v62 =	vld [tilespmem:$0x1A790]  }
0x2fb: {  	v63 =	vld [tilespmem:$0x1A7A0];
	_ =	sdelay $0x2  }
0x2fc: {  	[tilespmem:$0x1A600] =	vst v15  }
0x2fd: {  	[tilespmem:$0x1A680] =	vst v62  }
0x2fe: {  	s25 =	sadd.s32 $0xFFFFFF80, s25;
	[tilespmem:$0x1A700] =	vst v63  }
.LBB2_10:
0x2ff: {  	s11 =	sadd.s32 $0x1, s11  }
0x300: {  	p1 =	sne.s32 s11, $0x10  }
.Ltmp18:
0x301: {  	_ = 	snop;
	(pc) =	sbr.rel @!p1 .LBB2_11-.Ltmp18, $1  }
0x302: {  	_ =	sdelay $0x3  }
.LBB2_4:
0x303: {  	s19 =	sshll.u32 s11, $0x4  }
0x304: {  	v15 =	vld [tilespmem:s19+$0x1A500];
	_ =	sdelay $0x2  }
0x305: {  	s26 =	sor.u32 s10, s19  }
0x306: {  	v16 =	vmov s26  }
0x307: {  	vm1 =	vlt.s32 v16, v2;
	vm0 =	vlt.s32 v15, v14  }
0x308: {  	vm2 =	vge.s32 v15, v13;
	vm0 =	vmand vm0, vm1  }
0x309: {  	vm0 =	vmand vm0, vm2  }
0x30a: {  	v63 =	vsel vm0, $0x1, v3  }
0x30b: {  	(xrf0) =	vadd.scan.msk.s32 $0xffff, v63;
	_ =	sdelay $0x5  }
0x30c: {  	v16, _, _ =	vpop (xrf0)  }
0x30d: {  	(v2sf) =	vpush v16, $0xF;
	_ =	sdelay $0x7  }
0x30e: {  	v16 =	vadd.s32 s25, v16  }
0x30f: {  	v17 =	vadd.s32 $0xFFFFFFFF, v16  }
0x310: {  	vm14 =	vlt.s32 v17, $0x80  }
0x311: {  	vm1 =	vmand vm0, vm14  }
0x312: {  	v18 =	vld [tilespmem:s19+$0x1A400]  }
0x313: {  	vm15 =	vgt.s32 v17, $0x7F  }
0x314: {  	vm0 =	vmand vm0, vm15  }
0x315: {  	v16 =	vadd.s32 $0xFFFFFF7F, v16;
	s31 =	spop (v2sf)  }
0x316: {  	s25 =	sadd.s32 s25, s31  }
0x317: {  	[tilespmem:v17+s0+$0x0] =	vst.idx.msk vm1, v18;
	p1 =	slt.s32 s25, $0x80  }
.Ltmp19:
0x318: {  	[tilespmem:v17+s13+$0x0] =	vst.idx.msk vm1, v15;
	(pc) =	sbr.rel @p1 .LBB2_10-.Ltmp19, $4  }
0x319: {  	[tilespmem:v17+s16+$0x0] =	vst.idx.msk vm1, v4  }
0x31a: {  	[tilespmem:v16+s18+$0x0] =	vst.idx.msk vm0, v18  }
0x31b: {  	[tilespmem:v16+s14+$0x0] =	vst.idx.msk vm0, v15  }
0x31c: {  	[tilespmem:v16+s20+$0x0] =	vst.idx.msk vm0, v4  }
0x31d: {  	[tilespmem:s24], [sflag:$0x1] =	stream.indirect.gather [hbm4b:s5+s23], $0x80, s0, s23, $0xb8;
	[tilespmem:$0x1FC30] =	vst v63  }
0x31e: {  	_ = 	snop  }
0x31f: {  	[tilespmem:s4], [sflag:$0x2] =	stream.indirect.gather [hbm4b:s1+s23], $0x10, s0, s23, $0xb8;
	[tilespmem:$0x1FC30] =	vst v63  }
0x320: {  	s19 =	simm.s32 $0x0  }
0x321: {  	[tilespmem:s15], [sflag:$0x3] =	stream.indirect.gather [hbm4b:s1+s23], $0x10, s13, s23, $0xb8;
	[tilespmem:$0x1FC30] =	vst v63  }
0x322: {  	v16 =	vor.u32 s19, v0;
	_ =	swait.ge [sflag:s17], $0x800  }
0x323: {  	v17 =	vshll.u32 v16, $0x4;
	[sflag:s17] =	ssyncset.done $0x0  }
0x324: {  	v15 =	vor.u32 $0x8, v17;
	[sflag:s17] =	ssyncadd.s32 $0xFFFFF800  }
0x325: {  	_ =	swait.ge [sflag:s12], $0x800  }
0x326: {  	[sflag:s12] =	ssyncset.done $0x0  }
0x327: {  	[sflag:s12] =	ssyncadd.s32 $0xFFFFF800  }
0x328: {  	v18 =	vld.idx.msk [tilespmem:v17+s4+$0x0], $0xffff  }
0x329: {  	v15 =	vld.idx.msk [tilespmem:v15+s15+$0x0], $0xffff;
	_ =	sdelay $0x4  }
0x32a: {  	v15 =	vadd.f32 v15, v18;
	_ =	sdelay $0x1  }
0x32b: {  	v18 =	vmul.f32 $2.000000030e-01, v15  }
0x32c: {  	vm0 =	vge.f32 v15, $0.0e+00  }
0x32d: {  	v15 =	vsel vm0, v15, v18  }
0x32e: {  	v15 =	vmul.f32 $1.442695020e+00, v15;
	_ =	sdelay $0x1  }
0x32f: {  	(erf) = vpow2.f32 v15;
	_ =	sdelay $0x3  }
0x330: {  	s30 =	simm.s32 $0x1A700  }
0x331: {  	v15 =	vld [tilespmem:s30+$0x0];
	_ =	sdelay $0x1  }
0x332: {  	v16 =	vshll.u32 v16, $0x3;
	_ =	sdelay $0x1  }
0x333: {  	v18 =	vor.u32 $0x1, v17;
	v19 =	vpop (erf)  }
0x334: {  	v20 =	vor.u32 $0x9, v17;
	v19 =	vmul.f32 v19, v15;
	_ =	sdelay $0x1  }
0x335: {  	[tilespmem:v16+s21+$0x0] =	vst.idx.msk $0xffff, v19  }
0x336: {  	[tilespmem:v17+s15+$0x0] =	vst.idx.msk $0xffff, v19  }
0x337: {  	v19 =	vld.idx.msk [tilespmem:v18+s4+$0x0], $0xffff  }
0x338: {  	v20 =	vld.idx.msk [tilespmem:v20+s15+$0x0], $0xffff;
	_ =	sdelay $0x4  }
0x339: {  	v19 =	vadd.f32 v20, v19;
	_ =	sdelay $0x1  }
0x33a: {  	v20 =	vmul.f32 $2.000000030e-01, v19  }
0x33b: {  	vm9 =	vge.f32 v19, $0.0e+00  }
0x33c: {  	v19 =	vsel vm9, v19, v20  }
0x33d: {  	v19 =	vmul.f32 $1.442695020e+00, v19;
	_ =	sdelay $0x1  }
0x33e: {  	(erf) = vpow2.f32 v19;
	_ =	sdelay $0x6  }
0x33f: {  	v19 =	vor.u32 $0x1, v16;
	_ =	sdelay $0x1  }
0x340: {  	v20 =	vor.u32 $0x2, v17;
	v21 =	vpop (erf)  }
0x341: {  	v22 =	vor.u32 $0xA, v17;
	v21 =	vmul.f32 v21, v15;
	_ =	sdelay $0x1  }
0x342: {  	[tilespmem:v19+s21+$0x0] =	vst.idx.msk $0xffff, v21  }
0x343: {  	[tilespmem:v18+s15+$0x0] =	vst.idx.msk $0xffff, v21  }
0x344: {  	v18 =	vld.idx.msk [tilespmem:v20+s4+$0x0], $0xffff  }
0x345: {  	v19 =	vld.idx.msk [tilespmem:v22+s15+$0x0], $0xffff;
	_ =	sdelay $0x4  }
0x346: {  	v18 =	vadd.f32 v19, v18;
	_ =	sdelay $0x1  }
0x347: {  	v19 =	vmul.f32 $2.000000030e-01, v18  }
0x348: {  	vm10 =	vge.f32 v18, $0.0e+00  }
0x349: {  	v18 =	vsel vm10, v18, v19  }
0x34a: {  	v18 =	vmul.f32 $1.442695020e+00, v18;
	_ =	sdelay $0x1  }
0x34b: {  	(erf) = vpow2.f32 v18;
	_ =	sdelay $0x6  }
0x34c: {  	v18 =	vor.u32 $0x2, v16;
	_ =	sdelay $0x1  }
0x34d: {  	v19 =	vor.u32 $0x3, v17;
	v55 =	vpop (erf)  }
0x34e: {  	v56 =	vor.u32 $0xB, v17;
	v21 =	vmul.f32 v55, v15;
	_ =	sdelay $0x1  }
0x34f: {  	[tilespmem:v18+s21+$0x0] =	vst.idx.msk $0xffff, v21  }
0x350: {  	[tilespmem:v20+s15+$0x0] =	vst.idx.msk $0xffff, v21  }
0x351: {  	v18 =	vld.idx.msk [tilespmem:v19+s4+$0x0], $0xffff  }
0x352: {  	v20 =	vld.idx.msk [tilespmem:v56+s15+$0x0], $0xffff;
	_ =	sdelay $0x4  }
0x353: {  	v18 =	vadd.f32 v20, v18;
	_ =	sdelay $0x1  }
0x354: {  	v20 =	vmul.f32 $2.000000030e-01, v18  }
0x355: {  	vm11 =	vge.f32 v18, $0.0e+00  }
0x356: {  	v18 =	vsel vm11, v18, v20  }
0x357: {  	v18 =	vmul.f32 $1.442695020e+00, v18;
	_ =	sdelay $0x1  }
0x358: {  	(erf) = vpow2.f32 v18;
	_ =	sdelay $0x6  }
0x359: {  	v18 =	vor.u32 $0x3, v16;
	_ =	sdelay $0x1  }
0x35a: {  	v20 =	vor.u32 $0x4, v17;
	v57 =	vpop (erf)  }
0x35b: {  	v58 =	vor.u32 $0xC, v17;
	v21 =	vmul.f32 v57, v15;
	_ =	sdelay $0x1  }
0x35c: {  	[tilespmem:v18+s21+$0x0] =	vst.idx.msk $0xffff, v21  }
0x35d: {  	[tilespmem:v19+s15+$0x0] =	vst.idx.msk $0xffff, v21  }
0x35e: {  	v18 =	vld.idx.msk [tilespmem:v20+s4+$0x0], $0xffff  }
0x35f: {  	v19 =	vld.idx.msk [tilespmem:v58+s15+$0x0], $0xffff;
	_ =	sdelay $0x4  }
0x360: {  	v18 =	vadd.f32 v19, v18;
	_ =	sdelay $0x1  }
0x361: {  	v19 =	vmul.f32 $2.000000030e-01, v18  }
0x362: {  	vm12 =	vge.f32 v18, $0.0e+00  }
0x363: {  	v18 =	vsel vm12, v18, v19  }
0x364: {  	v18 =	vmul.f32 $1.442695020e+00, v18;
	_ =	sdelay $0x1  }
0x365: {  	(erf) = vpow2.f32 v18;
	_ =	sdelay $0x6  }
0x366: {  	v18 =	vor.u32 $0x4, v16;
	_ =	sdelay $0x1  }
0x367: {  	v19 =	vor.u32 $0x5, v17;
	v59 =	vpop (erf)  }
0x368: {  	v60 =	vor.u32 $0xD, v17;
	v21 =	vmul.f32 v59, v15;
	_ =	sdelay $0x1  }
0x369: {  	[tilespmem:v18+s21+$0x0] =	vst.idx.msk $0xffff, v21  }
0x36a: {  	[tilespmem:v20+s15+$0x0] =	vst.idx.msk $0xffff, v21  }
0x36b: {  	v18 =	vld.idx.msk [tilespmem:v19+s4+$0x0], $0xffff  }
0x36c: {  	v20 =	vld.idx.msk [tilespmem:v60+s15+$0x0], $0xffff;
	_ =	sdelay $0x4  }
0x36d: {  	v18 =	vadd.f32 v20, v18;
	_ =	sdelay $0x1  }
0x36e: {  	v20 =	vmul.f32 $2.000000030e-01, v18  }
0x36f: {  	vm13 =	vge.f32 v18, $0.0e+00  }
0x370: {  	v18 =	vsel vm13, v18, v20  }
0x371: {  	v18 =	vmul.f32 $1.442695020e+00, v18;
	_ =	sdelay $0x1  }
0x372: {  	(erf) = vpow2.f32 v18;
	_ =	sdelay $0x6  }
0x373: {  	v18 =	vor.u32 $0x5, v16;
	_ =	sdelay $0x1  }
0x374: {  	v20 =	vor.u32 $0x6, v17;
	v61 =	vpop (erf)  }
0x375: {  	v62 =	vor.u32 $0xE, v17;
	v21 =	vmul.f32 v61, v15;
	_ =	sdelay $0x1  }
0x376: {  	[tilespmem:v18+s21+$0x0] =	vst.idx.msk $0xffff, v21  }
0x377: {  	[tilespmem:v19+s15+$0x0] =	vst.idx.msk $0xffff, v21  }
0x378: {  	v18 =	vld.idx.msk [tilespmem:v20+s4+$0x0], $0xffff  }
0x379: {  	v19 =	vld.idx.msk [tilespmem:v62+s15+$0x0], $0xffff;
	_ =	sdelay $0x4  }
0x37a: {  	v18 =	vadd.f32 v19, v18;
	_ =	sdelay $0x1  }
0x37b: {  	v19 =	vmul.f32 $2.000000030e-01, v18  }
0x37c: {  	vm14 =	vge.f32 v18, $0.0e+00  }
0x37d: {  	v18 =	vsel vm14, v18, v19  }
0x37e: {  	v18 =	vmul.f32 $1.442695020e+00, v18;
	_ =	sdelay $0x1  }
0x37f: {  	(erf) = vpow2.f32 v18;
	_ =	sdelay $0x6  }
0x380: {  	v19 =	vor.u32 $0x6, v16;
	_ =	sdelay $0x1  }
0x381: {  	v18 =	vor.u32 $0x7, v17;
	v63 =	vpop (erf)  }
0x382: {  	v17 =	vor.u32 $0xF, v17;
	v21 =	vmul.f32 v63, v15;
	_ =	sdelay $0x1  }
0x383: {  	[tilespmem:v19+s21+$0x0] =	vst.idx.msk $0xffff, v21  }
0x384: {  	[tilespmem:v20+s15+$0x0] =	vst.idx.msk $0xffff, v21  }
0x385: {  	v19 =	vld.idx.msk [tilespmem:v18+s4+$0x0], $0xffff  }
0x386: {  	v17 =	vld.idx.msk [tilespmem:v17+s15+$0x0], $0xffff;
	_ =	sdelay $0x4  }
0x387: {  	v17 =	vadd.f32 v17, v19;
	_ =	sdelay $0x1  }
0x388: {  	v19 =	vmul.f32 $2.000000030e-01, v17  }
0x389: {  	vm15 =	vge.f32 v17, $0.0e+00  }
0x38a: {  	v17 =	vsel vm15, v17, v19  }
0x38b: {  	v19 =	vmul.f32 $1.442695020e+00, v17;
	_ =	sdelay $0x1  }
0x38c: {  	s31 =	simm.s32 $0x10;
	v17 =	vor.u32 $0x7, v16;
	(erf) = vpow2.f32 v19  }
.LBB2_6:
0x38d: {  	_ =	sdelay $0x3  }
0x38e: {  	p1 =	sne.s32 s31, $0x70  }
0x38f: {  	s30 =	sadd.s32 $0x10, s30;
	s19 =	smov.u32 s31;
	s31 =	sadd.s32 $0x10, s31  }
0x390: {  	_ = 	snop  }
0x391: {  	v19 =	vor.u32 s19, v0  }
0x392: {  	v16 =	vshll.u32 v19, $0x4;
	v20 =	vpop (erf)  }
0x393: {  	v21 =	vor.u32 $0x8, v16;
	v15 =	vmul.f32 v20, v15;
	_ =	sdelay $0x1  }
0x394: {  	[tilespmem:v17+s21+$0x0] =	vst.idx.msk $0xffff, v15  }
0x395: {  	[tilespmem:v18+s15+$0x0] =	vst.idx.msk $0xffff, v15  }
0x396: {  	v15 =	vld.idx.msk [tilespmem:v16+s4+$0x0], $0xffff  }
0x397: {  	v17 =	vld.idx.msk [tilespmem:v21+s15+$0x0], $0xffff;
	_ =	sdelay $0x5  }
0x398: {  	v15 =	vadd.f32 v17, v15;
	_ =	sdelay $0x1  }
0x399: {  	v17 =	vmul.f32 $2.000000030e-01, v15  }
0x39a: {  	vm0 =	vge.f32 v15, $0.0e+00  }
0x39b: {  	v15 =	vsel vm0, v15, v17  }
0x39c: {  	v15 =	vmul.f32 $1.442695020e+00, v15;
	_ =	sdelay $0x1  }
0x39d: {  	(erf) = vpow2.f32 v15;
	_ =	sdelay $0x4  }
0x39e: {  	v15 =	vld [tilespmem:s30+$0x0];
	_ =	sdelay $0x1  }
0x39f: {  	v17 =	vshll.u32 v19, $0x3;
	_ =	sdelay $0x1  }
0x3a0: {  	v18 =	vor.u32 $0x1, v16;
	v19 =	vor.u32 $0x9, v16;
	v20 =	vpop (erf)  }
0x3a1: {  	v20 =	vmul.f32 v20, v15;
	_ =	sdelay $0x1  }
0x3a2: {  	[tilespmem:v17+s21+$0x0] =	vst.idx.msk $0xffff, v20  }
0x3a3: {  	[tilespmem:v16+s15+$0x0] =	vst.idx.msk $0xffff, v20  }
0x3a4: {  	v20 =	vld.idx.msk [tilespmem:v18+s4+$0x0], $0xffff  }
0x3a5: {  	v19 =	vld.idx.msk [tilespmem:v19+s15+$0x0], $0xffff;
	_ =	sdelay $0x5  }
0x3a6: {  	v19 =	vadd.f32 v19, v20;
	_ =	sdelay $0x1  }
0x3a7: {  	vm0 =	vge.f32 v19, $0.0e+00;
	v20 =	vmul.f32 $2.000000030e-01, v19;
	_ =	sdelay $0x1  }
0x3a8: {  	v19 =	vsel vm0, v19, v20  }
0x3a9: {  	v19 =	vmul.f32 $1.442695020e+00, v19;
	_ =	sdelay $0x1  }
0x3aa: {  	(erf) = vpow2.f32 v19;
	_ =	sdelay $0x5  }
0x3ab: {  	v19 =	vor.u32 $0x1, v17;
	_ =	sdelay $0x2  }
0x3ac: {  	v21 =	vor.u32 $0xA, v16;
	v20 =	vor.u32 $0x2, v16;
	v22 =	vpop (erf)  }
0x3ad: {  	v22 =	vmul.f32 v22, v15;
	_ =	sdelay $0x1  }
0x3ae: {  	[tilespmem:v19+s21+$0x0] =	vst.idx.msk $0xffff, v22  }
0x3af: {  	[tilespmem:v18+s15+$0x0] =	vst.idx.msk $0xffff, v22  }
0x3b0: {  	v18 =	vld.idx.msk [tilespmem:v20+s4+$0x0], $0xffff  }
0x3b1: {  	v19 =	vld.idx.msk [tilespmem:v21+s15+$0x0], $0xffff;
	_ =	sdelay $0x5  }
0x3b2: {  	v18 =	vadd.f32 v19, v18;
	_ =	sdelay $0x1  }
0x3b3: {  	vm0 =	vge.f32 v18, $0.0e+00;
	v19 =	vmul.f32 $2.000000030e-01, v18;
	_ =	sdelay $0x1  }
0x3b4: {  	v18 =	vsel vm0, v18, v19  }
0x3b5: {  	v18 =	vmul.f32 $1.442695020e+00, v18;
	_ =	sdelay $0x1  }
0x3b6: {  	(erf) = vpow2.f32 v18;
	_ =	sdelay $0x4  }
0x3b7: {  	v18 =	vor.u32 $0x2, v17;
	_ =	sdelay $0x3  }
0x3b8: {  	v21 =	vor.u32 $0xB, v16;
	v19 =	vor.u32 $0x3, v16;
	v22 =	vpop (erf)  }
0x3b9: {  	v22 =	vmul.f32 v22, v15;
	_ =	sdelay $0x1  }
0x3ba: {  	[tilespmem:v18+s21+$0x0] =	vst.idx.msk $0xffff, v22  }
0x3bb: {  	[tilespmem:v20+s15+$0x0] =	vst.idx.msk $0xffff, v22  }
0x3bc: {  	v18 =	vld.idx.msk [tilespmem:v19+s4+$0x0], $0xffff  }
0x3bd: {  	v20 =	vld.idx.msk [tilespmem:v21+s15+$0x0], $0xffff;
	_ =	sdelay $0x5  }
0x3be: {  	v18 =	vadd.f32 v20, v18;
	_ =	sdelay $0x1  }
0x3bf: {  	vm0 =	vge.f32 v18, $0.0e+00;
	v20 =	vmul.f32 $2.000000030e-01, v18;
	_ =	sdelay $0x1  }
0x3c0: {  	v18 =	vsel vm0, v18, v20  }
0x3c1: {  	v18 =	vmul.f32 $1.442695020e+00, v18;
	_ =	sdelay $0x1  }
0x3c2: {  	(erf) = vpow2.f32 v18;
	_ =	sdelay $0x3  }
0x3c3: {  	v18 =	vor.u32 $0x3, v17;
	_ =	sdelay $0x4  }
0x3c4: {  	v21 =	vor.u32 $0xC, v16;
	v20 =	vor.u32 $0x4, v16;
	v22 =	vpop (erf)  }
0x3c5: {  	v22 =	vmul.f32 v22, v15;
	_ =	sdelay $0x1  }
0x3c6: {  	[tilespmem:v18+s21+$0x0] =	vst.idx.msk $0xffff, v22  }
0x3c7: {  	[tilespmem:v19+s15+$0x0] =	vst.idx.msk $0xffff, v22  }
0x3c8: {  	v18 =	vld.idx.msk [tilespmem:v20+s4+$0x0], $0xffff  }
0x3c9: {  	v19 =	vld.idx.msk [tilespmem:v21+s15+$0x0], $0xffff;
	_ =	sdelay $0x5  }
0x3ca: {  	v18 =	vadd.f32 v19, v18;
	_ =	sdelay $0x1  }
0x3cb: {  	vm0 =	vge.f32 v18, $0.0e+00;
	v19 =	vmul.f32 $2.000000030e-01, v18;
	_ =	sdelay $0x1  }
0x3cc: {  	v18 =	vsel vm0, v18, v19  }
0x3cd: {  	v18 =	vmul.f32 $1.442695020e+00, v18;
	_ =	sdelay $0x1  }
0x3ce: {  	(erf) = vpow2.f32 v18;
	_ =	sdelay $0x2  }
0x3cf: {  	v18 =	vor.u32 $0x4, v17;
	_ =	sdelay $0x5  }
0x3d0: {  	v21 =	vor.u32 $0xD, v16;
	v19 =	vor.u32 $0x5, v16;
	v22 =	vpop (erf)  }
0x3d1: {  	v22 =	vmul.f32 v22, v15;
	_ =	sdelay $0x1  }
0x3d2: {  	[tilespmem:v18+s21+$0x0] =	vst.idx.msk $0xffff, v22  }
0x3d3: {  	[tilespmem:v20+s15+$0x0] =	vst.idx.msk $0xffff, v22  }
0x3d4: {  	v18 =	vld.idx.msk [tilespmem:v19+s4+$0x0], $0xffff  }
0x3d5: {  	v20 =	vld.idx.msk [tilespmem:v21+s15+$0x0], $0xffff;
	_ =	sdelay $0x5  }
0x3d6: {  	v18 =	vadd.f32 v20, v18;
	_ =	sdelay $0x1  }
0x3d7: {  	vm0 =	vge.f32 v18, $0.0e+00;
	v20 =	vmul.f32 $2.000000030e-01, v18;
	_ =	sdelay $0x1  }
0x3d8: {  	v18 =	vsel vm0, v18, v20  }
0x3d9: {  	v18 =	vmul.f32 $1.442695020e+00, v18;
	_ =	sdelay $0x1  }
0x3da: {  	(erf) = vpow2.f32 v18;
	_ =	sdelay $0x1  }
0x3db: {  	v18 =	vor.u32 $0x5, v17;
	_ =	sdelay $0x6  }
0x3dc: {  	v21 =	vor.u32 $0xE, v16;
	v20 =	vor.u32 $0x6, v16;
	v22 =	vpop (erf)  }
0x3dd: {  	v22 =	vmul.f32 v22, v15;
	_ =	sdelay $0x1  }
0x3de: {  	[tilespmem:v18+s21+$0x0] =	vst.idx.msk $0xffff, v22  }
0x3df: {  	[tilespmem:v19+s15+$0x0] =	vst.idx.msk $0xffff, v22  }
0x3e0: {  	v18 =	vld.idx.msk [tilespmem:v20+s4+$0x0], $0xffff  }
0x3e1: {  	v19 =	vld.idx.msk [tilespmem:v21+s15+$0x0], $0xffff;
	_ =	sdelay $0x5  }
0x3e2: {  	v18 =	vadd.f32 v19, v18;
	_ =	sdelay $0x1  }
0x3e3: {  	vm0 =	vge.f32 v18, $0.0e+00;
	v19 =	vmul.f32 $2.000000030e-01, v18;
	_ =	sdelay $0x1  }
0x3e4: {  	v18 =	vsel vm0, v18, v19  }
0x3e5: {  	v18 =	vmul.f32 $1.442695020e+00, v18;
	_ =	sdelay $0x1  }
0x3e6: {  	(erf) = vpow2.f32 v18  }
0x3e7: {  	v19 =	vor.u32 $0x6, v17;
	_ =	sdelay $0x7  }
0x3e8: {  	v18 =	vor.u32 $0x7, v16;
	v16 =	vor.u32 $0xF, v16;
	v21 =	vpop (erf)  }
0x3e9: {  	v21 =	vmul.f32 v21, v15;
	_ =	sdelay $0x1  }
0x3ea: {  	[tilespmem:v19+s21+$0x0] =	vst.idx.msk $0xffff, v21  }
0x3eb: {  	[tilespmem:v20+s15+$0x0] =	vst.idx.msk $0xffff, v21  }
0x3ec: {  	v19 =	vld.idx.msk [tilespmem:v18+s4+$0x0], $0xffff  }
0x3ed: {  	v16 =	vld.idx.msk [tilespmem:v16+s15+$0x0], $0xffff;
	_ =	sdelay $0x5  }
0x3ee: {  	v16 =	vadd.f32 v16, v19;
	_ =	sdelay $0x1  }
0x3ef: {  	vm0 =	vge.f32 v16, $0.0e+00;
	v19 =	vmul.f32 $2.000000030e-01, v16  }
.Ltmp20:
0x3f0: {  	(pc) =	sbr.rel @p1 .LBB2_6-.Ltmp20, $3  }
0x3f1: {  	v16 =	vsel vm0, v16, v19  }
0x3f2: {  	v16 =	vmul.f32 $1.442695020e+00, v16;
	_ =	sdelay $0x1  }
0x3f3: {  	v17 =	vor.u32 $0x7, v17;
	(erf) = vpow2.f32 v16  }
0x3f4: {  	_ =	sdelay $0x7  }
0x3f5: {  	v16 =	vpop (erf)  }
0x3f6: {  	v15 =	vmul.f32 v16, v15;
	_ =	sdelay $0x1  }
0x3f7: {  	[tilespmem:v17+s21+$0x0] =	vst.idx.msk $0xffff, v15  }
0x3f8: {  	[tilespmem:v18+s15+$0x0] =	vst.idx.msk $0xffff, v15  }
0x3f9: {  	[spmem:s2] =	stream.indirect.scatter.add.f32 [tilespmem:s21], [sflag:$0x4], $0x8, s13, s23, $0xb8;
	[tilespmem:$0x1FC30] =	vst v63  }
0x3fa: {  	_ =	swait.ge [sflag:s29], $0x400  }
0x3fb: {  	[sflag:s29] =	ssyncset.done $0x0  }
0x3fc: {  	[sflag:s29] =	ssyncadd.s32 $0xFFFFFC00  }
0x3fd: {  	v15 =	vld [tilespmem:$0x1A680]  }
0x3fe: {  	v16 =	vld [tilespmem:$0x1A690]  }
0x3ff: {  	v17 =	vld [tilespmem:$0x1A6A0]  }
0x400: {  	v63 =	vld [tilespmem:$0x1A6B0]  }
0x401: {  	v19 =	vld [tilespmem:$0x1A6C0]  }
0x402: {  	v20 =	vld [tilespmem:$0x1A6D0];
	v15 =	vsub.s32 v15, v13  }
0x403: {  	[tilespmem:$0x1FBB0] =	vst v15;
	v15 =	vsub.s32 v16, v13;
	v16 =	vld [tilespmem:$0x1A6E0]  }
0x404: {  	[tilespmem:$0x1FBC0] =	vst v15;
	v15 =	vsub.s32 v17, v13;
	v17 =	vld [tilespmem:$0x1A6F0]  }
0x405: {  	[tilespmem:$0x1FBD0] =	vst v15;
	v15 =	vsub.s32 v63, v13  }
0x406: {  	[tilespmem:$0x1FBE0] =	vst v15;
	v15 =	vsub.s32 v19, v13  }
0x407: {  	[tilespmem:$0x1FBF0] =	vst v15;
	v15 =	vsub.s32 v20, v13  }
0x408: {  	[tilespmem:$0x1FC00] =	vst v15;
	v15 =	vsub.s32 v16, v13  }
0x409: {  	[tilespmem:$0x1FC10] =	vst v15;
	v15 =	vsub.s32 v17, v13  }
0x40a: {  	[tilespmem:$0x1FC20] =	vst v15  }
0x40b: {  	_ =	swait.ge [sflag:s22], $0x4000  }
0x40c: {  	[sflag:s22] =	ssyncset.done $0x0  }
0x40d: {  	s30 =	simm.s32 $0x1A7F0;
	[sflag:s22] =	ssyncadd.s32 $0xFFFFC000  }
0x40e: {  	s26 =	simm.s32 $0x0;
	s19 =	simm.s32 $0x40;
	s31 =	simm.s32 $0x1A7F0;
	v15 =	vld [tilespmem:s30+$0xFFFFFFF0]  }
.LBB2_8:
0x40f: {  	p1 =	sne.s32 s19, $0x1FC0;
	v16 =	vld [tilespmem:s26+$0x1EFB0]  }
0x410: {  	v17 =	vld [tilespmem:s30+$0xFFFFFFD0]  }
0x411: {  	v18 =	vld [tilespmem:s30+$0xFFFFFFC0]  }
0x412: {  	v19 =	vld [tilespmem:s30+$0xFFFFFFE0]  }
0x413: {  	v20 =	vld [tilespmem:s30+$0x30]  }
0x414: {  	v21 =	vperm.xlane v16, v3;
	v22 =	vperm.xlane v16, v5;
	v23 =	vld [tilespmem:s30+$0x10]  }
0x415: {  	v24 =	vperm.xlane v16, v6;
	v25 =	vperm.xlane v16, v7;
	v26 =	vld [tilespmem:s30+$0x0]  }
0x416: {  	v18 =	vmul.f32 v18, v21;
	v17 =	vmul.f32 v17, v22;
	v21 =	vld [tilespmem:s30+$0x20]  }
0x417: {  	v15 =	vmul.f32 v15, v25;
	v19 =	vmul.f32 v19, v24  }
0x418: {  	v22 =	vperm.xlane v16, v9;
	[tilespmem:s30+$0xFFFFFFC0] =	vst v18;
	v18 =	vperm.xlane v16, v8  }
0x419: {  	[tilespmem:s30+$0xFFFFFFD0] =	vst v17;
	v17 =	vperm.xlane v16, v10;
	v16 =	vperm.xlane v16, v11  }
0x41a: {  	[tilespmem:s30+$0xFFFFFFE0] =	vst v19;
	v18 =	vmul.f32 v26, v18;
	v19 =	vmul.f32 v23, v22  }
.Ltmp21:
0x41b: {  	[tilespmem:s30+$0xFFFFFFF0] =	vst v15;
	v15 =	vmul.f32 v21, v17;
	v16 =	vmul.f32 v20, v16;
	(pc) =	sbr.rel @p1 .LBB2_8-.Ltmp21, $4  }
0x41c: {  	[tilespmem:s30+$0x0] =	vst v18  }
0x41d: {  	[tilespmem:s30+$0x10] =	vst v19  }
0x41e: {  	s30 =	sadd.s32 $0x80, s30;
	[tilespmem:s31+$0x20] =	vst v15  }
0x41f: {  	s26 =	sshra.s32 s19, $0x2;
	s19 =	sadd.s32 $0x40, s19;
	v15 =	vld [tilespmem:s30+$0xFFFFFFF0];
	[tilespmem:s31+$0x30] =	vst v16;
	s31 =	smov.u32 s30  }
.Ltmp22:
0x420: {  	_ = 	snop;
	(pc) =	sbr.rel .LBB2_9-.Ltmp22, $1  }
0x421: {  	_ =	sdelay $0x3  }
.LBB2_12:
0x422: {  	v14 =	vadd.s32 s25, v0  }
0x423: {  	vm0 =	vlt.s32 v14, $0x80  }
0x424: {  	s8 =	sadd.s32 $0x10, s25  }
0x425: {  	v15 =	vadd.s32 s8, v0  }
0x426: {  	s9 =	rddreg [dreg:$0x18];
	vm1 =	vlt.s32 v15, $0x80  }
0x427: {  	s26 =	sadd.s32 $0x20, s25;
	s19 =	rddreg [dreg:$0x1e]  }
0x428: {  	s9 =	sor.u32 s9, s19;
	v16 =	vadd.s32 s26, v0  }
0x429: {  	v17 =	vor.u32 s9, v0;
	vm2 =	vlt.s32 v16, $0x80;
	[tilespmem:v14+s0+$0x0] =	vst.idx.msk vm0, v1  }
0x42a: {  	s10 =	sadd.s32 $0x30, s25;
	s8 =	simm.s32 $0x1A700;
	[tilespmem:v14+s13+$0x0] =	vst.idx.msk vm0, v17  }
0x42b: {  	s30 =	sor.u32 $0x10, s9;
	[tilespmem:v14+s8+$0x0] =	vst.idx.msk vm0, v12;
	v14 =	vadd.s32 s10, v0  }
0x42c: {  	v17 =	vor.u32 s30, v0;
	[tilespmem:v15+s0+$0x0] =	vst.idx.msk vm1, v1;
	vm15 =	vlt.s32 v14, $0x80  }
0x42d: {  	s31 =	sadd.s32 $0x40, s25;
	[tilespmem:v15+s13+$0x0] =	vst.idx.msk vm1, v17  }
0x42e: {  	s11 =	sor.u32 $0x20, s9;
	[tilespmem:v15+s8+$0x0] =	vst.idx.msk vm1, v12;
	v15 =	vadd.s32 s31, v0  }
0x42f: {  	v17 =	vor.u32 s11, v0;
	[tilespmem:v16+s0+$0x0] =	vst.idx.msk vm2, v1;
	vm4 =	vlt.s32 v15, $0x80  }
0x430: {  	s26 =	sadd.s32 $0x50, s25;
	[tilespmem:v16+s13+$0x0] =	vst.idx.msk vm2, v17  }
0x431: {  	s30 =	sor.u32 $0x30, s9;
	[tilespmem:v16+s8+$0x0] =	vst.idx.msk vm2, v12;
	v16 =	vadd.s32 s26, v0  }
0x432: {  	v17 =	vor.u32 s30, v0;
	[tilespmem:v14+s0+$0x0] =	vst.idx.msk vm15, v1;
	vm5 =	vlt.s32 v16, $0x80  }
0x433: {  	s31 =	sadd.s32 $0x60, s25;
	[tilespmem:v14+s13+$0x0] =	vst.idx.msk vm15, v17  }
0x434: {  	s11 =	sor.u32 $0x40, s9;
	[tilespmem:v14+s8+$0x0] =	vst.idx.msk vm15, v12;
	v14 =	vadd.s32 s31, v0  }
0x435: {  	v17 =	vor.u32 s11, v0;
	[tilespmem:v15+s0+$0x0] =	vst.idx.msk vm4, v1;
	vm6 =	vlt.s32 v14, $0x80  }
0x436: {  	s26 =	sadd.s32 $0x70, s25;
	[tilespmem:v15+s13+$0x0] =	vst.idx.msk vm4, v17  }
0x437: {  	s11 =	sor.u32 $0x50, s9;
	[tilespmem:v15+s8+$0x0] =	vst.idx.msk vm4, v12;
	v15 =	vadd.s32 s26, v0  }
0x438: {  	v17 =	vor.u32 s11, v0;
	[tilespmem:v16+s0+$0x0] =	vst.idx.msk vm5, v1;
	vm7 =	vlt.s32 v15, $0x80  }
0x439: {  	[tilespmem:v16+s13+$0x0] =	vst.idx.msk vm5, v17  }
0x43a: {  	s30 =	sor.u32 $0x60, s9;
	[tilespmem:v16+s8+$0x0] =	vst.idx.msk vm5, v12  }
0x43b: {  	v16 =	vor.u32 s30, v0;
	[tilespmem:v14+s0+$0x0] =	vst.idx.msk vm6, v1  }
0x43c: {  	[tilespmem:v14+s13+$0x0] =	vst.idx.msk vm6, v16  }
0x43d: {  	s9 =	sor.u32 $0x70, s9;
	[tilespmem:v14+s8+$0x0] =	vst.idx.msk vm6, v12  }
0x43e: {  	v14 =	vor.u32 s9, v0;
	[tilespmem:v15+s0+$0x0] =	vst.idx.msk vm7, v1  }
0x43f: {  	[tilespmem:v15+s13+$0x0] =	vst.idx.msk vm7, v14  }
0x440: {  	[tilespmem:v15+s8+$0x0] =	vst.idx.msk vm7, v12  }
0x441: {  	[tilespmem:s24], [sflag:$0x1] =	stream.indirect.gather [hbm4b:s5+s23], $0x80, s0, s23, $0xb8;
	[tilespmem:$0x1FC30] =	vst v63  }
0x442: {  	_ = 	snop  }
0x443: {  	[tilespmem:s4], [sflag:$0x2] =	stream.indirect.gather [hbm4b:s1+s23], $0x10, s0, s23, $0xb8;
	[tilespmem:$0x1FC30] =	vst v63  }
0x444: {  	s31 =	simm.s32 $0x0  }
0x445: {  	[tilespmem:s15], [sflag:$0x3] =	stream.indirect.gather [hbm4b:s1+s23], $0x10, s13, s23, $0xb8;
	[tilespmem:$0x1FC30] =	vst v63  }
0x446: {  	v15 =	vor.u32 s31, v0;
	_ =	swait.ge [sflag:s17], $0x800  }
0x447: {  	v16 =	vshll.u32 v15, $0x4;
	[sflag:s17] =	ssyncset.done $0x0  }
0x448: {  	v14 =	vor.u32 $0x8, v16;
	[sflag:s17] =	ssyncadd.s32 $0xFFFFF800  }
0x449: {  	_ =	swait.ge [sflag:s12], $0x800  }
0x44a: {  	[sflag:s12] =	ssyncset.done $0x0  }
0x44b: {  	[sflag:s12] =	ssyncadd.s32 $0xFFFFF800  }
0x44c: {  	v17 =	vld.idx.msk [tilespmem:v16+s4+$0x0], $0xffff  }
0x44d: {  	v14 =	vld.idx.msk [tilespmem:v14+s15+$0x0], $0xffff;
	_ =	sdelay $0x4  }
0x44e: {  	v14 =	vadd.f32 v14, v17;
	_ =	sdelay $0x1  }
0x44f: {  	v17 =	vmul.f32 $2.000000030e-01, v14  }
0x450: {  	vm8 =	vge.f32 v14, $0.0e+00  }
0x451: {  	v14 =	vsel vm8, v14, v17  }
0x452: {  	v14 =	vmul.f32 $1.442695020e+00, v14;
	_ =	sdelay $0x1  }
0x453: {  	(erf) = vpow2.f32 v14;
	_ =	sdelay $0x4  }
0x454: {  	v14 =	vld [tilespmem:s8+$0x0];
	_ =	sdelay $0x1  }
0x455: {  	v15 =	vshll.u32 v15, $0x3;
	_ =	sdelay $0x1  }
0x456: {  	v17 =	vor.u32 $0x1, v16;
	v18 =	vpop (erf)  }
0x457: {  	v19 =	vor.u32 $0x9, v16;
	v18 =	vmul.f32 v18, v14;
	_ =	sdelay $0x1  }
0x458: {  	[tilespmem:v15+s21+$0x0] =	vst.idx.msk $0xffff, v18  }
0x459: {  	[tilespmem:v16+s15+$0x0] =	vst.idx.msk $0xffff, v18  }
0x45a: {  	v18 =	vld.idx.msk [tilespmem:v17+s4+$0x0], $0xffff  }
0x45b: {  	v19 =	vld.idx.msk [tilespmem:v19+s15+$0x0], $0xffff;
	_ =	sdelay $0x4  }
0x45c: {  	v18 =	vadd.f32 v19, v18;
	_ =	sdelay $0x1  }
0x45d: {  	v19 =	vmul.f32 $2.000000030e-01, v18  }
0x45e: {  	vm9 =	vge.f32 v18, $0.0e+00  }
0x45f: {  	v18 =	vsel vm9, v18, v19  }
0x460: {  	v18 =	vmul.f32 $1.442695020e+00, v18;
	_ =	sdelay $0x1  }
0x461: {  	(erf) = vpow2.f32 v18;
	_ =	sdelay $0x6  }
0x462: {  	v18 =	vor.u32 $0x1, v15;
	_ =	sdelay $0x1  }
0x463: {  	v19 =	vor.u32 $0x2, v16;
	v20 =	vpop (erf)  }
0x464: {  	v21 =	vor.u32 $0xA, v16;
	v20 =	vmul.f32 v20, v14;
	_ =	sdelay $0x1  }
0x465: {  	[tilespmem:v18+s21+$0x0] =	vst.idx.msk $0xffff, v20  }
0x466: {  	[tilespmem:v17+s15+$0x0] =	vst.idx.msk $0xffff, v20  }
0x467: {  	v17 =	vld.idx.msk [tilespmem:v19+s4+$0x0], $0xffff  }
0x468: {  	v18 =	vld.idx.msk [tilespmem:v21+s15+$0x0], $0xffff;
	_ =	sdelay $0x4  }
0x469: {  	v17 =	vadd.f32 v18, v17;
	_ =	sdelay $0x1  }
0x46a: {  	v18 =	vmul.f32 $2.000000030e-01, v17  }
0x46b: {  	vm10 =	vge.f32 v17, $0.0e+00  }
0x46c: {  	v17 =	vsel vm10, v17, v18  }
0x46d: {  	v17 =	vmul.f32 $1.442695020e+00, v17;
	_ =	sdelay $0x1  }
0x46e: {  	(erf) = vpow2.f32 v17;
	_ =	sdelay $0x6  }
0x46f: {  	v17 =	vor.u32 $0x2, v15;
	_ =	sdelay $0x1  }
0x470: {  	v18 =	vor.u32 $0x3, v16;
	v55 =	vpop (erf)  }
0x471: {  	v56 =	vor.u32 $0xB, v16;
	v20 =	vmul.f32 v55, v14;
	_ =	sdelay $0x1  }
0x472: {  	[tilespmem:v17+s21+$0x0] =	vst.idx.msk $0xffff, v20  }
0x473: {  	[tilespmem:v19+s15+$0x0] =	vst.idx.msk $0xffff, v20  }
0x474: {  	v17 =	vld.idx.msk [tilespmem:v18+s4+$0x0], $0xffff  }
0x475: {  	v19 =	vld.idx.msk [tilespmem:v56+s15+$0x0], $0xffff;
	_ =	sdelay $0x4  }
0x476: {  	v17 =	vadd.f32 v19, v17;
	_ =	sdelay $0x1  }
0x477: {  	v19 =	vmul.f32 $2.000000030e-01, v17  }
0x478: {  	vm11 =	vge.f32 v17, $0.0e+00  }
0x479: {  	v17 =	vsel vm11, v17, v19  }
0x47a: {  	v17 =	vmul.f32 $1.442695020e+00, v17;
	_ =	sdelay $0x1  }
0x47b: {  	(erf) = vpow2.f32 v17;
	_ =	sdelay $0x6  }
0x47c: {  	v17 =	vor.u32 $0x3, v15;
	_ =	sdelay $0x1  }
0x47d: {  	v19 =	vor.u32 $0x4, v16;
	v57 =	vpop (erf)  }
0x47e: {  	v58 =	vor.u32 $0xC, v16;
	v20 =	vmul.f32 v57, v14;
	_ =	sdelay $0x1  }
0x47f: {  	[tilespmem:v17+s21+$0x0] =	vst.idx.msk $0xffff, v20  }
0x480: {  	[tilespmem:v18+s15+$0x0] =	vst.idx.msk $0xffff, v20  }
0x481: {  	v17 =	vld.idx.msk [tilespmem:v19+s4+$0x0], $0xffff  }
0x482: {  	v18 =	vld.idx.msk [tilespmem:v58+s15+$0x0], $0xffff;
	_ =	sdelay $0x4  }
0x483: {  	v17 =	vadd.f32 v18, v17;
	_ =	sdelay $0x1  }
0x484: {  	v18 =	vmul.f32 $2.000000030e-01, v17  }
0x485: {  	vm12 =	vge.f32 v17, $0.0e+00  }
0x486: {  	v17 =	vsel vm12, v17, v18  }
0x487: {  	v17 =	vmul.f32 $1.442695020e+00, v17;
	_ =	sdelay $0x1  }
0x488: {  	(erf) = vpow2.f32 v17;
	_ =	sdelay $0x6  }
0x489: {  	v17 =	vor.u32 $0x4, v15;
	_ =	sdelay $0x1  }
0x48a: {  	v18 =	vor.u32 $0x5, v16;
	v59 =	vpop (erf)  }
0x48b: {  	v60 =	vor.u32 $0xD, v16;
	v20 =	vmul.f32 v59, v14;
	_ =	sdelay $0x1  }
0x48c: {  	[tilespmem:v17+s21+$0x0] =	vst.idx.msk $0xffff, v20  }
0x48d: {  	[tilespmem:v19+s15+$0x0] =	vst.idx.msk $0xffff, v20  }
0x48e: {  	v17 =	vld.idx.msk [tilespmem:v18+s4+$0x0], $0xffff  }
0x48f: {  	v19 =	vld.idx.msk [tilespmem:v60+s15+$0x0], $0xffff;
	_ =	sdelay $0x4  }
0x490: {  	v17 =	vadd.f32 v19, v17;
	_ =	sdelay $0x1  }
0x491: {  	v19 =	vmul.f32 $2.000000030e-01, v17  }
0x492: {  	vm13 =	vge.f32 v17, $0.0e+00  }
0x493: {  	v17 =	vsel vm13, v17, v19  }
0x494: {  	v17 =	vmul.f32 $1.442695020e+00, v17;
	_ =	sdelay $0x1  }
0x495: {  	(erf) = vpow2.f32 v17;
	_ =	sdelay $0x6  }
0x496: {  	v17 =	vor.u32 $0x5, v15;
	_ =	sdelay $0x1  }
0x497: {  	v19 =	vor.u32 $0x6, v16;
	v61 =	vpop (erf)  }
0x498: {  	v62 =	vor.u32 $0xE, v16;
	v20 =	vmul.f32 v61, v14;
	_ =	sdelay $0x1  }
0x499: {  	[tilespmem:v17+s21+$0x0] =	vst.idx.msk $0xffff, v20  }
0x49a: {  	[tilespmem:v18+s15+$0x0] =	vst.idx.msk $0xffff, v20  }
0x49b: {  	v17 =	vld.idx.msk [tilespmem:v19+s4+$0x0], $0xffff  }
0x49c: {  	v18 =	vld.idx.msk [tilespmem:v62+s15+$0x0], $0xffff;
	_ =	sdelay $0x4  }
0x49d: {  	v17 =	vadd.f32 v18, v17;
	_ =	sdelay $0x1  }
0x49e: {  	v18 =	vmul.f32 $2.000000030e-01, v17  }
0x49f: {  	vm14 =	vge.f32 v17, $0.0e+00  }
0x4a0: {  	v17 =	vsel vm14, v17, v18  }
0x4a1: {  	v17 =	vmul.f32 $1.442695020e+00, v17;
	_ =	sdelay $0x1  }
0x4a2: {  	(erf) = vpow2.f32 v17;
	_ =	sdelay $0x6  }
0x4a3: {  	v18 =	vor.u32 $0x6, v15;
	_ =	sdelay $0x1  }
0x4a4: {  	v17 =	vor.u32 $0x7, v16;
	v63 =	vpop (erf)  }
0x4a5: {  	v16 =	vor.u32 $0xF, v16;
	v20 =	vmul.f32 v63, v14;
	_ =	sdelay $0x1  }
0x4a6: {  	[tilespmem:v18+s21+$0x0] =	vst.idx.msk $0xffff, v20  }
0x4a7: {  	[tilespmem:v19+s15+$0x0] =	vst.idx.msk $0xffff, v20  }
0x4a8: {  	v18 =	vld.idx.msk [tilespmem:v17+s4+$0x0], $0xffff  }
0x4a9: {  	v16 =	vld.idx.msk [tilespmem:v16+s15+$0x0], $0xffff;
	_ =	sdelay $0x4  }
0x4aa: {  	v16 =	vadd.f32 v16, v18;
	_ =	sdelay $0x1  }
0x4ab: {  	v18 =	vmul.f32 $2.000000030e-01, v16  }
0x4ac: {  	vm15 =	vge.f32 v16, $0.0e+00  }
0x4ad: {  	v16 =	vsel vm15, v16, v18  }
0x4ae: {  	v18 =	vmul.f32 $1.442695020e+00, v16;
	_ =	sdelay $0x1  }
0x4af: {  	s9 =	simm.s32 $0x10;
	v16 =	vor.u32 $0x7, v15;
	(erf) = vpow2.f32 v18  }
.LBB2_13:
0x4b0: {  	_ =	sdelay $0x3  }
0x4b1: {  	p1 =	sne.s32 s9, $0x70  }
0x4b2: {  	s8 =	sadd.s32 $0x10, s8;
	s10 =	smov.u32 s9;
	s9 =	sadd.s32 $0x10, s9  }
0x4b3: {  	_ = 	snop  }
0x4b4: {  	v18 =	vor.u32 s10, v0  }
0x4b5: {  	v15 =	vshll.u32 v18, $0x4;
	v19 =	vpop (erf)  }
0x4b6: {  	v20 =	vor.u32 $0x8, v15;
	v14 =	vmul.f32 v19, v14;
	_ =	sdelay $0x1  }
0x4b7: {  	[tilespmem:v16+s21+$0x0] =	vst.idx.msk $0xffff, v14  }
0x4b8: {  	[tilespmem:v17+s15+$0x0] =	vst.idx.msk $0xffff, v14  }
0x4b9: {  	v14 =	vld.idx.msk [tilespmem:v15+s4+$0x0], $0xffff  }
0x4ba: {  	v16 =	vld.idx.msk [tilespmem:v20+s15+$0x0], $0xffff;
	_ =	sdelay $0x5  }
0x4bb: {  	v14 =	vadd.f32 v16, v14;
	_ =	sdelay $0x1  }
0x4bc: {  	v16 =	vmul.f32 $2.000000030e-01, v14  }
0x4bd: {  	vm0 =	vge.f32 v14, $0.0e+00  }
0x4be: {  	v14 =	vsel vm0, v14, v16  }
0x4bf: {  	v14 =	vmul.f32 $1.442695020e+00, v14;
	_ =	sdelay $0x1  }
0x4c0: {  	(erf) = vpow2.f32 v14;
	_ =	sdelay $0x4  }
0x4c1: {  	v14 =	vld [tilespmem:s8+$0x0];
	_ =	sdelay $0x1  }
0x4c2: {  	v16 =	vshll.u32 v18, $0x3;
	_ =	sdelay $0x1  }
0x4c3: {  	v17 =	vor.u32 $0x1, v15;
	v18 =	vor.u32 $0x9, v15;
	v19 =	vpop (erf)  }
0x4c4: {  	v19 =	vmul.f32 v19, v14;
	_ =	sdelay $0x1  }
0x4c5: {  	[tilespmem:v16+s21+$0x0] =	vst.idx.msk $0xffff, v19  }
0x4c6: {  	[tilespmem:v15+s15+$0x0] =	vst.idx.msk $0xffff, v19  }
0x4c7: {  	v19 =	vld.idx.msk [tilespmem:v17+s4+$0x0], $0xffff  }
0x4c8: {  	v18 =	vld.idx.msk [tilespmem:v18+s15+$0x0], $0xffff;
	_ =	sdelay $0x5  }
0x4c9: {  	v18 =	vadd.f32 v18, v19;
	_ =	sdelay $0x1  }
0x4ca: {  	vm0 =	vge.f32 v18, $0.0e+00;
	v19 =	vmul.f32 $2.000000030e-01, v18;
	_ =	sdelay $0x1  }
0x4cb: {  	v18 =	vsel vm0, v18, v19  }
0x4cc: {  	v18 =	vmul.f32 $1.442695020e+00, v18;
	_ =	sdelay $0x1  }
0x4cd: {  	(erf) = vpow2.f32 v18;
	_ =	sdelay $0x5  }
0x4ce: {  	v18 =	vor.u32 $0x1, v16;
	_ =	sdelay $0x2  }
0x4cf: {  	v20 =	vor.u32 $0xA, v15;
	v19 =	vor.u32 $0x2, v15;
	v21 =	vpop (erf)  }
0x4d0: {  	v21 =	vmul.f32 v21, v14;
	_ =	sdelay $0x1  }
0x4d1: {  	[tilespmem:v18+s21+$0x0] =	vst.idx.msk $0xffff, v21  }
0x4d2: {  	[tilespmem:v17+s15+$0x0] =	vst.idx.msk $0xffff, v21  }
0x4d3: {  	v17 =	vld.idx.msk [tilespmem:v19+s4+$0x0], $0xffff  }
0x4d4: {  	v18 =	vld.idx.msk [tilespmem:v20+s15+$0x0], $0xffff;
	_ =	sdelay $0x5  }
0x4d5: {  	v17 =	vadd.f32 v18, v17;
	_ =	sdelay $0x1  }
0x4d6: {  	vm0 =	vge.f32 v17, $0.0e+00;
	v18 =	vmul.f32 $2.000000030e-01, v17;
	_ =	sdelay $0x1  }
0x4d7: {  	v17 =	vsel vm0, v17, v18  }
0x4d8: {  	v17 =	vmul.f32 $1.442695020e+00, v17;
	_ =	sdelay $0x1  }
0x4d9: {  	(erf) = vpow2.f32 v17;
	_ =	sdelay $0x4  }
0x4da: {  	v17 =	vor.u32 $0x2, v16;
	_ =	sdelay $0x3  }
0x4db: {  	v20 =	vor.u32 $0xB, v15;
	v18 =	vor.u32 $0x3, v15;
	v21 =	vpop (erf)  }
0x4dc: {  	v21 =	vmul.f32 v21, v14;
	_ =	sdelay $0x1  }
0x4dd: {  	[tilespmem:v17+s21+$0x0] =	vst.idx.msk $0xffff, v21  }
0x4de: {  	[tilespmem:v19+s15+$0x0] =	vst.idx.msk $0xffff, v21  }
0x4df: {  	v17 =	vld.idx.msk [tilespmem:v18+s4+$0x0], $0xffff  }
0x4e0: {  	v19 =	vld.idx.msk [tilespmem:v20+s15+$0x0], $0xffff;
	_ =	sdelay $0x5  }
0x4e1: {  	v17 =	vadd.f32 v19, v17;
	_ =	sdelay $0x1  }
0x4e2: {  	vm0 =	vge.f32 v17, $0.0e+00;
	v19 =	vmul.f32 $2.000000030e-01, v17;
	_ =	sdelay $0x1  }
0x4e3: {  	v17 =	vsel vm0, v17, v19  }
0x4e4: {  	v17 =	vmul.f32 $1.442695020e+00, v17;
	_ =	sdelay $0x1  }
0x4e5: {  	(erf) = vpow2.f32 v17;
	_ =	sdelay $0x3  }
0x4e6: {  	v17 =	vor.u32 $0x3, v16;
	_ =	sdelay $0x4  }
0x4e7: {  	v20 =	vor.u32 $0xC, v15;
	v19 =	vor.u32 $0x4, v15;
	v21 =	vpop (erf)  }
0x4e8: {  	v21 =	vmul.f32 v21, v14;
	_ =	sdelay $0x1  }
0x4e9: {  	[tilespmem:v17+s21+$0x0] =	vst.idx.msk $0xffff, v21  }
0x4ea: {  	[tilespmem:v18+s15+$0x0] =	vst.idx.msk $0xffff, v21  }
0x4eb: {  	v17 =	vld.idx.msk [tilespmem:v19+s4+$0x0], $0xffff  }
0x4ec: {  	v18 =	vld.idx.msk [tilespmem:v20+s15+$0x0], $0xffff;
	_ =	sdelay $0x5  }
0x4ed: {  	v17 =	vadd.f32 v18, v17;
	_ =	sdelay $0x1  }
0x4ee: {  	vm0 =	vge.f32 v17, $0.0e+00;
	v18 =	vmul.f32 $2.000000030e-01, v17;
	_ =	sdelay $0x1  }
0x4ef: {  	v17 =	vsel vm0, v17, v18  }
0x4f0: {  	v17 =	vmul.f32 $1.442695020e+00, v17;
	_ =	sdelay $0x1  }
0x4f1: {  	(erf) = vpow2.f32 v17;
	_ =	sdelay $0x2  }
0x4f2: {  	v17 =	vor.u32 $0x4, v16;
	_ =	sdelay $0x5  }
0x4f3: {  	v20 =	vor.u32 $0xD, v15;
	v18 =	vor.u32 $0x5, v15;
	v21 =	vpop (erf)  }
0x4f4: {  	v21 =	vmul.f32 v21, v14;
	_ =	sdelay $0x1  }
0x4f5: {  	[tilespmem:v17+s21+$0x0] =	vst.idx.msk $0xffff, v21  }
0x4f6: {  	[tilespmem:v19+s15+$0x0] =	vst.idx.msk $0xffff, v21  }
0x4f7: {  	v17 =	vld.idx.msk [tilespmem:v18+s4+$0x0], $0xffff  }
0x4f8: {  	v19 =	vld.idx.msk [tilespmem:v20+s15+$0x0], $0xffff;
	_ =	sdelay $0x5  }
0x4f9: {  	v17 =	vadd.f32 v19, v17;
	_ =	sdelay $0x1  }
0x4fa: {  	vm0 =	vge.f32 v17, $0.0e+00;
	v19 =	vmul.f32 $2.000000030e-01, v17;
	_ =	sdelay $0x1  }
0x4fb: {  	v17 =	vsel vm0, v17, v19  }
0x4fc: {  	v17 =	vmul.f32 $1.442695020e+00, v17;
	_ =	sdelay $0x1  }
0x4fd: {  	(erf) = vpow2.f32 v17;
	_ =	sdelay $0x1  }
0x4fe: {  	v17 =	vor.u32 $0x5, v16;
	_ =	sdelay $0x6  }
0x4ff: {  	v20 =	vor.u32 $0xE, v15;
	v19 =	vor.u32 $0x6, v15;
	v21 =	vpop (erf)  }
0x500: {  	v21 =	vmul.f32 v21, v14;
	_ =	sdelay $0x1  }
0x501: {  	[tilespmem:v17+s21+$0x0] =	vst.idx.msk $0xffff, v21  }
0x502: {  	[tilespmem:v18+s15+$0x0] =	vst.idx.msk $0xffff, v21  }
0x503: {  	v17 =	vld.idx.msk [tilespmem:v19+s4+$0x0], $0xffff  }
0x504: {  	v18 =	vld.idx.msk [tilespmem:v20+s15+$0x0], $0xffff;
	_ =	sdelay $0x5  }
0x505: {  	v17 =	vadd.f32 v18, v17;
	_ =	sdelay $0x1  }
0x506: {  	vm0 =	vge.f32 v17, $0.0e+00;
	v18 =	vmul.f32 $2.000000030e-01, v17;
	_ =	sdelay $0x1  }
0x507: {  	v17 =	vsel vm0, v17, v18  }
0x508: {  	v17 =	vmul.f32 $1.442695020e+00, v17;
	_ =	sdelay $0x1  }
0x509: {  	(erf) = vpow2.f32 v17  }
0x50a: {  	v18 =	vor.u32 $0x6, v16;
	_ =	sdelay $0x7  }
0x50b: {  	v17 =	vor.u32 $0x7, v15;
	v15 =	vor.u32 $0xF, v15;
	v20 =	vpop (erf)  }
0x50c: {  	v20 =	vmul.f32 v20, v14;
	_ =	sdelay $0x1  }
0x50d: {  	[tilespmem:v18+s21+$0x0] =	vst.idx.msk $0xffff, v20  }
0x50e: {  	[tilespmem:v19+s15+$0x0] =	vst.idx.msk $0xffff, v20  }
0x50f: {  	v18 =	vld.idx.msk [tilespmem:v17+s4+$0x0], $0xffff  }
0x510: {  	v15 =	vld.idx.msk [tilespmem:v15+s15+$0x0], $0xffff;
	_ =	sdelay $0x5  }
0x511: {  	v15 =	vadd.f32 v15, v18;
	_ =	sdelay $0x1  }
0x512: {  	vm0 =	vge.f32 v15, $0.0e+00;
	v18 =	vmul.f32 $2.000000030e-01, v15  }
.Ltmp23:
0x513: {  	(pc) =	sbr.rel @p1 .LBB2_13-.Ltmp23, $3  }
0x514: {  	v15 =	vsel vm0, v15, v18  }
0x515: {  	v15 =	vmul.f32 $1.442695020e+00, v15;
	_ =	sdelay $0x1  }
0x516: {  	v16 =	vor.u32 $0x7, v16;
	(erf) = vpow2.f32 v15  }
0x517: {  	_ =	sdelay $0x7  }
0x518: {  	v15 =	vpop (erf)  }
0x519: {  	v14 =	vmul.f32 v15, v14;
	_ =	sdelay $0x1  }
0x51a: {  	[tilespmem:v16+s21+$0x0] =	vst.idx.msk $0xffff, v14  }
0x51b: {  	[tilespmem:v17+s15+$0x0] =	vst.idx.msk $0xffff, v14  }
0x51c: {  	[spmem:s2] =	stream.indirect.scatter.add.f32 [tilespmem:s21], [sflag:$0x4], $0x8, s13, s23, $0xb8;
	[tilespmem:$0x1FC30] =	vst v63  }
0x51d: {  	_ =	swait.ge [sflag:s29], $0x400  }
0x51e: {  	[sflag:s29] =	ssyncset.done $0x0  }
0x51f: {  	[sflag:s29] =	ssyncadd.s32 $0xFFFFFC00  }
0x520: {  	v14 =	vld [tilespmem:$0x1A680]  }
0x521: {  	v15 =	vld [tilespmem:$0x1A690]  }
0x522: {  	v61 =	vld [tilespmem:$0x1A6A0]  }
0x523: {  	v62 =	vld [tilespmem:$0x1A6B0]  }
0x524: {  	v18 =	vld [tilespmem:$0x1A6C0]  }
0x525: {  	v19 =	vld [tilespmem:$0x1A6D0];
	v14 =	vsub.s32 v14, v13  }
0x526: {  	[tilespmem:$0x1FBB0] =	vst v14;
	v14 =	vsub.s32 v15, v13;
	v15 =	vld [tilespmem:$0x1A6E0]  }
0x527: {  	v63 =	vld [tilespmem:$0x1A6F0];
	[tilespmem:$0x1FBC0] =	vst v14;
	v14 =	vsub.s32 v61, v13  }
0x528: {  	[tilespmem:$0x1FBD0] =	vst v14;
	v14 =	vsub.s32 v62, v13  }
0x529: {  	[tilespmem:$0x1FBE0] =	vst v14;
	v14 =	vsub.s32 v18, v13  }
0x52a: {  	[tilespmem:$0x1FBF0] =	vst v14;
	v14 =	vsub.s32 v19, v13  }
0x52b: {  	[tilespmem:$0x1FC00] =	vst v14;
	v14 =	vsub.s32 v15, v13  }
0x52c: {  	v13 =	vsub.s32 v63, v13;
	[tilespmem:$0x1FC10] =	vst v14  }
0x52d: {  	[tilespmem:$0x1FC20] =	vst v13  }
0x52e: {  	_ =	swait.ge [sflag:s22], $0x4000  }
0x52f: {  	[sflag:s22] =	ssyncset.done $0x0  }
0x530: {  	s8 =	simm.s32 $0x1A7F0;
	[sflag:s22] =	ssyncadd.s32 $0xFFFFC000  }
0x531: {  	s11 =	simm.s32 $0x0;
	s10 =	simm.s32 $0x40;
	s9 =	simm.s32 $0x1A7F0;
	v13 =	vld [tilespmem:s8+$0xFFFFFFF0]  }
.LBB2_15:
0x532: {  	p1 =	sne.s32 s10, $0x1FC0;
	v14 =	vld [tilespmem:s11+$0x1EFB0]  }
0x533: {  	v15 =	vld [tilespmem:s8+$0xFFFFFFD0]  }
0x534: {  	v16 =	vld [tilespmem:s8+$0xFFFFFFC0]  }
0x535: {  	v17 =	vld [tilespmem:s8+$0xFFFFFFE0]  }
0x536: {  	v18 =	vld [tilespmem:s8+$0x30]  }
0x537: {  	v19 =	vperm.xlane v14, v3;
	v20 =	vperm.xlane v14, v5;
	v21 =	vld [tilespmem:s8+$0x10]  }
0x538: {  	v22 =	vperm.xlane v14, v6;
	v23 =	vperm.xlane v14, v7;
	v24 =	vld [tilespmem:s8+$0x0]  }
0x539: {  	v16 =	vmul.f32 v16, v19;
	v15 =	vmul.f32 v15, v20;
	v19 =	vld [tilespmem:s8+$0x20]  }
0x53a: {  	v13 =	vmul.f32 v13, v23;
	v17 =	vmul.f32 v17, v22  }
0x53b: {  	v20 =	vperm.xlane v14, v9;
	[tilespmem:s8+$0xFFFFFFC0] =	vst v16;
	v16 =	vperm.xlane v14, v8  }
0x53c: {  	[tilespmem:s8+$0xFFFFFFD0] =	vst v15;
	v15 =	vperm.xlane v14, v10;
	v14 =	vperm.xlane v14, v11  }
0x53d: {  	[tilespmem:s8+$0xFFFFFFE0] =	vst v17;
	v16 =	vmul.f32 v24, v16;
	v17 =	vmul.f32 v21, v20  }
.Ltmp24:
0x53e: {  	[tilespmem:s8+$0xFFFFFFF0] =	vst v13;
	v13 =	vmul.f32 v19, v15;
	v14 =	vmul.f32 v18, v14;
	(pc) =	sbr.rel @p1 .LBB2_15-.Ltmp24, $4  }
0x53f: {  	[tilespmem:s8+$0x0] =	vst v16  }
0x540: {  	[tilespmem:s8+$0x10] =	vst v17  }
0x541: {  	s8 =	sadd.s32 $0x80, s8;
	[tilespmem:s9+$0x20] =	vst v13  }
0x542: {  	s11 =	sshra.s32 s10, $0x2;
	s10 =	sadd.s32 $0x40, s10;
	v13 =	vld [tilespmem:s8+$0xFFFFFFF0];
	[tilespmem:s9+$0x30] =	vst v14;
	s9 =	smov.u32 s8  }
0x543: {  	v14 =	vld [tilespmem:s11+$0x1EFB0];
	_ =	sdelay $0x1  }
0x544: {  	v15 =	vld [tilespmem:s8+$0xFFFFFFC0]  }
0x545: {  	v16 =	vld [tilespmem:s8+$0xFFFFFFD0]  }
0x546: {  	v17 =	vld [tilespmem:s8+$0xFFFFFFE0]  }
0x547: {  	v18 =	vperm.xlane v14, v3  }
0x548: {  	v21 =	vld [tilespmem:s8+$0x10];
	v19 =	vperm.xlane v14, v5  }
0x549: {  	v20 =	vld [tilespmem:s8+$0x0];
	v22 =	vperm.xlane v14, v6;
	v15 =	vmul.f32 v15, v18  }
0x54a: {  	v60 =	vld [tilespmem:s8+$0x20];
	v59 =	vperm.xlane v14, v7;
	v16 =	vmul.f32 v16, v19  }
0x54b: {  	v23 =	vld [tilespmem:s8+$0x30];
	v61 =	vperm.xlane v14, v9;
	v17 =	vmul.f32 v17, v22;
	[tilespmem:s8+$0xFFFFFFC0] =	vst v15  }
0x54c: {  	v13 =	vmul.f32 v13, v59;
	v15 =	vperm.xlane v14, v8;
	[tilespmem:s8+$0xFFFFFFD0] =	vst v16  }
0x54d: {  	v62 =	vperm.xlane v14, v10;
	v63 =	vmul.f32 v21, v61;
	[tilespmem:s8+$0xFFFFFFE0] =	vst v17  }
0x54e: {  	v14 =	vperm.xlane v14, v11;
	[tilespmem:s8+$0xFFFFFFF0] =	vst v13;
	v15 =	vmul.f32 v20, v15  }
0x54f: {  	v13 =	vmul.f32 v60, v62;
	[tilespmem:s8+$0x10] =	vst v63  }
0x550: {  	v14 =	vmul.f32 v23, v14;
	[tilespmem:s8+$0x0] =	vst v15  }
0x551: {  	[tilespmem:s9+$0x20] =	vst v13  }
0x552: {  	[tilespmem:s9+$0x30] =	vst v14  }
0x553: {  	[spmem:s3] =	stream.indirect.scatter.add.f32 [tilespmem:s24], [sflag:$0x4], $0x80, s28, s23, $0xb8;
	[tilespmem:$0x1FC30] =	vst v63  }
0x554: {  	_ =	swait.ge [sflag:s29], $0x4000  }
0x555: {  	[sflag:s29] =	ssyncset.done $0x0  }
0x556: {  	[sflag:s29] =	ssyncadd.s32 $0xFFFFC000  }
0x557: {  	s25 =	rddreg [dreg:$0x12];
	[bflag:$0x0] =	sbarrier.arrive $0xFFFF  }
0x558: {  	s8 =	sadd.s32 s25, s19;
	s26 =	rddreg [dreg:$0xc]  }
0x559: {  	s8 =	sshll.u32 s8, $0x4;
	s10 =	rddreg [dreg:$0x16]  }
0x55a: {  	s30 =	rddreg [dreg:$0x1c];
	s8 =	sadd.s32 s26, s8  }
0x55b: {  	[hbm:s8], [sflag:s10] =	dma.local [spmem:s30], $0x2800  }
0x55c: {  	_ =	swait.ge [sflag:s29], $0x2800  }
0x55d: {  	s31 =	rddreg [dreg:$0x1a]  }
0x55e: {  	s9 =	sadd.s32 $0x1, s31  }
0x55f: {  	p1 =	seq.s32 s9, $0x5  }
.Ltmp25:
0x560: {  	_ = 	snop;
	(pc) =	sbr.rel @!p1 .LBB2_2-.Ltmp25, $3  }
0x561: {  	[sflag:s29] =	ssyncset.done $0x0  }
0x562: {  	[sflag:s29] =	ssyncadd.s32 $0xFFFFD800  }
0x563: {  	[bflag:$0x0] =	sbarrier.arrive $0xFFFF;
	_ =	sdelay $0x1  }
.Ltmp26:
0x564: {  	(pc) =	sbr.rel .LBB2_34-.Ltmp26, $3  }
0x565: {  	_ =	sdelay $0x1  }
0x566: {  	s8 =	rddreg [dreg:$0xd]  }
0x567: {  	s11 =	rddreg [dreg:$0x5]  }
.LBB2_35:
0x568: {  	_ =	sfence.sel $0x180000  }
0x569: {  	[bflag:$0x0] =	sbarrier.arrive $0xFFFF  }
0x56a: {  	_ =	strace $0x90000047  }
0x56b: {  	s0 =	stileid.u32;
	[bflag:$0x2] =	sbarrier.arrive $0xFFFF  }
0x56c: {  	p0 =	sne.s32 s0, $0x0;
	s0 =	rddreg [dreg:$0x4]  }
0x56d: {  	s0 =	sadd.s32 @!p0 $0x100000, s0  }
0x56e: {  	[sflag:s0] =	ssyncadd.tile.s32 @!p0 $0x1;
	_ =	shalt  }
.Lfunc_end2:
_tile_overlayer_lowered:
.L_overlay_start_2:
0x56f: {  	(tag) =	ssettag $0x2  }
0x570: {  	s0 =	rddreg [dreg:$0x0];
	s2 =	stileid.u32  }
0x571: {  	s1 =	rddreg [dreg:$0x1];
	p0 =	sne.s32 s2, $0x0  }
0x572: {  	s3 =	rddreg [dreg:$0x2];
	[bflag:$0x3] =	sbarrier.arrive $0xFFFF;
	s2 =	simm.s32 @!p0 $0x1C04  }
0x573: {  	[timem:s3], [sflag:s2] =	dma.local @!p0 [hbm:s0], s1  }
0x574: {  	s0 =	simm.s32 @!p0 $0x4  }
0x575: {  	_ =	swait.ge @!p0 [sflag:s0], s1  }
0x576: {  	s1 =	ssub.s32 @!p0 $0x0, s1;
	[sflag:s0] =	ssyncset.done @!p0 $0x0  }
0x577: {  	[sflag:s0] =	ssyncadd.s32 @!p0 s1  }
0x578: {  	[bflag:$0x3] =	sbarrier.arrive $0xFFFF  }
0x579: {  	_ =	shalt  }

</sc_bundles>
